<compile_context>
chip_gen: v7x
topology: tpu7x:2x2x1
jax: 0.10.2.dev20260603
libtpu: 0.0.44.dev20260713+nightly
codegen_flags: <defaults>
</compile_context>

<pallas_src>
import functools

import jax
import jax.numpy as jnp
from jax import lax
from jax.experimental import pallas as pl
from jax.experimental.pallas import tpu as pltpu
from jax.experimental.pallas import tpu_sc as plsc

NC = 2
NS = 16
NW = NC * NS
L = 16

DZS = 160
DGD = 32
DM = 144


def _node_tables_body(x_ref, wf_ref, wg_ref, bg_ref, a1_ref, a2_ref,
                      barow_ref, zs_ref, gd_ref):
    z = jnp.dot(x_ref[...], wf_ref[...], preferred_element_type=jnp.float32)
    u1 = z * a1_ref[...]
    u2 = z * a2_ref[...]
    dn = (((1,), (1,)), ((), ()))
    p = lax.dot_general(u1, wg_ref[...], dn,
                        preferred_element_type=jnp.float32)
    q = lax.dot_general(u2, wg_ref[...], dn,
                        preferred_element_type=jnp.float32)
    s = lax.dot_general(u1, bg_ref[...], dn,
                        preferred_element_type=jnp.float32)
    t = lax.dot_general(u2, bg_ref[...], dn,
                        preferred_element_type=jnp.float32)
    r = z.shape[0]
    pad15 = jnp.zeros((r, 15), jnp.float32)
    zs_ref[...] = jnp.concatenate([z, q, t, pad15], axis=1)
    gd_ref[...] = jnp.concatenate([p, s, pad15], axis=1) + barow_ref[...]


def _node_tables(x, Wf, Wg, bg, a1, a2, barow, n, r):
    grid = (n // r,)
    return pl.pallas_call(
        _node_tables_body,
        grid=grid,
        in_specs=[
            pl.BlockSpec((r, 128), lambda i: (i, 0)),
            pl.BlockSpec((128, 128), lambda i: (0, 0)),
            pl.BlockSpec((16, 128), lambda i: (0, 0)),
            pl.BlockSpec((1, 128), lambda i: (0, 0)),
            pl.BlockSpec((1, 128), lambda i: (0, 0)),
            pl.BlockSpec((1, 128), lambda i: (0, 0)),
            pl.BlockSpec((1, DGD), lambda i: (0, 0)),
        ],
        out_specs=[
            pl.BlockSpec((r, DZS), lambda i: (i, 0)),
            pl.BlockSpec((r, DGD), lambda i: (i, 0)),
        ],
        out_shape=[
            jax.ShapeDtypeStruct((n, DZS), jnp.float32),
            jax.ShapeDtypeStruct((n, DGD), jnp.float32),
        ],
    )(x, Wf, Wg, bg, a1, a2, barow)


def _k_matmul_body(ea_ref, wg_ref, bg_ref, k_ref):
    k_ref[...] = jnp.dot(ea_ref[...], wg_ref[...],
                         preferred_element_type=jnp.float32) + bg_ref[...]


def _k_matmul(ea, Wg, bg, e, beblk):
    grid = (e // beblk,)
    return pl.pallas_call(
        _k_matmul_body,
        grid=grid,
        in_specs=[
            pl.BlockSpec((beblk, 16), lambda i: (i, 0)),
            pl.BlockSpec((16, 128), lambda i: (0, 0)),
            pl.BlockSpec((1, 128), lambda i: (0, 0)),
        ],
        out_specs=pl.BlockSpec((beblk, 128), lambda i: (i, 0)),
        out_shape=jax.ShapeDtypeStruct((e, 128), jnp.float32),
    )(ea, Wg, bg)


def _make_edge_kernel(e, n, chunk):
    ec = e // NC
    ep = ec // NS
    nchunks = ep // chunk
    chunk_p = ((chunk + L - 1) // L) * L
    ngroups = chunk_p // L
    rows_per_tile = n // NS
    mesh = plsc.VectorSubcoreMesh(core_axis_name="c", subcore_axis_name="s",
                                  num_cores=NC, num_subcores=NS)

    @functools.partial(
        pl.kernel,
        out_type=jax.ShapeDtypeStruct((NC, n, DM), jnp.float32),
        mesh=mesh,
        scratch_types=[
            pltpu.VMEM((2, 2, chunk), jnp.int32),
            pltpu.VMEM((2, chunk_p, 16), jnp.float32),
            pltpu.VMEM((2, chunk_p, DGD), jnp.float32),
            pltpu.VMEM((2, chunk_p, DZS), jnp.float32),
            pltpu.VMEM((2, chunk, 128), jnp.float32),
            pltpu.VMEM((chunk, DM), jnp.float32),
            pltpu.VMEM((chunk_p,), jnp.float32),
            pltpu.VMEM((chunk,), jnp.int32),
            pltpu.VMEM_SHARED((n, DM), jnp.float32),
            pltpu.SemaphoreType.DMA,
            pltpu.SemaphoreType.DMA,
        ],
        compiler_params=pltpu.CompilerParams(use_tc_tiling_on_sc=False,
                                             needs_layout_passes=False),
    )
    def edge_kernel(ind_hbm, ea_hbm, zs_hbm, gd_hbm, k_hbm,
                    zeros_hbm, out_hbm,
                    idx_v, ea_v, gd_v, zs_v, k_v, m_v, w_v, dst_sc_v,
                    h_sh, sem0, sem1):
        cid = lax.axis_index("c")
        sid = lax.axis_index("s")
        r0 = sid * rows_per_tile
        pltpu.sync_copy(zeros_hbm, h_sh.at[pl.ds(r0, rows_per_tile)])
        plsc.subcore_barrier()

        tile_base = cid * ec + sid * ep
        lanes = lax.iota(jnp.int32, L)
        sems = (sem0, sem1)

        def issue(ci, b):
            base = tile_base + ci * chunk
            pltpu.sync_copy(ind_hbm.at[cid, sid, ci], idx_v.at[b])
            pltpu.async_copy(zs_hbm.at[idx_v.at[b, 0]],
                             zs_v.at[b, pl.ds(0, chunk)], sems[b])
            pltpu.async_copy(gd_hbm.at[idx_v.at[b, 1]],
                             gd_v.at[b, pl.ds(0, chunk)], sems[b])
            pltpu.async_copy(ea_hbm.at[pl.ds(base, chunk)],
                             ea_v.at[b, pl.ds(0, chunk)], sems[b])
            pltpu.async_copy(k_hbm.at[pl.ds(base, chunk)], k_v.at[b],
                             sems[b])

        def wait_slot(b):
            pltpu.make_async_copy(zs_hbm.at[idx_v.at[b, 0]],
                                  zs_v.at[b, pl.ds(0, chunk)],
                                  sems[b]).wait()
            pltpu.make_async_copy(gd_hbm.at[idx_v.at[b, 1]],
                                  gd_v.at[b, pl.ds(0, chunk)],
                                  sems[b]).wait()
            pltpu.make_async_copy(ea_hbm.at[pl.ds(0, chunk)],
                                  ea_v.at[b, pl.ds(0, chunk)],
                                  sems[b]).wait()
            pltpu.make_async_copy(k_hbm.at[pl.ds(0, chunk)], k_v.at[b],
                                  sems[b]).wait()

        def compute(ci, b):
            def grp_body(g, carry2):
                rowi = lanes + g * L
                acc = jnp.zeros((L,), jnp.float32)
                for c in range(16):
                    col = jnp.full((L,), c, jnp.int32)
                    eac = plsc.load_gather(ea_v.at[b], [rowi, col])
                    pc = plsc.load_gather(gd_v.at[b], [rowi, col])
                    qc = plsc.load_gather(zs_v.at[b], [rowi, col + 128])
                    acc = acc + eac * (pc + qc)
                sv = plsc.load_gather(gd_v.at[b],
                                      [rowi, jnp.full((L,), 16, jnp.int32)])
                tv = plsc.load_gather(zs_v.at[b],
                                      [rowi, jnp.full((L,), 144, jnp.int32)])
                er = acc + sv + tv
                ex = jnp.exp(er)
                w_v[pl.ds(g * L, L)] = jnp.where(er > 0, ex,
                                                 jnp.exp(ex - 1.0))
                return carry2

            lax.fori_loop(0, ngroups, grp_body, 0)

            def edge_grp(it, carry2):
                ib = it * 8
                for u in range(8):
                    i = ib + u
                    wb = plsc.load_gather(w_v,
                                          [jnp.full((L,), i, jnp.int32)])
                    for j in range(8):
                        m_v[i, pl.ds(j * L, L)] = (
                            wb * k_v[b, i, pl.ds(j * L, L)]
                            * zs_v[b, i, pl.ds(j * L, L)])
                    m_v[i, pl.ds(128, L)] = jnp.where(lanes == 0, wb, 0.0)
                return carry2

            lax.fori_loop(0, chunk // 8, edge_grp, 0)

            pltpu.sync_copy(m_v, h_sh.at[idx_v.at[b, 1]], add=True)

        issue(0, 0)
        issue(1, 1)

        def outer(gi, carry):
            g = gi * 2
            for b in range(2):
                ci = g + b
                wait_slot(b)
                compute(ci, b)
                issue(jnp.minimum(ci + 2, nchunks - 1), b)
            return carry

        lax.fori_loop(0, nchunks // 2, outer, 0)
        wait_slot(0)
        wait_slot(1)

        plsc.subcore_barrier()
        pltpu.sync_copy(h_sh.at[pl.ds(r0, rows_per_tile)],
                        out_hbm.at[cid, pl.ds(r0, rows_per_tile)])

    return edge_kernel


def _norm_body(h0_ref, h1_ref, out_ref):
    h = h0_ref[...] + h1_ref[...]
    denom = jnp.maximum(h[:, 128:129], 1e-16)
    out_ref[...] = h[:, 0:128] / denom


def _normalize(hacc, n, r):
    grid = (n // r,)
    return pl.pallas_call(
        _norm_body,
        grid=grid,
        in_specs=[
            pl.BlockSpec((r, DM), lambda i: (i, 0)),
            pl.BlockSpec((r, DM), lambda i: (i, 0)),
        ],
        out_specs=pl.BlockSpec((r, 128), lambda i: (i, 0)),
        out_shape=jax.ShapeDtypeStruct((n, 128), jnp.float32),
    )(hacc[0], hacc[1])


def kernel(x, edge_index, edge_attr, Wg, bg, Wf, Wa, ba):
    n = x.shape[0]
    e = edge_index.shape[1]

    src = edge_index[0]
    dst = edge_index[1]
    a1 = Wa[0:128, 0].reshape(1, 128)
    a2 = Wa[128:256, 0].reshape(1, 128)
    bg2 = bg.reshape(1, 128)
    barow = jnp.zeros((1, DGD), jnp.float32).at[0, 16].set(ba[0])

    rn = 1000 if n % 1000 == 0 else n
    rb = 4000 if e % 4000 == 0 else e
    zs_tab, gd_tab = _node_tables(x, Wf, Wg, bg2, a1, a2, barow, n, r=rn)
    k_tab = _k_matmul(edge_attr, Wg, bg2, e, beblk=rb)

    zeros_block = jnp.zeros((n // NS, DM), jnp.float32)
    chunk = 40
    nchunks = e // (NC * NS * chunk)
    src4 = src.reshape(NC, NS, nchunks, chunk)
    dst4 = dst.reshape(NC, NS, nchunks, chunk)
    ind5 = jnp.stack([src4, dst4], axis=3)
    edge_k = _make_edge_kernel(e, n, chunk=chunk)
    hacc = edge_k(ind5, edge_attr, zs_tab, gd_tab, k_tab, zeros_block)

    return _normalize(hacc, n, r=rn)

# --- scband reference (transcript-rebuilt; emitter-appended) ---
"""Pipeline reference for scband-gatlayer-80839874445721 (READ-ONLY COPY).

The authoritative reference and input builder live on the scoring server;
editing this copy changes nothing except your own understanding.
"""

import jax, jax.numpy as jnp
import numpy as np

N = 10000
E = 320000
D_IN = 128
D_OUT = 128
D_EDGE = 16


def setup_inputs(seed: int = 0) -> dict:
    key = jax.random.key(seed)
    ks = jax.random.split(key, 8)
    x = jax.random.normal(ks[0], (N, D_IN), dtype=jnp.float32)
    edge_index = jax.random.randint(ks[1], (2, E), 0, N, dtype=jnp.int32)
    edge_attr = jax.random.normal(ks[2], (E, D_EDGE), dtype=jnp.float32)
    # learned params (dropout is identity at eval time)
    Wg = jax.random.normal(ks[3], (D_EDGE, D_OUT), dtype=jnp.float32) * 0.1
    bg = jnp.zeros((D_OUT,), dtype=jnp.float32)
    Wf = jax.random.normal(ks[4], (D_IN, D_OUT), dtype=jnp.float32) * 0.05
    Wa = jax.random.normal(ks[5], (2 * D_OUT, 1), dtype=jnp.float32) * 0.05
    ba = jnp.zeros((1,), dtype=jnp.float32)
    return {"x": x, "edge_index": edge_index, "edge_attr": edge_attr,
            "Wg": Wg, "bg": bg, "Wf": Wf, "Wa": Wa, "ba": ba}


def reference(x, edge_index, edge_attr, Wg, bg, Wf, Wa, ba):
    src = edge_index[0]
    dst = edge_index[1]
    # gfc: Linear(edge_dim, out_dim) (dropout = identity in eval)
    k = edge_attr @ Wg + bg                      # [E, D_OUT]
    # ffc: Linear(in_dim, out_dim, bias=False)
    z = x @ Wf                                   # [N, D_OUT]
    # message_func: per-edge src/dst messages gated by k
    m_src = k * jnp.take(z, src, axis=0)         # [E, D_OUT]
    m_dst = k * jnp.take(z, dst, axis=0)         # [E, D_OUT]
    # attn_fc: Linear(2*out_dim, 1) + ELU
    e = jax.nn.elu(jnp.concatenate([m_dst, m_src], axis=1) @ Wa + ba)[:, 0]  # [E]
    # reduce_func: softmax over incoming edges per dst node, weighted sum of m_src
    seg_max = jax.ops.segment_max(e, dst, num_segments=N)
    seg_max = jnp.where(jnp.isfinite(seg_max), seg_max, 0.0)
    e_exp = jnp.exp(e - seg_max[dst])
    denom = jax.ops.segment_sum(e_exp, dst, num_segments=N)
    alpha = e_exp / jnp.maximum(denom[dst], 1e-16)
    h = jax.ops.segment_sum(alpha[:, None] * m_src, dst, num_segments=N)  # [N, D_OUT]
    return h

if __name__ == "__main__":
    import jax
    _d = setup_inputs()
    print(jax.jit(kernel)(*tuple(_d.values())))

</pallas_src>

<mosaic_0001>
#map = affine_map<(d0, d1) -> (0, 0, 0, 0, 0)>
#map1 = affine_map<(d0, d1) -> (0, 0)>
#map2 = affine_map<(d0, d1) -> (0, 0, 0)>
module attributes {stable_mosaic.version = 14 : i64} {
  func.func @edge_kernel(%arg0: i32, %arg1: i32, %arg2: memref<2x16x250x2x40xi32, #tpu.memory_space<hbm>>, %arg3: memref<320000x16xf32, #tpu.memory_space<hbm>>, %arg4: memref<10000x160xf32, #tpu.memory_space<hbm>>, %arg5: memref<10000x32xf32, #tpu.memory_space<hbm>>, %arg6: memref<320000x128xf32, #tpu.memory_space<hbm>>, %arg7: memref<625x144xf32, #tpu.memory_space<hbm>>, %arg8: memref<2x10000x144xf32, #tpu.memory_space<hbm>>, %arg9: memref<2x2x40xi32, #tpu.memory_space<vmem>>, %arg10: memref<2x48x16xf32, #tpu.memory_space<vmem>>, %arg11: memref<2x48x32xf32, #tpu.memory_space<vmem>>, %arg12: memref<2x48x160xf32, #tpu.memory_space<vmem>>, %arg13: memref<2x40x128xf32, #tpu.memory_space<vmem>>, %arg14: memref<40x144xf32, #tpu.memory_space<vmem>>, %arg15: memref<48xf32, #tpu.memory_space<vmem>>, %arg16: memref<40xi32, #tpu.memory_space<vmem>>, %arg17: memref<10000x144xf32, #tpu.memory_space<vmem_shared>>, %arg18: memref<!tpu.dma_semaphore, #tpu.memory_space<semaphore_mem>>, %arg19: memref<!tpu.dma_semaphore, #tpu.memory_space<semaphore_mem>>) attributes {dimension_semantics = [#tpu.dimension_semantics<core_parallel>, #tpu.dimension_semantics<subcore_parallel>], iteration_bounds = array<i64: 2, 16>, scalar_prefetch = 0 : i64, scratch_operands = 11 : i64, tpu.core_type = #tpu.core_type<sc_vector_subcore>, window_params = [{transform_indices = #map}, {transform_indices = #map1}, {transform_indices = #map1}, {transform_indices = #map1}, {transform_indices = #map1}, {transform_indices = #map1}, {transform_indices = #map2}]} {
    %mul3A = arith.constant 625 : i32
    %mul3A_0 = arith.muli %arg1, %mul3A : i32
    "tpu.region"() ({
      %run_scoped3A_232 = tpu.sem_alloc : memref<!tpu.dma_semaphore, #tpu.memory_space<semaphore_mem>>
      %dma_start3A_233 = arith.constant 0 : i32
      %dma_start3A_234 = tpu.memref_slice %arg17[%mul3A_0, %dma_start3A_233] : memref<10000x144xf32, #tpu.memory_space<vmem_shared>> -> memref<625x144xf32, #tpu.memory_space<vmem_shared>>
      tpu.enqueue_dma source(%arg7 : memref<625x144xf32, #tpu.memory_space<hbm>>) target(%dma_start3A_234 : memref<625x144xf32, #tpu.memory_space<vmem_shared>>) target_semaphore(%run_scoped3A_232 : memref<!tpu.dma_semaphore, #tpu.memory_space<semaphore_mem>>)
      %dma_wait3A_235 = arith.constant 0 : i32
      %dma_wait3A_236 = tpu.memref_slice %arg17[%mul3A_0, %dma_wait3A_235] : memref<10000x144xf32, #tpu.memory_space<vmem_shared>> -> memref<625x144xf32, #tpu.memory_space<vmem_shared>>
      tpu.wait_dma2 semaphore(%run_scoped3A_232 : memref<!tpu.dma_semaphore, #tpu.memory_space<semaphore_mem>>) src(%arg7 : memref<625x144xf32, #tpu.memory_space<hbm>>) dst(%dma_wait3A_236 : memref<625x144xf32, #tpu.memory_space<vmem_shared>>)
      tpu.yield
    }) : () -> ()
    %barrier3A = arith.constant 0 : index
    tpu.barrier barrier_id(%barrier3A)
    %mul3A_1 = arith.constant 160000 : i32
    %mul3A_2 = arith.muli %arg0, %mul3A_1 : i32
    %mul3A_3 = arith.constant 10000 : i32
    %mul3A_4 = arith.muli %arg1, %mul3A_3 : i32
    %add3A = arith.addi %mul3A_2, %mul3A_4 : i32
    %iota3A = tpu.iota {dimensions = array<i32: 0>} : vector<16xi32>
    %add3A_5 = arith.constant 0 : i32
    %add3A_6 = arith.addi %add3A, %add3A_5 : i32
    %run_scoped3A = arith.constant 0 : i32
    %run_scoped3A_7 = arith.constant 0 : i32
    "tpu.region"() ({
      %run_scoped3A_232 = tpu.sem_alloc : memref<!tpu.dma_semaphore, #tpu.memory_space<semaphore_mem>>
      %dma_start3A_233 = arith.constant 0 : i32
      %dma_start3A_234 = arith.constant 0 : i32
      %dma_start3A_235 = tpu.memref_slice %arg9[%run_scoped3A_7, %dma_start3A_233, %dma_start3A_234] : memref<2x2x40xi32, #tpu.memory_space<vmem>> -> memref<1x2x40xi32, #tpu.memory_space<vmem>>
      %dma_start3A_236 = tpu.memref_squeeze %dma_start3A_235 : memref<1x2x40xi32, #tpu.memory_space<vmem>> -> memref<2x40xi32, #tpu.memory_space<vmem>>
      %dma_start3A_237 = arith.constant 0 : i32
      %dma_start3A_238 = arith.constant 0 : i32
      %dma_start3A_239 = tpu.memref_slice %arg2[%arg0, %arg1, %run_scoped3A, %dma_start3A_237, %dma_start3A_238] : memref<2x16x250x2x40xi32, #tpu.memory_space<hbm>> -> memref<1x1x1x2x40xi32, #tpu.memory_space<hbm>>
      %dma_start3A_240 = tpu.memref_squeeze %dma_start3A_239 : memref<1x1x1x2x40xi32, #tpu.memory_space<hbm>> -> memref<2x40xi32, #tpu.memory_space<hbm>>
      %dma_start3A_241 = arith.constant 0 : i32
      %dma_start3A_242 = arith.constant 0 : i32
      %dma_start3A_243 = tpu.memref_slice %arg9[%run_scoped3A_7, %dma_start3A_241, %dma_start3A_242] : memref<2x2x40xi32, #tpu.memory_space<vmem>> -> memref<1x2x40xi32, #tpu.memory_space<vmem>>
      %dma_start3A_244 = tpu.memref_squeeze %dma_start3A_243 : memref<1x2x40xi32, #tpu.memory_space<vmem>> -> memref<2x40xi32, #tpu.memory_space<vmem>>
      %dma_start3A_245 = arith.constant 0 : i32
      %dma_start3A_246 = arith.constant 0 : i32
      %dma_start3A_247 = tpu.memref_slice %arg2[%arg0, %arg1, %run_scoped3A, %dma_start3A_245, %dma_start3A_246] : memref<2x16x250x2x40xi32, #tpu.memory_space<hbm>> -> memref<1x1x1x2x40xi32, #tpu.memory_space<hbm>>
      %dma_start3A_248 = tpu.memref_squeeze %dma_start3A_247 : memref<1x1x1x2x40xi32, #tpu.memory_space<hbm>> -> memref<2x40xi32, #tpu.memory_space<hbm>>
      tpu.enqueue_dma source(%dma_start3A_248 : memref<2x40xi32, #tpu.memory_space<hbm>>) target(%dma_start3A_244 : memref<2x40xi32, #tpu.memory_space<vmem>>) target_semaphore(%run_scoped3A_232 : memref<!tpu.dma_semaphore, #tpu.memory_space<semaphore_mem>>)
      %dma_wait3A_249 = arith.constant 0 : i32
      %dma_wait3A_250 = arith.constant 0 : i32
      %dma_wait3A_251 = tpu.memref_slice %arg9[%run_scoped3A_7, %dma_wait3A_249, %dma_wait3A_250] : memref<2x2x40xi32, #tpu.memory_space<vmem>> -> memref<1x2x40xi32, #tpu.memory_space<vmem>>
      %dma_wait3A_252 = tpu.memref_squeeze %dma_wait3A_251 : memref<1x2x40xi32, #tpu.memory_space<vmem>> -> memref<2x40xi32, #tpu.memory_space<vmem>>
      %dma_wait3A_253 = arith.constant 0 : i32
      %dma_wait3A_254 = arith.constant 0 : i32
      %dma_wait3A_255 = tpu.memref_slice %arg2[%arg0, %arg1, %run_scoped3A, %dma_wait3A_253, %dma_wait3A_254] : memref<2x16x250x2x40xi32, #tpu.memory_space<hbm>> -> memref<1x1x1x2x40xi32, #tpu.memory_space<hbm>>
      %dma_wait3A_256 = tpu.memref_squeeze %dma_wait3A_255 : memref<1x1x1x2x40xi32, #tpu.memory_space<hbm>> -> memref<2x40xi32, #tpu.memory_space<hbm>>
      %dma_wait3A_257 = arith.constant 0 : i32
      %dma_wait3A_258 = arith.constant 0 : i32
      %dma_wait3A_259 = tpu.memref_slice %arg9[%run_scoped3A_7, %dma_wait3A_257, %dma_wait3A_258] : memref<2x2x40xi32, #tpu.memory_space<vmem>> -> memref<1x2x40xi32, #tpu.memory_space<vmem>>
      %dma_wait3A_260 = tpu.memref_squeeze %dma_wait3A_259 : memref<1x2x40xi32, #tpu.memory_space<vmem>> -> memref<2x40xi32, #tpu.memory_space<vmem>>
      %dma_wait3A_261 = arith.constant 0 : i32
      %dma_wait3A_262 = arith.constant 0 : i32
      %dma_wait3A_263 = tpu.memref_slice %arg2[%arg0, %arg1, %run_scoped3A, %dma_wait3A_261, %dma_wait3A_262] : memref<2x16x250x2x40xi32, #tpu.memory_space<hbm>> -> memref<1x1x1x2x40xi32, #tpu.memory_space<hbm>>
      %dma_wait3A_264 = tpu.memref_squeeze %dma_wait3A_263 : memref<1x1x1x2x40xi32, #tpu.memory_space<hbm>> -> memref<2x40xi32, #tpu.memory_space<hbm>>
      tpu.wait_dma2 semaphore(%run_scoped3A_232 : memref<!tpu.dma_semaphore, #tpu.memory_space<semaphore_mem>>) src(%dma_wait3A_264 : memref<2x40xi32, #tpu.memory_space<hbm>>) dst(%dma_wait3A_260 : memref<2x40xi32, #tpu.memory_space<vmem>>)
      tpu.yield
    }) : () -> ()
    %dma_start3A = arith.constant 0 : i32
    %dma_start3A_8 = arith.constant 0 : i32
    %dma_start3A_9 = arith.constant 0 : i32
    %dma_start3A_10 = arith.constant 0 : i32
    %dma_start3A_11 = arith.constant 0 : i32
    %dma_start3A_12 = tpu.memref_slice %arg12[%dma_start3A_9, %dma_start3A_10, %dma_start3A_11] : memref<2x48x160xf32, #tpu.memory_space<vmem>> -> memref<1x40x160xf32, #tpu.memory_space<vmem>>
    %dma_start3A_13 = tpu.memref_squeeze %dma_start3A_12 : memref<1x40x160xf32, #tpu.memory_space<vmem>> -> memref<40x160xf32, #tpu.memory_space<vmem>>
    %dma_start3A_14 = arith.constant 0 : i32
    %dma_start3A_15 = tpu.memref_slice %arg9[%dma_start3A, %dma_start3A_8, %dma_start3A_14] : memref<2x2x40xi32, #tpu.memory_space<vmem>> -> memref<1x1x40xi32, #tpu.memory_space<vmem>>
    %dma_start3A_16 = tpu.memref_squeeze %dma_start3A_15 : memref<1x1x40xi32, #tpu.memory_space<vmem>> -> memref<40xi32, #tpu.memory_space<vmem>>
    %dma_start3A_17 = arith.constant 0 : i32
    %dma_start3A_18 = arith.constant 0 : i32
    %dma_start3A_19 = tpu.memref_slice %arg4[%dma_start3A_17, %dma_start3A_18] : memref<10000x160xf32, #tpu.memory_space<hbm>> -> memref<10000x160xf32, #tpu.memory_space<hbm>>
    tpu.enqueue_indirect_dma source(%dma_start3A_19 : memref<10000x160xf32, #tpu.memory_space<hbm>>) target(%dma_start3A_13 : memref<40x160xf32, #tpu.memory_space<vmem>>) offsets(%dma_start3A_16 : memref<40xi32, #tpu.memory_space<vmem>>) semaphore(%arg18 : memref<!tpu.dma_semaphore, #tpu.memory_space<semaphore_mem>>)
    %dma_start3A_20 = arith.constant 0 : i32
    %dma_start3A_21 = arith.constant 1 : i32
    %dma_start3A_22 = arith.constant 0 : i32
    %dma_start3A_23 = arith.constant 0 : i32
    %dma_start3A_24 = arith.constant 0 : i32
    %dma_start3A_25 = tpu.memref_slice %arg11[%dma_start3A_22, %dma_start3A_23, %dma_start3A_24] : memref<2x48x32xf32, #tpu.memory_space<vmem>> -> memref<1x40x32xf32, #tpu.memory_space<vmem>>
    %dma_start3A_26 = tpu.memref_squeeze %dma_start3A_25 : memref<1x40x32xf32, #tpu.memory_space<vmem>> -> memref<40x32xf32, #tpu.memory_space<vmem>>
    %dma_start3A_27 = arith.constant 0 : i32
    %dma_start3A_28 = tpu.memref_slice %arg9[%dma_start3A_20, %dma_start3A_21, %dma_start3A_27] : memref<2x2x40xi32, #tpu.memory_space<vmem>> -> memref<1x1x40xi32, #tpu.memory_space<vmem>>
    %dma_start3A_29 = tpu.memref_squeeze %dma_start3A_28 : memref<1x1x40xi32, #tpu.memory_space<vmem>> -> memref<40xi32, #tpu.memory_space<vmem>>
    %dma_start3A_30 = arith.constant 0 : i32
    %dma_start3A_31 = arith.constant 0 : i32
    %dma_start3A_32 = tpu.memref_slice %arg5[%dma_start3A_30, %dma_start3A_31] : memref<10000x32xf32, #tpu.memory_space<hbm>> -> memref<10000x32xf32, #tpu.memory_space<hbm>>
    tpu.enqueue_indirect_dma source(%dma_start3A_32 : memref<10000x32xf32, #tpu.memory_space<hbm>>) target(%dma_start3A_26 : memref<40x32xf32, #tpu.memory_space<vmem>>) offsets(%dma_start3A_29 : memref<40xi32, #tpu.memory_space<vmem>>) semaphore(%arg18 : memref<!tpu.dma_semaphore, #tpu.memory_space<semaphore_mem>>)
    %dma_start3A_33 = arith.constant 0 : i32
    %dma_start3A_34 = arith.constant 0 : i32
    %dma_start3A_35 = arith.constant 0 : i32
    %dma_start3A_36 = tpu.memref_slice %arg10[%dma_start3A_33, %dma_start3A_34, %dma_start3A_35] : memref<2x48x16xf32, #tpu.memory_space<vmem>> -> memref<1x40x16xf32, #tpu.memory_space<vmem>>
    %dma_start3A_37 = tpu.memref_squeeze %dma_start3A_36 : memref<1x40x16xf32, #tpu.memory_space<vmem>> -> memref<40x16xf32, #tpu.memory_space<vmem>>
    %dma_start3A_38 = arith.constant 0 : i32
    %dma_start3A_39 = tpu.memref_slice %arg3[%add3A_6, %dma_start3A_38] : memref<320000x16xf32, #tpu.memory_space<hbm>> -> memref<40x16xf32, #tpu.memory_space<hbm>>
    %dma_start3A_40 = arith.constant 0 : i32
    %dma_start3A_41 = arith.constant 0 : i32
    %dma_start3A_42 = tpu.memref_slice %arg10[%dma_start3A_33, %dma_start3A_40, %dma_start3A_41] : memref<2x48x16xf32, #tpu.memory_space<vmem>> -> memref<1x40x16xf32, #tpu.memory_space<vmem>>
    %dma_start3A_43 = tpu.memref_squeeze %dma_start3A_42 : memref<1x40x16xf32, #tpu.memory_space<vmem>> -> memref<40x16xf32, #tpu.memory_space<vmem>>
    %dma_start3A_44 = arith.constant 0 : i32
    %dma_start3A_45 = tpu.memref_slice %arg3[%add3A_6, %dma_start3A_44] : memref<320000x16xf32, #tpu.memory_space<hbm>> -> memref<40x16xf32, #tpu.memory_space<hbm>>
    tpu.enqueue_dma source(%dma_start3A_45 : memref<40x16xf32, #tpu.memory_space<hbm>>) target(%dma_start3A_43 : memref<40x16xf32, #tpu.memory_space<vmem>>) target_semaphore(%arg18 : memref<!tpu.dma_semaphore, #tpu.memory_space<semaphore_mem>>)
    %dma_start3A_46 = arith.constant 0 : i32
    %dma_start3A_47 = arith.constant 0 : i32
    %dma_start3A_48 = arith.constant 0 : i32
    %dma_start3A_49 = tpu.memref_slice %arg13[%dma_start3A_46, %dma_start3A_47, %dma_start3A_48] : memref<2x40x128xf32, #tpu.memory_space<vmem>> -> memref<1x40x128xf32, #tpu.memory_space<vmem>>
    %dma_start3A_50 = tpu.memref_squeeze %dma_start3A_49 : memref<1x40x128xf32, #tpu.memory_space<vmem>> -> memref<40x128xf32, #tpu.memory_space<vmem>>
    %dma_start3A_51 = arith.constant 0 : i32
    %dma_start3A_52 = tpu.memref_slice %arg6[%add3A_6, %dma_start3A_51] : memref<320000x128xf32, #tpu.memory_space<hbm>> -> memref<40x128xf32, #tpu.memory_space<hbm>>
    %dma_start3A_53 = arith.constant 0 : i32
    %dma_start3A_54 = arith.constant 0 : i32
    %dma_start3A_55 = tpu.memref_slice %arg13[%dma_start3A_46, %dma_start3A_53, %dma_start3A_54] : memref<2x40x128xf32, #tpu.memory_space<vmem>> -> memref<1x40x128xf32, #tpu.memory_space<vmem>>
    %dma_start3A_56 = tpu.memref_squeeze %dma_start3A_55 : memref<1x40x128xf32, #tpu.memory_space<vmem>> -> memref<40x128xf32, #tpu.memory_space<vmem>>
    %dma_start3A_57 = arith.constant 0 : i32
    %dma_start3A_58 = tpu.memref_slice %arg6[%add3A_6, %dma_start3A_57] : memref<320000x128xf32, #tpu.memory_space<hbm>> -> memref<40x128xf32, #tpu.memory_space<hbm>>
    tpu.enqueue_dma source(%dma_start3A_58 : memref<40x128xf32, #tpu.memory_space<hbm>>) target(%dma_start3A_56 : memref<40x128xf32, #tpu.memory_space<vmem>>) target_semaphore(%arg18 : memref<!tpu.dma_semaphore, #tpu.memory_space<semaphore_mem>>)
    %add3A_59 = arith.constant 40 : i32
    %add3A_60 = arith.addi %add3A, %add3A_59 : i32
    %run_scoped3A_61 = arith.constant 1 : i32
    %run_scoped3A_62 = arith.constant 1 : i32
    "tpu.region"() ({
      %run_scoped3A_232 = tpu.sem_alloc : memref<!tpu.dma_semaphore, #tpu.memory_space<semaphore_mem>>
      %dma_start3A_233 = arith.constant 0 : i32
      %dma_start3A_234 = arith.constant 0 : i32
      %dma_start3A_235 = tpu.memref_slice %arg9[%run_scoped3A_62, %dma_start3A_233, %dma_start3A_234] : memref<2x2x40xi32, #tpu.memory_space<vmem>> -> memref<1x2x40xi32, #tpu.memory_space<vmem>>
      %dma_start3A_236 = tpu.memref_squeeze %dma_start3A_235 : memref<1x2x40xi32, #tpu.memory_space<vmem>> -> memref<2x40xi32, #tpu.memory_space<vmem>>
      %dma_start3A_237 = arith.constant 0 : i32
      %dma_start3A_238 = arith.constant 0 : i32
      %dma_start3A_239 = tpu.memref_slice %arg2[%arg0, %arg1, %run_scoped3A_61, %dma_start3A_237, %dma_start3A_238] : memref<2x16x250x2x40xi32, #tpu.memory_space<hbm>> -> memref<1x1x1x2x40xi32, #tpu.memory_space<hbm>>
      %dma_start3A_240 = tpu.memref_squeeze %dma_start3A_239 : memref<1x1x1x2x40xi32, #tpu.memory_space<hbm>> -> memref<2x40xi32, #tpu.memory_space<hbm>>
      %dma_start3A_241 = arith.constant 0 : i32
      %dma_start3A_242 = arith.constant 0 : i32
      %dma_start3A_243 = tpu.memref_slice %arg9[%run_scoped3A_62, %dma_start3A_241, %dma_start3A_242] : memref<2x2x40xi32, #tpu.memory_space<vmem>> -> memref<1x2x40xi32, #tpu.memory_space<vmem>>
      %dma_start3A_244 = tpu.memref_squeeze %dma_start3A_243 : memref<1x2x40xi32, #tpu.memory_space<vmem>> -> memref<2x40xi32, #tpu.memory_space<vmem>>
      %dma_start3A_245 = arith.constant 0 : i32
      %dma_start3A_246 = arith.constant 0 : i32
      %dma_start3A_247 = tpu.memref_slice %arg2[%arg0, %arg1, %run_scoped3A_61, %dma_start3A_245, %dma_start3A_246] : memref<2x16x250x2x40xi32, #tpu.memory_space<hbm>> -> memref<1x1x1x2x40xi32, #tpu.memory_space<hbm>>
      %dma_start3A_248 = tpu.memref_squeeze %dma_start3A_247 : memref<1x1x1x2x40xi32, #tpu.memory_space<hbm>> -> memref<2x40xi32, #tpu.memory_space<hbm>>
      tpu.enqueue_dma source(%dma_start3A_248 : memref<2x40xi32, #tpu.memory_space<hbm>>) target(%dma_start3A_244 : memref<2x40xi32, #tpu.memory_space<vmem>>) target_semaphore(%run_scoped3A_232 : memref<!tpu.dma_semaphore, #tpu.memory_space<semaphore_mem>>)
      %dma_wait3A_249 = arith.constant 0 : i32
      %dma_wait3A_250 = arith.constant 0 : i32
      %dma_wait3A_251 = tpu.memref_slice %arg9[%run_scoped3A_62, %dma_wait3A_249, %dma_wait3A_250] : memref<2x2x40xi32, #tpu.memory_space<vmem>> -> memref<1x2x40xi32, #tpu.memory_space<vmem>>
      %dma_wait3A_252 = tpu.memref_squeeze %dma_wait3A_251 : memref<1x2x40xi32, #tpu.memory_space<vmem>> -> memref<2x40xi32, #tpu.memory_space<vmem>>
      %dma_wait3A_253 = arith.constant 0 : i32
      %dma_wait3A_254 = arith.constant 0 : i32
      %dma_wait3A_255 = tpu.memref_slice %arg2[%arg0, %arg1, %run_scoped3A_61, %dma_wait3A_253, %dma_wait3A_254] : memref<2x16x250x2x40xi32, #tpu.memory_space<hbm>> -> memref<1x1x1x2x40xi32, #tpu.memory_space<hbm>>
      %dma_wait3A_256 = tpu.memref_squeeze %dma_wait3A_255 : memref<1x1x1x2x40xi32, #tpu.memory_space<hbm>> -> memref<2x40xi32, #tpu.memory_space<hbm>>
      %dma_wait3A_257 = arith.constant 0 : i32
      %dma_wait3A_258 = arith.constant 0 : i32
      %dma_wait3A_259 = tpu.memref_slice %arg9[%run_scoped3A_62, %dma_wait3A_257, %dma_wait3A_258] : memref<2x2x40xi32, #tpu.memory_space<vmem>> -> memref<1x2x40xi32, #tpu.memory_space<vmem>>
      %dma_wait3A_260 = tpu.memref_squeeze %dma_wait3A_259 : memref<1x2x40xi32, #tpu.memory_space<vmem>> -> memref<2x40xi32, #tpu.memory_space<vmem>>
      %dma_wait3A_261 = arith.constant 0 : i32
      %dma_wait3A_262 = arith.constant 0 : i32
      %dma_wait3A_263 = tpu.memref_slice %arg2[%arg0, %arg1, %run_scoped3A_61, %dma_wait3A_261, %dma_wait3A_262] : memref<2x16x250x2x40xi32, #tpu.memory_space<hbm>> -> memref<1x1x1x2x40xi32, #tpu.memory_space<hbm>>
      %dma_wait3A_264 = tpu.memref_squeeze %dma_wait3A_263 : memref<1x1x1x2x40xi32, #tpu.memory_space<hbm>> -> memref<2x40xi32, #tpu.memory_space<hbm>>
      tpu.wait_dma2 semaphore(%run_scoped3A_232 : memref<!tpu.dma_semaphore, #tpu.memory_space<semaphore_mem>>) src(%dma_wait3A_264 : memref<2x40xi32, #tpu.memory_space<hbm>>) dst(%dma_wait3A_260 : memref<2x40xi32, #tpu.memory_space<vmem>>)
      tpu.yield
    }) : () -> ()
    %dma_start3A_63 = arith.constant 1 : i32
    %dma_start3A_64 = arith.constant 0 : i32
    %dma_start3A_65 = arith.constant 1 : i32
    %dma_start3A_66 = arith.constant 0 : i32
    %dma_start3A_67 = arith.constant 0 : i32
    %dma_start3A_68 = tpu.memref_slice %arg12[%dma_start3A_65, %dma_start3A_66, %dma_start3A_67] : memref<2x48x160xf32, #tpu.memory_space<vmem>> -> memref<1x40x160xf32, #tpu.memory_space<vmem>>
    %dma_start3A_69 = tpu.memref_squeeze %dma_start3A_68 : memref<1x40x160xf32, #tpu.memory_space<vmem>> -> memref<40x160xf32, #tpu.memory_space<vmem>>
    %dma_start3A_70 = arith.constant 0 : i32
    %dma_start3A_71 = tpu.memref_slice %arg9[%dma_start3A_63, %dma_start3A_64, %dma_start3A_70] : memref<2x2x40xi32, #tpu.memory_space<vmem>> -> memref<1x1x40xi32, #tpu.memory_space<vmem>>
    %dma_start3A_72 = tpu.memref_squeeze %dma_start3A_71 : memref<1x1x40xi32, #tpu.memory_space<vmem>> -> memref<40xi32, #tpu.memory_space<vmem>>
    %dma_start3A_73 = arith.constant 0 : i32
    %dma_start3A_74 = arith.constant 0 : i32
    %dma_start3A_75 = tpu.memref_slice %arg4[%dma_start3A_73, %dma_start3A_74] : memref<10000x160xf32, #tpu.memory_space<hbm>> -> memref<10000x160xf32, #tpu.memory_space<hbm>>
    tpu.enqueue_indirect_dma source(%dma_start3A_75 : memref<10000x160xf32, #tpu.memory_space<hbm>>) target(%dma_start3A_69 : memref<40x160xf32, #tpu.memory_space<vmem>>) offsets(%dma_start3A_72 : memref<40xi32, #tpu.memory_space<vmem>>) semaphore(%arg19 : memref<!tpu.dma_semaphore, #tpu.memory_space<semaphore_mem>>)
    %dma_start3A_76 = arith.constant 1 : i32
    %dma_start3A_77 = arith.constant 1 : i32
    %dma_start3A_78 = arith.constant 1 : i32
    %dma_start3A_79 = arith.constant 0 : i32
    %dma_start3A_80 = arith.constant 0 : i32
    %dma_start3A_81 = tpu.memref_slice %arg11[%dma_start3A_78, %dma_start3A_79, %dma_start3A_80] : memref<2x48x32xf32, #tpu.memory_space<vmem>> -> memref<1x40x32xf32, #tpu.memory_space<vmem>>
    %dma_start3A_82 = tpu.memref_squeeze %dma_start3A_81 : memref<1x40x32xf32, #tpu.memory_space<vmem>> -> memref<40x32xf32, #tpu.memory_space<vmem>>
    %dma_start3A_83 = arith.constant 0 : i32
    %dma_start3A_84 = tpu.memref_slice %arg9[%dma_start3A_76, %dma_start3A_77, %dma_start3A_83] : memref<2x2x40xi32, #tpu.memory_space<vmem>> -> memref<1x1x40xi32, #tpu.memory_space<vmem>>
    %dma_start3A_85 = tpu.memref_squeeze %dma_start3A_84 : memref<1x1x40xi32, #tpu.memory_space<vmem>> -> memref<40xi32, #tpu.memory_space<vmem>>
    %dma_start3A_86 = arith.constant 0 : i32
    %dma_start3A_87 = arith.constant 0 : i32
    %dma_start3A_88 = tpu.memref_slice %arg5[%dma_start3A_86, %dma_start3A_87] : memref<10000x32xf32, #tpu.memory_space<hbm>> -> memref<10000x32xf32, #tpu.memory_space<hbm>>
    tpu.enqueue_indirect_dma source(%dma_start3A_88 : memref<10000x32xf32, #tpu.memory_space<hbm>>) target(%dma_start3A_82 : memref<40x32xf32, #tpu.memory_space<vmem>>) offsets(%dma_start3A_85 : memref<40xi32, #tpu.memory_space<vmem>>) semaphore(%arg19 : memref<!tpu.dma_semaphore, #tpu.memory_space<semaphore_mem>>)
    %dma_start3A_89 = arith.constant 1 : i32
    %dma_start3A_90 = arith.constant 0 : i32
    %dma_start3A_91 = arith.constant 0 : i32
    %dma_start3A_92 = tpu.memref_slice %arg10[%dma_start3A_89, %dma_start3A_90, %dma_start3A_91] : memref<2x48x16xf32, #tpu.memory_space<vmem>> -> memref<1x40x16xf32, #tpu.memory_space<vmem>>
    %dma_start3A_93 = tpu.memref_squeeze %dma_start3A_92 : memref<1x40x16xf32, #tpu.memory_space<vmem>> -> memref<40x16xf32, #tpu.memory_space<vmem>>
    %dma_start3A_94 = arith.constant 0 : i32
    %dma_start3A_95 = tpu.memref_slice %arg3[%add3A_60, %dma_start3A_94] : memref<320000x16xf32, #tpu.memory_space<hbm>> -> memref<40x16xf32, #tpu.memory_space<hbm>>
    %dma_start3A_96 = arith.constant 0 : i32
    %dma_start3A_97 = arith.constant 0 : i32
    %dma_start3A_98 = tpu.memref_slice %arg10[%dma_start3A_89, %dma_start3A_96, %dma_start3A_97] : memref<2x48x16xf32, #tpu.memory_space<vmem>> -> memref<1x40x16xf32, #tpu.memory_space<vmem>>
    %dma_start3A_99 = tpu.memref_squeeze %dma_start3A_98 : memref<1x40x16xf32, #tpu.memory_space<vmem>> -> memref<40x16xf32, #tpu.memory_space<vmem>>
    %dma_start3A_100 = arith.constant 0 : i32
    %dma_start3A_101 = tpu.memref_slice %arg3[%add3A_60, %dma_start3A_100] : memref<320000x16xf32, #tpu.memory_space<hbm>> -> memref<40x16xf32, #tpu.memory_space<hbm>>
    tpu.enqueue_dma source(%dma_start3A_101 : memref<40x16xf32, #tpu.memory_space<hbm>>) target(%dma_start3A_99 : memref<40x16xf32, #tpu.memory_space<vmem>>) target_semaphore(%arg19 : memref<!tpu.dma_semaphore, #tpu.memory_space<semaphore_mem>>)
    %dma_start3A_102 = arith.constant 1 : i32
    %dma_start3A_103 = arith.constant 0 : i32
    %dma_start3A_104 = arith.constant 0 : i32
    %dma_start3A_105 = tpu.memref_slice %arg13[%dma_start3A_102, %dma_start3A_103, %dma_start3A_104] : memref<2x40x128xf32, #tpu.memory_space<vmem>> -> memref<1x40x128xf32, #tpu.memory_space<vmem>>
    %dma_start3A_106 = tpu.memref_squeeze %dma_start3A_105 : memref<1x40x128xf32, #tpu.memory_space<vmem>> -> memref<40x128xf32, #tpu.memory_space<vmem>>
    %dma_start3A_107 = arith.constant 0 : i32
    %dma_start3A_108 = tpu.memref_slice %arg6[%add3A_60, %dma_start3A_107] : memref<320000x128xf32, #tpu.memory_space<hbm>> -> memref<40x128xf32, #tpu.memory_space<hbm>>
    %dma_start3A_109 = arith.constant 0 : i32
    %dma_start3A_110 = arith.constant 0 : i32
    %dma_start3A_111 = tpu.memref_slice %arg13[%dma_start3A_102, %dma_start3A_109, %dma_start3A_110] : memref<2x40x128xf32, #tpu.memory_space<vmem>> -> memref<1x40x128xf32, #tpu.memory_space<vmem>>
    %dma_start3A_112 = tpu.memref_squeeze %dma_start3A_111 : memref<1x40x128xf32, #tpu.memory_space<vmem>> -> memref<40x128xf32, #tpu.memory_space<vmem>>
    %dma_start3A_113 = arith.constant 0 : i32
    %dma_start3A_114 = tpu.memref_slice %arg6[%add3A_60, %dma_start3A_113] : memref<320000x128xf32, #tpu.memory_space<hbm>> -> memref<40x128xf32, #tpu.memory_space<hbm>>
    tpu.enqueue_dma source(%dma_start3A_114 : memref<40x128xf32, #tpu.memory_space<hbm>>) target(%dma_start3A_112 : memref<40x128xf32, #tpu.memory_space<vmem>>) target_semaphore(%arg19 : memref<!tpu.dma_semaphore, #tpu.memory_space<semaphore_mem>>)
    %scan3A = arith.constant 0 : i32
    %scan3A_115 = arith.constant 0 : i32
    %scan3A_116 = arith.constant 125 : i32
    %scan3A_117 = arith.addi %scan3A_115, %scan3A_116 : i32
    %scan3A_118 = arith.constant 1 : i32
    scf.for %scan3A_232 = %scan3A_115 to %scan3A_117 step %scan3A_118  : i32 {
      %mul3A_233 = arith.constant 2 : i32
      %mul3A_234 = arith.muli %scan3A_232, %mul3A_233 : i32
      %add3A_235 = arith.constant 0 : i32
      %add3A_236 = arith.addi %mul3A_234, %add3A_235 : i32
      %dma_wait3A_237 = arith.constant 0 : i32
      %dma_wait3A_238 = arith.constant 0 : i32
      %dma_wait3A_239 = arith.constant 0 : i32
      %dma_wait3A_240 = arith.constant 0 : i32
      %dma_wait3A_241 = arith.constant 0 : i32
      %dma_wait3A_242 = tpu.memref_slice %arg12[%dma_wait3A_239, %dma_wait3A_240, %dma_wait3A_241] : memref<2x48x160xf32, #tpu.memory_space<vmem>> -> memref<1x40x160xf32, #tpu.memory_space<vmem>>
      %dma_wait3A_243 = tpu.memref_squeeze %dma_wait3A_242 : memref<1x40x160xf32, #tpu.memory_space<vmem>> -> memref<40x160xf32, #tpu.memory_space<vmem>>
      %dma_wait3A_244 = arith.constant 0 : i32
      %dma_wait3A_245 = tpu.memref_slice %arg9[%dma_wait3A_237, %dma_wait3A_238, %dma_wait3A_244] : memref<2x2x40xi32, #tpu.memory_space<vmem>> -> memref<1x1x40xi32, #tpu.memory_space<vmem>>
      %dma_wait3A_246 = tpu.memref_squeeze %dma_wait3A_245 : memref<1x1x40xi32, #tpu.memory_space<vmem>> -> memref<40xi32, #tpu.memory_space<vmem>>
      %dma_wait3A_247 = arith.constant 0 : i32
      %dma_wait3A_248 = arith.constant 0 : i32
      %dma_wait3A_249 = tpu.memref_slice %arg4[%dma_wait3A_247, %dma_wait3A_248] : memref<10000x160xf32, #tpu.memory_space<hbm>> -> memref<10000x160xf32, #tpu.memory_space<hbm>>
      tpu.wait_indirect_dma semaphore(%arg18 : memref<!tpu.dma_semaphore, #tpu.memory_space<semaphore_mem>>) src(%dma_wait3A_249 : memref<10000x160xf32, #tpu.memory_space<hbm>>) dst(%dma_wait3A_243 : memref<40x160xf32, #tpu.memory_space<vmem>>)
      %dma_wait3A_250 = arith.constant 0 : i32
      %dma_wait3A_251 = arith.constant 1 : i32
      %dma_wait3A_252 = arith.constant 0 : i32
      %dma_wait3A_253 = arith.constant 0 : i32
      %dma_wait3A_254 = arith.constant 0 : i32
      %dma_wait3A_255 = tpu.memref_slice %arg11[%dma_wait3A_252, %dma_wait3A_253, %dma_wait3A_254] : memref<2x48x32xf32, #tpu.memory_space<vmem>> -> memref<1x40x32xf32, #tpu.memory_space<vmem>>
      %dma_wait3A_256 = tpu.memref_squeeze %dma_wait3A_255 : memref<1x40x32xf32, #tpu.memory_space<vmem>> -> memref<40x32xf32, #tpu.memory_space<vmem>>
      %dma_wait3A_257 = arith.constant 0 : i32
      %dma_wait3A_258 = tpu.memref_slice %arg9[%dma_wait3A_250, %dma_wait3A_251, %dma_wait3A_257] : memref<2x2x40xi32, #tpu.memory_space<vmem>> -> memref<1x1x40xi32, #tpu.memory_space<vmem>>
      %dma_wait3A_259 = tpu.memref_squeeze %dma_wait3A_258 : memref<1x1x40xi32, #tpu.memory_space<vmem>> -> memref<40xi32, #tpu.memory_space<vmem>>
      %dma_wait3A_260 = arith.constant 0 : i32
      %dma_wait3A_261 = arith.constant 0 : i32
      %dma_wait3A_262 = tpu.memref_slice %arg5[%dma_wait3A_260, %dma_wait3A_261] : memref<10000x32xf32, #tpu.memory_space<hbm>> -> memref<10000x32xf32, #tpu.memory_space<hbm>>
      tpu.wait_indirect_dma semaphore(%arg18 : memref<!tpu.dma_semaphore, #tpu.memory_space<semaphore_mem>>) src(%dma_wait3A_262 : memref<10000x32xf32, #tpu.memory_space<hbm>>) dst(%dma_wait3A_256 : memref<40x32xf32, #tpu.memory_space<vmem>>)
      %dma_wait3A_263 = arith.constant 0 : i32
      %dma_wait3A_264 = arith.constant 0 : i32
      %dma_wait3A_265 = arith.constant 0 : i32
      %dma_wait3A_266 = tpu.memref_slice %arg10[%dma_wait3A_263, %dma_wait3A_264, %dma_wait3A_265] : memref<2x48x16xf32, #tpu.memory_space<vmem>> -> memref<1x40x16xf32, #tpu.memory_space<vmem>>
      %dma_wait3A_267 = tpu.memref_squeeze %dma_wait3A_266 : memref<1x40x16xf32, #tpu.memory_space<vmem>> -> memref<40x16xf32, #tpu.memory_space<vmem>>
      %dma_wait3A_268 = arith.constant 0 : i32
      %dma_wait3A_269 = arith.constant 0 : i32
      %dma_wait3A_270 = tpu.memref_slice %arg3[%dma_wait3A_268, %dma_wait3A_269] : memref<320000x16xf32, #tpu.memory_space<hbm>> -> memref<40x16xf32, #tpu.memory_space<hbm>>
      %dma_wait3A_271 = arith.constant 0 : i32
      %dma_wait3A_272 = arith.constant 0 : i32
      %dma_wait3A_273 = tpu.memref_slice %arg10[%dma_wait3A_263, %dma_wait3A_271, %dma_wait3A_272] : memref<2x48x16xf32, #tpu.memory_space<vmem>> -> memref<1x40x16xf32, #tpu.memory_space<vmem>>
      %dma_wait3A_274 = tpu.memref_squeeze %dma_wait3A_273 : memref<1x40x16xf32, #tpu.memory_space<vmem>> -> memref<40x16xf32, #tpu.memory_space<vmem>>
      %dma_wait3A_275 = arith.constant 0 : i32
      %dma_wait3A_276 = arith.constant 0 : i32
      %dma_wait3A_277 = tpu.memref_slice %arg3[%dma_wait3A_275, %dma_wait3A_276] : memref<320000x16xf32, #tpu.memory_space<hbm>> -> memref<40x16xf32, #tpu.memory_space<hbm>>
      tpu.wait_dma2 semaphore(%arg18 : memref<!tpu.dma_semaphore, #tpu.memory_space<semaphore_mem>>) src(%dma_wait3A_277 : memref<40x16xf32, #tpu.memory_space<hbm>>) dst(%dma_wait3A_274 : memref<40x16xf32, #tpu.memory_space<vmem>>)
      %dma_wait3A_278 = arith.constant 0 : i32
      %dma_wait3A_279 = arith.constant 0 : i32
      %dma_wait3A_280 = arith.constant 0 : i32
      %dma_wait3A_281 = tpu.memref_slice %arg13[%dma_wait3A_278, %dma_wait3A_279, %dma_wait3A_280] : memref<2x40x128xf32, #tpu.memory_space<vmem>> -> memref<1x40x128xf32, #tpu.memory_space<vmem>>
      %dma_wait3A_282 = tpu.memref_squeeze %dma_wait3A_281 : memref<1x40x128xf32, #tpu.memory_space<vmem>> -> memref<40x128xf32, #tpu.memory_space<vmem>>
      %dma_wait3A_283 = arith.constant 0 : i32
      %dma_wait3A_284 = arith.constant 0 : i32
      %dma_wait3A_285 = tpu.memref_slice %arg6[%dma_wait3A_283, %dma_wait3A_284] : memref<320000x128xf32, #tpu.memory_space<hbm>> -> memref<40x128xf32, #tpu.memory_space<hbm>>
      %dma_wait3A_286 = arith.constant 0 : i32
      %dma_wait3A_287 = arith.constant 0 : i32
      %dma_wait3A_288 = tpu.memref_slice %arg13[%dma_wait3A_278, %dma_wait3A_286, %dma_wait3A_287] : memref<2x40x128xf32, #tpu.memory_space<vmem>> -> memref<1x40x128xf32, #tpu.memory_space<vmem>>
      %dma_wait3A_289 = tpu.memref_squeeze %dma_wait3A_288 : memref<1x40x128xf32, #tpu.memory_space<vmem>> -> memref<40x128xf32, #tpu.memory_space<vmem>>
      %dma_wait3A_290 = arith.constant 0 : i32
      %dma_wait3A_291 = arith.constant 0 : i32
      %dma_wait3A_292 = tpu.memref_slice %arg6[%dma_wait3A_290, %dma_wait3A_291] : memref<320000x128xf32, #tpu.memory_space<hbm>> -> memref<40x128xf32, #tpu.memory_space<hbm>>
      tpu.wait_dma2 semaphore(%arg18 : memref<!tpu.dma_semaphore, #tpu.memory_space<semaphore_mem>>) src(%dma_wait3A_292 : memref<40x128xf32, #tpu.memory_space<hbm>>) dst(%dma_wait3A_289 : memref<40x128xf32, #tpu.memory_space<vmem>>)
      %scan3A_293 = arith.constant 0 : i32
      %scan3A_294 = arith.constant 0 : i32
      %scan3A_295 = arith.constant 3 : i32
      %scan3A_296 = arith.addi %scan3A_294, %scan3A_295 : i32
      %scan3A_297 = arith.constant 1 : i32
      scf.for %scan3A_498 = %scan3A_294 to %scan3A_296 step %scan3A_297  : i32 {
        %mul3A_499 = arith.constant 16 : i32
        %mul3A_500 = arith.muli %scan3A_498, %mul3A_499 : i32
        %add3A_501 = vector.broadcast %mul3A_500 : i32 to vector<16xi32>
        %add3A_502 = arith.addi %iota3A, %add3A_501 : vector<16xi32>
        %broadcast_in_dim3A = arith.constant 0.000000e+00 : f32
        %broadcast_in_dim3A_503 = vector.broadcast %broadcast_in_dim3A : f32 to vector<16xf32>
        %broadcast_in_dim3A_504 = arith.constant 0 : i32
        %broadcast_in_dim3A_505 = vector.broadcast %broadcast_in_dim3A_504 : i32 to vector<16xi32>
        %gather3A = arith.constant 0 : i32
        %gather3A_506 = arith.constant 0 : i32
        %gather3A_507 = arith.constant 0 : i32
        %gather3A_508 = tpu.memref_slice %arg10[%gather3A, %gather3A_506, %gather3A_507] : memref<2x48x16xf32, #tpu.memory_space<vmem>> -> memref<1x48x16xf32, #tpu.memory_space<vmem>>
        %gather3A_509 = tpu.memref_squeeze %gather3A_508 : memref<1x48x16xf32, #tpu.memory_space<vmem>> -> memref<48x16xf32, #tpu.memory_space<vmem>>
        %gather3A_510 = tpu.vector_load_idx %gather3A_509[%add3A_502, %broadcast_in_dim3A_505] : memref<48x16xf32, #tpu.memory_space<vmem>>[vector<16xi32>, vector<16xi32>], vector<16xf32>,
        %gather3A_511 = arith.constant 0 : i32
        %gather3A_512 = arith.constant 0 : i32
        %gather3A_513 = arith.constant 0 : i32
        %gather3A_514 = tpu.memref_slice %arg11[%gather3A_511, %gather3A_512, %gather3A_513] : memref<2x48x32xf32, #tpu.memory_space<vmem>> -> memref<1x48x32xf32, #tpu.memory_space<vmem>>
        %gather3A_515 = tpu.memref_squeeze %gather3A_514 : memref<1x48x32xf32, #tpu.memory_space<vmem>> -> memref<48x32xf32, #tpu.memory_space<vmem>>
        %gather3A_516 = tpu.vector_load_idx %gather3A_515[%add3A_502, %broadcast_in_dim3A_505] : memref<48x32xf32, #tpu.memory_space<vmem>>[vector<16xi32>, vector<16xi32>], vector<16xf32>,
        %add3A_517 = arith.constant 128 : i32
        %add3A_518 = vector.broadcast %add3A_517 : i32 to vector<16xi32>
        %add3A_519 = arith.addi %broadcast_in_dim3A_505, %add3A_518 : vector<16xi32>
        %gather3A_520 = arith.constant 0 : i32
        %gather3A_521 = arith.constant 0 : i32
        %gather3A_522 = arith.constant 0 : i32
        %gather3A_523 = tpu.memref_slice %arg12[%gather3A_520, %gather3A_521, %gather3A_522] : memref<2x48x160xf32, #tpu.memory_space<vmem>> -> memref<1x48x160xf32, #tpu.memory_space<vmem>>
        %gather3A_524 = tpu.memref_squeeze %gather3A_523 : memref<1x48x160xf32, #tpu.memory_space<vmem>> -> memref<48x160xf32, #tpu.memory_space<vmem>>
        %gather3A_525 = tpu.vector_load_idx %gather3A_524[%add3A_502, %add3A_519] : memref<48x160xf32, #tpu.memory_space<vmem>>[vector<16xi32>, vector<16xi32>], vector<16xf32>,
        %add3A_526 = arith.addf %gather3A_516, %gather3A_525 : vector<16xf32>
        %mul3A_527 = arith.mulf %gather3A_510, %add3A_526 : vector<16xf32>
        %add3A_528 = arith.addf %broadcast_in_dim3A_503, %mul3A_527 : vector<16xf32>
        %broadcast_in_dim3A_529 = arith.constant 1 : i32
        %broadcast_in_dim3A_530 = vector.broadcast %broadcast_in_dim3A_529 : i32 to vector<16xi32>
        %gather3A_531 = arith.constant 0 : i32
        %gather3A_532 = arith.constant 0 : i32
        %gather3A_533 = arith.constant 0 : i32
        %gather3A_534 = tpu.memref_slice %arg10[%gather3A_531, %gather3A_532, %gather3A_533] : memref<2x48x16xf32, #tpu.memory_space<vmem>> -> memref<1x48x16xf32, #tpu.memory_space<vmem>>
        %gather3A_535 = tpu.memref_squeeze %gather3A_534 : memref<1x48x16xf32, #tpu.memory_space<vmem>> -> memref<48x16xf32, #tpu.memory_space<vmem>>
        %gather3A_536 = tpu.vector_load_idx %gather3A_535[%add3A_502, %broadcast_in_dim3A_530] : memref<48x16xf32, #tpu.memory_space<vmem>>[vector<16xi32>, vector<16xi32>], vector<16xf32>,
        %gather3A_537 = arith.constant 0 : i32
        %gather3A_538 = arith.constant 0 : i32
        %gather3A_539 = arith.constant 0 : i32
        %gather3A_540 = tpu.memref_slice %arg11[%gather3A_537, %gather3A_538, %gather3A_539] : memref<2x48x32xf32, #tpu.memory_space<vmem>> -> memref<1x48x32xf32, #tpu.memory_space<vmem>>
        %gather3A_541 = tpu.memref_squeeze %gather3A_540 : memref<1x48x32xf32, #tpu.memory_space<vmem>> -> memref<48x32xf32, #tpu.memory_space<vmem>>
        %gather3A_542 = tpu.vector_load_idx %gather3A_541[%add3A_502, %broadcast_in_dim3A_530] : memref<48x32xf32, #tpu.memory_space<vmem>>[vector<16xi32>, vector<16xi32>], vector<16xf32>,
        %add3A_543 = arith.constant 128 : i32
        %add3A_544 = vector.broadcast %add3A_543 : i32 to vector<16xi32>
        %add3A_545 = arith.addi %broadcast_in_dim3A_530, %add3A_544 : vector<16xi32>
        %gather3A_546 = arith.constant 0 : i32
        %gather3A_547 = arith.constant 0 : i32
        %gather3A_548 = arith.constant 0 : i32
        %gather3A_549 = tpu.memref_slice %arg12[%gather3A_546, %gather3A_547, %gather3A_548] : memref<2x48x160xf32, #tpu.memory_space<vmem>> -> memref<1x48x160xf32, #tpu.memory_space<vmem>>
        %gather3A_550 = tpu.memref_squeeze %gather3A_549 : memref<1x48x160xf32, #tpu.memory_space<vmem>> -> memref<48x160xf32, #tpu.memory_space<vmem>>
        %gather3A_551 = tpu.vector_load_idx %gather3A_550[%add3A_502, %add3A_545] : memref<48x160xf32, #tpu.memory_space<vmem>>[vector<16xi32>, vector<16xi32>], vector<16xf32>,
        %add3A_552 = arith.addf %gather3A_542, %gather3A_551 : vector<16xf32>
        %mul3A_553 = arith.mulf %gather3A_536, %add3A_552 : vector<16xf32>
        %add3A_554 = arith.addf %add3A_528, %mul3A_553 : vector<16xf32>
        %broadcast_in_dim3A_555 = arith.constant 2 : i32
        %broadcast_in_dim3A_556 = vector.broadcast %broadcast_in_dim3A_555 : i32 to vector<16xi32>
        %gather3A_557 = arith.constant 0 : i32
        %gather3A_558 = arith.constant 0 : i32
        %gather3A_559 = arith.constant 0 : i32
        %gather3A_560 = tpu.memref_slice %arg10[%gather3A_557, %gather3A_558, %gather3A_559] : memref<2x48x16xf32, #tpu.memory_space<vmem>> -> memref<1x48x16xf32, #tpu.memory_space<vmem>>
        %gather3A_561 = tpu.memref_squeeze %gather3A_560 : memref<1x48x16xf32, #tpu.memory_space<vmem>> -> memref<48x16xf32, #tpu.memory_space<vmem>>
        %gather3A_562 = tpu.vector_load_idx %gather3A_561[%add3A_502, %broadcast_in_dim3A_556] : memref<48x16xf32, #tpu.memory_space<vmem>>[vector<16xi32>, vector<16xi32>], vector<16xf32>,
        %gather3A_563 = arith.constant 0 : i32
        %gather3A_564 = arith.constant 0 : i32
        %gather3A_565 = arith.constant 0 : i32
        %gather3A_566 = tpu.memref_slice %arg11[%gather3A_563, %gather3A_564, %gather3A_565] : memref<2x48x32xf32, #tpu.memory_space<vmem>> -> memref<1x48x32xf32, #tpu.memory_space<vmem>>
        %gather3A_567 = tpu.memref_squeeze %gather3A_566 : memref<1x48x32xf32, #tpu.memory_space<vmem>> -> memref<48x32xf32, #tpu.memory_space<vmem>>
        %gather3A_568 = tpu.vector_load_idx %gather3A_567[%add3A_502, %broadcast_in_dim3A_556] : memref<48x32xf32, #tpu.memory_space<vmem>>[vector<16xi32>, vector<16xi32>], vector<16xf32>,
        %add3A_569 = arith.constant 128 : i32
        %add3A_570 = vector.broadcast %add3A_569 : i32 to vector<16xi32>
        %add3A_571 = arith.addi %broadcast_in_dim3A_556, %add3A_570 : vector<16xi32>
        %gather3A_572 = arith.constant 0 : i32
        %gather3A_573 = arith.constant 0 : i32
        %gather3A_574 = arith.constant 0 : i32
        %gather3A_575 = tpu.memref_slice %arg12[%gather3A_572, %gather3A_573, %gather3A_574] : memref<2x48x160xf32, #tpu.memory_space<vmem>> -> memref<1x48x160xf32, #tpu.memory_space<vmem>>
        %gather3A_576 = tpu.memref_squeeze %gather3A_575 : memref<1x48x160xf32, #tpu.memory_space<vmem>> -> memref<48x160xf32, #tpu.memory_space<vmem>>
        %gather3A_577 = tpu.vector_load_idx %gather3A_576[%add3A_502, %add3A_571] : memref<48x160xf32, #tpu.memory_space<vmem>>[vector<16xi32>, vector<16xi32>], vector<16xf32>,
        %add3A_578 = arith.addf %gather3A_568, %gather3A_577 : vector<16xf32>
        %mul3A_579 = arith.mulf %gather3A_562, %add3A_578 : vector<16xf32>
        %add3A_580 = arith.addf %add3A_554, %mul3A_579 : vector<16xf32>
        %broadcast_in_dim3A_581 = arith.constant 3 : i32
        %broadcast_in_dim3A_582 = vector.broadcast %broadcast_in_dim3A_581 : i32 to vector<16xi32>
        %gather3A_583 = arith.constant 0 : i32
        %gather3A_584 = arith.constant 0 : i32
        %gather3A_585 = arith.constant 0 : i32
        %gather3A_586 = tpu.memref_slice %arg10[%gather3A_583, %gather3A_584, %gather3A_585] : memref<2x48x16xf32, #tpu.memory_space<vmem>> -> memref<1x48x16xf32, #tpu.memory_space<vmem>>
        %gather3A_587 = tpu.memref_squeeze %gather3A_586 : memref<1x48x16xf32, #tpu.memory_space<vmem>> -> memref<48x16xf32, #tpu.memory_space<vmem>>
        %gather3A_588 = tpu.vector_load_idx %gather3A_587[%add3A_502, %broadcast_in_dim3A_582] : memref<48x16xf32, #tpu.memory_space<vmem>>[vector<16xi32>, vector<16xi32>], vector<16xf32>,
        %gather3A_589 = arith.constant 0 : i32
        %gather3A_590 = arith.constant 0 : i32
        %gather3A_591 = arith.constant 0 : i32
        %gather3A_592 = tpu.memref_slice %arg11[%gather3A_589, %gather3A_590, %gather3A_591] : memref<2x48x32xf32, #tpu.memory_space<vmem>> -> memref<1x48x32xf32, #tpu.memory_space<vmem>>
        %gather3A_593 = tpu.memref_squeeze %gather3A_592 : memref<1x48x32xf32, #tpu.memory_space<vmem>> -> memref<48x32xf32, #tpu.memory_space<vmem>>
        %gather3A_594 = tpu.vector_load_idx %gather3A_593[%add3A_502, %broadcast_in_dim3A_582] : memref<48x32xf32, #tpu.memory_space<vmem>>[vector<16xi32>, vector<16xi32>], vector<16xf32>,
        %add3A_595 = arith.constant 128 : i32
        %add3A_596 = vector.broadcast %add3A_595 : i32 to vector<16xi32>
        %add3A_597 = arith.addi %broadcast_in_dim3A_582, %add3A_596 : vector<16xi32>
        %gather3A_598 = arith.constant 0 : i32
        %gather3A_599 = arith.constant 0 : i32
        %gather3A_600 = arith.constant 0 : i32
        %gather3A_601 = tpu.memref_slice %arg12[%gather3A_598, %gather3A_599, %gather3A_600] : memref<2x48x160xf32, #tpu.memory_space<vmem>> -> memref<1x48x160xf32, #tpu.memory_space<vmem>>
        %gather3A_602 = tpu.memref_squeeze %gather3A_601 : memref<1x48x160xf32, #tpu.memory_space<vmem>> -> memref<48x160xf32, #tpu.memory_space<vmem>>
        %gather3A_603 = tpu.vector_load_idx %gather3A_602[%add3A_502, %add3A_597] : memref<48x160xf32, #tpu.memory_space<vmem>>[vector<16xi32>, vector<16xi32>], vector<16xf32>,
        %add3A_604 = arith.addf %gather3A_594, %gather3A_603 : vector<16xf32>
        %mul3A_605 = arith.mulf %gather3A_588, %add3A_604 : vector<16xf32>
        %add3A_606 = arith.addf %add3A_580, %mul3A_605 : vector<16xf32>
        %broadcast_in_dim3A_607 = arith.constant 4 : i32
        %broadcast_in_dim3A_608 = vector.broadcast %broadcast_in_dim3A_607 : i32 to vector<16xi32>
        %gather3A_609 = arith.constant 0 : i32
        %gather3A_610 = arith.constant 0 : i32
        %gather3A_611 = arith.constant 0 : i32
        %gather3A_612 = tpu.memref_slice %arg10[%gather3A_609, %gather3A_610, %gather3A_611] : memref<2x48x16xf32, #tpu.memory_space<vmem>> -> memref<1x48x16xf32, #tpu.memory_space<vmem>>
        %gather3A_613 = tpu.memref_squeeze %gather3A_612 : memref<1x48x16xf32, #tpu.memory_space<vmem>> -> memref<48x16xf32, #tpu.memory_space<vmem>>
        %gather3A_614 = tpu.vector_load_idx %gather3A_613[%add3A_502, %broadcast_in_dim3A_608] : memref<48x16xf32, #tpu.memory_space<vmem>>[vector<16xi32>, vector<16xi32>], vector<16xf32>,
        %gather3A_615 = arith.constant 0 : i32
        %gather3A_616 = arith.constant 0 : i32
        %gather3A_617 = arith.constant 0 : i32
        %gather3A_618 = tpu.memref_slice %arg11[%gather3A_615, %gather3A_616, %gather3A_617] : memref<2x48x32xf32, #tpu.memory_space<vmem>> -> memref<1x48x32xf32, #tpu.memory_space<vmem>>
        %gather3A_619 = tpu.memref_squeeze %gather3A_618 : memref<1x48x32xf32, #tpu.memory_space<vmem>> -> memref<48x32xf32, #tpu.memory_space<vmem>>
        %gather3A_620 = tpu.vector_load_idx %gather3A_619[%add3A_502, %broadcast_in_dim3A_608] : memref<48x32xf32, #tpu.memory_space<vmem>>[vector<16xi32>, vector<16xi32>], vector<16xf32>,
        %add3A_621 = arith.constant 128 : i32
        %add3A_622 = vector.broadcast %add3A_621 : i32 to vector<16xi32>
        %add3A_623 = arith.addi %broadcast_in_dim3A_608, %add3A_622 : vector<16xi32>
        %gather3A_624 = arith.constant 0 : i32
        %gather3A_625 = arith.constant 0 : i32
        %gather3A_626 = arith.constant 0 : i32
        %gather3A_627 = tpu.memref_slice %arg12[%gather3A_624, %gather3A_625, %gather3A_626] : memref<2x48x160xf32, #tpu.memory_space<vmem>> -> memref<1x48x160xf32, #tpu.memory_space<vmem>>
        %gather3A_628 = tpu.memref_squeeze %gather3A_627 : memref<1x48x160xf32, #tpu.memory_space<vmem>> -> memref<48x160xf32, #tpu.memory_space<vmem>>
        %gather3A_629 = tpu.vector_load_idx %gather3A_628[%add3A_502, %add3A_623] : memref<48x160xf32, #tpu.memory_space<vmem>>[vector<16xi32>, vector<16xi32>], vector<16xf32>,
        %add3A_630 = arith.addf %gather3A_620, %gather3A_629 : vector<16xf32>
        %mul3A_631 = arith.mulf %gather3A_614, %add3A_630 : vector<16xf32>
        %add3A_632 = arith.addf %add3A_606, %mul3A_631 : vector<16xf32>
        %broadcast_in_dim3A_633 = arith.constant 5 : i32
        %broadcast_in_dim3A_634 = vector.broadcast %broadcast_in_dim3A_633 : i32 to vector<16xi32>
        %gather3A_635 = arith.constant 0 : i32
        %gather3A_636 = arith.constant 0 : i32
        %gather3A_637 = arith.constant 0 : i32
        %gather3A_638 = tpu.memref_slice %arg10[%gather3A_635, %gather3A_636, %gather3A_637] : memref<2x48x16xf32, #tpu.memory_space<vmem>> -> memref<1x48x16xf32, #tpu.memory_space<vmem>>
        %gather3A_639 = tpu.memref_squeeze %gather3A_638 : memref<1x48x16xf32, #tpu.memory_space<vmem>> -> memref<48x16xf32, #tpu.memory_space<vmem>>
        %gather3A_640 = tpu.vector_load_idx %gather3A_639[%add3A_502, %broadcast_in_dim3A_634] : memref<48x16xf32, #tpu.memory_space<vmem>>[vector<16xi32>, vector<16xi32>], vector<16xf32>,
        %gather3A_641 = arith.constant 0 : i32
        %gather3A_642 = arith.constant 0 : i32
        %gather3A_643 = arith.constant 0 : i32
        %gather3A_644 = tpu.memref_slice %arg11[%gather3A_641, %gather3A_642, %gather3A_643] : memref<2x48x32xf32, #tpu.memory_space<vmem>> -> memref<1x48x32xf32, #tpu.memory_space<vmem>>
        %gather3A_645 = tpu.memref_squeeze %gather3A_644 : memref<1x48x32xf32, #tpu.memory_space<vmem>> -> memref<48x32xf32, #tpu.memory_space<vmem>>
        %gather3A_646 = tpu.vector_load_idx %gather3A_645[%add3A_502, %broadcast_in_dim3A_634] : memref<48x32xf32, #tpu.memory_space<vmem>>[vector<16xi32>, vector<16xi32>], vector<16xf32>,
        %add3A_647 = arith.constant 128 : i32
        %add3A_648 = vector.broadcast %add3A_647 : i32 to vector<16xi32>
        %add3A_649 = arith.addi %broadcast_in_dim3A_634, %add3A_648 : vector<16xi32>
        %gather3A_650 = arith.constant 0 : i32
        %gather3A_651 = arith.constant 0 : i32
        %gather3A_652 = arith.constant 0 : i32
        %gather3A_653 = tpu.memref_slice %arg12[%gather3A_650, %gather3A_651, %gather3A_652] : memref<2x48x160xf32, #tpu.memory_space<vmem>> -> memref<1x48x160xf32, #tpu.memory_space<vmem>>
        %gather3A_654 = tpu.memref_squeeze %gather3A_653 : memref<1x48x160xf32, #tpu.memory_space<vmem>> -> memref<48x160xf32, #tpu.memory_space<vmem>>
        %gather3A_655 = tpu.vector_load_idx %gather3A_654[%add3A_502, %add3A_649] : memref<48x160xf32, #tpu.memory_space<vmem>>[vector<16xi32>, vector<16xi32>], vector<16xf32>,
        %add3A_656 = arith.addf %gather3A_646, %gather3A_655 : vector<16xf32>
        %mul3A_657 = arith.mulf %gather3A_640, %add3A_656 : vector<16xf32>
        %add3A_658 = arith.addf %add3A_632, %mul3A_657 : vector<16xf32>
        %broadcast_in_dim3A_659 = arith.constant 6 : i32
        %broadcast_in_dim3A_660 = vector.broadcast %broadcast_in_dim3A_659 : i32 to vector<16xi32>
        %gather3A_661 = arith.constant 0 : i32
        %gather3A_662 = arith.constant 0 : i32
        %gather3A_663 = arith.constant 0 : i32
        %gather3A_664 = tpu.memref_slice %arg10[%gather3A_661, %gather3A_662, %gather3A_663] : memref<2x48x16xf32, #tpu.memory_space<vmem>> -> memref<1x48x16xf32, #tpu.memory_space<vmem>>
        %gather3A_665 = tpu.memref_squeeze %gather3A_664 : memref<1x48x16xf32, #tpu.memory_space<vmem>> -> memref<48x16xf32, #tpu.memory_space<vmem>>
        %gather3A_666 = tpu.vector_load_idx %gather3A_665[%add3A_502, %broadcast_in_dim3A_660] : memref<48x16xf32, #tpu.memory_space<vmem>>[vector<16xi32>, vector<16xi32>], vector<16xf32>,
        %gather3A_667 = arith.constant 0 : i32
        %gather3A_668 = arith.constant 0 : i32
        %gather3A_669 = arith.constant 0 : i32
        %gather3A_670 = tpu.memref_slice %arg11[%gather3A_667, %gather3A_668, %gather3A_669] : memref<2x48x32xf32, #tpu.memory_space<vmem>> -> memref<1x48x32xf32, #tpu.memory_space<vmem>>
        %gather3A_671 = tpu.memref_squeeze %gather3A_670 : memref<1x48x32xf32, #tpu.memory_space<vmem>> -> memref<48x32xf32, #tpu.memory_space<vmem>>
        %gather3A_672 = tpu.vector_load_idx %gather3A_671[%add3A_502, %broadcast_in_dim3A_660] : memref<48x32xf32, #tpu.memory_space<vmem>>[vector<16xi32>, vector<16xi32>], vector<16xf32>,
        %add3A_673 = arith.constant 128 : i32
        %add3A_674 = vector.broadcast %add3A_673 : i32 to vector<16xi32>
        %add3A_675 = arith.addi %broadcast_in_dim3A_660, %add3A_674 : vector<16xi32>
        %gather3A_676 = arith.constant 0 : i32
        %gather3A_677 = arith.constant 0 : i32
        %gather3A_678 = arith.constant 0 : i32
        %gather3A_679 = tpu.memref_slice %arg12[%gather3A_676, %gather3A_677, %gather3A_678] : memref<2x48x160xf32, #tpu.memory_space<vmem>> -> memref<1x48x160xf32, #tpu.memory_space<vmem>>
        %gather3A_680 = tpu.memref_squeeze %gather3A_679 : memref<1x48x160xf32, #tpu.memory_space<vmem>> -> memref<48x160xf32, #tpu.memory_space<vmem>>
        %gather3A_681 = tpu.vector_load_idx %gather3A_680[%add3A_502, %add3A_675] : memref<48x160xf32, #tpu.memory_space<vmem>>[vector<16xi32>, vector<16xi32>], vector<16xf32>,
        %add3A_682 = arith.addf %gather3A_672, %gather3A_681 : vector<16xf32>
        %mul3A_683 = arith.mulf %gather3A_666, %add3A_682 : vector<16xf32>
        %add3A_684 = arith.addf %add3A_658, %mul3A_683 : vector<16xf32>
        %broadcast_in_dim3A_685 = arith.constant 7 : i32
        %broadcast_in_dim3A_686 = vector.broadcast %broadcast_in_dim3A_685 : i32 to vector<16xi32>
        %gather3A_687 = arith.constant 0 : i32
        %gather3A_688 = arith.constant 0 : i32
        %gather3A_689 = arith.constant 0 : i32
        %gather3A_690 = tpu.memref_slice %arg10[%gather3A_687, %gather3A_688, %gather3A_689] : memref<2x48x16xf32, #tpu.memory_space<vmem>> -> memref<1x48x16xf32, #tpu.memory_space<vmem>>
        %gather3A_691 = tpu.memref_squeeze %gather3A_690 : memref<1x48x16xf32, #tpu.memory_space<vmem>> -> memref<48x16xf32, #tpu.memory_space<vmem>>
        %gather3A_692 = tpu.vector_load_idx %gather3A_691[%add3A_502, %broadcast_in_dim3A_686] : memref<48x16xf32, #tpu.memory_space<vmem>>[vector<16xi32>, vector<16xi32>], vector<16xf32>,
        %gather3A_693 = arith.constant 0 : i32
        %gather3A_694 = arith.constant 0 : i32
        %gather3A_695 = arith.constant 0 : i32
        %gather3A_696 = tpu.memref_slice %arg11[%gather3A_693, %gather3A_694, %gather3A_695] : memref<2x48x32xf32, #tpu.memory_space<vmem>> -> memref<1x48x32xf32, #tpu.memory_space<vmem>>
        %gather3A_697 = tpu.memref_squeeze %gather3A_696 : memref<1x48x32xf32, #tpu.memory_space<vmem>> -> memref<48x32xf32, #tpu.memory_space<vmem>>
        %gather3A_698 = tpu.vector_load_idx %gather3A_697[%add3A_502, %broadcast_in_dim3A_686] : memref<48x32xf32, #tpu.memory_space<vmem>>[vector<16xi32>, vector<16xi32>], vector<16xf32>,
        %add3A_699 = arith.constant 128 : i32
        %add3A_700 = vector.broadcast %add3A_699 : i32 to vector<16xi32>
        %add3A_701 = arith.addi %broadcast_in_dim3A_686, %add3A_700 : vector<16xi32>
        %gather3A_702 = arith.constant 0 : i32
        %gather3A_703 = arith.constant 0 : i32
        %gather3A_704 = arith.constant 0 : i32
        %gather3A_705 = tpu.memref_slice %arg12[%gather3A_702, %gather3A_703, %gather3A_704] : memref<2x48x160xf32, #tpu.memory_space<vmem>> -> memref<1x48x160xf32, #tpu.memory_space<vmem>>
        %gather3A_706 = tpu.memref_squeeze %gather3A_705 : memref<1x48x160xf32, #tpu.memory_space<vmem>> -> memref<48x160xf32, #tpu.memory_space<vmem>>
        %gather3A_707 = tpu.vector_load_idx %gather3A_706[%add3A_502, %add3A_701] : memref<48x160xf32, #tpu.memory_space<vmem>>[vector<16xi32>, vector<16xi32>], vector<16xf32>,
        %add3A_708 = arith.addf %gather3A_698, %gather3A_707 : vector<16xf32>
        %mul3A_709 = arith.mulf %gather3A_692, %add3A_708 : vector<16xf32>
        %add3A_710 = arith.addf %add3A_684, %mul3A_709 : vector<16xf32>
        %broadcast_in_dim3A_711 = arith.constant 8 : i32
        %broadcast_in_dim3A_712 = vector.broadcast %broadcast_in_dim3A_711 : i32 to vector<16xi32>
        %gather3A_713 = arith.constant 0 : i32
        %gather3A_714 = arith.constant 0 : i32
        %gather3A_715 = arith.constant 0 : i32
        %gather3A_716 = tpu.memref_slice %arg10[%gather3A_713, %gather3A_714, %gather3A_715] : memref<2x48x16xf32, #tpu.memory_space<vmem>> -> memref<1x48x16xf32, #tpu.memory_space<vmem>>
        %gather3A_717 = tpu.memref_squeeze %gather3A_716 : memref<1x48x16xf32, #tpu.memory_space<vmem>> -> memref<48x16xf32, #tpu.memory_space<vmem>>
        %gather3A_718 = tpu.vector_load_idx %gather3A_717[%add3A_502, %broadcast_in_dim3A_712] : memref<48x16xf32, #tpu.memory_space<vmem>>[vector<16xi32>, vector<16xi32>], vector<16xf32>,
        %gather3A_719 = arith.constant 0 : i32
        %gather3A_720 = arith.constant 0 : i32
        %gather3A_721 = arith.constant 0 : i32
        %gather3A_722 = tpu.memref_slice %arg11[%gather3A_719, %gather3A_720, %gather3A_721] : memref<2x48x32xf32, #tpu.memory_space<vmem>> -> memref<1x48x32xf32, #tpu.memory_space<vmem>>
        %gather3A_723 = tpu.memref_squeeze %gather3A_722 : memref<1x48x32xf32, #tpu.memory_space<vmem>> -> memref<48x32xf32, #tpu.memory_space<vmem>>
        %gather3A_724 = tpu.vector_load_idx %gather3A_723[%add3A_502, %broadcast_in_dim3A_712] : memref<48x32xf32, #tpu.memory_space<vmem>>[vector<16xi32>, vector<16xi32>], vector<16xf32>,
        %add3A_725 = arith.constant 128 : i32
        %add3A_726 = vector.broadcast %add3A_725 : i32 to vector<16xi32>
        %add3A_727 = arith.addi %broadcast_in_dim3A_712, %add3A_726 : vector<16xi32>
        %gather3A_728 = arith.constant 0 : i32
        %gather3A_729 = arith.constant 0 : i32
        %gather3A_730 = arith.constant 0 : i32
        %gather3A_731 = tpu.memref_slice %arg12[%gather3A_728, %gather3A_729, %gather3A_730] : memref<2x48x160xf32, #tpu.memory_space<vmem>> -> memref<1x48x160xf32, #tpu.memory_space<vmem>>
        %gather3A_732 = tpu.memref_squeeze %gather3A_731 : memref<1x48x160xf32, #tpu.memory_space<vmem>> -> memref<48x160xf32, #tpu.memory_space<vmem>>
        %gather3A_733 = tpu.vector_load_idx %gather3A_732[%add3A_502, %add3A_727] : memref<48x160xf32, #tpu.memory_space<vmem>>[vector<16xi32>, vector<16xi32>], vector<16xf32>,
        %add3A_734 = arith.addf %gather3A_724, %gather3A_733 : vector<16xf32>
        %mul3A_735 = arith.mulf %gather3A_718, %add3A_734 : vector<16xf32>
        %add3A_736 = arith.addf %add3A_710, %mul3A_735 : vector<16xf32>
        %broadcast_in_dim3A_737 = arith.constant 9 : i32
        %broadcast_in_dim3A_738 = vector.broadcast %broadcast_in_dim3A_737 : i32 to vector<16xi32>
        %gather3A_739 = arith.constant 0 : i32
        %gather3A_740 = arith.constant 0 : i32
        %gather3A_741 = arith.constant 0 : i32
        %gather3A_742 = tpu.memref_slice %arg10[%gather3A_739, %gather3A_740, %gather3A_741] : memref<2x48x16xf32, #tpu.memory_space<vmem>> -> memref<1x48x16xf32, #tpu.memory_space<vmem>>
        %gather3A_743 = tpu.memref_squeeze %gather3A_742 : memref<1x48x16xf32, #tpu.memory_space<vmem>> -> memref<48x16xf32, #tpu.memory_space<vmem>>
        %gather3A_744 = tpu.vector_load_idx %gather3A_743[%add3A_502, %broadcast_in_dim3A_738] : memref<48x16xf32, #tpu.memory_space<vmem>>[vector<16xi32>, vector<16xi32>], vector<16xf32>,
        %gather3A_745 = arith.constant 0 : i32
        %gather3A_746 = arith.constant 0 : i32
        %gather3A_747 = arith.constant 0 : i32
        %gather3A_748 = tpu.memref_slice %arg11[%gather3A_745, %gather3A_746, %gather3A_747] : memref<2x48x32xf32, #tpu.memory_space<vmem>> -> memref<1x48x32xf32, #tpu.memory_space<vmem>>
        %gather3A_749 = tpu.memref_squeeze %gather3A_748 : memref<1x48x32xf32, #tpu.memory_space<vmem>> -> memref<48x32xf32, #tpu.memory_space<vmem>>
        %gather3A_750 = tpu.vector_load_idx %gather3A_749[%add3A_502, %broadcast_in_dim3A_738] : memref<48x32xf32, #tpu.memory_space<vmem>>[vector<16xi32>, vector<16xi32>], vector<16xf32>,
        %add3A_751 = arith.constant 128 : i32
        %add3A_752 = vector.broadcast %add3A_751 : i32 to vector<16xi32>
        %add3A_753 = arith.addi %broadcast_in_dim3A_738, %add3A_752 : vector<16xi32>
        %gather3A_754 = arith.constant 0 : i32
        %gather3A_755 = arith.constant 0 : i32
        %gather3A_756 = arith.constant 0 : i32
        %gather3A_757 = tpu.memref_slice %arg12[%gather3A_754, %gather3A_755, %gather3A_756] : memref<2x48x160xf32, #tpu.memory_space<vmem>> -> memref<1x48x160xf32, #tpu.memory_space<vmem>>
        %gather3A_758 = tpu.memref_squeeze %gather3A_757 : memref<1x48x160xf32, #tpu.memory_space<vmem>> -> memref<48x160xf32, #tpu.memory_space<vmem>>
        %gather3A_759 = tpu.vector_load_idx %gather3A_758[%add3A_502, %add3A_753] : memref<48x160xf32, #tpu.memory_space<vmem>>[vector<16xi32>, vector<16xi32>], vector<16xf32>,
        %add3A_760 = arith.addf %gather3A_750, %gather3A_759 : vector<16xf32>
        %mul3A_761 = arith.mulf %gather3A_744, %add3A_760 : vector<16xf32>
        %add3A_762 = arith.addf %add3A_736, %mul3A_761 : vector<16xf32>
        %broadcast_in_dim3A_763 = arith.constant 10 : i32
        %broadcast_in_dim3A_764 = vector.broadcast %broadcast_in_dim3A_763 : i32 to vector<16xi32>
        %gather3A_765 = arith.constant 0 : i32
        %gather3A_766 = arith.constant 0 : i32
        %gather3A_767 = arith.constant 0 : i32
        %gather3A_768 = tpu.memref_slice %arg10[%gather3A_765, %gather3A_766, %gather3A_767] : memref<2x48x16xf32, #tpu.memory_space<vmem>> -> memref<1x48x16xf32, #tpu.memory_space<vmem>>
        %gather3A_769 = tpu.memref_squeeze %gather3A_768 : memref<1x48x16xf32, #tpu.memory_space<vmem>> -> memref<48x16xf32, #tpu.memory_space<vmem>>
        %gather3A_770 = tpu.vector_load_idx %gather3A_769[%add3A_502, %broadcast_in_dim3A_764] : memref<48x16xf32, #tpu.memory_space<vmem>>[vector<16xi32>, vector<16xi32>], vector<16xf32>,
        %gather3A_771 = arith.constant 0 : i32
        %gather3A_772 = arith.constant 0 : i32
        %gather3A_773 = arith.constant 0 : i32
        %gather3A_774 = tpu.memref_slice %arg11[%gather3A_771, %gather3A_772, %gather3A_773] : memref<2x48x32xf32, #tpu.memory_space<vmem>> -> memref<1x48x32xf32, #tpu.memory_space<vmem>>
        %gather3A_775 = tpu.memref_squeeze %gather3A_774 : memref<1x48x32xf32, #tpu.memory_space<vmem>> -> memref<48x32xf32, #tpu.memory_space<vmem>>
        %gather3A_776 = tpu.vector_load_idx %gather3A_775[%add3A_502, %broadcast_in_dim3A_764] : memref<48x32xf32, #tpu.memory_space<vmem>>[vector<16xi32>, vector<16xi32>], vector<16xf32>,
        %add3A_777 = arith.constant 128 : i32
        %add3A_778 = vector.broadcast %add3A_777 : i32 to vector<16xi32>
        %add3A_779 = arith.addi %broadcast_in_dim3A_764, %add3A_778 : vector<16xi32>
        %gather3A_780 = arith.constant 0 : i32
        %gather3A_781 = arith.constant 0 : i32
        %gather3A_782 = arith.constant 0 : i32
        %gather3A_783 = tpu.memref_slice %arg12[%gather3A_780, %gather3A_781, %gather3A_782] : memref<2x48x160xf32, #tpu.memory_space<vmem>> -> memref<1x48x160xf32, #tpu.memory_space<vmem>>
        %gather3A_784 = tpu.memref_squeeze %gather3A_783 : memref<1x48x160xf32, #tpu.memory_space<vmem>> -> memref<48x160xf32, #tpu.memory_space<vmem>>
        %gather3A_785 = tpu.vector_load_idx %gather3A_784[%add3A_502, %add3A_779] : memref<48x160xf32, #tpu.memory_space<vmem>>[vector<16xi32>, vector<16xi32>], vector<16xf32>,
        %add3A_786 = arith.addf %gather3A_776, %gather3A_785 : vector<16xf32>
        %mul3A_787 = arith.mulf %gather3A_770, %add3A_786 : vector<16xf32>
        %add3A_788 = arith.addf %add3A_762, %mul3A_787 : vector<16xf32>
        %broadcast_in_dim3A_789 = arith.constant 11 : i32
        %broadcast_in_dim3A_790 = vector.broadcast %broadcast_in_dim3A_789 : i32 to vector<16xi32>
        %gather3A_791 = arith.constant 0 : i32
        %gather3A_792 = arith.constant 0 : i32
        %gather3A_793 = arith.constant 0 : i32
        %gather3A_794 = tpu.memref_slice %arg10[%gather3A_791, %gather3A_792, %gather3A_793] : memref<2x48x16xf32, #tpu.memory_space<vmem>> -> memref<1x48x16xf32, #tpu.memory_space<vmem>>
        %gather3A_795 = tpu.memref_squeeze %gather3A_794 : memref<1x48x16xf32, #tpu.memory_space<vmem>> -> memref<48x16xf32, #tpu.memory_space<vmem>>
        %gather3A_796 = tpu.vector_load_idx %gather3A_795[%add3A_502, %broadcast_in_dim3A_790] : memref<48x16xf32, #tpu.memory_space<vmem>>[vector<16xi32>, vector<16xi32>], vector<16xf32>,
        %gather3A_797 = arith.constant 0 : i32
        %gather3A_798 = arith.constant 0 : i32
        %gather3A_799 = arith.constant 0 : i32
        %gather3A_800 = tpu.memref_slice %arg11[%gather3A_797, %gather3A_798, %gather3A_799] : memref<2x48x32xf32, #tpu.memory_space<vmem>> -> memref<1x48x32xf32, #tpu.memory_space<vmem>>
        %gather3A_801 = tpu.memref_squeeze %gather3A_800 : memref<1x48x32xf32, #tpu.memory_space<vmem>> -> memref<48x32xf32, #tpu.memory_space<vmem>>
        %gather3A_802 = tpu.vector_load_idx %gather3A_801[%add3A_502, %broadcast_in_dim3A_790] : memref<48x32xf32, #tpu.memory_space<vmem>>[vector<16xi32>, vector<16xi32>], vector<16xf32>,
        %add3A_803 = arith.constant 128 : i32
        %add3A_804 = vector.broadcast %add3A_803 : i32 to vector<16xi32>
        %add3A_805 = arith.addi %broadcast_in_dim3A_790, %add3A_804 : vector<16xi32>
        %gather3A_806 = arith.constant 0 : i32
        %gather3A_807 = arith.constant 0 : i32
        %gather3A_808 = arith.constant 0 : i32
        %gather3A_809 = tpu.memref_slice %arg12[%gather3A_806, %gather3A_807, %gather3A_808] : memref<2x48x160xf32, #tpu.memory_space<vmem>> -> memref<1x48x160xf32, #tpu.memory_space<vmem>>
        %gather3A_810 = tpu.memref_squeeze %gather3A_809 : memref<1x48x160xf32, #tpu.memory_space<vmem>> -> memref<48x160xf32, #tpu.memory_space<vmem>>
        %gather3A_811 = tpu.vector_load_idx %gather3A_810[%add3A_502, %add3A_805] : memref<48x160xf32, #tpu.memory_space<vmem>>[vector<16xi32>, vector<16xi32>], vector<16xf32>,
        %add3A_812 = arith.addf %gather3A_802, %gather3A_811 : vector<16xf32>
        %mul3A_813 = arith.mulf %gather3A_796, %add3A_812 : vector<16xf32>
        %add3A_814 = arith.addf %add3A_788, %mul3A_813 : vector<16xf32>
        %broadcast_in_dim3A_815 = arith.constant 12 : i32
        %broadcast_in_dim3A_816 = vector.broadcast %broadcast_in_dim3A_815 : i32 to vector<16xi32>
        %gather3A_817 = arith.constant 0 : i32
        %gather3A_818 = arith.constant 0 : i32
        %gather3A_819 = arith.constant 0 : i32
        %gather3A_820 = tpu.memref_slice %arg10[%gather3A_817, %gather3A_818, %gather3A_819] : memref<2x48x16xf32, #tpu.memory_space<vmem>> -> memref<1x48x16xf32, #tpu.memory_space<vmem>>
        %gather3A_821 = tpu.memref_squeeze %gather3A_820 : memref<1x48x16xf32, #tpu.memory_space<vmem>> -> memref<48x16xf32, #tpu.memory_space<vmem>>
        %gather3A_822 = tpu.vector_load_idx %gather3A_821[%add3A_502, %broadcast_in_dim3A_816] : memref<48x16xf32, #tpu.memory_space<vmem>>[vector<16xi32>, vector<16xi32>], vector<16xf32>,
        %gather3A_823 = arith.constant 0 : i32
        %gather3A_824 = arith.constant 0 : i32
        %gather3A_825 = arith.constant 0 : i32
        %gather3A_826 = tpu.memref_slice %arg11[%gather3A_823, %gather3A_824, %gather3A_825] : memref<2x48x32xf32, #tpu.memory_space<vmem>> -> memref<1x48x32xf32, #tpu.memory_space<vmem>>
        %gather3A_827 = tpu.memref_squeeze %gather3A_826 : memref<1x48x32xf32, #tpu.memory_space<vmem>> -> memref<48x32xf32, #tpu.memory_space<vmem>>
        %gather3A_828 = tpu.vector_load_idx %gather3A_827[%add3A_502, %broadcast_in_dim3A_816] : memref<48x32xf32, #tpu.memory_space<vmem>>[vector<16xi32>, vector<16xi32>], vector<16xf32>,
        %add3A_829 = arith.constant 128 : i32
        %add3A_830 = vector.broadcast %add3A_829 : i32 to vector<16xi32>
        %add3A_831 = arith.addi %broadcast_in_dim3A_816, %add3A_830 : vector<16xi32>
        %gather3A_832 = arith.constant 0 : i32
        %gather3A_833 = arith.constant 0 : i32
        %gather3A_834 = arith.constant 0 : i32
        %gather3A_835 = tpu.memref_slice %arg12[%gather3A_832, %gather3A_833, %gather3A_834] : memref<2x48x160xf32, #tpu.memory_space<vmem>> -> memref<1x48x160xf32, #tpu.memory_space<vmem>>
        %gather3A_836 = tpu.memref_squeeze %gather3A_835 : memref<1x48x160xf32, #tpu.memory_space<vmem>> -> memref<48x160xf32, #tpu.memory_space<vmem>>
        %gather3A_837 = tpu.vector_load_idx %gather3A_836[%add3A_502, %add3A_831] : memref<48x160xf32, #tpu.memory_space<vmem>>[vector<16xi32>, vector<16xi32>], vector<16xf32>,
        %add3A_838 = arith.addf %gather3A_828, %gather3A_837 : vector<16xf32>
        %mul3A_839 = arith.mulf %gather3A_822, %add3A_838 : vector<16xf32>
        %add3A_840 = arith.addf %add3A_814, %mul3A_839 : vector<16xf32>
        %broadcast_in_dim3A_841 = arith.constant 13 : i32
        %broadcast_in_dim3A_842 = vector.broadcast %broadcast_in_dim3A_841 : i32 to vector<16xi32>
        %gather3A_843 = arith.constant 0 : i32
        %gather3A_844 = arith.constant 0 : i32
        %gather3A_845 = arith.constant 0 : i32
        %gather3A_846 = tpu.memref_slice %arg10[%gather3A_843, %gather3A_844, %gather3A_845] : memref<2x48x16xf32, #tpu.memory_space<vmem>> -> memref<1x48x16xf32, #tpu.memory_space<vmem>>
        %gather3A_847 = tpu.memref_squeeze %gather3A_846 : memref<1x48x16xf32, #tpu.memory_space<vmem>> -> memref<48x16xf32, #tpu.memory_space<vmem>>
        %gather3A_848 = tpu.vector_load_idx %gather3A_847[%add3A_502, %broadcast_in_dim3A_842] : memref<48x16xf32, #tpu.memory_space<vmem>>[vector<16xi32>, vector<16xi32>], vector<16xf32>,
        %gather3A_849 = arith.constant 0 : i32
        %gather3A_850 = arith.constant 0 : i32
        %gather3A_851 = arith.constant 0 : i32
        %gather3A_852 = tpu.memref_slice %arg11[%gather3A_849, %gather3A_850, %gather3A_851] : memref<2x48x32xf32, #tpu.memory_space<vmem>> -> memref<1x48x32xf32, #tpu.memory_space<vmem>>
        %gather3A_853 = tpu.memref_squeeze %gather3A_852 : memref<1x48x32xf32, #tpu.memory_space<vmem>> -> memref<48x32xf32, #tpu.memory_space<vmem>>
        %gather3A_854 = tpu.vector_load_idx %gather3A_853[%add3A_502, %broadcast_in_dim3A_842] : memref<48x32xf32, #tpu.memory_space<vmem>>[vector<16xi32>, vector<16xi32>], vector<16xf32>,
        %add3A_855 = arith.constant 128 : i32
        %add3A_856 = vector.broadcast %add3A_855 : i32 to vector<16xi32>
        %add3A_857 = arith.addi %broadcast_in_dim3A_842, %add3A_856 : vector<16xi32>
        %gather3A_858 = arith.constant 0 : i32
        %gather3A_859 = arith.constant 0 : i32
        %gather3A_860 = arith.constant 0 : i32
        %gather3A_861 = tpu.memref_slice %arg12[%gather3A_858, %gather3A_859, %gather3A_860] : memref<2x48x160xf32, #tpu.memory_space<vmem>> -> memref<1x48x160xf32, #tpu.memory_space<vmem>>
        %gather3A_862 = tpu.memref_squeeze %gather3A_861 : memref<1x48x160xf32, #tpu.memory_space<vmem>> -> memref<48x160xf32, #tpu.memory_space<vmem>>
        %gather3A_863 = tpu.vector_load_idx %gather3A_862[%add3A_502, %add3A_857] : memref<48x160xf32, #tpu.memory_space<vmem>>[vector<16xi32>, vector<16xi32>], vector<16xf32>,
        %add3A_864 = arith.addf %gather3A_854, %gather3A_863 : vector<16xf32>
        %mul3A_865 = arith.mulf %gather3A_848, %add3A_864 : vector<16xf32>
        %add3A_866 = arith.addf %add3A_840, %mul3A_865 : vector<16xf32>
        %broadcast_in_dim3A_867 = arith.constant 14 : i32
        %broadcast_in_dim3A_868 = vector.broadcast %broadcast_in_dim3A_867 : i32 to vector<16xi32>
        %gather3A_869 = arith.constant 0 : i32
        %gather3A_870 = arith.constant 0 : i32
        %gather3A_871 = arith.constant 0 : i32
        %gather3A_872 = tpu.memref_slice %arg10[%gather3A_869, %gather3A_870, %gather3A_871] : memref<2x48x16xf32, #tpu.memory_space<vmem>> -> memref<1x48x16xf32, #tpu.memory_space<vmem>>
        %gather3A_873 = tpu.memref_squeeze %gather3A_872 : memref<1x48x16xf32, #tpu.memory_space<vmem>> -> memref<48x16xf32, #tpu.memory_space<vmem>>
        %gather3A_874 = tpu.vector_load_idx %gather3A_873[%add3A_502, %broadcast_in_dim3A_868] : memref<48x16xf32, #tpu.memory_space<vmem>>[vector<16xi32>, vector<16xi32>], vector<16xf32>,
        %gather3A_875 = arith.constant 0 : i32
        %gather3A_876 = arith.constant 0 : i32
        %gather3A_877 = arith.constant 0 : i32
        %gather3A_878 = tpu.memref_slice %arg11[%gather3A_875, %gather3A_876, %gather3A_877] : memref<2x48x32xf32, #tpu.memory_space<vmem>> -> memref<1x48x32xf32, #tpu.memory_space<vmem>>
        %gather3A_879 = tpu.memref_squeeze %gather3A_878 : memref<1x48x32xf32, #tpu.memory_space<vmem>> -> memref<48x32xf32, #tpu.memory_space<vmem>>
        %gather3A_880 = tpu.vector_load_idx %gather3A_879[%add3A_502, %broadcast_in_dim3A_868] : memref<48x32xf32, #tpu.memory_space<vmem>>[vector<16xi32>, vector<16xi32>], vector<16xf32>,
        %add3A_881 = arith.constant 128 : i32
        %add3A_882 = vector.broadcast %add3A_881 : i32 to vector<16xi32>
        %add3A_883 = arith.addi %broadcast_in_dim3A_868, %add3A_882 : vector<16xi32>
        %gather3A_884 = arith.constant 0 : i32
        %gather3A_885 = arith.constant 0 : i32
        %gather3A_886 = arith.constant 0 : i32
        %gather3A_887 = tpu.memref_slice %arg12[%gather3A_884, %gather3A_885, %gather3A_886] : memref<2x48x160xf32, #tpu.memory_space<vmem>> -> memref<1x48x160xf32, #tpu.memory_space<vmem>>
        %gather3A_888 = tpu.memref_squeeze %gather3A_887 : memref<1x48x160xf32, #tpu.memory_space<vmem>> -> memref<48x160xf32, #tpu.memory_space<vmem>>
        %gather3A_889 = tpu.vector_load_idx %gather3A_888[%add3A_502, %add3A_883] : memref<48x160xf32, #tpu.memory_space<vmem>>[vector<16xi32>, vector<16xi32>], vector<16xf32>,
        %add3A_890 = arith.addf %gather3A_880, %gather3A_889 : vector<16xf32>
        %mul3A_891 = arith.mulf %gather3A_874, %add3A_890 : vector<16xf32>
        %add3A_892 = arith.addf %add3A_866, %mul3A_891 : vector<16xf32>
        %broadcast_in_dim3A_893 = arith.constant 15 : i32
        %broadcast_in_dim3A_894 = vector.broadcast %broadcast_in_dim3A_893 : i32 to vector<16xi32>
        %gather3A_895 = arith.constant 0 : i32
        %gather3A_896 = arith.constant 0 : i32
        %gather3A_897 = arith.constant 0 : i32
        %gather3A_898 = tpu.memref_slice %arg10[%gather3A_895, %gather3A_896, %gather3A_897] : memref<2x48x16xf32, #tpu.memory_space<vmem>> -> memref<1x48x16xf32, #tpu.memory_space<vmem>>
        %gather3A_899 = tpu.memref_squeeze %gather3A_898 : memref<1x48x16xf32, #tpu.memory_space<vmem>> -> memref<48x16xf32, #tpu.memory_space<vmem>>
        %gather3A_900 = tpu.vector_load_idx %gather3A_899[%add3A_502, %broadcast_in_dim3A_894] : memref<48x16xf32, #tpu.memory_space<vmem>>[vector<16xi32>, vector<16xi32>], vector<16xf32>,
        %gather3A_901 = arith.constant 0 : i32
        %gather3A_902 = arith.constant 0 : i32
        %gather3A_903 = arith.constant 0 : i32
        %gather3A_904 = tpu.memref_slice %arg11[%gather3A_901, %gather3A_902, %gather3A_903] : memref<2x48x32xf32, #tpu.memory_space<vmem>> -> memref<1x48x32xf32, #tpu.memory_space<vmem>>
        %gather3A_905 = tpu.memref_squeeze %gather3A_904 : memref<1x48x32xf32, #tpu.memory_space<vmem>> -> memref<48x32xf32, #tpu.memory_space<vmem>>
        %gather3A_906 = tpu.vector_load_idx %gather3A_905[%add3A_502, %broadcast_in_dim3A_894] : memref<48x32xf32, #tpu.memory_space<vmem>>[vector<16xi32>, vector<16xi32>], vector<16xf32>,
        %add3A_907 = arith.constant 128 : i32
        %add3A_908 = vector.broadcast %add3A_907 : i32 to vector<16xi32>
        %add3A_909 = arith.addi %broadcast_in_dim3A_894, %add3A_908 : vector<16xi32>
        %gather3A_910 = arith.constant 0 : i32
        %gather3A_911 = arith.constant 0 : i32
        %gather3A_912 = arith.constant 0 : i32
        %gather3A_913 = tpu.memref_slice %arg12[%gather3A_910, %gather3A_911, %gather3A_912] : memref<2x48x160xf32, #tpu.memory_space<vmem>> -> memref<1x48x160xf32, #tpu.memory_space<vmem>>
        %gather3A_914 = tpu.memref_squeeze %gather3A_913 : memref<1x48x160xf32, #tpu.memory_space<vmem>> -> memref<48x160xf32, #tpu.memory_space<vmem>>
        %gather3A_915 = tpu.vector_load_idx %gather3A_914[%add3A_502, %add3A_909] : memref<48x160xf32, #tpu.memory_space<vmem>>[vector<16xi32>, vector<16xi32>], vector<16xf32>,
        %add3A_916 = arith.addf %gather3A_906, %gather3A_915 : vector<16xf32>
        %mul3A_917 = arith.mulf %gather3A_900, %add3A_916 : vector<16xf32>
        %add3A_918 = arith.addf %add3A_892, %mul3A_917 : vector<16xf32>
        %broadcast_in_dim3A_919 = arith.constant 16 : i32
        %broadcast_in_dim3A_920 = vector.broadcast %broadcast_in_dim3A_919 : i32 to vector<16xi32>
        %gather3A_921 = arith.constant 0 : i32
        %gather3A_922 = arith.constant 0 : i32
        %gather3A_923 = arith.constant 0 : i32
        %gather3A_924 = tpu.memref_slice %arg11[%gather3A_921, %gather3A_922, %gather3A_923] : memref<2x48x32xf32, #tpu.memory_space<vmem>> -> memref<1x48x32xf32, #tpu.memory_space<vmem>>
        %gather3A_925 = tpu.memref_squeeze %gather3A_924 : memref<1x48x32xf32, #tpu.memory_space<vmem>> -> memref<48x32xf32, #tpu.memory_space<vmem>>
        %gather3A_926 = tpu.vector_load_idx %gather3A_925[%add3A_502, %broadcast_in_dim3A_920] : memref<48x32xf32, #tpu.memory_space<vmem>>[vector<16xi32>, vector<16xi32>], vector<16xf32>,
        %broadcast_in_dim3A_927 = arith.constant 144 : i32
        %broadcast_in_dim3A_928 = vector.broadcast %broadcast_in_dim3A_927 : i32 to vector<16xi32>
        %gather3A_929 = arith.constant 0 : i32
        %gather3A_930 = arith.constant 0 : i32
        %gather3A_931 = arith.constant 0 : i32
        %gather3A_932 = tpu.memref_slice %arg12[%gather3A_929, %gather3A_930, %gather3A_931] : memref<2x48x160xf32, #tpu.memory_space<vmem>> -> memref<1x48x160xf32, #tpu.memory_space<vmem>>
        %gather3A_933 = tpu.memref_squeeze %gather3A_932 : memref<1x48x160xf32, #tpu.memory_space<vmem>> -> memref<48x160xf32, #tpu.memory_space<vmem>>
        %gather3A_934 = tpu.vector_load_idx %gather3A_933[%add3A_502, %broadcast_in_dim3A_928] : memref<48x160xf32, #tpu.memory_space<vmem>>[vector<16xi32>, vector<16xi32>], vector<16xf32>,
        %add3A_935 = arith.addf %add3A_918, %gather3A_926 : vector<16xf32>
        %add3A_936 = arith.addf %add3A_935, %gather3A_934 : vector<16xf32>
        %exp3A = math.exp %add3A_936 : vector<16xf32>
        %gt3A = arith.constant 0.000000e+00 : f32
        %gt3A_937 = vector.broadcast %gt3A : f32 to vector<16xf32>
        %gt3A_938 = arith.cmpf ogt, %add3A_936, %gt3A_937 : vector<16xf32>
        %sub3A = arith.constant 1.000000e+00 : f32
        %sub3A_939 = vector.broadcast %sub3A : f32 to vector<16xf32>
        %sub3A_940 = arith.subf %exp3A, %sub3A_939 : vector<16xf32>
        %exp3A_941 = math.exp %sub3A_940 : vector<16xf32>
        %select_n3A = arith.select %gt3A_938, %exp3A, %exp3A_941 : vector<16xi1>, vector<16xf32>
        %mul3A_942 = arith.constant 16 : i32
        %mul3A_943 = arith.muli %scan3A_498, %mul3A_942 : i32
        %swap3A = arith.index_cast %mul3A_943 : i32 to index
        %swap3A_944 = tpu.vector_load %arg15[%swap3A] {strides = array<i32>} : memref<48xf32, #tpu.memory_space<vmem>>, vector<16xf32>,
        tpu.vector_store %arg15[%swap3A], %select_n3A {strides = array<i32>} : memref<48xf32, #tpu.memory_space<vmem>>, vector<16xf32>,
      }
      %scan3A_298 = arith.constant 3 : i32
      %scan3A_299 = arith.constant 0 : i32
      %scan3A_300 = arith.constant 0 : i32
      %scan3A_301 = arith.constant 5 : i32
      %scan3A_302 = arith.addi %scan3A_300, %scan3A_301 : i32
      %scan3A_303 = arith.constant 1 : i32
      scf.for %scan3A_498 = %scan3A_300 to %scan3A_302 step %scan3A_303  : i32 {
        %mul3A_499 = arith.constant 8 : i32
        %mul3A_500 = arith.muli %scan3A_498, %mul3A_499 : i32
        %add3A_501 = arith.constant 0 : i32
        %add3A_502 = arith.addi %mul3A_500, %add3A_501 : i32
        %broadcast_in_dim3A = vector.broadcast %add3A_502 : i32 to vector<16xi32>
        %gather3A = tpu.vector_load_idx %arg15[%broadcast_in_dim3A] : memref<48xf32, #tpu.memory_space<vmem>>[vector<16xi32>], vector<16xf32>,
        %get3A = arith.constant 0 : i32
        %get3A_503 = arith.index_cast %get3A : i32 to index
        %get3A_504 = arith.index_cast %add3A_502 : i32 to index
        %get3A_505 = arith.constant 0 : index
        %get3A_506 = tpu.vector_load %arg13[%get3A_503, %get3A_504, %get3A_505] {strides = array<i32>} : memref<2x40x128xf32, #tpu.memory_space<vmem>>, vector<16xf32>,
        %mul3A_507 = arith.mulf %gather3A, %get3A_506 : vector<16xf32>
        %get3A_508 = arith.constant 0 : i32
        %get3A_509 = arith.index_cast %get3A_508 : i32 to index
        %get3A_510 = arith.index_cast %add3A_502 : i32 to index
        %get3A_511 = arith.constant 0 : index
        %get3A_512 = tpu.vector_load %arg12[%get3A_509, %get3A_510, %get3A_511] {strides = array<i32>} : memref<2x48x160xf32, #tpu.memory_space<vmem>>, vector<16xf32>,
        %mul3A_513 = arith.mulf %mul3A_507, %get3A_512 : vector<16xf32>
        %swap3A = arith.index_cast %add3A_502 : i32 to index
        %swap3A_514 = arith.constant 0 : index
        %swap3A_515 = tpu.vector_load %arg14[%swap3A, %swap3A_514] {strides = array<i32>} : memref<40x144xf32, #tpu.memory_space<vmem>>, vector<16xf32>,
        tpu.vector_store %arg14[%swap3A, %swap3A_514], %mul3A_513 {strides = array<i32>} : memref<40x144xf32, #tpu.memory_space<vmem>>, vector<16xf32>,
        %get3A_516 = arith.constant 0 : i32
        %get3A_517 = arith.index_cast %get3A_516 : i32 to index
        %get3A_518 = arith.index_cast %add3A_502 : i32 to index
        %get3A_519 = arith.constant 16 : index
        %get3A_520 = tpu.vector_load %arg13[%get3A_517, %get3A_518, %get3A_519] {strides = array<i32>} : memref<2x40x128xf32, #tpu.memory_space<vmem>>, vector<16xf32>,
        %mul3A_521 = arith.mulf %gather3A, %get3A_520 : vector<16xf32>
        %get3A_522 = arith.constant 0 : i32
        %get3A_523 = arith.index_cast %get3A_522 : i32 to index
        %get3A_524 = arith.index_cast %add3A_502 : i32 to index
        %get3A_525 = arith.constant 16 : index
        %get3A_526 = tpu.vector_load %arg12[%get3A_523, %get3A_524, %get3A_525] {strides = array<i32>} : memref<2x48x160xf32, #tpu.memory_space<vmem>>, vector<16xf32>,
        %mul3A_527 = arith.mulf %mul3A_521, %get3A_526 : vector<16xf32>
        %swap3A_528 = arith.index_cast %add3A_502 : i32 to index
        %swap3A_529 = arith.constant 16 : index
        %swap3A_530 = tpu.vector_load %arg14[%swap3A_528, %swap3A_529] {strides = array<i32>} : memref<40x144xf32, #tpu.memory_space<vmem>>, vector<16xf32>,
        tpu.vector_store %arg14[%swap3A_528, %swap3A_529], %mul3A_527 {strides = array<i32>} : memref<40x144xf32, #tpu.memory_space<vmem>>, vector<16xf32>,
        %get3A_531 = arith.constant 0 : i32
        %get3A_532 = arith.index_cast %get3A_531 : i32 to index
        %get3A_533 = arith.index_cast %add3A_502 : i32 to index
        %get3A_534 = arith.constant 32 : index
        %get3A_535 = tpu.vector_load %arg13[%get3A_532, %get3A_533, %get3A_534] {strides = array<i32>} : memref<2x40x128xf32, #tpu.memory_space<vmem>>, vector<16xf32>,
        %mul3A_536 = arith.mulf %gather3A, %get3A_535 : vector<16xf32>
        %get3A_537 = arith.constant 0 : i32
        %get3A_538 = arith.index_cast %get3A_537 : i32 to index
        %get3A_539 = arith.index_cast %add3A_502 : i32 to index
        %get3A_540 = arith.constant 32 : index
        %get3A_541 = tpu.vector_load %arg12[%get3A_538, %get3A_539, %get3A_540] {strides = array<i32>} : memref<2x48x160xf32, #tpu.memory_space<vmem>>, vector<16xf32>,
        %mul3A_542 = arith.mulf %mul3A_536, %get3A_541 : vector<16xf32>
        %swap3A_543 = arith.index_cast %add3A_502 : i32 to index
        %swap3A_544 = arith.constant 32 : index
        %swap3A_545 = tpu.vector_load %arg14[%swap3A_543, %swap3A_544] {strides = array<i32>} : memref<40x144xf32, #tpu.memory_space<vmem>>, vector<16xf32>,
        tpu.vector_store %arg14[%swap3A_543, %swap3A_544], %mul3A_542 {strides = array<i32>} : memref<40x144xf32, #tpu.memory_space<vmem>>, vector<16xf32>,
        %get3A_546 = arith.constant 0 : i32
        %get3A_547 = arith.index_cast %get3A_546 : i32 to index
        %get3A_548 = arith.index_cast %add3A_502 : i32 to index
        %get3A_549 = arith.constant 48 : index
        %get3A_550 = tpu.vector_load %arg13[%get3A_547, %get3A_548, %get3A_549] {strides = array<i32>} : memref<2x40x128xf32, #tpu.memory_space<vmem>>, vector<16xf32>,
        %mul3A_551 = arith.mulf %gather3A, %get3A_550 : vector<16xf32>
        %get3A_552 = arith.constant 0 : i32
        %get3A_553 = arith.index_cast %get3A_552 : i32 to index
        %get3A_554 = arith.index_cast %add3A_502 : i32 to index
        %get3A_555 = arith.constant 48 : index
        %get3A_556 = tpu.vector_load %arg12[%get3A_553, %get3A_554, %get3A_555] {strides = array<i32>} : memref<2x48x160xf32, #tpu.memory_space<vmem>>, vector<16xf32>,
        %mul3A_557 = arith.mulf %mul3A_551, %get3A_556 : vector<16xf32>
        %swap3A_558 = arith.index_cast %add3A_502 : i32 to index
        %swap3A_559 = arith.constant 48 : index
        %swap3A_560 = tpu.vector_load %arg14[%swap3A_558, %swap3A_559] {strides = array<i32>} : memref<40x144xf32, #tpu.memory_space<vmem>>, vector<16xf32>,
        tpu.vector_store %arg14[%swap3A_558, %swap3A_559], %mul3A_557 {strides = array<i32>} : memref<40x144xf32, #tpu.memory_space<vmem>>, vector<16xf32>,
        %get3A_561 = arith.constant 0 : i32
        %get3A_562 = arith.index_cast %get3A_561 : i32 to index
        %get3A_563 = arith.index_cast %add3A_502 : i32 to index
        %get3A_564 = arith.constant 64 : index
        %get3A_565 = tpu.vector_load %arg13[%get3A_562, %get3A_563, %get3A_564] {strides = array<i32>} : memref<2x40x128xf32, #tpu.memory_space<vmem>>, vector<16xf32>,
        %mul3A_566 = arith.mulf %gather3A, %get3A_565 : vector<16xf32>
        %get3A_567 = arith.constant 0 : i32
        %get3A_568 = arith.index_cast %get3A_567 : i32 to index
        %get3A_569 = arith.index_cast %add3A_502 : i32 to index
        %get3A_570 = arith.constant 64 : index
        %get3A_571 = tpu.vector_load %arg12[%get3A_568, %get3A_569, %get3A_570] {strides = array<i32>} : memref<2x48x160xf32, #tpu.memory_space<vmem>>, vector<16xf32>,
        %mul3A_572 = arith.mulf %mul3A_566, %get3A_571 : vector<16xf32>
        %swap3A_573 = arith.index_cast %add3A_502 : i32 to index
        %swap3A_574 = arith.constant 64 : index
        %swap3A_575 = tpu.vector_load %arg14[%swap3A_573, %swap3A_574] {strides = array<i32>} : memref<40x144xf32, #tpu.memory_space<vmem>>, vector<16xf32>,
        tpu.vector_store %arg14[%swap3A_573, %swap3A_574], %mul3A_572 {strides = array<i32>} : memref<40x144xf32, #tpu.memory_space<vmem>>, vector<16xf32>,
        %get3A_576 = arith.constant 0 : i32
        %get3A_577 = arith.index_cast %get3A_576 : i32 to index
        %get3A_578 = arith.index_cast %add3A_502 : i32 to index
        %get3A_579 = arith.constant 80 : index
        %get3A_580 = tpu.vector_load %arg13[%get3A_577, %get3A_578, %get3A_579] {strides = array<i32>} : memref<2x40x128xf32, #tpu.memory_space<vmem>>, vector<16xf32>,
        %mul3A_581 = arith.mulf %gather3A, %get3A_580 : vector<16xf32>
        %get3A_582 = arith.constant 0 : i32
        %get3A_583 = arith.index_cast %get3A_582 : i32 to index
        %get3A_584 = arith.index_cast %add3A_502 : i32 to index
        %get3A_585 = arith.constant 80 : index
        %get3A_586 = tpu.vector_load %arg12[%get3A_583, %get3A_584, %get3A_585] {strides = array<i32>} : memref<2x48x160xf32, #tpu.memory_space<vmem>>, vector<16xf32>,
        %mul3A_587 = arith.mulf %mul3A_581, %get3A_586 : vector<16xf32>
        %swap3A_588 = arith.index_cast %add3A_502 : i32 to index
        %swap3A_589 = arith.constant 80 : index
        %swap3A_590 = tpu.vector_load %arg14[%swap3A_588, %swap3A_589] {strides = array<i32>} : memref<40x144xf32, #tpu.memory_space<vmem>>, vector<16xf32>,
        tpu.vector_store %arg14[%swap3A_588, %swap3A_589], %mul3A_587 {strides = array<i32>} : memref<40x144xf32, #tpu.memory_space<vmem>>, vector<16xf32>,
        %get3A_591 = arith.constant 0 : i32
        %get3A_592 = arith.index_cast %get3A_591 : i32 to index
        %get3A_593 = arith.index_cast %add3A_502 : i32 to index
        %get3A_594 = arith.constant 96 : index
        %get3A_595 = tpu.vector_load %arg13[%get3A_592, %get3A_593, %get3A_594] {strides = array<i32>} : memref<2x40x128xf32, #tpu.memory_space<vmem>>, vector<16xf32>,
        %mul3A_596 = arith.mulf %gather3A, %get3A_595 : vector<16xf32>
        %get3A_597 = arith.constant 0 : i32
        %get3A_598 = arith.index_cast %get3A_597 : i32 to index
        %get3A_599 = arith.index_cast %add3A_502 : i32 to index
        %get3A_600 = arith.constant 96 : index
        %get3A_601 = tpu.vector_load %arg12[%get3A_598, %get3A_599, %get3A_600] {strides = array<i32>} : memref<2x48x160xf32, #tpu.memory_space<vmem>>, vector<16xf32>,
        %mul3A_602 = arith.mulf %mul3A_596, %get3A_601 : vector<16xf32>
        %swap3A_603 = arith.index_cast %add3A_502 : i32 to index
        %swap3A_604 = arith.constant 96 : index
        %swap3A_605 = tpu.vector_load %arg14[%swap3A_603, %swap3A_604] {strides = array<i32>} : memref<40x144xf32, #tpu.memory_space<vmem>>, vector<16xf32>,
        tpu.vector_store %arg14[%swap3A_603, %swap3A_604], %mul3A_602 {strides = array<i32>} : memref<40x144xf32, #tpu.memory_space<vmem>>, vector<16xf32>,
        %get3A_606 = arith.constant 0 : i32
        %get3A_607 = arith.index_cast %get3A_606 : i32 to index
        %get3A_608 = arith.index_cast %add3A_502 : i32 to index
        %get3A_609 = arith.constant 112 : index
        %get3A_610 = tpu.vector_load %arg13[%get3A_607, %get3A_608, %get3A_609] {strides = array<i32>} : memref<2x40x128xf32, #tpu.memory_space<vmem>>, vector<16xf32>,
        %mul3A_611 = arith.mulf %gather3A, %get3A_610 : vector<16xf32>
        %get3A_612 = arith.constant 0 : i32
        %get3A_613 = arith.index_cast %get3A_612 : i32 to index
        %get3A_614 = arith.index_cast %add3A_502 : i32 to index
        %get3A_615 = arith.constant 112 : index
        %get3A_616 = tpu.vector_load %arg12[%get3A_613, %get3A_614, %get3A_615] {strides = array<i32>} : memref<2x48x160xf32, #tpu.memory_space<vmem>>, vector<16xf32>,
        %mul3A_617 = arith.mulf %mul3A_611, %get3A_616 : vector<16xf32>
        %swap3A_618 = arith.index_cast %add3A_502 : i32 to index
        %swap3A_619 = arith.constant 112 : index
        %swap3A_620 = tpu.vector_load %arg14[%swap3A_618, %swap3A_619] {strides = array<i32>} : memref<40x144xf32, #tpu.memory_space<vmem>>, vector<16xf32>,
        tpu.vector_store %arg14[%swap3A_618, %swap3A_619], %mul3A_617 {strides = array<i32>} : memref<40x144xf32, #tpu.memory_space<vmem>>, vector<16xf32>,
        %eq3A = arith.constant 0 : i32
        %eq3A_621 = vector.broadcast %eq3A : i32 to vector<16xi32>
        %eq3A_622 = arith.cmpi eq, %iota3A, %eq3A_621 : vector<16xi32>
        %jit3A = arith.constant 0.000000e+00 : f32
        %broadcast_in_dim3A_623 = vector.broadcast %jit3A : f32 to vector<16xf32>
        %select_n3A = arith.select %eq3A_622, %gather3A, %broadcast_in_dim3A_623 : vector<16xi1>, vector<16xf32>
        %swap3A_624 = arith.index_cast %add3A_502 : i32 to index
        %swap3A_625 = arith.constant 128 : index
        %swap3A_626 = tpu.vector_load %arg14[%swap3A_624, %swap3A_625] {strides = array<i32>} : memref<40x144xf32, #tpu.memory_space<vmem>>, vector<16xf32>,
        tpu.vector_store %arg14[%swap3A_624, %swap3A_625], %select_n3A {strides = array<i32>} : memref<40x144xf32, #tpu.memory_space<vmem>>, vector<16xf32>,
        %add3A_627 = arith.constant 1 : i32
        %add3A_628 = arith.addi %mul3A_500, %add3A_627 : i32
        %broadcast_in_dim3A_629 = vector.broadcast %add3A_628 : i32 to vector<16xi32>
        %gather3A_630 = tpu.vector_load_idx %arg15[%broadcast_in_dim3A_629] : memref<48xf32, #tpu.memory_space<vmem>>[vector<16xi32>], vector<16xf32>,
        %get3A_631 = arith.constant 0 : i32
        %get3A_632 = arith.index_cast %get3A_631 : i32 to index
        %get3A_633 = arith.index_cast %add3A_628 : i32 to index
        %get3A_634 = arith.constant 0 : index
        %get3A_635 = tpu.vector_load %arg13[%get3A_632, %get3A_633, %get3A_634] {strides = array<i32>} : memref<2x40x128xf32, #tpu.memory_space<vmem>>, vector<16xf32>,
        %mul3A_636 = arith.mulf %gather3A_630, %get3A_635 : vector<16xf32>
        %get3A_637 = arith.constant 0 : i32
        %get3A_638 = arith.index_cast %get3A_637 : i32 to index
        %get3A_639 = arith.index_cast %add3A_628 : i32 to index
        %get3A_640 = arith.constant 0 : index
        %get3A_641 = tpu.vector_load %arg12[%get3A_638, %get3A_639, %get3A_640] {strides = array<i32>} : memref<2x48x160xf32, #tpu.memory_space<vmem>>, vector<16xf32>,
        %mul3A_642 = arith.mulf %mul3A_636, %get3A_641 : vector<16xf32>
        %swap3A_643 = arith.index_cast %add3A_628 : i32 to index
        %swap3A_644 = arith.constant 0 : index
        %swap3A_645 = tpu.vector_load %arg14[%swap3A_643, %swap3A_644] {strides = array<i32>} : memref<40x144xf32, #tpu.memory_space<vmem>>, vector<16xf32>,
        tpu.vector_store %arg14[%swap3A_643, %swap3A_644], %mul3A_642 {strides = array<i32>} : memref<40x144xf32, #tpu.memory_space<vmem>>, vector<16xf32>,
        %get3A_646 = arith.constant 0 : i32
        %get3A_647 = arith.index_cast %get3A_646 : i32 to index
        %get3A_648 = arith.index_cast %add3A_628 : i32 to index
        %get3A_649 = arith.constant 16 : index
        %get3A_650 = tpu.vector_load %arg13[%get3A_647, %get3A_648, %get3A_649] {strides = array<i32>} : memref<2x40x128xf32, #tpu.memory_space<vmem>>, vector<16xf32>,
        %mul3A_651 = arith.mulf %gather3A_630, %get3A_650 : vector<16xf32>
        %get3A_652 = arith.constant 0 : i32
        %get3A_653 = arith.index_cast %get3A_652 : i32 to index
        %get3A_654 = arith.index_cast %add3A_628 : i32 to index
        %get3A_655 = arith.constant 16 : index
        %get3A_656 = tpu.vector_load %arg12[%get3A_653, %get3A_654, %get3A_655] {strides = array<i32>} : memref<2x48x160xf32, #tpu.memory_space<vmem>>, vector<16xf32>,
        %mul3A_657 = arith.mulf %mul3A_651, %get3A_656 : vector<16xf32>
        %swap3A_658 = arith.index_cast %add3A_628 : i32 to index
        %swap3A_659 = arith.constant 16 : index
        %swap3A_660 = tpu.vector_load %arg14[%swap3A_658, %swap3A_659] {strides = array<i32>} : memref<40x144xf32, #tpu.memory_space<vmem>>, vector<16xf32>,
        tpu.vector_store %arg14[%swap3A_658, %swap3A_659], %mul3A_657 {strides = array<i32>} : memref<40x144xf32, #tpu.memory_space<vmem>>, vector<16xf32>,
        %get3A_661 = arith.constant 0 : i32
        %get3A_662 = arith.index_cast %get3A_661 : i32 to index
        %get3A_663 = arith.index_cast %add3A_628 : i32 to index
        %get3A_664 = arith.constant 32 : index
        %get3A_665 = tpu.vector_load %arg13[%get3A_662, %get3A_663, %get3A_664] {strides = array<i32>} : memref<2x40x128xf32, #tpu.memory_space<vmem>>, vector<16xf32>,
        %mul3A_666 = arith.mulf %gather3A_630, %get3A_665 : vector<16xf32>
        %get3A_667 = arith.constant 0 : i32
        %get3A_668 = arith.index_cast %get3A_667 : i32 to index
        %get3A_669 = arith.index_cast %add3A_628 : i32 to index
        %get3A_670 = arith.constant 32 : index
        %get3A_671 = tpu.vector_load %arg12[%get3A_668, %get3A_669, %get3A_670] {strides = array<i32>} : memref<2x48x160xf32, #tpu.memory_space<vmem>>, vector<16xf32>,
        %mul3A_672 = arith.mulf %mul3A_666, %get3A_671 : vector<16xf32>
        %swap3A_673 = arith.index_cast %add3A_628 : i32 to index
        %swap3A_674 = arith.constant 32 : index
        %swap3A_675 = tpu.vector_load %arg14[%swap3A_673, %swap3A_674] {strides = array<i32>} : memref<40x144xf32, #tpu.memory_space<vmem>>, vector<16xf32>,
        tpu.vector_store %arg14[%swap3A_673, %swap3A_674], %mul3A_672 {strides = array<i32>} : memref<40x144xf32, #tpu.memory_space<vmem>>, vector<16xf32>,
        %get3A_676 = arith.constant 0 : i32
        %get3A_677 = arith.index_cast %get3A_676 : i32 to index
        %get3A_678 = arith.index_cast %add3A_628 : i32 to index
        %get3A_679 = arith.constant 48 : index
        %get3A_680 = tpu.vector_load %arg13[%get3A_677, %get3A_678, %get3A_679] {strides = array<i32>} : memref<2x40x128xf32, #tpu.memory_space<vmem>>, vector<16xf32>,
        %mul3A_681 = arith.mulf %gather3A_630, %get3A_680 : vector<16xf32>
        %get3A_682 = arith.constant 0 : i32
        %get3A_683 = arith.index_cast %get3A_682 : i32 to index
        %get3A_684 = arith.index_cast %add3A_628 : i32 to index
        %get3A_685 = arith.constant 48 : index
        %get3A_686 = tpu.vector_load %arg12[%get3A_683, %get3A_684, %get3A_685] {strides = array<i32>} : memref<2x48x160xf32, #tpu.memory_space<vmem>>, vector<16xf32>,
        %mul3A_687 = arith.mulf %mul3A_681, %get3A_686 : vector<16xf32>
        %swap3A_688 = arith.index_cast %add3A_628 : i32 to index
        %swap3A_689 = arith.constant 48 : index
        %swap3A_690 = tpu.vector_load %arg14[%swap3A_688, %swap3A_689] {strides = array<i32>} : memref<40x144xf32, #tpu.memory_space<vmem>>, vector<16xf32>,
        tpu.vector_store %arg14[%swap3A_688, %swap3A_689], %mul3A_687 {strides = array<i32>} : memref<40x144xf32, #tpu.memory_space<vmem>>, vector<16xf32>,
        %get3A_691 = arith.constant 0 : i32
        %get3A_692 = arith.index_cast %get3A_691 : i32 to index
        %get3A_693 = arith.index_cast %add3A_628 : i32 to index
        %get3A_694 = arith.constant 64 : index
        %get3A_695 = tpu.vector_load %arg13[%get3A_692, %get3A_693, %get3A_694] {strides = array<i32>} : memref<2x40x128xf32, #tpu.memory_space<vmem>>, vector<16xf32>,
        %mul3A_696 = arith.mulf %gather3A_630, %get3A_695 : vector<16xf32>
        %get3A_697 = arith.constant 0 : i32
        %get3A_698 = arith.index_cast %get3A_697 : i32 to index
        %get3A_699 = arith.index_cast %add3A_628 : i32 to index
        %get3A_700 = arith.constant 64 : index
        %get3A_701 = tpu.vector_load %arg12[%get3A_698, %get3A_699, %get3A_700] {strides = array<i32>} : memref<2x48x160xf32, #tpu.memory_space<vmem>>, vector<16xf32>,
        %mul3A_702 = arith.mulf %mul3A_696, %get3A_701 : vector<16xf32>
        %swap3A_703 = arith.index_cast %add3A_628 : i32 to index
        %swap3A_704 = arith.constant 64 : index
        %swap3A_705 = tpu.vector_load %arg14[%swap3A_703, %swap3A_704] {strides = array<i32>} : memref<40x144xf32, #tpu.memory_space<vmem>>, vector<16xf32>,
        tpu.vector_store %arg14[%swap3A_703, %swap3A_704], %mul3A_702 {strides = array<i32>} : memref<40x144xf32, #tpu.memory_space<vmem>>, vector<16xf32>,
        %get3A_706 = arith.constant 0 : i32
        %get3A_707 = arith.index_cast %get3A_706 : i32 to index
        %get3A_708 = arith.index_cast %add3A_628 : i32 to index
        %get3A_709 = arith.constant 80 : index
        %get3A_710 = tpu.vector_load %arg13[%get3A_707, %get3A_708, %get3A_709] {strides = array<i32>} : memref<2x40x128xf32, #tpu.memory_space<vmem>>, vector<16xf32>,
        %mul3A_711 = arith.mulf %gather3A_630, %get3A_710 : vector<16xf32>
        %get3A_712 = arith.constant 0 : i32
        %get3A_713 = arith.index_cast %get3A_712 : i32 to index
        %get3A_714 = arith.index_cast %add3A_628 : i32 to index
        %get3A_715 = arith.constant 80 : index
        %get3A_716 = tpu.vector_load %arg12[%get3A_713, %get3A_714, %get3A_715] {strides = array<i32>} : memref<2x48x160xf32, #tpu.memory_space<vmem>>, vector<16xf32>,
        %mul3A_717 = arith.mulf %mul3A_711, %get3A_716 : vector<16xf32>
        %swap3A_718 = arith.index_cast %add3A_628 : i32 to index
        %swap3A_719 = arith.constant 80 : index
        %swap3A_720 = tpu.vector_load %arg14[%swap3A_718, %swap3A_719] {strides = array<i32>} : memref<40x144xf32, #tpu.memory_space<vmem>>, vector<16xf32>,
        tpu.vector_store %arg14[%swap3A_718, %swap3A_719], %mul3A_717 {strides = array<i32>} : memref<40x144xf32, #tpu.memory_space<vmem>>, vector<16xf32>,
        %get3A_721 = arith.constant 0 : i32
        %get3A_722 = arith.index_cast %get3A_721 : i32 to index
        %get3A_723 = arith.index_cast %add3A_628 : i32 to index
        %get3A_724 = arith.constant 96 : index
        %get3A_725 = tpu.vector_load %arg13[%get3A_722, %get3A_723, %get3A_724] {strides = array<i32>} : memref<2x40x128xf32, #tpu.memory_space<vmem>>, vector<16xf32>,
        %mul3A_726 = arith.mulf %gather3A_630, %get3A_725 : vector<16xf32>
        %get3A_727 = arith.constant 0 : i32
        %get3A_728 = arith.index_cast %get3A_727 : i32 to index
        %get3A_729 = arith.index_cast %add3A_628 : i32 to index
        %get3A_730 = arith.constant 96 : index
        %get3A_731 = tpu.vector_load %arg12[%get3A_728, %get3A_729, %get3A_730] {strides = array<i32>} : memref<2x48x160xf32, #tpu.memory_space<vmem>>, vector<16xf32>,
        %mul3A_732 = arith.mulf %mul3A_726, %get3A_731 : vector<16xf32>
        %swap3A_733 = arith.index_cast %add3A_628 : i32 to index
        %swap3A_734 = arith.constant 96 : index
        %swap3A_735 = tpu.vector_load %arg14[%swap3A_733, %swap3A_734] {strides = array<i32>} : memref<40x144xf32, #tpu.memory_space<vmem>>, vector<16xf32>,
        tpu.vector_store %arg14[%swap3A_733, %swap3A_734], %mul3A_732 {strides = array<i32>} : memref<40x144xf32, #tpu.memory_space<vmem>>, vector<16xf32>,
        %get3A_736 = arith.constant 0 : i32
        %get3A_737 = arith.index_cast %get3A_736 : i32 to index
        %get3A_738 = arith.index_cast %add3A_628 : i32 to index
        %get3A_739 = arith.constant 112 : index
        %get3A_740 = tpu.vector_load %arg13[%get3A_737, %get3A_738, %get3A_739] {strides = array<i32>} : memref<2x40x128xf32, #tpu.memory_space<vmem>>, vector<16xf32>,
        %mul3A_741 = arith.mulf %gather3A_630, %get3A_740 : vector<16xf32>
        %get3A_742 = arith.constant 0 : i32
        %get3A_743 = arith.index_cast %get3A_742 : i32 to index
        %get3A_744 = arith.index_cast %add3A_628 : i32 to index
        %get3A_745 = arith.constant 112 : index
        %get3A_746 = tpu.vector_load %arg12[%get3A_743, %get3A_744, %get3A_745] {strides = array<i32>} : memref<2x48x160xf32, #tpu.memory_space<vmem>>, vector<16xf32>,
        %mul3A_747 = arith.mulf %mul3A_741, %get3A_746 : vector<16xf32>
        %swap3A_748 = arith.index_cast %add3A_628 : i32 to index
        %swap3A_749 = arith.constant 112 : index
        %swap3A_750 = tpu.vector_load %arg14[%swap3A_748, %swap3A_749] {strides = array<i32>} : memref<40x144xf32, #tpu.memory_space<vmem>>, vector<16xf32>,
        tpu.vector_store %arg14[%swap3A_748, %swap3A_749], %mul3A_747 {strides = array<i32>} : memref<40x144xf32, #tpu.memory_space<vmem>>, vector<16xf32>,
        %eq3A_751 = arith.constant 0 : i32
        %eq3A_752 = vector.broadcast %eq3A_751 : i32 to vector<16xi32>
        %eq3A_753 = arith.cmpi eq, %iota3A, %eq3A_752 : vector<16xi32>
        %jit3A_754 = arith.constant 0.000000e+00 : f32
        %broadcast_in_dim3A_755 = vector.broadcast %jit3A_754 : f32 to vector<16xf32>
        %select_n3A_756 = arith.select %eq3A_753, %gather3A_630, %broadcast_in_dim3A_755 : vector<16xi1>, vector<16xf32>
        %swap3A_757 = arith.index_cast %add3A_628 : i32 to index
        %swap3A_758 = arith.constant 128 : index
        %swap3A_759 = tpu.vector_load %arg14[%swap3A_757, %swap3A_758] {strides = array<i32>} : memref<40x144xf32, #tpu.memory_space<vmem>>, vector<16xf32>,
        tpu.vector_store %arg14[%swap3A_757, %swap3A_758], %select_n3A_756 {strides = array<i32>} : memref<40x144xf32, #tpu.memory_space<vmem>>, vector<16xf32>,
        %add3A_760 = arith.constant 2 : i32
        %add3A_761 = arith.addi %mul3A_500, %add3A_760 : i32
        %broadcast_in_dim3A_762 = vector.broadcast %add3A_761 : i32 to vector<16xi32>
        %gather3A_763 = tpu.vector_load_idx %arg15[%broadcast_in_dim3A_762] : memref<48xf32, #tpu.memory_space<vmem>>[vector<16xi32>], vector<16xf32>,
        %get3A_764 = arith.constant 0 : i32
        %get3A_765 = arith.index_cast %get3A_764 : i32 to index
        %get3A_766 = arith.index_cast %add3A_761 : i32 to index
        %get3A_767 = arith.constant 0 : index
        %get3A_768 = tpu.vector_load %arg13[%get3A_765, %get3A_766, %get3A_767] {strides = array<i32>} : memref<2x40x128xf32, #tpu.memory_space<vmem>>, vector<16xf32>,
        %mul3A_769 = arith.mulf %gather3A_763, %get3A_768 : vector<16xf32>
        %get3A_770 = arith.constant 0 : i32
        %get3A_771 = arith.index_cast %get3A_770 : i32 to index
        %get3A_772 = arith.index_cast %add3A_761 : i32 to index
        %get3A_773 = arith.constant 0 : index
        %get3A_774 = tpu.vector_load %arg12[%get3A_771, %get3A_772, %get3A_773] {strides = array<i32>} : memref<2x48x160xf32, #tpu.memory_space<vmem>>, vector<16xf32>,
        %mul3A_775 = arith.mulf %mul3A_769, %get3A_774 : vector<16xf32>
        %swap3A_776 = arith.index_cast %add3A_761 : i32 to index
        %swap3A_777 = arith.constant 0 : index
        %swap3A_778 = tpu.vector_load %arg14[%swap3A_776, %swap3A_777] {strides = array<i32>} : memref<40x144xf32, #tpu.memory_space<vmem>>, vector<16xf32>,
        tpu.vector_store %arg14[%swap3A_776, %swap3A_777], %mul3A_775 {strides = array<i32>} : memref<40x144xf32, #tpu.memory_space<vmem>>, vector<16xf32>,
        %get3A_779 = arith.constant 0 : i32
        %get3A_780 = arith.index_cast %get3A_779 : i32 to index
        %get3A_781 = arith.index_cast %add3A_761 : i32 to index
        %get3A_782 = arith.constant 16 : index
        %get3A_783 = tpu.vector_load %arg13[%get3A_780, %get3A_781, %get3A_782] {strides = array<i32>} : memref<2x40x128xf32, #tpu.memory_space<vmem>>, vector<16xf32>,
        %mul3A_784 = arith.mulf %gather3A_763, %get3A_783 : vector<16xf32>
        %get3A_785 = arith.constant 0 : i32
        %get3A_786 = arith.index_cast %get3A_785 : i32 to index
        %get3A_787 = arith.index_cast %add3A_761 : i32 to index
        %get3A_788 = arith.constant 16 : index
        %get3A_789 = tpu.vector_load %arg12[%get3A_786, %get3A_787, %get3A_788] {strides = array<i32>} : memref<2x48x160xf32, #tpu.memory_space<vmem>>, vector<16xf32>,
        %mul3A_790 = arith.mulf %mul3A_784, %get3A_789 : vector<16xf32>
        %swap3A_791 = arith.index_cast %add3A_761 : i32 to index
        %swap3A_792 = arith.constant 16 : index
        %swap3A_793 = tpu.vector_load %arg14[%swap3A_791, %swap3A_792] {strides = array<i32>} : memref<40x144xf32, #tpu.memory_space<vmem>>, vector<16xf32>,
        tpu.vector_store %arg14[%swap3A_791, %swap3A_792], %mul3A_790 {strides = array<i32>} : memref<40x144xf32, #tpu.memory_space<vmem>>, vector<16xf32>,
        %get3A_794 = arith.constant 0 : i32
        %get3A_795 = arith.index_cast %get3A_794 : i32 to index
        %get3A_796 = arith.index_cast %add3A_761 : i32 to index
        %get3A_797 = arith.constant 32 : index
        %get3A_798 = tpu.vector_load %arg13[%get3A_795, %get3A_796, %get3A_797] {strides = array<i32>} : memref<2x40x128xf32, #tpu.memory_space<vmem>>, vector<16xf32>,
        %mul3A_799 = arith.mulf %gather3A_763, %get3A_798 : vector<16xf32>
        %get3A_800 = arith.constant 0 : i32
        %get3A_801 = arith.index_cast %get3A_800 : i32 to index
        %get3A_802 = arith.index_cast %add3A_761 : i32 to index
        %get3A_803 = arith.constant 32 : index
        %get3A_804 = tpu.vector_load %arg12[%get3A_801, %get3A_802, %get3A_803] {strides = array<i32>} : memref<2x48x160xf32, #tpu.memory_space<vmem>>, vector<16xf32>,
        %mul3A_805 = arith.mulf %mul3A_799, %get3A_804 : vector<16xf32>
        %swap3A_806 = arith.index_cast %add3A_761 : i32 to index
        %swap3A_807 = arith.constant 32 : index
        %swap3A_808 = tpu.vector_load %arg14[%swap3A_806, %swap3A_807] {strides = array<i32>} : memref<40x144xf32, #tpu.memory_space<vmem>>, vector<16xf32>,
        tpu.vector_store %arg14[%swap3A_806, %swap3A_807], %mul3A_805 {strides = array<i32>} : memref<40x144xf32, #tpu.memory_space<vmem>>, vector<16xf32>,
        %get3A_809 = arith.constant 0 : i32
        %get3A_810 = arith.index_cast %get3A_809 : i32 to index
        %get3A_811 = arith.index_cast %add3A_761 : i32 to index
        %get3A_812 = arith.constant 48 : index
        %get3A_813 = tpu.vector_load %arg13[%get3A_810, %get3A_811, %get3A_812] {strides = array<i32>} : memref<2x40x128xf32, #tpu.memory_space<vmem>>, vector<16xf32>,
        %mul3A_814 = arith.mulf %gather3A_763, %get3A_813 : vector<16xf32>
        %get3A_815 = arith.constant 0 : i32
        %get3A_816 = arith.index_cast %get3A_815 : i32 to index
        %get3A_817 = arith.index_cast %add3A_761 : i32 to index
        %get3A_818 = arith.constant 48 : index
        %get3A_819 = tpu.vector_load %arg12[%get3A_816, %get3A_817, %get3A_818] {strides = array<i32>} : memref<2x48x160xf32, #tpu.memory_space<vmem>>, vector<16xf32>,
        %mul3A_820 = arith.mulf %mul3A_814, %get3A_819 : vector<16xf32>
        %swap3A_821 = arith.index_cast %add3A_761 : i32 to index
        %swap3A_822 = arith.constant 48 : index
        %swap3A_823 = tpu.vector_load %arg14[%swap3A_821, %swap3A_822] {strides = array<i32>} : memref<40x144xf32, #tpu.memory_space<vmem>>, vector<16xf32>,
        tpu.vector_store %arg14[%swap3A_821, %swap3A_822], %mul3A_820 {strides = array<i32>} : memref<40x144xf32, #tpu.memory_space<vmem>>, vector<16xf32>,
        %get3A_824 = arith.constant 0 : i32
        %get3A_825 = arith.index_cast %get3A_824 : i32 to index
        %get3A_826 = arith.index_cast %add3A_761 : i32 to index
        %get3A_827 = arith.constant 64 : index
        %get3A_828 = tpu.vector_load %arg13[%get3A_825, %get3A_826, %get3A_827] {strides = array<i32>} : memref<2x40x128xf32, #tpu.memory_space<vmem>>, vector<16xf32>,
        %mul3A_829 = arith.mulf %gather3A_763, %get3A_828 : vector<16xf32>
        %get3A_830 = arith.constant 0 : i32
        %get3A_831 = arith.index_cast %get3A_830 : i32 to index
        %get3A_832 = arith.index_cast %add3A_761 : i32 to index
        %get3A_833 = arith.constant 64 : index
        %get3A_834 = tpu.vector_load %arg12[%get3A_831, %get3A_832, %get3A_833] {strides = array<i32>} : memref<2x48x160xf32, #tpu.memory_space<vmem>>, vector<16xf32>,
        %mul3A_835 = arith.mulf %mul3A_829, %get3A_834 : vector<16xf32>
        %swap3A_836 = arith.index_cast %add3A_761 : i32 to index
        %swap3A_837 = arith.constant 64 : index
        %swap3A_838 = tpu.vector_load %arg14[%swap3A_836, %swap3A_837] {strides = array<i32>} : memref<40x144xf32, #tpu.memory_space<vmem>>, vector<16xf32>,
        tpu.vector_store %arg14[%swap3A_836, %swap3A_837], %mul3A_835 {strides = array<i32>} : memref<40x144xf32, #tpu.memory_space<vmem>>, vector<16xf32>,
        %get3A_839 = arith.constant 0 : i32
        %get3A_840 = arith.index_cast %get3A_839 : i32 to index
        %get3A_841 = arith.index_cast %add3A_761 : i32 to index
        %get3A_842 = arith.constant 80 : index
        %get3A_843 = tpu.vector_load %arg13[%get3A_840, %get3A_841, %get3A_842] {strides = array<i32>} : memref<2x40x128xf32, #tpu.memory_space<vmem>>, vector<16xf32>,
        %mul3A_844 = arith.mulf %gather3A_763, %get3A_843 : vector<16xf32>
        %get3A_845 = arith.constant 0 : i32
        %get3A_846 = arith.index_cast %get3A_845 : i32 to index
        %get3A_847 = arith.index_cast %add3A_761 : i32 to index
        %get3A_848 = arith.constant 80 : index
        %get3A_849 = tpu.vector_load %arg12[%get3A_846, %get3A_847, %get3A_848] {strides = array<i32>} : memref<2x48x160xf32, #tpu.memory_space<vmem>>, vector<16xf32>,
        %mul3A_850 = arith.mulf %mul3A_844, %get3A_849 : vector<16xf32>
        %swap3A_851 = arith.index_cast %add3A_761 : i32 to index
        %swap3A_852 = arith.constant 80 : index
        %swap3A_853 = tpu.vector_load %arg14[%swap3A_851, %swap3A_852] {strides = array<i32>} : memref<40x144xf32, #tpu.memory_space<vmem>>, vector<16xf32>,
        tpu.vector_store %arg14[%swap3A_851, %swap3A_852], %mul3A_850 {strides = array<i32>} : memref<40x144xf32, #tpu.memory_space<vmem>>, vector<16xf32>,
        %get3A_854 = arith.constant 0 : i32
        %get3A_855 = arith.index_cast %get3A_854 : i32 to index
        %get3A_856 = arith.index_cast %add3A_761 : i32 to index
        %get3A_857 = arith.constant 96 : index
        %get3A_858 = tpu.vector_load %arg13[%get3A_855, %get3A_856, %get3A_857] {strides = array<i32>} : memref<2x40x128xf32, #tpu.memory_space<vmem>>, vector<16xf32>,
        %mul3A_859 = arith.mulf %gather3A_763, %get3A_858 : vector<16xf32>
        %get3A_860 = arith.constant 0 : i32
        %get3A_861 = arith.index_cast %get3A_860 : i32 to index
        %get3A_862 = arith.index_cast %add3A_761 : i32 to index
        %get3A_863 = arith.constant 96 : index
        %get3A_864 = tpu.vector_load %arg12[%get3A_861, %get3A_862, %get3A_863] {strides = array<i32>} : memref<2x48x160xf32, #tpu.memory_space<vmem>>, vector<16xf32>,
        %mul3A_865 = arith.mulf %mul3A_859, %get3A_864 : vector<16xf32>
        %swap3A_866 = arith.index_cast %add3A_761 : i32 to index
        %swap3A_867 = arith.constant 96 : index
        %swap3A_868 = tpu.vector_load %arg14[%swap3A_866, %swap3A_867] {strides = array<i32>} : memref<40x144xf32, #tpu.memory_space<vmem>>, vector<16xf32>,
        tpu.vector_store %arg14[%swap3A_866, %swap3A_867], %mul3A_865 {strides = array<i32>} : memref<40x144xf32, #tpu.memory_space<vmem>>, vector<16xf32>,
        %get3A_869 = arith.constant 0 : i32
        %get3A_870 = arith.index_cast %get3A_869 : i32 to index
        %get3A_871 = arith.index_cast %add3A_761 : i32 to index
        %get3A_872 = arith.constant 112 : index
        %get3A_873 = tpu.vector_load %arg13[%get3A_870, %get3A_871, %get3A_872] {strides = array<i32>} : memref<2x40x128xf32, #tpu.memory_space<vmem>>, vector<16xf32>,
        %mul3A_874 = arith.mulf %gather3A_763, %get3A_873 : vector<16xf32>
        %get3A_875 = arith.constant 0 : i32
        %get3A_876 = arith.index_cast %get3A_875 : i32 to index
        %get3A_877 = arith.index_cast %add3A_761 : i32 to index
        %get3A_878 = arith.constant 112 : index
        %get3A_879 = tpu.vector_load %arg12[%get3A_876, %get3A_877, %get3A_878] {strides = array<i32>} : memref<2x48x160xf32, #tpu.memory_space<vmem>>, vector<16xf32>,
        %mul3A_880 = arith.mulf %mul3A_874, %get3A_879 : vector<16xf32>
        %swap3A_881 = arith.index_cast %add3A_761 : i32 to index
        %swap3A_882 = arith.constant 112 : index
        %swap3A_883 = tpu.vector_load %arg14[%swap3A_881, %swap3A_882] {strides = array<i32>} : memref<40x144xf32, #tpu.memory_space<vmem>>, vector<16xf32>,
        tpu.vector_store %arg14[%swap3A_881, %swap3A_882], %mul3A_880 {strides = array<i32>} : memref<40x144xf32, #tpu.memory_space<vmem>>, vector<16xf32>,
        %eq3A_884 = arith.constant 0 : i32
        %eq3A_885 = vector.broadcast %eq3A_884 : i32 to vector<16xi32>
        %eq3A_886 = arith.cmpi eq, %iota3A, %eq3A_885 : vector<16xi32>
        %jit3A_887 = arith.constant 0.000000e+00 : f32
        %broadcast_in_dim3A_888 = vector.broadcast %jit3A_887 : f32 to vector<16xf32>
        %select_n3A_889 = arith.select %eq3A_886, %gather3A_763, %broadcast_in_dim3A_888 : vector<16xi1>, vector<16xf32>
        %swap3A_890 = arith.index_cast %add3A_761 : i32 to index
        %swap3A_891 = arith.constant 128 : index
        %swap3A_892 = tpu.vector_load %arg14[%swap3A_890, %swap3A_891] {strides = array<i32>} : memref<40x144xf32, #tpu.memory_space<vmem>>, vector<16xf32>,
        tpu.vector_store %arg14[%swap3A_890, %swap3A_891], %select_n3A_889 {strides = array<i32>} : memref<40x144xf32, #tpu.memory_space<vmem>>, vector<16xf32>,
        %add3A_893 = arith.constant 3 : i32
        %add3A_894 = arith.addi %mul3A_500, %add3A_893 : i32
        %broadcast_in_dim3A_895 = vector.broadcast %add3A_894 : i32 to vector<16xi32>
        %gather3A_896 = tpu.vector_load_idx %arg15[%broadcast_in_dim3A_895] : memref<48xf32, #tpu.memory_space<vmem>>[vector<16xi32>], vector<16xf32>,
        %get3A_897 = arith.constant 0 : i32
        %get3A_898 = arith.index_cast %get3A_897 : i32 to index
        %get3A_899 = arith.index_cast %add3A_894 : i32 to index
        %get3A_900 = arith.constant 0 : index
        %get3A_901 = tpu.vector_load %arg13[%get3A_898, %get3A_899, %get3A_900] {strides = array<i32>} : memref<2x40x128xf32, #tpu.memory_space<vmem>>, vector<16xf32>,
        %mul3A_902 = arith.mulf %gather3A_896, %get3A_901 : vector<16xf32>
        %get3A_903 = arith.constant 0 : i32
        %get3A_904 = arith.index_cast %get3A_903 : i32 to index
        %get3A_905 = arith.index_cast %add3A_894 : i32 to index
        %get3A_906 = arith.constant 0 : index
        %get3A_907 = tpu.vector_load %arg12[%get3A_904, %get3A_905, %get3A_906] {strides = array<i32>} : memref<2x48x160xf32, #tpu.memory_space<vmem>>, vector<16xf32>,
        %mul3A_908 = arith.mulf %mul3A_902, %get3A_907 : vector<16xf32>
        %swap3A_909 = arith.index_cast %add3A_894 : i32 to index
        %swap3A_910 = arith.constant 0 : index
        %swap3A_911 = tpu.vector_load %arg14[%swap3A_909, %swap3A_910] {strides = array<i32>} : memref<40x144xf32, #tpu.memory_space<vmem>>, vector<16xf32>,
        tpu.vector_store %arg14[%swap3A_909, %swap3A_910], %mul3A_908 {strides = array<i32>} : memref<40x144xf32, #tpu.memory_space<vmem>>, vector<16xf32>,
        %get3A_912 = arith.constant 0 : i32
        %get3A_913 = arith.index_cast %get3A_912 : i32 to index
        %get3A_914 = arith.index_cast %add3A_894 : i32 to index
        %get3A_915 = arith.constant 16 : index
        %get3A_916 = tpu.vector_load %arg13[%get3A_913, %get3A_914, %get3A_915] {strides = array<i32>} : memref<2x40x128xf32, #tpu.memory_space<vmem>>, vector<16xf32>,
        %mul3A_917 = arith.mulf %gather3A_896, %get3A_916 : vector<16xf32>
        %get3A_918 = arith.constant 0 : i32
        %get3A_919 = arith.index_cast %get3A_918 : i32 to index
        %get3A_920 = arith.index_cast %add3A_894 : i32 to index
        %get3A_921 = arith.constant 16 : index
        %get3A_922 = tpu.vector_load %arg12[%get3A_919, %get3A_920, %get3A_921] {strides = array<i32>} : memref<2x48x160xf32, #tpu.memory_space<vmem>>, vector<16xf32>,
        %mul3A_923 = arith.mulf %mul3A_917, %get3A_922 : vector<16xf32>
        %swap3A_924 = arith.index_cast %add3A_894 : i32 to index
        %swap3A_925 = arith.constant 16 : index
        %swap3A_926 = tpu.vector_load %arg14[%swap3A_924, %swap3A_925] {strides = array<i32>} : memref<40x144xf32, #tpu.memory_space<vmem>>, vector<16xf32>,
        tpu.vector_store %arg14[%swap3A_924, %swap3A_925], %mul3A_923 {strides = array<i32>} : memref<40x144xf32, #tpu.memory_space<vmem>>, vector<16xf32>,
        %get3A_927 = arith.constant 0 : i32
        %get3A_928 = arith.index_cast %get3A_927 : i32 to index
        %get3A_929 = arith.index_cast %add3A_894 : i32 to index
        %get3A_930 = arith.constant 32 : index
        %get3A_931 = tpu.vector_load %arg13[%get3A_928, %get3A_929, %get3A_930] {strides = array<i32>} : memref<2x40x128xf32, #tpu.memory_space<vmem>>, vector<16xf32>,
        %mul3A_932 = arith.mulf %gather3A_896, %get3A_931 : vector<16xf32>
        %get3A_933 = arith.constant 0 : i32
        %get3A_934 = arith.index_cast %get3A_933 : i32 to index
        %get3A_935 = arith.index_cast %add3A_894 : i32 to index
        %get3A_936 = arith.constant 32 : index
        %get3A_937 = tpu.vector_load %arg12[%get3A_934, %get3A_935, %get3A_936] {strides = array<i32>} : memref<2x48x160xf32, #tpu.memory_space<vmem>>, vector<16xf32>,
        %mul3A_938 = arith.mulf %mul3A_932, %get3A_937 : vector<16xf32>
        %swap3A_939 = arith.index_cast %add3A_894 : i32 to index
        %swap3A_940 = arith.constant 32 : index
        %swap3A_941 = tpu.vector_load %arg14[%swap3A_939, %swap3A_940] {strides = array<i32>} : memref<40x144xf32, #tpu.memory_space<vmem>>, vector<16xf32>,
        tpu.vector_store %arg14[%swap3A_939, %swap3A_940], %mul3A_938 {strides = array<i32>} : memref<40x144xf32, #tpu.memory_space<vmem>>, vector<16xf32>,
        %get3A_942 = arith.constant 0 : i32
        %get3A_943 = arith.index_cast %get3A_942 : i32 to index
        %get3A_944 = arith.index_cast %add3A_894 : i32 to index
        %get3A_945 = arith.constant 48 : index
        %get3A_946 = tpu.vector_load %arg13[%get3A_943, %get3A_944, %get3A_945] {strides = array<i32>} : memref<2x40x128xf32, #tpu.memory_space<vmem>>, vector<16xf32>,
        %mul3A_947 = arith.mulf %gather3A_896, %get3A_946 : vector<16xf32>
        %get3A_948 = arith.constant 0 : i32
        %get3A_949 = arith.index_cast %get3A_948 : i32 to index
        %get3A_950 = arith.index_cast %add3A_894 : i32 to index
        %get3A_951 = arith.constant 48 : index
        %get3A_952 = tpu.vector_load %arg12[%get3A_949, %get3A_950, %get3A_951] {strides = array<i32>} : memref<2x48x160xf32, #tpu.memory_space<vmem>>, vector<16xf32>,
        %mul3A_953 = arith.mulf %mul3A_947, %get3A_952 : vector<16xf32>
        %swap3A_954 = arith.index_cast %add3A_894 : i32 to index
        %swap3A_955 = arith.constant 48 : index
        %swap3A_956 = tpu.vector_load %arg14[%swap3A_954, %swap3A_955] {strides = array<i32>} : memref<40x144xf32, #tpu.memory_space<vmem>>, vector<16xf32>,
        tpu.vector_store %arg14[%swap3A_954, %swap3A_955], %mul3A_953 {strides = array<i32>} : memref<40x144xf32, #tpu.memory_space<vmem>>, vector<16xf32>,
        %get3A_957 = arith.constant 0 : i32
        %get3A_958 = arith.index_cast %get3A_957 : i32 to index
        %get3A_959 = arith.index_cast %add3A_894 : i32 to index
        %get3A_960 = arith.constant 64 : index
        %get3A_961 = tpu.vector_load %arg13[%get3A_958, %get3A_959, %get3A_960] {strides = array<i32>} : memref<2x40x128xf32, #tpu.memory_space<vmem>>, vector<16xf32>,
        %mul3A_962 = arith.mulf %gather3A_896, %get3A_961 : vector<16xf32>
        %get3A_963 = arith.constant 0 : i32
        %get3A_964 = arith.index_cast %get3A_963 : i32 to index
        %get3A_965 = arith.index_cast %add3A_894 : i32 to index
        %get3A_966 = arith.constant 64 : index
        %get3A_967 = tpu.vector_load %arg12[%get3A_964, %get3A_965, %get3A_966] {strides = array<i32>} : memref<2x48x160xf32, #tpu.memory_space<vmem>>, vector<16xf32>,
        %mul3A_968 = arith.mulf %mul3A_962, %get3A_967 : vector<16xf32>
        %swap3A_969 = arith.index_cast %add3A_894 : i32 to index
        %swap3A_970 = arith.constant 64 : index
        %swap3A_971 = tpu.vector_load %arg14[%swap3A_969, %swap3A_970] {strides = array<i32>} : memref<40x144xf32, #tpu.memory_space<vmem>>, vector<16xf32>,
        tpu.vector_store %arg14[%swap3A_969, %swap3A_970], %mul3A_968 {strides = array<i32>} : memref<40x144xf32, #tpu.memory_space<vmem>>, vector<16xf32>,
        %get3A_972 = arith.constant 0 : i32
        %get3A_973 = arith.index_cast %get3A_972 : i32 to index
        %get3A_974 = arith.index_cast %add3A_894 : i32 to index
        %get3A_975 = arith.constant 80 : index
        %get3A_976 = tpu.vector_load %arg13[%get3A_973, %get3A_974, %get3A_975] {strides = array<i32>} : memref<2x40x128xf32, #tpu.memory_space<vmem>>, vector<16xf32>,
        %mul3A_977 = arith.mulf %gather3A_896, %get3A_976 : vector<16xf32>
        %get3A_978 = arith.constant 0 : i32
        %get3A_979 = arith.index_cast %get3A_978 : i32 to index
        %get3A_980 = arith.index_cast %add3A_894 : i32 to index
        %get3A_981 = arith.constant 80 : index
        %get3A_982 = tpu.vector_load %arg12[%get3A_979, %get3A_980, %get3A_981] {strides = array<i32>} : memref<2x48x160xf32, #tpu.memory_space<vmem>>, vector<16xf32>,
        %mul3A_983 = arith.mulf %mul3A_977, %get3A_982 : vector<16xf32>
        %swap3A_984 = arith.index_cast %add3A_894 : i32 to index
        %swap3A_985 = arith.constant 80 : index
        %swap3A_986 = tpu.vector_load %arg14[%swap3A_984, %swap3A_985] {strides = array<i32>} : memref<40x144xf32, #tpu.memory_space<vmem>>, vector<16xf32>,
        tpu.vector_store %arg14[%swap3A_984, %swap3A_985], %mul3A_983 {strides = array<i32>} : memref<40x144xf32, #tpu.memory_space<vmem>>, vector<16xf32>,
        %get3A_987 = arith.constant 0 : i32
        %get3A_988 = arith.index_cast %get3A_987 : i32 to index
        %get3A_989 = arith.index_cast %add3A_894 : i32 to index
        %get3A_990 = arith.constant 96 : index
        %get3A_991 = tpu.vector_load %arg13[%get3A_988, %get3A_989, %get3A_990] {strides = array<i32>} : memref<2x40x128xf32, #tpu.memory_space<vmem>>, vector<16xf32>,
        %mul3A_992 = arith.mulf %gather3A_896, %get3A_991 : vector<16xf32>
        %get3A_993 = arith.constant 0 : i32
        %get3A_994 = arith.index_cast %get3A_993 : i32 to index
        %get3A_995 = arith.index_cast %add3A_894 : i32 to index
        %get3A_996 = arith.constant 96 : index
        %get3A_997 = tpu.vector_load %arg12[%get3A_994, %get3A_995, %get3A_996] {strides = array<i32>} : memref<2x48x160xf32, #tpu.memory_space<vmem>>, vector<16xf32>,
        %mul3A_998 = arith.mulf %mul3A_992, %get3A_997 : vector<16xf32>
        %swap3A_999 = arith.index_cast %add3A_894 : i32 to index
        %swap3A_1000 = arith.constant 96 : index
        %swap3A_1001 = tpu.vector_load %arg14[%swap3A_999, %swap3A_1000] {strides = array<i32>} : memref<40x144xf32, #tpu.memory_space<vmem>>, vector<16xf32>,
        tpu.vector_store %arg14[%swap3A_999, %swap3A_1000], %mul3A_998 {strides = array<i32>} : memref<40x144xf32, #tpu.memory_space<vmem>>, vector<16xf32>,
        %get3A_1002 = arith.constant 0 : i32
        %get3A_1003 = arith.index_cast %get3A_1002 : i32 to index
        %get3A_1004 = arith.index_cast %add3A_894 : i32 to index
        %get3A_1005 = arith.constant 112 : index
        %get3A_1006 = tpu.vector_load %arg13[%get3A_1003, %get3A_1004, %get3A_1005] {strides = array<i32>} : memref<2x40x128xf32, #tpu.memory_space<vmem>>, vector<16xf32>,
        %mul3A_1007 = arith.mulf %gather3A_896, %get3A_1006 : vector<16xf32>
        %get3A_1008 = arith.constant 0 : i32
        %get3A_1009 = arith.index_cast %get3A_1008 : i32 to index
        %get3A_1010 = arith.index_cast %add3A_894 : i32 to index
        %get3A_1011 = arith.constant 112 : index
        %get3A_1012 = tpu.vector_load %arg12[%get3A_1009, %get3A_1010, %get3A_1011] {strides = array<i32>} : memref<2x48x160xf32, #tpu.memory_space<vmem>>, vector<16xf32>,
        %mul3A_1013 = arith.mulf %mul3A_1007, %get3A_1012 : vector<16xf32>
        %swap3A_1014 = arith.index_cast %add3A_894 : i32 to index
        %swap3A_1015 = arith.constant 112 : index
        %swap3A_1016 = tpu.vector_load %arg14[%swap3A_1014, %swap3A_1015] {strides = array<i32>} : memref<40x144xf32, #tpu.memory_space<vmem>>, vector<16xf32>,
        tpu.vector_store %arg14[%swap3A_1014, %swap3A_1015], %mul3A_1013 {strides = array<i32>} : memref<40x144xf32, #tpu.memory_space<vmem>>, vector<16xf32>,
        %eq3A_1017 = arith.constant 0 : i32
        %eq3A_1018 = vector.broadcast %eq3A_1017 : i32 to vector<16xi32>
        %eq3A_1019 = arith.cmpi eq, %iota3A, %eq3A_1018 : vector<16xi32>
        %jit3A_1020 = arith.constant 0.000000e+00 : f32
        %broadcast_in_dim3A_1021 = vector.broadcast %jit3A_1020 : f32 to vector<16xf32>
        %select_n3A_1022 = arith.select %eq3A_1019, %gather3A_896, %broadcast_in_dim3A_1021 : vector<16xi1>, vector<16xf32>
        %swap3A_1023 = arith.index_cast %add3A_894 : i32 to index
        %swap3A_1024 = arith.constant 128 : index
        %swap3A_1025 = tpu.vector_load %arg14[%swap3A_1023, %swap3A_1024] {strides = array<i32>} : memref<40x144xf32, #tpu.memory_space<vmem>>, vector<16xf32>,
        tpu.vector_store %arg14[%swap3A_1023, %swap3A_1024], %select_n3A_1022 {strides = array<i32>} : memref<40x144xf32, #tpu.memory_space<vmem>>, vector<16xf32>,
        %add3A_1026 = arith.constant 4 : i32
        %add3A_1027 = arith.addi %mul3A_500, %add3A_1026 : i32
        %broadcast_in_dim3A_1028 = vector.broadcast %add3A_1027 : i32 to vector<16xi32>
        %gather3A_1029 = tpu.vector_load_idx %arg15[%broadcast_in_dim3A_1028] : memref<48xf32, #tpu.memory_space<vmem>>[vector<16xi32>], vector<16xf32>,
        %get3A_1030 = arith.constant 0 : i32
        %get3A_1031 = arith.index_cast %get3A_1030 : i32 to index
        %get3A_1032 = arith.index_cast %add3A_1027 : i32 to index
        %get3A_1033 = arith.constant 0 : index
        %get3A_1034 = tpu.vector_load %arg13[%get3A_1031, %get3A_1032, %get3A_1033] {strides = array<i32>} : memref<2x40x128xf32, #tpu.memory_space<vmem>>, vector<16xf32>,
        %mul3A_1035 = arith.mulf %gather3A_1029, %get3A_1034 : vector<16xf32>
        %get3A_1036 = arith.constant 0 : i32
        %get3A_1037 = arith.index_cast %get3A_1036 : i32 to index
        %get3A_1038 = arith.index_cast %add3A_1027 : i32 to index
        %get3A_1039 = arith.constant 0 : index
        %get3A_1040 = tpu.vector_load %arg12[%get3A_1037, %get3A_1038, %get3A_1039] {strides = array<i32>} : memref<2x48x160xf32, #tpu.memory_space<vmem>>, vector<16xf32>,
        %mul3A_1041 = arith.mulf %mul3A_1035, %get3A_1040 : vector<16xf32>
        %swap3A_1042 = arith.index_cast %add3A_1027 : i32 to index
        %swap3A_1043 = arith.constant 0 : index
        %swap3A_1044 = tpu.vector_load %arg14[%swap3A_1042, %swap3A_1043] {strides = array<i32>} : memref<40x144xf32, #tpu.memory_space<vmem>>, vector<16xf32>,
        tpu.vector_store %arg14[%swap3A_1042, %swap3A_1043], %mul3A_1041 {strides = array<i32>} : memref<40x144xf32, #tpu.memory_space<vmem>>, vector<16xf32>,
        %get3A_1045 = arith.constant 0 : i32
        %get3A_1046 = arith.index_cast %get3A_1045 : i32 to index
        %get3A_1047 = arith.index_cast %add3A_1027 : i32 to index
        %get3A_1048 = arith.constant 16 : index
        %get3A_1049 = tpu.vector_load %arg13[%get3A_1046, %get3A_1047, %get3A_1048] {strides = array<i32>} : memref<2x40x128xf32, #tpu.memory_space<vmem>>, vector<16xf32>,
        %mul3A_1050 = arith.mulf %gather3A_1029, %get3A_1049 : vector<16xf32>
        %get3A_1051 = arith.constant 0 : i32
        %get3A_1052 = arith.index_cast %get3A_1051 : i32 to index
        %get3A_1053 = arith.index_cast %add3A_1027 : i32 to index
        %get3A_1054 = arith.constant 16 : index
        %get3A_1055 = tpu.vector_load %arg12[%get3A_1052, %get3A_1053, %get3A_1054] {strides = array<i32>} : memref<2x48x160xf32, #tpu.memory_space<vmem>>, vector<16xf32>,
        %mul3A_1056 = arith.mulf %mul3A_1050, %get3A_1055 : vector<16xf32>
        %swap3A_1057 = arith.index_cast %add3A_1027 : i32 to index
        %swap3A_1058 = arith.constant 16 : index
        %swap3A_1059 = tpu.vector_load %arg14[%swap3A_1057, %swap3A_1058] {strides = array<i32>} : memref<40x144xf32, #tpu.memory_space<vmem>>, vector<16xf32>,
        tpu.vector_store %arg14[%swap3A_1057, %swap3A_1058], %mul3A_1056 {strides = array<i32>} : memref<40x144xf32, #tpu.memory_space<vmem>>, vector<16xf32>,
        %get3A_1060 = arith.constant 0 : i32
        %get3A_1061 = arith.index_cast %get3A_1060 : i32 to index
        %get3A_1062 = arith.index_cast %add3A_1027 : i32 to index
        %get3A_1063 = arith.constant 32 : index
        %get3A_1064 = tpu.vector_load %arg13[%get3A_1061, %get3A_1062, %get3A_1063] {strides = array<i32>} : memref<2x40x128xf32, #tpu.memory_space<vmem>>, vector<16xf32>,
        %mul3A_1065 = arith.mulf %gather3A_1029, %get3A_1064 : vector<16xf32>
        %get3A_1066 = arith.constant 0 : i32
        %get3A_1067 = arith.index_cast %get3A_1066 : i32 to index
        %get3A_1068 = arith.index_cast %add3A_1027 : i32 to index
        %get3A_1069 = arith.constant 32 : index
        %get3A_1070 = tpu.vector_load %arg12[%get3A_1067, %get3A_1068, %get3A_1069] {strides = array<i32>} : memref<2x48x160xf32, #tpu.memory_space<vmem>>, vector<16xf32>,
        %mul3A_1071 = arith.mulf %mul3A_1065, %get3A_1070 : vector<16xf32>
        %swap3A_1072 = arith.index_cast %add3A_1027 : i32 to index
        %swap3A_1073 = arith.constant 32 : index
        %swap3A_1074 = tpu.vector_load %arg14[%swap3A_1072, %swap3A_1073] {strides = array<i32>} : memref<40x144xf32, #tpu.memory_space<vmem>>, vector<16xf32>,
        tpu.vector_store %arg14[%swap3A_1072, %swap3A_1073], %mul3A_1071 {strides = array<i32>} : memref<40x144xf32, #tpu.memory_space<vmem>>, vector<16xf32>,
        %get3A_1075 = arith.constant 0 : i32
        %get3A_1076 = arith.index_cast %get3A_1075 : i32 to index
        %get3A_1077 = arith.index_cast %add3A_1027 : i32 to index
        %get3A_1078 = arith.constant 48 : index
        %get3A_1079 = tpu.vector_load %arg13[%get3A_1076, %get3A_1077, %get3A_1078] {strides = array<i32>} : memref<2x40x128xf32, #tpu.memory_space<vmem>>, vector<16xf32>,
        %mul3A_1080 = arith.mulf %gather3A_1029, %get3A_1079 : vector<16xf32>
        %get3A_1081 = arith.constant 0 : i32
        %get3A_1082 = arith.index_cast %get3A_1081 : i32 to index
        %get3A_1083 = arith.index_cast %add3A_1027 : i32 to index
        %get3A_1084 = arith.constant 48 : index
        %get3A_1085 = tpu.vector_load %arg12[%get3A_1082, %get3A_1083, %get3A_1084] {strides = array<i32>} : memref<2x48x160xf32, #tpu.memory_space<vmem>>, vector<16xf32>,
        %mul3A_1086 = arith.mulf %mul3A_1080, %get3A_1085 : vector<16xf32>
        %swap3A_1087 = arith.index_cast %add3A_1027 : i32 to index
        %swap3A_1088 = arith.constant 48 : index
        %swap3A_1089 = tpu.vector_load %arg14[%swap3A_1087, %swap3A_1088] {strides = array<i32>} : memref<40x144xf32, #tpu.memory_space<vmem>>, vector<16xf32>,
        tpu.vector_store %arg14[%swap3A_1087, %swap3A_1088], %mul3A_1086 {strides = array<i32>} : memref<40x144xf32, #tpu.memory_space<vmem>>, vector<16xf32>,
        %get3A_1090 = arith.constant 0 : i32
        %get3A_1091 = arith.index_cast %get3A_1090 : i32 to index
        %get3A_1092 = arith.index_cast %add3A_1027 : i32 to index
        %get3A_1093 = arith.constant 64 : index
        %get3A_1094 = tpu.vector_load %arg13[%get3A_1091, %get3A_1092, %get3A_1093] {strides = array<i32>} : memref<2x40x128xf32, #tpu.memory_space<vmem>>, vector<16xf32>,
        %mul3A_1095 = arith.mulf %gather3A_1029, %get3A_1094 : vector<16xf32>
        %get3A_1096 = arith.constant 0 : i32
        %get3A_1097 = arith.index_cast %get3A_1096 : i32 to index
        %get3A_1098 = arith.index_cast %add3A_1027 : i32 to index
        %get3A_1099 = arith.constant 64 : index
        %get3A_1100 = tpu.vector_load %arg12[%get3A_1097, %get3A_1098, %get3A_1099] {strides = array<i32>} : memref<2x48x160xf32, #tpu.memory_space<vmem>>, vector<16xf32>,
        %mul3A_1101 = arith.mulf %mul3A_1095, %get3A_1100 : vector<16xf32>
        %swap3A_1102 = arith.index_cast %add3A_1027 : i32 to index
        %swap3A_1103 = arith.constant 64 : index
        %swap3A_1104 = tpu.vector_load %arg14[%swap3A_1102, %swap3A_1103] {strides = array<i32>} : memref<40x144xf32, #tpu.memory_space<vmem>>, vector<16xf32>,
        tpu.vector_store %arg14[%swap3A_1102, %swap3A_1103], %mul3A_1101 {strides = array<i32>} : memref<40x144xf32, #tpu.memory_space<vmem>>, vector<16xf32>,
        %get3A_1105 = arith.constant 0 : i32
        %get3A_1106 = arith.index_cast %get3A_1105 : i32 to index
        %get3A_1107 = arith.index_cast %add3A_1027 : i32 to index
        %get3A_1108 = arith.constant 80 : index
        %get3A_1109 = tpu.vector_load %arg13[%get3A_1106, %get3A_1107, %get3A_1108] {strides = array<i32>} : memref<2x40x128xf32, #tpu.memory_space<vmem>>, vector<16xf32>,
        %mul3A_1110 = arith.mulf %gather3A_1029, %get3A_1109 : vector<16xf32>
        %get3A_1111 = arith.constant 0 : i32
        %get3A_1112 = arith.index_cast %get3A_1111 : i32 to index
        %get3A_1113 = arith.index_cast %add3A_1027 : i32 to index
        %get3A_1114 = arith.constant 80 : index
        %get3A_1115 = tpu.vector_load %arg12[%get3A_1112, %get3A_1113, %get3A_1114] {strides = array<i32>} : memref<2x48x160xf32, #tpu.memory_space<vmem>>, vector<16xf32>,
        %mul3A_1116 = arith.mulf %mul3A_1110, %get3A_1115 : vector<16xf32>
        %swap3A_1117 = arith.index_cast %add3A_1027 : i32 to index
        %swap3A_1118 = arith.constant 80 : index
        %swap3A_1119 = tpu.vector_load %arg14[%swap3A_1117, %swap3A_1118] {strides = array<i32>} : memref<40x144xf32, #tpu.memory_space<vmem>>, vector<16xf32>,
        tpu.vector_store %arg14[%swap3A_1117, %swap3A_1118], %mul3A_1116 {strides = array<i32>} : memref<40x144xf32, #tpu.memory_space<vmem>>, vector<16xf32>,
        %get3A_1120 = arith.constant 0 : i32
        %get3A_1121 = arith.index_cast %get3A_1120 : i32 to index
        %get3A_1122 = arith.index_cast %add3A_1027 : i32 to index
        %get3A_1123 = arith.constant 96 : index
        %get3A_1124 = tpu.vector_load %arg13[%get3A_1121, %get3A_1122, %get3A_1123] {strides = array<i32>} : memref<2x40x128xf32, #tpu.memory_space<vmem>>, vector<16xf32>,
        %mul3A_1125 = arith.mulf %gather3A_1029, %get3A_1124 : vector<16xf32>
        %get3A_1126 = arith.constant 0 : i32
        %get3A_1127 = arith.index_cast %get3A_1126 : i32 to index
        %get3A_1128 = arith.index_cast %add3A_1027 : i32 to index
        %get3A_1129 = arith.constant 96 : index
        %get3A_1130 = tpu.vector_load %arg12[%get3A_1127, %get3A_1128, %get3A_1129] {strides = array<i32>} : memref<2x48x160xf32, #tpu.memory_space<vmem>>, vector<16xf32>,
        %mul3A_1131 = arith.mulf %mul3A_1125, %get3A_1130 : vector<16xf32>
        %swap3A_1132 = arith.index_cast %add3A_1027 : i32 to index
        %swap3A_1133 = arith.constant 96 : index
        %swap3A_1134 = tpu.vector_load %arg14[%swap3A_1132, %swap3A_1133] {strides = array<i32>} : memref<40x144xf32, #tpu.memory_space<vmem>>, vector<16xf32>,
        tpu.vector_store %arg14[%swap3A_1132, %swap3A_1133], %mul3A_1131 {strides = array<i32>} : memref<40x144xf32, #tpu.memory_space<vmem>>, vector<16xf32>,
        %get3A_1135 = arith.constant 0 : i32
        %get3A_1136 = arith.index_cast %get3A_1135 : i32 to index
        %get3A_1137 = arith.index_cast %add3A_1027 : i32 to index
        %get3A_1138 = arith.constant 112 : index
        %get3A_1139 = tpu.vector_load %arg13[%get3A_1136, %get3A_1137, %get3A_1138] {strides = array<i32>} : memref<2x40x128xf32, #tpu.memory_space<vmem>>, vector<16xf32>,
        %mul3A_1140 = arith.mulf %gather3A_1029, %get3A_1139 : vector<16xf32>
        %get3A_1141 = arith.constant 0 : i32
        %get3A_1142 = arith.index_cast %get3A_1141 : i32 to index
        %get3A_1143 = arith.index_cast %add3A_1027 : i32 to index
        %get3A_1144 = arith.constant 112 : index
        %get3A_1145 = tpu.vector_load %arg12[%get3A_1142, %get3A_1143, %get3A_1144] {strides = array<i32>} : memref<2x48x160xf32, #tpu.memory_space<vmem>>, vector<16xf32>,
        %mul3A_1146 = arith.mulf %mul3A_1140, %get3A_1145 : vector<16xf32>
        %swap3A_1147 = arith.index_cast %add3A_1027 : i32 to index
        %swap3A_1148 = arith.constant 112 : index
        %swap3A_1149 = tpu.vector_load %arg14[%swap3A_1147, %swap3A_1148] {strides = array<i32>} : memref<40x144xf32, #tpu.memory_space<vmem>>, vector<16xf32>,
        tpu.vector_store %arg14[%swap3A_1147, %swap3A_1148], %mul3A_1146 {strides = array<i32>} : memref<40x144xf32, #tpu.memory_space<vmem>>, vector<16xf32>,
        %eq3A_1150 = arith.constant 0 : i32
        %eq3A_1151 = vector.broadcast %eq3A_1150 : i32 to vector<16xi32>
        %eq3A_1152 = arith.cmpi eq, %iota3A, %eq3A_1151 : vector<16xi32>
        %jit3A_1153 = arith.constant 0.000000e+00 : f32
        %broadcast_in_dim3A_1154 = vector.broadcast %jit3A_1153 : f32 to vector<16xf32>
        %select_n3A_1155 = arith.select %eq3A_1152, %gather3A_1029, %broadcast_in_dim3A_1154 : vector<16xi1>, vector<16xf32>
        %swap3A_1156 = arith.index_cast %add3A_1027 : i32 to index
        %swap3A_1157 = arith.constant 128 : index
        %swap3A_1158 = tpu.vector_load %arg14[%swap3A_1156, %swap3A_1157] {strides = array<i32>} : memref<40x144xf32, #tpu.memory_space<vmem>>, vector<16xf32>,
        tpu.vector_store %arg14[%swap3A_1156, %swap3A_1157], %select_n3A_1155 {strides = array<i32>} : memref<40x144xf32, #tpu.memory_space<vmem>>, vector<16xf32>,
        %add3A_1159 = arith.constant 5 : i32
        %add3A_1160 = arith.addi %mul3A_500, %add3A_1159 : i32
        %broadcast_in_dim3A_1161 = vector.broadcast %add3A_1160 : i32 to vector<16xi32>
        %gather3A_1162 = tpu.vector_load_idx %arg15[%broadcast_in_dim3A_1161] : memref<48xf32, #tpu.memory_space<vmem>>[vector<16xi32>], vector<16xf32>,
        %get3A_1163 = arith.constant 0 : i32
        %get3A_1164 = arith.index_cast %get3A_1163 : i32 to index
        %get3A_1165 = arith.index_cast %add3A_1160 : i32 to index
        %get3A_1166 = arith.constant 0 : index
        %get3A_1167 = tpu.vector_load %arg13[%get3A_1164, %get3A_1165, %get3A_1166] {strides = array<i32>} : memref<2x40x128xf32, #tpu.memory_space<vmem>>, vector<16xf32>,
        %mul3A_1168 = arith.mulf %gather3A_1162, %get3A_1167 : vector<16xf32>
        %get3A_1169 = arith.constant 0 : i32
        %get3A_1170 = arith.index_cast %get3A_1169 : i32 to index
        %get3A_1171 = arith.index_cast %add3A_1160 : i32 to index
        %get3A_1172 = arith.constant 0 : index
        %get3A_1173 = tpu.vector_load %arg12[%get3A_1170, %get3A_1171, %get3A_1172] {strides = array<i32>} : memref<2x48x160xf32, #tpu.memory_space<vmem>>, vector<16xf32>,
        %mul3A_1174 = arith.mulf %mul3A_1168, %get3A_1173 : vector<16xf32>
        %swap3A_1175 = arith.index_cast %add3A_1160 : i32 to index
        %swap3A_1176 = arith.constant 0 : index
        %swap3A_1177 = tpu.vector_load %arg14[%swap3A_1175, %swap3A_1176] {strides = array<i32>} : memref<40x144xf32, #tpu.memory_space<vmem>>, vector<16xf32>,
        tpu.vector_store %arg14[%swap3A_1175, %swap3A_1176], %mul3A_1174 {strides = array<i32>} : memref<40x144xf32, #tpu.memory_space<vmem>>, vector<16xf32>,
        %get3A_1178 = arith.constant 0 : i32
        %get3A_1179 = arith.index_cast %get3A_1178 : i32 to index
        %get3A_1180 = arith.index_cast %add3A_1160 : i32 to index
        %get3A_1181 = arith.constant 16 : index
        %get3A_1182 = tpu.vector_load %arg13[%get3A_1179, %get3A_1180, %get3A_1181] {strides = array<i32>} : memref<2x40x128xf32, #tpu.memory_space<vmem>>, vector<16xf32>,
        %mul3A_1183 = arith.mulf %gather3A_1162, %get3A_1182 : vector<16xf32>
        %get3A_1184 = arith.constant 0 : i32
        %get3A_1185 = arith.index_cast %get3A_1184 : i32 to index
        %get3A_1186 = arith.index_cast %add3A_1160 : i32 to index
        %get3A_1187 = arith.constant 16 : index
        %get3A_1188 = tpu.vector_load %arg12[%get3A_1185, %get3A_1186, %get3A_1187] {strides = array<i32>} : memref<2x48x160xf32, #tpu.memory_space<vmem>>, vector<16xf32>,
        %mul3A_1189 = arith.mulf %mul3A_1183, %get3A_1188 : vector<16xf32>
        %swap3A_1190 = arith.index_cast %add3A_1160 : i32 to index
        %swap3A_1191 = arith.constant 16 : index
        %swap3A_1192 = tpu.vector_load %arg14[%swap3A_1190, %swap3A_1191] {strides = array<i32>} : memref<40x144xf32, #tpu.memory_space<vmem>>, vector<16xf32>,
        tpu.vector_store %arg14[%swap3A_1190, %swap3A_1191], %mul3A_1189 {strides = array<i32>} : memref<40x144xf32, #tpu.memory_space<vmem>>, vector<16xf32>,
        %get3A_1193 = arith.constant 0 : i32
        %get3A_1194 = arith.index_cast %get3A_1193 : i32 to index
        %get3A_1195 = arith.index_cast %add3A_1160 : i32 to index
        %get3A_1196 = arith.constant 32 : index
        %get3A_1197 = tpu.vector_load %arg13[%get3A_1194, %get3A_1195, %get3A_1196] {strides = array<i32>} : memref<2x40x128xf32, #tpu.memory_space<vmem>>, vector<16xf32>,
        %mul3A_1198 = arith.mulf %gather3A_1162, %get3A_1197 : vector<16xf32>
        %get3A_1199 = arith.constant 0 : i32
        %get3A_1200 = arith.index_cast %get3A_1199 : i32 to index
        %get3A_1201 = arith.index_cast %add3A_1160 : i32 to index
        %get3A_1202 = arith.constant 32 : index
        %get3A_1203 = tpu.vector_load %arg12[%get3A_1200, %get3A_1201, %get3A_1202] {strides = array<i32>} : memref<2x48x160xf32, #tpu.memory_space<vmem>>, vector<16xf32>,
        %mul3A_1204 = arith.mulf %mul3A_1198, %get3A_1203 : vector<16xf32>
        %swap3A_1205 = arith.index_cast %add3A_1160 : i32 to index
        %swap3A_1206 = arith.constant 32 : index
        %swap3A_1207 = tpu.vector_load %arg14[%swap3A_1205, %swap3A_1206] {strides = array<i32>} : memref<40x144xf32, #tpu.memory_space<vmem>>, vector<16xf32>,
        tpu.vector_store %arg14[%swap3A_1205, %swap3A_1206], %mul3A_1204 {strides = array<i32>} : memref<40x144xf32, #tpu.memory_space<vmem>>, vector<16xf32>,
        %get3A_1208 = arith.constant 0 : i32
        %get3A_1209 = arith.index_cast %get3A_1208 : i32 to index
        %get3A_1210 = arith.index_cast %add3A_1160 : i32 to index
        %get3A_1211 = arith.constant 48 : index
        %get3A_1212 = tpu.vector_load %arg13[%get3A_1209, %get3A_1210, %get3A_1211] {strides = array<i32>} : memref<2x40x128xf32, #tpu.memory_space<vmem>>, vector<16xf32>,
        %mul3A_1213 = arith.mulf %gather3A_1162, %get3A_1212 : vector<16xf32>
        %get3A_1214 = arith.constant 0 : i32
        %get3A_1215 = arith.index_cast %get3A_1214 : i32 to index
        %get3A_1216 = arith.index_cast %add3A_1160 : i32 to index
        %get3A_1217 = arith.constant 48 : index
        %get3A_1218 = tpu.vector_load %arg12[%get3A_1215, %get3A_1216, %get3A_1217] {strides = array<i32>} : memref<2x48x160xf32, #tpu.memory_space<vmem>>, vector<16xf32>,
        %mul3A_1219 = arith.mulf %mul3A_1213, %get3A_1218 : vector<16xf32>
        %swap3A_1220 = arith.index_cast %add3A_1160 : i32 to index
        %swap3A_1221 = arith.constant 48 : index
        %swap3A_1222 = tpu.vector_load %arg14[%swap3A_1220, %swap3A_1221] {strides = array<i32>} : memref<40x144xf32, #tpu.memory_space<vmem>>, vector<16xf32>,
        tpu.vector_store %arg14[%swap3A_1220, %swap3A_1221], %mul3A_1219 {strides = array<i32>} : memref<40x144xf32, #tpu.memory_space<vmem>>, vector<16xf32>,
        %get3A_1223 = arith.constant 0 : i32
        %get3A_1224 = arith.index_cast %get3A_1223 : i32 to index
        %get3A_1225 = arith.index_cast %add3A_1160 : i32 to index
        %get3A_1226 = arith.constant 64 : index
        %get3A_1227 = tpu.vector_load %arg13[%get3A_1224, %get3A_1225, %get3A_1226] {strides = array<i32>} : memref<2x40x128xf32, #tpu.memory_space<vmem>>, vector<16xf32>,
        %mul3A_1228 = arith.mulf %gather3A_1162, %get3A_1227 : vector<16xf32>
        %get3A_1229 = arith.constant 0 : i32
        %get3A_1230 = arith.index_cast %get3A_1229 : i32 to index
        %get3A_1231 = arith.index_cast %add3A_1160 : i32 to index
        %get3A_1232 = arith.constant 64 : index
        %get3A_1233 = tpu.vector_load %arg12[%get3A_1230, %get3A_1231, %get3A_1232] {strides = array<i32>} : memref<2x48x160xf32, #tpu.memory_space<vmem>>, vector<16xf32>,
        %mul3A_1234 = arith.mulf %mul3A_1228, %get3A_1233 : vector<16xf32>
        %swap3A_1235 = arith.index_cast %add3A_1160 : i32 to index
        %swap3A_1236 = arith.constant 64 : index
        %swap3A_1237 = tpu.vector_load %arg14[%swap3A_1235, %swap3A_1236] {strides = array<i32>} : memref<40x144xf32, #tpu.memory_space<vmem>>, vector<16xf32>,
        tpu.vector_store %arg14[%swap3A_1235, %swap3A_1236], %mul3A_1234 {strides = array<i32>} : memref<40x144xf32, #tpu.memory_space<vmem>>, vector<16xf32>,
        %get3A_1238 = arith.constant 0 : i32
        %get3A_1239 = arith.index_cast %get3A_1238 : i32 to index
        %get3A_1240 = arith.index_cast %add3A_1160 : i32 to index
        %get3A_1241 = arith.constant 80 : index
        %get3A_1242 = tpu.vector_load %arg13[%get3A_1239, %get3A_1240, %get3A_1241] {strides = array<i32>} : memref<2x40x128xf32, #tpu.memory_space<vmem>>, vector<16xf32>,
        %mul3A_1243 = arith.mulf %gather3A_1162, %get3A_1242 : vector<16xf32>
        %get3A_1244 = arith.constant 0 : i32
        %get3A_1245 = arith.index_cast %get3A_1244 : i32 to index
        %get3A_1246 = arith.index_cast %add3A_1160 : i32 to index
        %get3A_1247 = arith.constant 80 : index
        %get3A_1248 = tpu.vector_load %arg12[%get3A_1245, %get3A_1246, %get3A_1247] {strides = array<i32>} : memref<2x48x160xf32, #tpu.memory_space<vmem>>, vector<16xf32>,
        %mul3A_1249 = arith.mulf %mul3A_1243, %get3A_1248 : vector<16xf32>
        %swap3A_1250 = arith.index_cast %add3A_1160 : i32 to index
        %swap3A_1251 = arith.constant 80 : index
        %swap3A_1252 = tpu.vector_load %arg14[%swap3A_1250, %swap3A_1251] {strides = array<i32>} : memref<40x144xf32, #tpu.memory_space<vmem>>, vector<16xf32>,
        tpu.vector_store %arg14[%swap3A_1250, %swap3A_1251], %mul3A_1249 {strides = array<i32>} : memref<40x144xf32, #tpu.memory_space<vmem>>, vector<16xf32>,
        %get3A_1253 = arith.constant 0 : i32
        %get3A_1254 = arith.index_cast %get3A_1253 : i32 to index
        %get3A_1255 = arith.index_cast %add3A_1160 : i32 to index
        %get3A_1256 = arith.constant 96 : index
        %get3A_1257 = tpu.vector_load %arg13[%get3A_1254, %get3A_1255, %get3A_1256] {strides = array<i32>} : memref<2x40x128xf32, #tpu.memory_space<vmem>>, vector<16xf32>,
        %mul3A_1258 = arith.mulf %gather3A_1162, %get3A_1257 : vector<16xf32>
        %get3A_1259 = arith.constant 0 : i32
        %get3A_1260 = arith.index_cast %get3A_1259 : i32 to index
        %get3A_1261 = arith.index_cast %add3A_1160 : i32 to index
        %get3A_1262 = arith.constant 96 : index
        %get3A_1263 = tpu.vector_load %arg12[%get3A_1260, %get3A_1261, %get3A_1262] {strides = array<i32>} : memref<2x48x160xf32, #tpu.memory_space<vmem>>, vector<16xf32>,
        %mul3A_1264 = arith.mulf %mul3A_1258, %get3A_1263 : vector<16xf32>
        %swap3A_1265 = arith.index_cast %add3A_1160 : i32 to index
        %swap3A_1266 = arith.constant 96 : index
        %swap3A_1267 = tpu.vector_load %arg14[%swap3A_1265, %swap3A_1266] {strides = array<i32>} : memref<40x144xf32, #tpu.memory_space<vmem>>, vector<16xf32>,
        tpu.vector_store %arg14[%swap3A_1265, %swap3A_1266], %mul3A_1264 {strides = array<i32>} : memref<40x144xf32, #tpu.memory_space<vmem>>, vector<16xf32>,
        %get3A_1268 = arith.constant 0 : i32
        %get3A_1269 = arith.index_cast %get3A_1268 : i32 to index
        %get3A_1270 = arith.index_cast %add3A_1160 : i32 to index
        %get3A_1271 = arith.constant 112 : index
        %get3A_1272 = tpu.vector_load %arg13[%get3A_1269, %get3A_1270, %get3A_1271] {strides = array<i32>} : memref<2x40x128xf32, #tpu.memory_space<vmem>>, vector<16xf32>,
        %mul3A_1273 = arith.mulf %gather3A_1162, %get3A_1272 : vector<16xf32>
        %get3A_1274 = arith.constant 0 : i32
        %get3A_1275 = arith.index_cast %get3A_1274 : i32 to index
        %get3A_1276 = arith.index_cast %add3A_1160 : i32 to index
        %get3A_1277 = arith.constant 112 : index
        %get3A_1278 = tpu.vector_load %arg12[%get3A_1275, %get3A_1276, %get3A_1277] {strides = array<i32>} : memref<2x48x160xf32, #tpu.memory_space<vmem>>, vector<16xf32>,
        %mul3A_1279 = arith.mulf %mul3A_1273, %get3A_1278 : vector<16xf32>
        %swap3A_1280 = arith.index_cast %add3A_1160 : i32 to index
        %swap3A_1281 = arith.constant 112 : index
        %swap3A_1282 = tpu.vector_load %arg14[%swap3A_1280, %swap3A_1281] {strides = array<i32>} : memref<40x144xf32, #tpu.memory_space<vmem>>, vector<16xf32>,
        tpu.vector_store %arg14[%swap3A_1280, %swap3A_1281], %mul3A_1279 {strides = array<i32>} : memref<40x144xf32, #tpu.memory_space<vmem>>, vector<16xf32>,
        %eq3A_1283 = arith.constant 0 : i32
        %eq3A_1284 = vector.broadcast %eq3A_1283 : i32 to vector<16xi32>
        %eq3A_1285 = arith.cmpi eq, %iota3A, %eq3A_1284 : vector<16xi32>
        %jit3A_1286 = arith.constant 0.000000e+00 : f32
        %broadcast_in_dim3A_1287 = vector.broadcast %jit3A_1286 : f32 to vector<16xf32>
        %select_n3A_1288 = arith.select %eq3A_1285, %gather3A_1162, %broadcast_in_dim3A_1287 : vector<16xi1>, vector<16xf32>
        %swap3A_1289 = arith.index_cast %add3A_1160 : i32 to index
        %swap3A_1290 = arith.constant 128 : index
        %swap3A_1291 = tpu.vector_load %arg14[%swap3A_1289, %swap3A_1290] {strides = array<i32>} : memref<40x144xf32, #tpu.memory_space<vmem>>, vector<16xf32>,
        tpu.vector_store %arg14[%swap3A_1289, %swap3A_1290], %select_n3A_1288 {strides = array<i32>} : memref<40x144xf32, #tpu.memory_space<vmem>>, vector<16xf32>,
        %add3A_1292 = arith.constant 6 : i32
        %add3A_1293 = arith.addi %mul3A_500, %add3A_1292 : i32
        %broadcast_in_dim3A_1294 = vector.broadcast %add3A_1293 : i32 to vector<16xi32>
        %gather3A_1295 = tpu.vector_load_idx %arg15[%broadcast_in_dim3A_1294] : memref<48xf32, #tpu.memory_space<vmem>>[vector<16xi32>], vector<16xf32>,
        %get3A_1296 = arith.constant 0 : i32
        %get3A_1297 = arith.index_cast %get3A_1296 : i32 to index
        %get3A_1298 = arith.index_cast %add3A_1293 : i32 to index
        %get3A_1299 = arith.constant 0 : index
        %get3A_1300 = tpu.vector_load %arg13[%get3A_1297, %get3A_1298, %get3A_1299] {strides = array<i32>} : memref<2x40x128xf32, #tpu.memory_space<vmem>>, vector<16xf32>,
        %mul3A_1301 = arith.mulf %gather3A_1295, %get3A_1300 : vector<16xf32>
        %get3A_1302 = arith.constant 0 : i32
        %get3A_1303 = arith.index_cast %get3A_1302 : i32 to index
        %get3A_1304 = arith.index_cast %add3A_1293 : i32 to index
        %get3A_1305 = arith.constant 0 : index
        %get3A_1306 = tpu.vector_load %arg12[%get3A_1303, %get3A_1304, %get3A_1305] {strides = array<i32>} : memref<2x48x160xf32, #tpu.memory_space<vmem>>, vector<16xf32>,
        %mul3A_1307 = arith.mulf %mul3A_1301, %get3A_1306 : vector<16xf32>
        %swap3A_1308 = arith.index_cast %add3A_1293 : i32 to index
        %swap3A_1309 = arith.constant 0 : index
        %swap3A_1310 = tpu.vector_load %arg14[%swap3A_1308, %swap3A_1309] {strides = array<i32>} : memref<40x144xf32, #tpu.memory_space<vmem>>, vector<16xf32>,
        tpu.vector_store %arg14[%swap3A_1308, %swap3A_1309], %mul3A_1307 {strides = array<i32>} : memref<40x144xf32, #tpu.memory_space<vmem>>, vector<16xf32>,
        %get3A_1311 = arith.constant 0 : i32
        %get3A_1312 = arith.index_cast %get3A_1311 : i32 to index
        %get3A_1313 = arith.index_cast %add3A_1293 : i32 to index
        %get3A_1314 = arith.constant 16 : index
        %get3A_1315 = tpu.vector_load %arg13[%get3A_1312, %get3A_1313, %get3A_1314] {strides = array<i32>} : memref<2x40x128xf32, #tpu.memory_space<vmem>>, vector<16xf32>,
        %mul3A_1316 = arith.mulf %gather3A_1295, %get3A_1315 : vector<16xf32>
        %get3A_1317 = arith.constant 0 : i32
        %get3A_1318 = arith.index_cast %get3A_1317 : i32 to index
        %get3A_1319 = arith.index_cast %add3A_1293 : i32 to index
        %get3A_1320 = arith.constant 16 : index
        %get3A_1321 = tpu.vector_load %arg12[%get3A_1318, %get3A_1319, %get3A_1320] {strides = array<i32>} : memref<2x48x160xf32, #tpu.memory_space<vmem>>, vector<16xf32>,
        %mul3A_1322 = arith.mulf %mul3A_1316, %get3A_1321 : vector<16xf32>
        %swap3A_1323 = arith.index_cast %add3A_1293 : i32 to index
        %swap3A_1324 = arith.constant 16 : index
        %swap3A_1325 = tpu.vector_load %arg14[%swap3A_1323, %swap3A_1324] {strides = array<i32>} : memref<40x144xf32, #tpu.memory_space<vmem>>, vector<16xf32>,
        tpu.vector_store %arg14[%swap3A_1323, %swap3A_1324], %mul3A_1322 {strides = array<i32>} : memref<40x144xf32, #tpu.memory_space<vmem>>, vector<16xf32>,
        %get3A_1326 = arith.constant 0 : i32
        %get3A_1327 = arith.index_cast %get3A_1326 : i32 to index
        %get3A_1328 = arith.index_cast %add3A_1293 : i32 to index
        %get3A_1329 = arith.constant 32 : index
        %get3A_1330 = tpu.vector_load %arg13[%get3A_1327, %get3A_1328, %get3A_1329] {strides = array<i32>} : memref<2x40x128xf32, #tpu.memory_space<vmem>>, vector<16xf32>,
        %mul3A_1331 = arith.mulf %gather3A_1295, %get3A_1330 : vector<16xf32>
        %get3A_1332 = arith.constant 0 : i32
        %get3A_1333 = arith.index_cast %get3A_1332 : i32 to index
        %get3A_1334 = arith.index_cast %add3A_1293 : i32 to index
        %get3A_1335 = arith.constant 32 : index
        %get3A_1336 = tpu.vector_load %arg12[%get3A_1333, %get3A_1334, %get3A_1335] {strides = array<i32>} : memref<2x48x160xf32, #tpu.memory_space<vmem>>, vector<16xf32>,
        %mul3A_1337 = arith.mulf %mul3A_1331, %get3A_1336 : vector<16xf32>
        %swap3A_1338 = arith.index_cast %add3A_1293 : i32 to index
        %swap3A_1339 = arith.constant 32 : index
        %swap3A_1340 = tpu.vector_load %arg14[%swap3A_1338, %swap3A_1339] {strides = array<i32>} : memref<40x144xf32, #tpu.memory_space<vmem>>, vector<16xf32>,
        tpu.vector_store %arg14[%swap3A_1338, %swap3A_1339], %mul3A_1337 {strides = array<i32>} : memref<40x144xf32, #tpu.memory_space<vmem>>, vector<16xf32>,
        %get3A_1341 = arith.constant 0 : i32
        %get3A_1342 = arith.index_cast %get3A_1341 : i32 to index
        %get3A_1343 = arith.index_cast %add3A_1293 : i32 to index
        %get3A_1344 = arith.constant 48 : index
        %get3A_1345 = tpu.vector_load %arg13[%get3A_1342, %get3A_1343, %get3A_1344] {strides = array<i32>} : memref<2x40x128xf32, #tpu.memory_space<vmem>>, vector<16xf32>,
        %mul3A_1346 = arith.mulf %gather3A_1295, %get3A_1345 : vector<16xf32>
        %get3A_1347 = arith.constant 0 : i32
        %get3A_1348 = arith.index_cast %get3A_1347 : i32 to index
        %get3A_1349 = arith.index_cast %add3A_1293 : i32 to index
        %get3A_1350 = arith.constant 48 : index
        %get3A_1351 = tpu.vector_load %arg12[%get3A_1348, %get3A_1349, %get3A_1350] {strides = array<i32>} : memref<2x48x160xf32, #tpu.memory_space<vmem>>, vector<16xf32>,
        %mul3A_1352 = arith.mulf %mul3A_1346, %get3A_1351 : vector<16xf32>
        %swap3A_1353 = arith.index_cast %add3A_1293 : i32 to index
        %swap3A_1354 = arith.constant 48 : index
        %swap3A_1355 = tpu.vector_load %arg14[%swap3A_1353, %swap3A_1354] {strides = array<i32>} : memref<40x144xf32, #tpu.memory_space<vmem>>, vector<16xf32>,
        tpu.vector_store %arg14[%swap3A_1353, %swap3A_1354], %mul3A_1352 {strides = array<i32>} : memref<40x144xf32, #tpu.memory_space<vmem>>, vector<16xf32>,
        %get3A_1356 = arith.constant 0 : i32
        %get3A_1357 = arith.index_cast %get3A_1356 : i32 to index
        %get3A_1358 = arith.index_cast %add3A_1293 : i32 to index
        %get3A_1359 = arith.constant 64 : index
        %get3A_1360 = tpu.vector_load %arg13[%get3A_1357, %get3A_1358, %get3A_1359] {strides = array<i32>} : memref<2x40x128xf32, #tpu.memory_space<vmem>>, vector<16xf32>,
        %mul3A_1361 = arith.mulf %gather3A_1295, %get3A_1360 : vector<16xf32>
        %get3A_1362 = arith.constant 0 : i32
        %get3A_1363 = arith.index_cast %get3A_1362 : i32 to index
        %get3A_1364 = arith.index_cast %add3A_1293 : i32 to index
        %get3A_1365 = arith.constant 64 : index
        %get3A_1366 = tpu.vector_load %arg12[%get3A_1363, %get3A_1364, %get3A_1365] {strides = array<i32>} : memref<2x48x160xf32, #tpu.memory_space<vmem>>, vector<16xf32>,
        %mul3A_1367 = arith.mulf %mul3A_1361, %get3A_1366 : vector<16xf32>
        %swap3A_1368 = arith.index_cast %add3A_1293 : i32 to index
        %swap3A_1369 = arith.constant 64 : index
        %swap3A_1370 = tpu.vector_load %arg14[%swap3A_1368, %swap3A_1369] {strides = array<i32>} : memref<40x144xf32, #tpu.memory_space<vmem>>, vector<16xf32>,
        tpu.vector_store %arg14[%swap3A_1368, %swap3A_1369], %mul3A_1367 {strides = array<i32>} : memref<40x144xf32, #tpu.memory_space<vmem>>, vector<16xf32>,
        %get3A_1371 = arith.constant 0 : i32
        %get3A_1372 = arith.index_cast %get3A_1371 : i32 to index
        %get3A_1373 = arith.index_cast %add3A_1293 : i32 to index
        %get3A_1374 = arith.constant 80 : index
        %get3A_1375 = tpu.vector_load %arg13[%get3A_1372, %get3A_1373, %get3A_1374] {strides = array<i32>} : memref<2x40x128xf32, #tpu.memory_space<vmem>>, vector<16xf32>,
        %mul3A_1376 = arith.mulf %gather3A_1295, %get3A_1375 : vector<16xf32>
        %get3A_1377 = arith.constant 0 : i32
        %get3A_1378 = arith.index_cast %get3A_1377 : i32 to index
        %get3A_1379 = arith.index_cast %add3A_1293 : i32 to index
        %get3A_1380 = arith.constant 80 : index
        %get3A_1381 = tpu.vector_load %arg12[%get3A_1378, %get3A_1379, %get3A_1380] {strides = array<i32>} : memref<2x48x160xf32, #tpu.memory_space<vmem>>, vector<16xf32>,
        %mul3A_1382 = arith.mulf %mul3A_1376, %get3A_1381 : vector<16xf32>
        %swap3A_1383 = arith.index_cast %add3A_1293 : i32 to index
        %swap3A_1384 = arith.constant 80 : index
        %swap3A_1385 = tpu.vector_load %arg14[%swap3A_1383, %swap3A_1384] {strides = array<i32>} : memref<40x144xf32, #tpu.memory_space<vmem>>, vector<16xf32>,
        tpu.vector_store %arg14[%swap3A_1383, %swap3A_1384], %mul3A_1382 {strides = array<i32>} : memref<40x144xf32, #tpu.memory_space<vmem>>, vector<16xf32>,
        %get3A_1386 = arith.constant 0 : i32
        %get3A_1387 = arith.index_cast %get3A_1386 : i32 to index
        %get3A_1388 = arith.index_cast %add3A_1293 : i32 to index
        %get3A_1389 = arith.constant 96 : index
        %get3A_1390 = tpu.vector_load %arg13[%get3A_1387, %get3A_1388, %get3A_1389] {strides = array<i32>} : memref<2x40x128xf32, #tpu.memory_space<vmem>>, vector<16xf32>,
        %mul3A_1391 = arith.mulf %gather3A_1295, %get3A_1390 : vector<16xf32>
        %get3A_1392 = arith.constant 0 : i32
        %get3A_1393 = arith.index_cast %get3A_1392 : i32 to index
        %get3A_1394 = arith.index_cast %add3A_1293 : i32 to index
        %get3A_1395 = arith.constant 96 : index
        %get3A_1396 = tpu.vector_load %arg12[%get3A_1393, %get3A_1394, %get3A_1395] {strides = array<i32>} : memref<2x48x160xf32, #tpu.memory_space<vmem>>, vector<16xf32>,
        %mul3A_1397 = arith.mulf %mul3A_1391, %get3A_1396 : vector<16xf32>
        %swap3A_1398 = arith.index_cast %add3A_1293 : i32 to index
        %swap3A_1399 = arith.constant 96 : index
        %swap3A_1400 = tpu.vector_load %arg14[%swap3A_1398, %swap3A_1399] {strides = array<i32>} : memref<40x144xf32, #tpu.memory_space<vmem>>, vector<16xf32>,
        tpu.vector_store %arg14[%swap3A_1398, %swap3A_1399], %mul3A_1397 {strides = array<i32>} : memref<40x144xf32, #tpu.memory_space<vmem>>, vector<16xf32>,
        %get3A_1401 = arith.constant 0 : i32
        %get3A_1402 = arith.index_cast %get3A_1401 : i32 to index
        %get3A_1403 = arith.index_cast %add3A_1293 : i32 to index
        %get3A_1404 = arith.constant 112 : index
        %get3A_1405 = tpu.vector_load %arg13[%get3A_1402, %get3A_1403, %get3A_1404] {strides = array<i32>} : memref<2x40x128xf32, #tpu.memory_space<vmem>>, vector<16xf32>,
        %mul3A_1406 = arith.mulf %gather3A_1295, %get3A_1405 : vector<16xf32>
        %get3A_1407 = arith.constant 0 : i32
        %get3A_1408 = arith.index_cast %get3A_1407 : i32 to index
        %get3A_1409 = arith.index_cast %add3A_1293 : i32 to index
        %get3A_1410 = arith.constant 112 : index
        %get3A_1411 = tpu.vector_load %arg12[%get3A_1408, %get3A_1409, %get3A_1410] {strides = array<i32>} : memref<2x48x160xf32, #tpu.memory_space<vmem>>, vector<16xf32>,
        %mul3A_1412 = arith.mulf %mul3A_1406, %get3A_1411 : vector<16xf32>
        %swap3A_1413 = arith.index_cast %add3A_1293 : i32 to index
        %swap3A_1414 = arith.constant 112 : index
        %swap3A_1415 = tpu.vector_load %arg14[%swap3A_1413, %swap3A_1414] {strides = array<i32>} : memref<40x144xf32, #tpu.memory_space<vmem>>, vector<16xf32>,
        tpu.vector_store %arg14[%swap3A_1413, %swap3A_1414], %mul3A_1412 {strides = array<i32>} : memref<40x144xf32, #tpu.memory_space<vmem>>, vector<16xf32>,
        %eq3A_1416 = arith.constant 0 : i32
        %eq3A_1417 = vector.broadcast %eq3A_1416 : i32 to vector<16xi32>
        %eq3A_1418 = arith.cmpi eq, %iota3A, %eq3A_1417 : vector<16xi32>
        %jit3A_1419 = arith.constant 0.000000e+00 : f32
        %broadcast_in_dim3A_1420 = vector.broadcast %jit3A_1419 : f32 to vector<16xf32>
        %select_n3A_1421 = arith.select %eq3A_1418, %gather3A_1295, %broadcast_in_dim3A_1420 : vector<16xi1>, vector<16xf32>
        %swap3A_1422 = arith.index_cast %add3A_1293 : i32 to index
        %swap3A_1423 = arith.constant 128 : index
        %swap3A_1424 = tpu.vector_load %arg14[%swap3A_1422, %swap3A_1423] {strides = array<i32>} : memref<40x144xf32, #tpu.memory_space<vmem>>, vector<16xf32>,
        tpu.vector_store %arg14[%swap3A_1422, %swap3A_1423], %select_n3A_1421 {strides = array<i32>} : memref<40x144xf32, #tpu.memory_space<vmem>>, vector<16xf32>,
        %add3A_1425 = arith.constant 7 : i32
        %add3A_1426 = arith.addi %mul3A_500, %add3A_1425 : i32
        %broadcast_in_dim3A_1427 = vector.broadcast %add3A_1426 : i32 to vector<16xi32>
        %gather3A_1428 = tpu.vector_load_idx %arg15[%broadcast_in_dim3A_1427] : memref<48xf32, #tpu.memory_space<vmem>>[vector<16xi32>], vector<16xf32>,
        %get3A_1429 = arith.constant 0 : i32
        %get3A_1430 = arith.index_cast %get3A_1429 : i32 to index
        %get3A_1431 = arith.index_cast %add3A_1426 : i32 to index
        %get3A_1432 = arith.constant 0 : index
        %get3A_1433 = tpu.vector_load %arg13[%get3A_1430, %get3A_1431, %get3A_1432] {strides = array<i32>} : memref<2x40x128xf32, #tpu.memory_space<vmem>>, vector<16xf32>,
        %mul3A_1434 = arith.mulf %gather3A_1428, %get3A_1433 : vector<16xf32>
        %get3A_1435 = arith.constant 0 : i32
        %get3A_1436 = arith.index_cast %get3A_1435 : i32 to index
        %get3A_1437 = arith.index_cast %add3A_1426 : i32 to index
        %get3A_1438 = arith.constant 0 : index
        %get3A_1439 = tpu.vector_load %arg12[%get3A_1436, %get3A_1437, %get3A_1438] {strides = array<i32>} : memref<2x48x160xf32, #tpu.memory_space<vmem>>, vector<16xf32>,
        %mul3A_1440 = arith.mulf %mul3A_1434, %get3A_1439 : vector<16xf32>
        %swap3A_1441 = arith.index_cast %add3A_1426 : i32 to index
        %swap3A_1442 = arith.constant 0 : index
        %swap3A_1443 = tpu.vector_load %arg14[%swap3A_1441, %swap3A_1442] {strides = array<i32>} : memref<40x144xf32, #tpu.memory_space<vmem>>, vector<16xf32>,
        tpu.vector_store %arg14[%swap3A_1441, %swap3A_1442], %mul3A_1440 {strides = array<i32>} : memref<40x144xf32, #tpu.memory_space<vmem>>, vector<16xf32>,
        %get3A_1444 = arith.constant 0 : i32
        %get3A_1445 = arith.index_cast %get3A_1444 : i32 to index
        %get3A_1446 = arith.index_cast %add3A_1426 : i32 to index
        %get3A_1447 = arith.constant 16 : index
        %get3A_1448 = tpu.vector_load %arg13[%get3A_1445, %get3A_1446, %get3A_1447] {strides = array<i32>} : memref<2x40x128xf32, #tpu.memory_space<vmem>>, vector<16xf32>,
        %mul3A_1449 = arith.mulf %gather3A_1428, %get3A_1448 : vector<16xf32>
        %get3A_1450 = arith.constant 0 : i32
        %get3A_1451 = arith.index_cast %get3A_1450 : i32 to index
        %get3A_1452 = arith.index_cast %add3A_1426 : i32 to index
        %get3A_1453 = arith.constant 16 : index
        %get3A_1454 = tpu.vector_load %arg12[%get3A_1451, %get3A_1452, %get3A_1453] {strides = array<i32>} : memref<2x48x160xf32, #tpu.memory_space<vmem>>, vector<16xf32>,
        %mul3A_1455 = arith.mulf %mul3A_1449, %get3A_1454 : vector<16xf32>
        %swap3A_1456 = arith.index_cast %add3A_1426 : i32 to index
        %swap3A_1457 = arith.constant 16 : index
        %swap3A_1458 = tpu.vector_load %arg14[%swap3A_1456, %swap3A_1457] {strides = array<i32>} : memref<40x144xf32, #tpu.memory_space<vmem>>, vector<16xf32>,
        tpu.vector_store %arg14[%swap3A_1456, %swap3A_1457], %mul3A_1455 {strides = array<i32>} : memref<40x144xf32, #tpu.memory_space<vmem>>, vector<16xf32>,
        %get3A_1459 = arith.constant 0 : i32
        %get3A_1460 = arith.index_cast %get3A_1459 : i32 to index
        %get3A_1461 = arith.index_cast %add3A_1426 : i32 to index
        %get3A_1462 = arith.constant 32 : index
        %get3A_1463 = tpu.vector_load %arg13[%get3A_1460, %get3A_1461, %get3A_1462] {strides = array<i32>} : memref<2x40x128xf32, #tpu.memory_space<vmem>>, vector<16xf32>,
        %mul3A_1464 = arith.mulf %gather3A_1428, %get3A_1463 : vector<16xf32>
        %get3A_1465 = arith.constant 0 : i32
        %get3A_1466 = arith.index_cast %get3A_1465 : i32 to index
        %get3A_1467 = arith.index_cast %add3A_1426 : i32 to index
        %get3A_1468 = arith.constant 32 : index
        %get3A_1469 = tpu.vector_load %arg12[%get3A_1466, %get3A_1467, %get3A_1468] {strides = array<i32>} : memref<2x48x160xf32, #tpu.memory_space<vmem>>, vector<16xf32>,
        %mul3A_1470 = arith.mulf %mul3A_1464, %get3A_1469 : vector<16xf32>
        %swap3A_1471 = arith.index_cast %add3A_1426 : i32 to index
        %swap3A_1472 = arith.constant 32 : index
        %swap3A_1473 = tpu.vector_load %arg14[%swap3A_1471, %swap3A_1472] {strides = array<i32>} : memref<40x144xf32, #tpu.memory_space<vmem>>, vector<16xf32>,
        tpu.vector_store %arg14[%swap3A_1471, %swap3A_1472], %mul3A_1470 {strides = array<i32>} : memref<40x144xf32, #tpu.memory_space<vmem>>, vector<16xf32>,
        %get3A_1474 = arith.constant 0 : i32
        %get3A_1475 = arith.index_cast %get3A_1474 : i32 to index
        %get3A_1476 = arith.index_cast %add3A_1426 : i32 to index
        %get3A_1477 = arith.constant 48 : index
        %get3A_1478 = tpu.vector_load %arg13[%get3A_1475, %get3A_1476, %get3A_1477] {strides = array<i32>} : memref<2x40x128xf32, #tpu.memory_space<vmem>>, vector<16xf32>,
        %mul3A_1479 = arith.mulf %gather3A_1428, %get3A_1478 : vector<16xf32>
        %get3A_1480 = arith.constant 0 : i32
        %get3A_1481 = arith.index_cast %get3A_1480 : i32 to index
        %get3A_1482 = arith.index_cast %add3A_1426 : i32 to index
        %get3A_1483 = arith.constant 48 : index
        %get3A_1484 = tpu.vector_load %arg12[%get3A_1481, %get3A_1482, %get3A_1483] {strides = array<i32>} : memref<2x48x160xf32, #tpu.memory_space<vmem>>, vector<16xf32>,
        %mul3A_1485 = arith.mulf %mul3A_1479, %get3A_1484 : vector<16xf32>
        %swap3A_1486 = arith.index_cast %add3A_1426 : i32 to index
        %swap3A_1487 = arith.constant 48 : index
        %swap3A_1488 = tpu.vector_load %arg14[%swap3A_1486, %swap3A_1487] {strides = array<i32>} : memref<40x144xf32, #tpu.memory_space<vmem>>, vector<16xf32>,
        tpu.vector_store %arg14[%swap3A_1486, %swap3A_1487], %mul3A_1485 {strides = array<i32>} : memref<40x144xf32, #tpu.memory_space<vmem>>, vector<16xf32>,
        %get3A_1489 = arith.constant 0 : i32
        %get3A_1490 = arith.index_cast %get3A_1489 : i32 to index
        %get3A_1491 = arith.index_cast %add3A_1426 : i32 to index
        %get3A_1492 = arith.constant 64 : index
        %get3A_1493 = tpu.vector_load %arg13[%get3A_1490, %get3A_1491, %get3A_1492] {strides = array<i32>} : memref<2x40x128xf32, #tpu.memory_space<vmem>>, vector<16xf32>,
        %mul3A_1494 = arith.mulf %gather3A_1428, %get3A_1493 : vector<16xf32>
        %get3A_1495 = arith.constant 0 : i32
        %get3A_1496 = arith.index_cast %get3A_1495 : i32 to index
        %get3A_1497 = arith.index_cast %add3A_1426 : i32 to index
        %get3A_1498 = arith.constant 64 : index
        %get3A_1499 = tpu.vector_load %arg12[%get3A_1496, %get3A_1497, %get3A_1498] {strides = array<i32>} : memref<2x48x160xf32, #tpu.memory_space<vmem>>, vector<16xf32>,
        %mul3A_1500 = arith.mulf %mul3A_1494, %get3A_1499 : vector<16xf32>
        %swap3A_1501 = arith.index_cast %add3A_1426 : i32 to index
        %swap3A_1502 = arith.constant 64 : index
        %swap3A_1503 = tpu.vector_load %arg14[%swap3A_1501, %swap3A_1502] {strides = array<i32>} : memref<40x144xf32, #tpu.memory_space<vmem>>, vector<16xf32>,
        tpu.vector_store %arg14[%swap3A_1501, %swap3A_1502], %mul3A_1500 {strides = array<i32>} : memref<40x144xf32, #tpu.memory_space<vmem>>, vector<16xf32>,
        %get3A_1504 = arith.constant 0 : i32
        %get3A_1505 = arith.index_cast %get3A_1504 : i32 to index
        %get3A_1506 = arith.index_cast %add3A_1426 : i32 to index
        %get3A_1507 = arith.constant 80 : index
        %get3A_1508 = tpu.vector_load %arg13[%get3A_1505, %get3A_1506, %get3A_1507] {strides = array<i32>} : memref<2x40x128xf32, #tpu.memory_space<vmem>>, vector<16xf32>,
        %mul3A_1509 = arith.mulf %gather3A_1428, %get3A_1508 : vector<16xf32>
        %get3A_1510 = arith.constant 0 : i32
        %get3A_1511 = arith.index_cast %get3A_1510 : i32 to index
        %get3A_1512 = arith.index_cast %add3A_1426 : i32 to index
        %get3A_1513 = arith.constant 80 : index
        %get3A_1514 = tpu.vector_load %arg12[%get3A_1511, %get3A_1512, %get3A_1513] {strides = array<i32>} : memref<2x48x160xf32, #tpu.memory_space<vmem>>, vector<16xf32>,
        %mul3A_1515 = arith.mulf %mul3A_1509, %get3A_1514 : vector<16xf32>
        %swap3A_1516 = arith.index_cast %add3A_1426 : i32 to index
        %swap3A_1517 = arith.constant 80 : index
        %swap3A_1518 = tpu.vector_load %arg14[%swap3A_1516, %swap3A_1517] {strides = array<i32>} : memref<40x144xf32, #tpu.memory_space<vmem>>, vector<16xf32>,
        tpu.vector_store %arg14[%swap3A_1516, %swap3A_1517], %mul3A_1515 {strides = array<i32>} : memref<40x144xf32, #tpu.memory_space<vmem>>, vector<16xf32>,
        %get3A_1519 = arith.constant 0 : i32
        %get3A_1520 = arith.index_cast %get3A_1519 : i32 to index
        %get3A_1521 = arith.index_cast %add3A_1426 : i32 to index
        %get3A_1522 = arith.constant 96 : index
        %get3A_1523 = tpu.vector_load %arg13[%get3A_1520, %get3A_1521, %get3A_1522] {strides = array<i32>} : memref<2x40x128xf32, #tpu.memory_space<vmem>>, vector<16xf32>,
        %mul3A_1524 = arith.mulf %gather3A_1428, %get3A_1523 : vector<16xf32>
        %get3A_1525 = arith.constant 0 : i32
        %get3A_1526 = arith.index_cast %get3A_1525 : i32 to index
        %get3A_1527 = arith.index_cast %add3A_1426 : i32 to index
        %get3A_1528 = arith.constant 96 : index
        %get3A_1529 = tpu.vector_load %arg12[%get3A_1526, %get3A_1527, %get3A_1528] {strides = array<i32>} : memref<2x48x160xf32, #tpu.memory_space<vmem>>, vector<16xf32>,
        %mul3A_1530 = arith.mulf %mul3A_1524, %get3A_1529 : vector<16xf32>
        %swap3A_1531 = arith.index_cast %add3A_1426 : i32 to index
        %swap3A_1532 = arith.constant 96 : index
        %swap3A_1533 = tpu.vector_load %arg14[%swap3A_1531, %swap3A_1532] {strides = array<i32>} : memref<40x144xf32, #tpu.memory_space<vmem>>, vector<16xf32>,
        tpu.vector_store %arg14[%swap3A_1531, %swap3A_1532], %mul3A_1530 {strides = array<i32>} : memref<40x144xf32, #tpu.memory_space<vmem>>, vector<16xf32>,
        %get3A_1534 = arith.constant 0 : i32
        %get3A_1535 = arith.index_cast %get3A_1534 : i32 to index
        %get3A_1536 = arith.index_cast %add3A_1426 : i32 to index
        %get3A_1537 = arith.constant 112 : index
        %get3A_1538 = tpu.vector_load %arg13[%get3A_1535, %get3A_1536, %get3A_1537] {strides = array<i32>} : memref<2x40x128xf32, #tpu.memory_space<vmem>>, vector<16xf32>,
        %mul3A_1539 = arith.mulf %gather3A_1428, %get3A_1538 : vector<16xf32>
        %get3A_1540 = arith.constant 0 : i32
        %get3A_1541 = arith.index_cast %get3A_1540 : i32 to index
        %get3A_1542 = arith.index_cast %add3A_1426 : i32 to index
        %get3A_1543 = arith.constant 112 : index
        %get3A_1544 = tpu.vector_load %arg12[%get3A_1541, %get3A_1542, %get3A_1543] {strides = array<i32>} : memref<2x48x160xf32, #tpu.memory_space<vmem>>, vector<16xf32>,
        %mul3A_1545 = arith.mulf %mul3A_1539, %get3A_1544 : vector<16xf32>
        %swap3A_1546 = arith.index_cast %add3A_1426 : i32 to index
        %swap3A_1547 = arith.constant 112 : index
        %swap3A_1548 = tpu.vector_load %arg14[%swap3A_1546, %swap3A_1547] {strides = array<i32>} : memref<40x144xf32, #tpu.memory_space<vmem>>, vector<16xf32>,
        tpu.vector_store %arg14[%swap3A_1546, %swap3A_1547], %mul3A_1545 {strides = array<i32>} : memref<40x144xf32, #tpu.memory_space<vmem>>, vector<16xf32>,
        %eq3A_1549 = arith.constant 0 : i32
        %eq3A_1550 = vector.broadcast %eq3A_1549 : i32 to vector<16xi32>
        %eq3A_1551 = arith.cmpi eq, %iota3A, %eq3A_1550 : vector<16xi32>
        %jit3A_1552 = arith.constant 0.000000e+00 : f32
        %broadcast_in_dim3A_1553 = vector.broadcast %jit3A_1552 : f32 to vector<16xf32>
        %select_n3A_1554 = arith.select %eq3A_1551, %gather3A_1428, %broadcast_in_dim3A_1553 : vector<16xi1>, vector<16xf32>
        %swap3A_1555 = arith.index_cast %add3A_1426 : i32 to index
        %swap3A_1556 = arith.constant 128 : index
        %swap3A_1557 = tpu.vector_load %arg14[%swap3A_1555, %swap3A_1556] {strides = array<i32>} : memref<40x144xf32, #tpu.memory_space<vmem>>, vector<16xf32>,
        tpu.vector_store %arg14[%swap3A_1555, %swap3A_1556], %select_n3A_1554 {strides = array<i32>} : memref<40x144xf32, #tpu.memory_space<vmem>>, vector<16xf32>,
      }
      %scan3A_304 = arith.constant 5 : i32
      %run_scoped3A_305 = arith.constant 0 : i32
      %run_scoped3A_306 = arith.constant 1 : i32
      "tpu.region"() ({
        %run_scoped3A_498 = tpu.sem_alloc : memref<!tpu.dma_semaphore, #tpu.memory_space<semaphore_mem>>
        %dma_start3A_499 = arith.constant 0 : i32
        %dma_start3A_500 = tpu.memref_slice %arg9[%run_scoped3A_305, %run_scoped3A_306, %dma_start3A_499] : memref<2x2x40xi32, #tpu.memory_space<vmem>> -> memref<1x1x40xi32, #tpu.memory_space<vmem>>
        %dma_start3A_501 = tpu.memref_squeeze %dma_start3A_500 : memref<1x1x40xi32, #tpu.memory_space<vmem>> -> memref<40xi32, #tpu.memory_space<vmem>>
        %dma_start3A_502 = arith.constant 0 : i32
        %dma_start3A_503 = arith.constant 0 : i32
        %dma_start3A_504 = tpu.memref_slice %arg17[%dma_start3A_502, %dma_start3A_503] : memref<10000x144xf32, #tpu.memory_space<vmem_shared>> -> memref<10000x144xf32, #tpu.memory_space<vmem_shared>>
        tpu.enqueue_indirect_dma source(%arg14 : memref<40x144xf32, #tpu.memory_space<vmem>>) target(%dma_start3A_504 : memref<10000x144xf32, #tpu.memory_space<vmem_shared>>) offsets(%dma_start3A_501 : memref<40xi32, #tpu.memory_space<vmem>>) semaphore(%run_scoped3A_498 : memref<!tpu.dma_semaphore, #tpu.memory_space<semaphore_mem>>) {add = true}
        %dma_wait3A_505 = arith.constant 0 : i32
        %dma_wait3A_506 = tpu.memref_slice %arg9[%run_scoped3A_305, %run_scoped3A_306, %dma_wait3A_505] : memref<2x2x40xi32, #tpu.memory_space<vmem>> -> memref<1x1x40xi32, #tpu.memory_space<vmem>>
        %dma_wait3A_507 = tpu.memref_squeeze %dma_wait3A_506 : memref<1x1x40xi32, #tpu.memory_space<vmem>> -> memref<40xi32, #tpu.memory_space<vmem>>
        %dma_wait3A_508 = arith.constant 0 : i32
        %dma_wait3A_509 = arith.constant 0 : i32
        %dma_wait3A_510 = tpu.memref_slice %arg17[%dma_wait3A_508, %dma_wait3A_509] : memref<10000x144xf32, #tpu.memory_space<vmem_shared>> -> memref<10000x144xf32, #tpu.memory_space<vmem_shared>>
        tpu.wait_indirect_dma semaphore(%run_scoped3A_498 : memref<!tpu.dma_semaphore, #tpu.memory_space<semaphore_mem>>) src(%arg14 : memref<40x144xf32, #tpu.memory_space<vmem>>) dst(%dma_wait3A_510 : memref<10000x144xf32, #tpu.memory_space<vmem_shared>>)
        tpu.yield
      }) : () -> ()
      %add3A_307 = arith.constant 2 : i32
      %add3A_308 = arith.addi %add3A_236, %add3A_307 : i32
      %min3A = arith.constant 249 : i32
      %min3A_309 = arith.minsi %add3A_308, %min3A : i32
      %mul3A_310 = arith.constant 40 : i32
      %mul3A_311 = arith.muli %min3A_309, %mul3A_310 : i32
      %add3A_312 = arith.addi %add3A, %mul3A_311 : i32
      %run_scoped3A_313 = arith.constant 0 : i32
      "tpu.region"() ({
        %run_scoped3A_498 = tpu.sem_alloc : memref<!tpu.dma_semaphore, #tpu.memory_space<semaphore_mem>>
        %dma_start3A_499 = arith.constant 0 : i32
        %dma_start3A_500 = arith.constant 0 : i32
        %dma_start3A_501 = tpu.memref_slice %arg9[%run_scoped3A_313, %dma_start3A_499, %dma_start3A_500] : memref<2x2x40xi32, #tpu.memory_space<vmem>> -> memref<1x2x40xi32, #tpu.memory_space<vmem>>
        %dma_start3A_502 = tpu.memref_squeeze %dma_start3A_501 : memref<1x2x40xi32, #tpu.memory_space<vmem>> -> memref<2x40xi32, #tpu.memory_space<vmem>>
        %dma_start3A_503 = arith.constant 0 : i32
        %dma_start3A_504 = arith.constant 0 : i32
        %dma_start3A_505 = tpu.memref_slice %arg2[%arg0, %arg1, %min3A_309, %dma_start3A_503, %dma_start3A_504] : memref<2x16x250x2x40xi32, #tpu.memory_space<hbm>> -> memref<1x1x1x2x40xi32, #tpu.memory_space<hbm>>
        %dma_start3A_506 = tpu.memref_squeeze %dma_start3A_505 : memref<1x1x1x2x40xi32, #tpu.memory_space<hbm>> -> memref<2x40xi32, #tpu.memory_space<hbm>>
        %dma_start3A_507 = arith.constant 0 : i32
        %dma_start3A_508 = arith.constant 0 : i32
        %dma_start3A_509 = tpu.memref_slice %arg9[%run_scoped3A_313, %dma_start3A_507, %dma_start3A_508] : memref<2x2x40xi32, #tpu.memory_space<vmem>> -> memref<1x2x40xi32, #tpu.memory_space<vmem>>
        %dma_start3A_510 = tpu.memref_squeeze %dma_start3A_509 : memref<1x2x40xi32, #tpu.memory_space<vmem>> -> memref<2x40xi32, #tpu.memory_space<vmem>>
        %dma_start3A_511 = arith.constant 0 : i32
        %dma_start3A_512 = arith.constant 0 : i32
        %dma_start3A_513 = tpu.memref_slice %arg2[%arg0, %arg1, %min3A_309, %dma_start3A_511, %dma_start3A_512] : memref<2x16x250x2x40xi32, #tpu.memory_space<hbm>> -> memref<1x1x1x2x40xi32, #tpu.memory_space<hbm>>
        %dma_start3A_514 = tpu.memref_squeeze %dma_start3A_513 : memref<1x1x1x2x40xi32, #tpu.memory_space<hbm>> -> memref<2x40xi32, #tpu.memory_space<hbm>>
        tpu.enqueue_dma source(%dma_start3A_514 : memref<2x40xi32, #tpu.memory_space<hbm>>) target(%dma_start3A_510 : memref<2x40xi32, #tpu.memory_space<vmem>>) target_semaphore(%run_scoped3A_498 : memref<!tpu.dma_semaphore, #tpu.memory_space<semaphore_mem>>)
        %dma_wait3A_515 = arith.constant 0 : i32
        %dma_wait3A_516 = arith.constant 0 : i32
        %dma_wait3A_517 = tpu.memref_slice %arg9[%run_scoped3A_313, %dma_wait3A_515, %dma_wait3A_516] : memref<2x2x40xi32, #tpu.memory_space<vmem>> -> memref<1x2x40xi32, #tpu.memory_space<vmem>>
        %dma_wait3A_518 = tpu.memref_squeeze %dma_wait3A_517 : memref<1x2x40xi32, #tpu.memory_space<vmem>> -> memref<2x40xi32, #tpu.memory_space<vmem>>
        %dma_wait3A_519 = arith.constant 0 : i32
        %dma_wait3A_520 = arith.constant 0 : i32
        %dma_wait3A_521 = tpu.memref_slice %arg2[%arg0, %arg1, %min3A_309, %dma_wait3A_519, %dma_wait3A_520] : memref<2x16x250x2x40xi32, #tpu.memory_space<hbm>> -> memref<1x1x1x2x40xi32, #tpu.memory_space<hbm>>
        %dma_wait3A_522 = tpu.memref_squeeze %dma_wait3A_521 : memref<1x1x1x2x40xi32, #tpu.memory_space<hbm>> -> memref<2x40xi32, #tpu.memory_space<hbm>>
        %dma_wait3A_523 = arith.constant 0 : i32
        %dma_wait3A_524 = arith.constant 0 : i32
        %dma_wait3A_525 = tpu.memref_slice %arg9[%run_scoped3A_313, %dma_wait3A_523, %dma_wait3A_524] : memref<2x2x40xi32, #tpu.memory_space<vmem>> -> memref<1x2x40xi32, #tpu.memory_space<vmem>>
        %dma_wait3A_526 = tpu.memref_squeeze %dma_wait3A_525 : memref<1x2x40xi32, #tpu.memory_space<vmem>> -> memref<2x40xi32, #tpu.memory_space<vmem>>
        %dma_wait3A_527 = arith.constant 0 : i32
        %dma_wait3A_528 = arith.constant 0 : i32
        %dma_wait3A_529 = tpu.memref_slice %arg2[%arg0, %arg1, %min3A_309, %dma_wait3A_527, %dma_wait3A_528] : memref<2x16x250x2x40xi32, #tpu.memory_space<hbm>> -> memref<1x1x1x2x40xi32, #tpu.memory_space<hbm>>
        %dma_wait3A_530 = tpu.memref_squeeze %dma_wait3A_529 : memref<1x1x1x2x40xi32, #tpu.memory_space<hbm>> -> memref<2x40xi32, #tpu.memory_space<hbm>>
        tpu.wait_dma2 semaphore(%run_scoped3A_498 : memref<!tpu.dma_semaphore, #tpu.memory_space<semaphore_mem>>) src(%dma_wait3A_530 : memref<2x40xi32, #tpu.memory_space<hbm>>) dst(%dma_wait3A_526 : memref<2x40xi32, #tpu.memory_space<vmem>>)
        tpu.yield
      }) : () -> ()
      %dma_start3A_314 = arith.constant 0 : i32
      %dma_start3A_315 = arith.constant 0 : i32
      %dma_start3A_316 = arith.constant 0 : i32
      %dma_start3A_317 = arith.constant 0 : i32
      %dma_start3A_318 = arith.constant 0 : i32
      %dma_start3A_319 = tpu.memref_slice %arg12[%dma_start3A_316, %dma_start3A_317, %dma_start3A_318] : memref<2x48x160xf32, #tpu.memory_space<vmem>> -> memref<1x40x160xf32, #tpu.memory_space<vmem>>
      %dma_start3A_320 = tpu.memref_squeeze %dma_start3A_319 : memref<1x40x160xf32, #tpu.memory_space<vmem>> -> memref<40x160xf32, #tpu.memory_space<vmem>>
      %dma_start3A_321 = arith.constant 0 : i32
      %dma_start3A_322 = tpu.memref_slice %arg9[%dma_start3A_314, %dma_start3A_315, %dma_start3A_321] : memref<2x2x40xi32, #tpu.memory_space<vmem>> -> memref<1x1x40xi32, #tpu.memory_space<vmem>>
      %dma_start3A_323 = tpu.memref_squeeze %dma_start3A_322 : memref<1x1x40xi32, #tpu.memory_space<vmem>> -> memref<40xi32, #tpu.memory_space<vmem>>
      %dma_start3A_324 = arith.constant 0 : i32
      %dma_start3A_325 = arith.constant 0 : i32
      %dma_start3A_326 = tpu.memref_slice %arg4[%dma_start3A_324, %dma_start3A_325] : memref<10000x160xf32, #tpu.memory_space<hbm>> -> memref<10000x160xf32, #tpu.memory_space<hbm>>
      tpu.enqueue_indirect_dma source(%dma_start3A_326 : memref<10000x160xf32, #tpu.memory_space<hbm>>) target(%dma_start3A_320 : memref<40x160xf32, #tpu.memory_space<vmem>>) offsets(%dma_start3A_323 : memref<40xi32, #tpu.memory_space<vmem>>) semaphore(%arg18 : memref<!tpu.dma_semaphore, #tpu.memory_space<semaphore_mem>>)
      %dma_start3A_327 = arith.constant 0 : i32
      %dma_start3A_328 = arith.constant 1 : i32
      %dma_start3A_329 = arith.constant 0 : i32
      %dma_start3A_330 = arith.constant 0 : i32
      %dma_start3A_331 = arith.constant 0 : i32
      %dma_start3A_332 = tpu.memref_slice %arg11[%dma_start3A_329, %dma_start3A_330, %dma_start3A_331] : memref<2x48x32xf32, #tpu.memory_space<vmem>> -> memref<1x40x32xf32, #tpu.memory_space<vmem>>
      %dma_start3A_333 = tpu.memref_squeeze %dma_start3A_332 : memref<1x40x32xf32, #tpu.memory_space<vmem>> -> memref<40x32xf32, #tpu.memory_space<vmem>>
      %dma_start3A_334 = arith.constant 0 : i32
      %dma_start3A_335 = tpu.memref_slice %arg9[%dma_start3A_327, %dma_start3A_328, %dma_start3A_334] : memref<2x2x40xi32, #tpu.memory_space<vmem>> -> memref<1x1x40xi32, #tpu.memory_space<vmem>>
      %dma_start3A_336 = tpu.memref_squeeze %dma_start3A_335 : memref<1x1x40xi32, #tpu.memory_space<vmem>> -> memref<40xi32, #tpu.memory_space<vmem>>
      %dma_start3A_337 = arith.constant 0 : i32
      %dma_start3A_338 = arith.constant 0 : i32
      %dma_start3A_339 = tpu.memref_slice %arg5[%dma_start3A_337, %dma_start3A_338] : memref<10000x32xf32, #tpu.memory_space<hbm>> -> memref<10000x32xf32, #tpu.memory_space<hbm>>
      tpu.enqueue_indirect_dma source(%dma_start3A_339 : memref<10000x32xf32, #tpu.memory_space<hbm>>) target(%dma_start3A_333 : memref<40x32xf32, #tpu.memory_space<vmem>>) offsets(%dma_start3A_336 : memref<40xi32, #tpu.memory_space<vmem>>) semaphore(%arg18 : memref<!tpu.dma_semaphore, #tpu.memory_space<semaphore_mem>>)
      %dma_start3A_340 = arith.constant 0 : i32
      %dma_start3A_341 = arith.constant 0 : i32
      %dma_start3A_342 = arith.constant 0 : i32
      %dma_start3A_343 = tpu.memref_slice %arg10[%dma_start3A_340, %dma_start3A_341, %dma_start3A_342] : memref<2x48x16xf32, #tpu.memory_space<vmem>> -> memref<1x40x16xf32, #tpu.memory_space<vmem>>
      %dma_start3A_344 = tpu.memref_squeeze %dma_start3A_343 : memref<1x40x16xf32, #tpu.memory_space<vmem>> -> memref<40x16xf32, #tpu.memory_space<vmem>>
      %dma_start3A_345 = arith.constant 0 : i32
      %dma_start3A_346 = tpu.memref_slice %arg3[%add3A_312, %dma_start3A_345] : memref<320000x16xf32, #tpu.memory_space<hbm>> -> memref<40x16xf32, #tpu.memory_space<hbm>>
      %dma_start3A_347 = arith.constant 0 : i32
      %dma_start3A_348 = arith.constant 0 : i32
      %dma_start3A_349 = tpu.memref_slice %arg10[%dma_start3A_340, %dma_start3A_347, %dma_start3A_348] : memref<2x48x16xf32, #tpu.memory_space<vmem>> -> memref<1x40x16xf32, #tpu.memory_space<vmem>>
      %dma_start3A_350 = tpu.memref_squeeze %dma_start3A_349 : memref<1x40x16xf32, #tpu.memory_space<vmem>> -> memref<40x16xf32, #tpu.memory_space<vmem>>
      %dma_start3A_351 = arith.constant 0 : i32
      %dma_start3A_352 = tpu.memref_slice %arg3[%add3A_312, %dma_start3A_351] : memref<320000x16xf32, #tpu.memory_space<hbm>> -> memref<40x16xf32, #tpu.memory_space<hbm>>
      tpu.enqueue_dma source(%dma_start3A_352 : memref<40x16xf32, #tpu.memory_space<hbm>>) target(%dma_start3A_350 : memref<40x16xf32, #tpu.memory_space<vmem>>) target_semaphore(%arg18 : memref<!tpu.dma_semaphore, #tpu.memory_space<semaphore_mem>>)
      %dma_start3A_353 = arith.constant 0 : i32
      %dma_start3A_354 = arith.constant 0 : i32
      %dma_start3A_355 = arith.constant 0 : i32
      %dma_start3A_356 = tpu.memref_slice %arg13[%dma_start3A_353, %dma_start3A_354, %dma_start3A_355] : memref<2x40x128xf32, #tpu.memory_space<vmem>> -> memref<1x40x128xf32, #tpu.memory_space<vmem>>
      %dma_start3A_357 = tpu.memref_squeeze %dma_start3A_356 : memref<1x40x128xf32, #tpu.memory_space<vmem>> -> memref<40x128xf32, #tpu.memory_space<vmem>>
      %dma_start3A_358 = arith.constant 0 : i32
      %dma_start3A_359 = tpu.memref_slice %arg6[%add3A_312, %dma_start3A_358] : memref<320000x128xf32, #tpu.memory_space<hbm>> -> memref<40x128xf32, #tpu.memory_space<hbm>>
      %dma_start3A_360 = arith.constant 0 : i32
      %dma_start3A_361 = arith.constant 0 : i32
      %dma_start3A_362 = tpu.memref_slice %arg13[%dma_start3A_353, %dma_start3A_360, %dma_start3A_361] : memref<2x40x128xf32, #tpu.memory_space<vmem>> -> memref<1x40x128xf32, #tpu.memory_space<vmem>>
      %dma_start3A_363 = tpu.memref_squeeze %dma_start3A_362 : memref<1x40x128xf32, #tpu.memory_space<vmem>> -> memref<40x128xf32, #tpu.memory_space<vmem>>
      %dma_start3A_364 = arith.constant 0 : i32
      %dma_start3A_365 = tpu.memref_slice %arg6[%add3A_312, %dma_start3A_364] : memref<320000x128xf32, #tpu.memory_space<hbm>> -> memref<40x128xf32, #tpu.memory_space<hbm>>
      tpu.enqueue_dma source(%dma_start3A_365 : memref<40x128xf32, #tpu.memory_space<hbm>>) target(%dma_start3A_363 : memref<40x128xf32, #tpu.memory_space<vmem>>) target_semaphore(%arg18 : memref<!tpu.dma_semaphore, #tpu.memory_space<semaphore_mem>>)
      %add3A_366 = arith.constant 1 : i32
      %add3A_367 = arith.addi %mul3A_234, %add3A_366 : i32
      %dma_wait3A_368 = arith.constant 1 : i32
      %dma_wait3A_369 = arith.constant 0 : i32
      %dma_wait3A_370 = arith.constant 1 : i32
      %dma_wait3A_371 = arith.constant 0 : i32
      %dma_wait3A_372 = arith.constant 0 : i32
      %dma_wait3A_373 = tpu.memref_slice %arg12[%dma_wait3A_370, %dma_wait3A_371, %dma_wait3A_372] : memref<2x48x160xf32, #tpu.memory_space<vmem>> -> memref<1x40x160xf32, #tpu.memory_space<vmem>>
      %dma_wait3A_374 = tpu.memref_squeeze %dma_wait3A_373 : memref<1x40x160xf32, #tpu.memory_space<vmem>> -> memref<40x160xf32, #tpu.memory_space<vmem>>
      %dma_wait3A_375 = arith.constant 0 : i32
      %dma_wait3A_376 = tpu.memref_slice %arg9[%dma_wait3A_368, %dma_wait3A_369, %dma_wait3A_375] : memref<2x2x40xi32, #tpu.memory_space<vmem>> -> memref<1x1x40xi32, #tpu.memory_space<vmem>>
      %dma_wait3A_377 = tpu.memref_squeeze %dma_wait3A_376 : memref<1x1x40xi32, #tpu.memory_space<vmem>> -> memref<40xi32, #tpu.memory_space<vmem>>
      %dma_wait3A_378 = arith.constant 0 : i32
      %dma_wait3A_379 = arith.constant 0 : i32
      %dma_wait3A_380 = tpu.memref_slice %arg4[%dma_wait3A_378, %dma_wait3A_379] : memref<10000x160xf32, #tpu.memory_space<hbm>> -> memref<10000x160xf32, #tpu.memory_space<hbm>>
      tpu.wait_indirect_dma semaphore(%arg19 : memref<!tpu.dma_semaphore, #tpu.memory_space<semaphore_mem>>) src(%dma_wait3A_380 : memref<10000x160xf32, #tpu.memory_space<hbm>>) dst(%dma_wait3A_374 : memref<40x160xf32, #tpu.memory_space<vmem>>)
      %dma_wait3A_381 = arith.constant 1 : i32
      %dma_wait3A_382 = arith.constant 1 : i32
      %dma_wait3A_383 = arith.constant 1 : i32
      %dma_wait3A_384 = arith.constant 0 : i32
      %dma_wait3A_385 = arith.constant 0 : i32
      %dma_wait3A_386 = tpu.memref_slice %arg11[%dma_wait3A_383, %dma_wait3A_384, %dma_wait3A_385] : memref<2x48x32xf32, #tpu.memory_space<vmem>> -> memref<1x40x32xf32, #tpu.memory_space<vmem>>
      %dma_wait3A_387 = tpu.memref_squeeze %dma_wait3A_386 : memref<1x40x32xf32, #tpu.memory_space<vmem>> -> memref<40x32xf32, #tpu.memory_space<vmem>>
      %dma_wait3A_388 = arith.constant 0 : i32
      %dma_wait3A_389 = tpu.memref_slice %arg9[%dma_wait3A_381, %dma_wait3A_382, %dma_wait3A_388] : memref<2x2x40xi32, #tpu.memory_space<vmem>> -> memref<1x1x40xi32, #tpu.memory_space<vmem>>
      %dma_wait3A_390 = tpu.memref_squeeze %dma_wait3A_389 : memref<1x1x40xi32, #tpu.memory_space<vmem>> -> memref<40xi32, #tpu.memory_space<vmem>>
      %dma_wait3A_391 = arith.constant 0 : i32
      %dma_wait3A_392 = arith.constant 0 : i32
      %dma_wait3A_393 = tpu.memref_slice %arg5[%dma_wait3A_391, %dma_wait3A_392] : memref<10000x32xf32, #tpu.memory_space<hbm>> -> memref<10000x32xf32, #tpu.memory_space<hbm>>
      tpu.wait_indirect_dma semaphore(%arg19 : memref<!tpu.dma_semaphore, #tpu.memory_space<semaphore_mem>>) src(%dma_wait3A_393 : memref<10000x32xf32, #tpu.memory_space<hbm>>) dst(%dma_wait3A_387 : memref<40x32xf32, #tpu.memory_space<vmem>>)
      %dma_wait3A_394 = arith.constant 1 : i32
      %dma_wait3A_395 = arith.constant 0 : i32
      %dma_wait3A_396 = arith.constant 0 : i32
      %dma_wait3A_397 = tpu.memref_slice %arg10[%dma_wait3A_394, %dma_wait3A_395, %dma_wait3A_396] : memref<2x48x16xf32, #tpu.memory_space<vmem>> -> memref<1x40x16xf32, #tpu.memory_space<vmem>>
      %dma_wait3A_398 = tpu.memref_squeeze %dma_wait3A_397 : memref<1x40x16xf32, #tpu.memory_space<vmem>> -> memref<40x16xf32, #tpu.memory_space<vmem>>
      %dma_wait3A_399 = arith.constant 0 : i32
      %dma_wait3A_400 = arith.constant 0 : i32
      %dma_wait3A_401 = tpu.memref_slice %arg3[%dma_wait3A_399, %dma_wait3A_400] : memref<320000x16xf32, #tpu.memory_space<hbm>> -> memref<40x16xf32, #tpu.memory_space<hbm>>
      %dma_wait3A_402 = arith.constant 0 : i32
      %dma_wait3A_403 = arith.constant 0 : i32
      %dma_wait3A_404 = tpu.memref_slice %arg10[%dma_wait3A_394, %dma_wait3A_402, %dma_wait3A_403] : memref<2x48x16xf32, #tpu.memory_space<vmem>> -> memref<1x40x16xf32, #tpu.memory_space<vmem>>
      %dma_wait3A_405 = tpu.memref_squeeze %dma_wait3A_404 : memref<1x40x16xf32, #tpu.memory_space<vmem>> -> memref<40x16xf32, #tpu.memory_space<vmem>>
      %dma_wait3A_406 = arith.constant 0 : i32
      %dma_wait3A_407 = arith.constant 0 : i32
      %dma_wait3A_408 = tpu.memref_slice %arg3[%dma_wait3A_406, %dma_wait3A_407] : memref<320000x16xf32, #tpu.memory_space<hbm>> -> memref<40x16xf32, #tpu.memory_space<hbm>>
      tpu.wait_dma2 semaphore(%arg19 : memref<!tpu.dma_semaphore, #tpu.memory_space<semaphore_mem>>) src(%dma_wait3A_408 : memref<40x16xf32, #tpu.memory_space<hbm>>) dst(%dma_wait3A_405 : memref<40x16xf32, #tpu.memory_space<vmem>>)
      %dma_wait3A_409 = arith.constant 1 : i32
      %dma_wait3A_410 = arith.constant 0 : i32
      %dma_wait3A_411 = arith.constant 0 : i32
      %dma_wait3A_412 = tpu.memref_slice %arg13[%dma_wait3A_409, %dma_wait3A_410, %dma_wait3A_411] : memref<2x40x128xf32, #tpu.memory_space<vmem>> -> memref<1x40x128xf32, #tpu.memory_space<vmem>>
      %dma_wait3A_413 = tpu.memref_squeeze %dma_wait3A_412 : memref<1x40x128xf32, #tpu.memory_space<vmem>> -> memref<40x128xf32, #tpu.memory_space<vmem>>
      %dma_wait3A_414 = arith.constant 0 : i32
      %dma_wait3A_415 = arith.constant 0 : i32
      %dma_wait3A_416 = tpu.memref_slice %arg6[%dma_wait3A_414, %dma_wait3A_415] : memref<320000x128xf32, #tpu.memory_space<hbm>> -> memref<40x128xf32, #tpu.memory_space<hbm>>
      %dma_wait3A_417 = arith.constant 0 : i32
      %dma_wait3A_418 = arith.constant 0 : i32
      %dma_wait3A_419 = tpu.memref_slice %arg13[%dma_wait3A_409, %dma_wait3A_417, %dma_wait3A_418] : memref<2x40x128xf32, #tpu.memory_space<vmem>> -> memref<1x40x128xf32, #tpu.memory_space<vmem>>
      %dma_wait3A_420 = tpu.memref_squeeze %dma_wait3A_419 : memref<1x40x128xf32, #tpu.memory_space<vmem>> -> memref<40x128xf32, #tpu.memory_space<vmem>>
      %dma_wait3A_421 = arith.constant 0 : i32
      %dma_wait3A_422 = arith.constant 0 : i32
      %dma_wait3A_423 = tpu.memref_slice %arg6[%dma_wait3A_421, %dma_wait3A_422] : memref<320000x128xf32, #tpu.memory_space<hbm>> -> memref<40x128xf32, #tpu.memory_space<hbm>>
      tpu.wait_dma2 semaphore(%arg19 : memref<!tpu.dma_semaphore, #tpu.memory_space<semaphore_mem>>) src(%dma_wait3A_423 : memref<40x128xf32, #tpu.memory_space<hbm>>) dst(%dma_wait3A_420 : memref<40x128xf32, #tpu.memory_space<vmem>>)
      %scan3A_424 = arith.constant 0 : i32
      %scan3A_425 = arith.constant 0 : i32
      %scan3A_426 = arith.constant 3 : i32
      %scan3A_427 = arith.addi %scan3A_425, %scan3A_426 : i32
      %scan3A_428 = arith.constant 1 : i32
      scf.for %scan3A_498 = %scan3A_425 to %scan3A_427 step %scan3A_428  : i32 {
        %mul3A_499 = arith.constant 16 : i32
        %mul3A_500 = arith.muli %scan3A_498, %mul3A_499 : i32
        %add3A_501 = vector.broadcast %mul3A_500 : i32 to vector<16xi32>
        %add3A_502 = arith.addi %iota3A, %add3A_501 : vector<16xi32>
        %broadcast_in_dim3A = arith.constant 0.000000e+00 : f32
        %broadcast_in_dim3A_503 = vector.broadcast %broadcast_in_dim3A : f32 to vector<16xf32>
        %broadcast_in_dim3A_504 = arith.constant 0 : i32
        %broadcast_in_dim3A_505 = vector.broadcast %broadcast_in_dim3A_504 : i32 to vector<16xi32>
        %gather3A = arith.constant 1 : i32
        %gather3A_506 = arith.constant 0 : i32
        %gather3A_507 = arith.constant 0 : i32
        %gather3A_508 = tpu.memref_slice %arg10[%gather3A, %gather3A_506, %gather3A_507] : memref<2x48x16xf32, #tpu.memory_space<vmem>> -> memref<1x48x16xf32, #tpu.memory_space<vmem>>
        %gather3A_509 = tpu.memref_squeeze %gather3A_508 : memref<1x48x16xf32, #tpu.memory_space<vmem>> -> memref<48x16xf32, #tpu.memory_space<vmem>>
        %gather3A_510 = tpu.vector_load_idx %gather3A_509[%add3A_502, %broadcast_in_dim3A_505] : memref<48x16xf32, #tpu.memory_space<vmem>>[vector<16xi32>, vector<16xi32>], vector<16xf32>,
        %gather3A_511 = arith.constant 1 : i32
        %gather3A_512 = arith.constant 0 : i32
        %gather3A_513 = arith.constant 0 : i32
        %gather3A_514 = tpu.memref_slice %arg11[%gather3A_511, %gather3A_512, %gather3A_513] : memref<2x48x32xf32, #tpu.memory_space<vmem>> -> memref<1x48x32xf32, #tpu.memory_space<vmem>>
        %gather3A_515 = tpu.memref_squeeze %gather3A_514 : memref<1x48x32xf32, #tpu.memory_space<vmem>> -> memref<48x32xf32, #tpu.memory_space<vmem>>
        %gather3A_516 = tpu.vector_load_idx %gather3A_515[%add3A_502, %broadcast_in_dim3A_505] : memref<48x32xf32, #tpu.memory_space<vmem>>[vector<16xi32>, vector<16xi32>], vector<16xf32>,
        %add3A_517 = arith.constant 128 : i32
        %add3A_518 = vector.broadcast %add3A_517 : i32 to vector<16xi32>
        %add3A_519 = arith.addi %broadcast_in_dim3A_505, %add3A_518 : vector<16xi32>
        %gather3A_520 = arith.constant 1 : i32
        %gather3A_521 = arith.constant 0 : i32
        %gather3A_522 = arith.constant 0 : i32
        %gather3A_523 = tpu.memref_slice %arg12[%gather3A_520, %gather3A_521, %gather3A_522] : memref<2x48x160xf32, #tpu.memory_space<vmem>> -> memref<1x48x160xf32, #tpu.memory_space<vmem>>
        %gather3A_524 = tpu.memref_squeeze %gather3A_523 : memref<1x48x160xf32, #tpu.memory_space<vmem>> -> memref<48x160xf32, #tpu.memory_space<vmem>>
        %gather3A_525 = tpu.vector_load_idx %gather3A_524[%add3A_502, %add3A_519] : memref<48x160xf32, #tpu.memory_space<vmem>>[vector<16xi32>, vector<16xi32>], vector<16xf32>,
        %add3A_526 = arith.addf %gather3A_516, %gather3A_525 : vector<16xf32>
        %mul3A_527 = arith.mulf %gather3A_510, %add3A_526 : vector<16xf32>
        %add3A_528 = arith.addf %broadcast_in_dim3A_503, %mul3A_527 : vector<16xf32>
        %broadcast_in_dim3A_529 = arith.constant 1 : i32
        %broadcast_in_dim3A_530 = vector.broadcast %broadcast_in_dim3A_529 : i32 to vector<16xi32>
        %gather3A_531 = arith.constant 1 : i32
        %gather3A_532 = arith.constant 0 : i32
        %gather3A_533 = arith.constant 0 : i32
        %gather3A_534 = tpu.memref_slice %arg10[%gather3A_531, %gather3A_532, %gather3A_533] : memref<2x48x16xf32, #tpu.memory_space<vmem>> -> memref<1x48x16xf32, #tpu.memory_space<vmem>>
        %gather3A_535 = tpu.memref_squeeze %gather3A_534 : memref<1x48x16xf32, #tpu.memory_space<vmem>> -> memref<48x16xf32, #tpu.memory_space<vmem>>
        %gather3A_536 = tpu.vector_load_idx %gather3A_535[%add3A_502, %broadcast_in_dim3A_530] : memref<48x16xf32, #tpu.memory_space<vmem>>[vector<16xi32>, vector<16xi32>], vector<16xf32>,
        %gather3A_537 = arith.constant 1 : i32
        %gather3A_538 = arith.constant 0 : i32
        %gather3A_539 = arith.constant 0 : i32
        %gather3A_540 = tpu.memref_slice %arg11[%gather3A_537, %gather3A_538, %gather3A_539] : memref<2x48x32xf32, #tpu.memory_space<vmem>> -> memref<1x48x32xf32, #tpu.memory_space<vmem>>
        %gather3A_541 = tpu.memref_squeeze %gather3A_540 : memref<1x48x32xf32, #tpu.memory_space<vmem>> -> memref<48x32xf32, #tpu.memory_space<vmem>>
        %gather3A_542 = tpu.vector_load_idx %gather3A_541[%add3A_502, %broadcast_in_dim3A_530] : memref<48x32xf32, #tpu.memory_space<vmem>>[vector<16xi32>, vector<16xi32>], vector<16xf32>,
        %add3A_543 = arith.constant 128 : i32
        %add3A_544 = vector.broadcast %add3A_543 : i32 to vector<16xi32>
        %add3A_545 = arith.addi %broadcast_in_dim3A_530, %add3A_544 : vector<16xi32>
        %gather3A_546 = arith.constant 1 : i32
        %gather3A_547 = arith.constant 0 : i32
        %gather3A_548 = arith.constant 0 : i32
        %gather3A_549 = tpu.memref_slice %arg12[%gather3A_546, %gather3A_547, %gather3A_548] : memref<2x48x160xf32, #tpu.memory_space<vmem>> -> memref<1x48x160xf32, #tpu.memory_space<vmem>>
        %gather3A_550 = tpu.memref_squeeze %gather3A_549 : memref<1x48x160xf32, #tpu.memory_space<vmem>> -> memref<48x160xf32, #tpu.memory_space<vmem>>
        %gather3A_551 = tpu.vector_load_idx %gather3A_550[%add3A_502, %add3A_545] : memref<48x160xf32, #tpu.memory_space<vmem>>[vector<16xi32>, vector<16xi32>], vector<16xf32>,
        %add3A_552 = arith.addf %gather3A_542, %gather3A_551 : vector<16xf32>
        %mul3A_553 = arith.mulf %gather3A_536, %add3A_552 : vector<16xf32>
        %add3A_554 = arith.addf %add3A_528, %mul3A_553 : vector<16xf32>
        %broadcast_in_dim3A_555 = arith.constant 2 : i32
        %broadcast_in_dim3A_556 = vector.broadcast %broadcast_in_dim3A_555 : i32 to vector<16xi32>
        %gather3A_557 = arith.constant 1 : i32
        %gather3A_558 = arith.constant 0 : i32
        %gather3A_559 = arith.constant 0 : i32
        %gather3A_560 = tpu.memref_slice %arg10[%gather3A_557, %gather3A_558, %gather3A_559] : memref<2x48x16xf32, #tpu.memory_space<vmem>> -> memref<1x48x16xf32, #tpu.memory_space<vmem>>
        %gather3A_561 = tpu.memref_squeeze %gather3A_560 : memref<1x48x16xf32, #tpu.memory_space<vmem>> -> memref<48x16xf32, #tpu.memory_space<vmem>>
        %gather3A_562 = tpu.vector_load_idx %gather3A_561[%add3A_502, %broadcast_in_dim3A_556] : memref<48x16xf32, #tpu.memory_space<vmem>>[vector<16xi32>, vector<16xi32>], vector<16xf32>,
        %gather3A_563 = arith.constant 1 : i32
        %gather3A_564 = arith.constant 0 : i32
        %gather3A_565 = arith.constant 0 : i32
        %gather3A_566 = tpu.memref_slice %arg11[%gather3A_563, %gather3A_564, %gather3A_565] : memref<2x48x32xf32, #tpu.memory_space<vmem>> -> memref<1x48x32xf32, #tpu.memory_space<vmem>>
        %gather3A_567 = tpu.memref_squeeze %gather3A_566 : memref<1x48x32xf32, #tpu.memory_space<vmem>> -> memref<48x32xf32, #tpu.memory_space<vmem>>
        %gather3A_568 = tpu.vector_load_idx %gather3A_567[%add3A_502, %broadcast_in_dim3A_556] : memref<48x32xf32, #tpu.memory_space<vmem>>[vector<16xi32>, vector<16xi32>], vector<16xf32>,
        %add3A_569 = arith.constant 128 : i32
        %add3A_570 = vector.broadcast %add3A_569 : i32 to vector<16xi32>
        %add3A_571 = arith.addi %broadcast_in_dim3A_556, %add3A_570 : vector<16xi32>
        %gather3A_572 = arith.constant 1 : i32
        %gather3A_573 = arith.constant 0 : i32
        %gather3A_574 = arith.constant 0 : i32
        %gather3A_575 = tpu.memref_slice %arg12[%gather3A_572, %gather3A_573, %gather3A_574] : memref<2x48x160xf32, #tpu.memory_space<vmem>> -> memref<1x48x160xf32, #tpu.memory_space<vmem>>
        %gather3A_576 = tpu.memref_squeeze %gather3A_575 : memref<1x48x160xf32, #tpu.memory_space<vmem>> -> memref<48x160xf32, #tpu.memory_space<vmem>>
        %gather3A_577 = tpu.vector_load_idx %gather3A_576[%add3A_502, %add3A_571] : memref<48x160xf32, #tpu.memory_space<vmem>>[vector<16xi32>, vector<16xi32>], vector<16xf32>,
        %add3A_578 = arith.addf %gather3A_568, %gather3A_577 : vector<16xf32>
        %mul3A_579 = arith.mulf %gather3A_562, %add3A_578 : vector<16xf32>
        %add3A_580 = arith.addf %add3A_554, %mul3A_579 : vector<16xf32>
        %broadcast_in_dim3A_581 = arith.constant 3 : i32
        %broadcast_in_dim3A_582 = vector.broadcast %broadcast_in_dim3A_581 : i32 to vector<16xi32>
        %gather3A_583 = arith.constant 1 : i32
        %gather3A_584 = arith.constant 0 : i32
        %gather3A_585 = arith.constant 0 : i32
        %gather3A_586 = tpu.memref_slice %arg10[%gather3A_583, %gather3A_584, %gather3A_585] : memref<2x48x16xf32, #tpu.memory_space<vmem>> -> memref<1x48x16xf32, #tpu.memory_space<vmem>>
        %gather3A_587 = tpu.memref_squeeze %gather3A_586 : memref<1x48x16xf32, #tpu.memory_space<vmem>> -> memref<48x16xf32, #tpu.memory_space<vmem>>
        %gather3A_588 = tpu.vector_load_idx %gather3A_587[%add3A_502, %broadcast_in_dim3A_582] : memref<48x16xf32, #tpu.memory_space<vmem>>[vector<16xi32>, vector<16xi32>], vector<16xf32>,
        %gather3A_589 = arith.constant 1 : i32
        %gather3A_590 = arith.constant 0 : i32
        %gather3A_591 = arith.constant 0 : i32
        %gather3A_592 = tpu.memref_slice %arg11[%gather3A_589, %gather3A_590, %gather3A_591] : memref<2x48x32xf32, #tpu.memory_space<vmem>> -> memref<1x48x32xf32, #tpu.memory_space<vmem>>
        %gather3A_593 = tpu.memref_squeeze %gather3A_592 : memref<1x48x32xf32, #tpu.memory_space<vmem>> -> memref<48x32xf32, #tpu.memory_space<vmem>>
        %gather3A_594 = tpu.vector_load_idx %gather3A_593[%add3A_502, %broadcast_in_dim3A_582] : memref<48x32xf32, #tpu.memory_space<vmem>>[vector<16xi32>, vector<16xi32>], vector<16xf32>,
        %add3A_595 = arith.constant 128 : i32
        %add3A_596 = vector.broadcast %add3A_595 : i32 to vector<16xi32>
        %add3A_597 = arith.addi %broadcast_in_dim3A_582, %add3A_596 : vector<16xi32>
        %gather3A_598 = arith.constant 1 : i32
        %gather3A_599 = arith.constant 0 : i32
        %gather3A_600 = arith.constant 0 : i32
        %gather3A_601 = tpu.memref_slice %arg12[%gather3A_598, %gather3A_599, %gather3A_600] : memref<2x48x160xf32, #tpu.memory_space<vmem>> -> memref<1x48x160xf32, #tpu.memory_space<vmem>>
        %gather3A_602 = tpu.memref_squeeze %gather3A_601 : memref<1x48x160xf32, #tpu.memory_space<vmem>> -> memref<48x160xf32, #tpu.memory_space<vmem>>
        %gather3A_603 = tpu.vector_load_idx %gather3A_602[%add3A_502, %add3A_597] : memref<48x160xf32, #tpu.memory_space<vmem>>[vector<16xi32>, vector<16xi32>], vector<16xf32>,
        %add3A_604 = arith.addf %gather3A_594, %gather3A_603 : vector<16xf32>
        %mul3A_605 = arith.mulf %gather3A_588, %add3A_604 : vector<16xf32>
        %add3A_606 = arith.addf %add3A_580, %mul3A_605 : vector<16xf32>
        %broadcast_in_dim3A_607 = arith.constant 4 : i32
        %broadcast_in_dim3A_608 = vector.broadcast %broadcast_in_dim3A_607 : i32 to vector<16xi32>
        %gather3A_609 = arith.constant 1 : i32
        %gather3A_610 = arith.constant 0 : i32
        %gather3A_611 = arith.constant 0 : i32
        %gather3A_612 = tpu.memref_slice %arg10[%gather3A_609, %gather3A_610, %gather3A_611] : memref<2x48x16xf32, #tpu.memory_space<vmem>> -> memref<1x48x16xf32, #tpu.memory_space<vmem>>
        %gather3A_613 = tpu.memref_squeeze %gather3A_612 : memref<1x48x16xf32, #tpu.memory_space<vmem>> -> memref<48x16xf32, #tpu.memory_space<vmem>>
        %gather3A_614 = tpu.vector_load_idx %gather3A_613[%add3A_502, %broadcast_in_dim3A_608] : memref<48x16xf32, #tpu.memory_space<vmem>>[vector<16xi32>, vector<16xi32>], vector<16xf32>,
        %gather3A_615 = arith.constant 1 : i32
        %gather3A_616 = arith.constant 0 : i32
        %gather3A_617 = arith.constant 0 : i32
        %gather3A_618 = tpu.memref_slice %arg11[%gather3A_615, %gather3A_616, %gather3A_617] : memref<2x48x32xf32, #tpu.memory_space<vmem>> -> memref<1x48x32xf32, #tpu.memory_space<vmem>>
        %gather3A_619 = tpu.memref_squeeze %gather3A_618 : memref<1x48x32xf32, #tpu.memory_space<vmem>> -> memref<48x32xf32, #tpu.memory_space<vmem>>
        %gather3A_620 = tpu.vector_load_idx %gather3A_619[%add3A_502, %broadcast_in_dim3A_608] : memref<48x32xf32, #tpu.memory_space<vmem>>[vector<16xi32>, vector<16xi32>], vector<16xf32>,
        %add3A_621 = arith.constant 128 : i32
        %add3A_622 = vector.broadcast %add3A_621 : i32 to vector<16xi32>
        %add3A_623 = arith.addi %broadcast_in_dim3A_608, %add3A_622 : vector<16xi32>
        %gather3A_624 = arith.constant 1 : i32
        %gather3A_625 = arith.constant 0 : i32
        %gather3A_626 = arith.constant 0 : i32
        %gather3A_627 = tpu.memref_slice %arg12[%gather3A_624, %gather3A_625, %gather3A_626] : memref<2x48x160xf32, #tpu.memory_space<vmem>> -> memref<1x48x160xf32, #tpu.memory_space<vmem>>
        %gather3A_628 = tpu.memref_squeeze %gather3A_627 : memref<1x48x160xf32, #tpu.memory_space<vmem>> -> memref<48x160xf32, #tpu.memory_space<vmem>>
        %gather3A_629 = tpu.vector_load_idx %gather3A_628[%add3A_502, %add3A_623] : memref<48x160xf32, #tpu.memory_space<vmem>>[vector<16xi32>, vector<16xi32>], vector<16xf32>,
        %add3A_630 = arith.addf %gather3A_620, %gather3A_629 : vector<16xf32>
        %mul3A_631 = arith.mulf %gather3A_614, %add3A_630 : vector<16xf32>
        %add3A_632 = arith.addf %add3A_606, %mul3A_631 : vector<16xf32>
        %broadcast_in_dim3A_633 = arith.constant 5 : i32
        %broadcast_in_dim3A_634 = vector.broadcast %broadcast_in_dim3A_633 : i32 to vector<16xi32>
        %gather3A_635 = arith.constant 1 : i32
        %gather3A_636 = arith.constant 0 : i32
        %gather3A_637 = arith.constant 0 : i32
        %gather3A_638 = tpu.memref_slice %arg10[%gather3A_635, %gather3A_636, %gather3A_637] : memref<2x48x16xf32, #tpu.memory_space<vmem>> -> memref<1x48x16xf32, #tpu.memory_space<vmem>>
        %gather3A_639 = tpu.memref_squeeze %gather3A_638 : memref<1x48x16xf32, #tpu.memory_space<vmem>> -> memref<48x16xf32, #tpu.memory_space<vmem>>
        %gather3A_640 = tpu.vector_load_idx %gather3A_639[%add3A_502, %broadcast_in_dim3A_634] : memref<48x16xf32, #tpu.memory_space<vmem>>[vector<16xi32>, vector<16xi32>], vector<16xf32>,
        %gather3A_641 = arith.constant 1 : i32
        %gather3A_642 = arith.constant 0 : i32
        %gather3A_643 = arith.constant 0 : i32
        %gather3A_644 = tpu.memref_slice %arg11[%gather3A_641, %gather3A_642, %gather3A_643] : memref<2x48x32xf32, #tpu.memory_space<vmem>> -> memref<1x48x32xf32, #tpu.memory_space<vmem>>
        %gather3A_645 = tpu.memref_squeeze %gather3A_644 : memref<1x48x32xf32, #tpu.memory_space<vmem>> -> memref<48x32xf32, #tpu.memory_space<vmem>>
        %gather3A_646 = tpu.vector_load_idx %gather3A_645[%add3A_502, %broadcast_in_dim3A_634] : memref<48x32xf32, #tpu.memory_space<vmem>>[vector<16xi32>, vector<16xi32>], vector<16xf32>,
        %add3A_647 = arith.constant 128 : i32
        %add3A_648 = vector.broadcast %add3A_647 : i32 to vector<16xi32>
        %add3A_649 = arith.addi %broadcast_in_dim3A_634, %add3A_648 : vector<16xi32>
        %gather3A_650 = arith.constant 1 : i32
        %gather3A_651 = arith.constant 0 : i32
        %gather3A_652 = arith.constant 0 : i32
        %gather3A_653 = tpu.memref_slice %arg12[%gather3A_650, %gather3A_651, %gather3A_652] : memref<2x48x160xf32, #tpu.memory_space<vmem>> -> memref<1x48x160xf32, #tpu.memory_space<vmem>>
        %gather3A_654 = tpu.memref_squeeze %gather3A_653 : memref<1x48x160xf32, #tpu.memory_space<vmem>> -> memref<48x160xf32, #tpu.memory_space<vmem>>
        %gather3A_655 = tpu.vector_load_idx %gather3A_654[%add3A_502, %add3A_649] : memref<48x160xf32, #tpu.memory_space<vmem>>[vector<16xi32>, vector<16xi32>], vector<16xf32>,
        %add3A_656 = arith.addf %gather3A_646, %gather3A_655 : vector<16xf32>
        %mul3A_657 = arith.mulf %gather3A_640, %add3A_656 : vector<16xf32>
        %add3A_658 = arith.addf %add3A_632, %mul3A_657 : vector<16xf32>
        %broadcast_in_dim3A_659 = arith.constant 6 : i32
        %broadcast_in_dim3A_660 = vector.broadcast %broadcast_in_dim3A_659 : i32 to vector<16xi32>
        %gather3A_661 = arith.constant 1 : i32
        %gather3A_662 = arith.constant 0 : i32
        %gather3A_663 = arith.constant 0 : i32
        %gather3A_664 = tpu.memref_slice %arg10[%gather3A_661, %gather3A_662, %gather3A_663] : memref<2x48x16xf32, #tpu.memory_space<vmem>> -> memref<1x48x16xf32, #tpu.memory_space<vmem>>
        %gather3A_665 = tpu.memref_squeeze %gather3A_664 : memref<1x48x16xf32, #tpu.memory_space<vmem>> -> memref<48x16xf32, #tpu.memory_space<vmem>>
        %gather3A_666 = tpu.vector_load_idx %gather3A_665[%add3A_502, %broadcast_in_dim3A_660] : memref<48x16xf32, #tpu.memory_space<vmem>>[vector<16xi32>, vector<16xi32>], vector<16xf32>,
        %gather3A_667 = arith.constant 1 : i32
        %gather3A_668 = arith.constant 0 : i32
        %gather3A_669 = arith.constant 0 : i32
        %gather3A_670 = tpu.memref_slice %arg11[%gather3A_667, %gather3A_668, %gather3A_669] : memref<2x48x32xf32, #tpu.memory_space<vmem>> -> memref<1x48x32xf32, #tpu.memory_space<vmem>>
        %gather3A_671 = tpu.memref_squeeze %gather3A_670 : memref<1x48x32xf32, #tpu.memory_space<vmem>> -> memref<48x32xf32, #tpu.memory_space<vmem>>
        %gather3A_672 = tpu.vector_load_idx %gather3A_671[%add3A_502, %broadcast_in_dim3A_660] : memref<48x32xf32, #tpu.memory_space<vmem>>[vector<16xi32>, vector<16xi32>], vector<16xf32>,
        %add3A_673 = arith.constant 128 : i32
        %add3A_674 = vector.broadcast %add3A_673 : i32 to vector<16xi32>
        %add3A_675 = arith.addi %broadcast_in_dim3A_660, %add3A_674 : vector<16xi32>
        %gather3A_676 = arith.constant 1 : i32
        %gather3A_677 = arith.constant 0 : i32
        %gather3A_678 = arith.constant 0 : i32
        %gather3A_679 = tpu.memref_slice %arg12[%gather3A_676, %gather3A_677, %gather3A_678] : memref<2x48x160xf32, #tpu.memory_space<vmem>> -> memref<1x48x160xf32, #tpu.memory_space<vmem>>
        %gather3A_680 = tpu.memref_squeeze %gather3A_679 : memref<1x48x160xf32, #tpu.memory_space<vmem>> -> memref<48x160xf32, #tpu.memory_space<vmem>>
        %gather3A_681 = tpu.vector_load_idx %gather3A_680[%add3A_502, %add3A_675] : memref<48x160xf32, #tpu.memory_space<vmem>>[vector<16xi32>, vector<16xi32>], vector<16xf32>,
        %add3A_682 = arith.addf %gather3A_672, %gather3A_681 : vector<16xf32>
        %mul3A_683 = arith.mulf %gather3A_666, %add3A_682 : vector<16xf32>
        %add3A_684 = arith.addf %add3A_658, %mul3A_683 : vector<16xf32>
        %broadcast_in_dim3A_685 = arith.constant 7 : i32
        %broadcast_in_dim3A_686 = vector.broadcast %broadcast_in_dim3A_685 : i32 to vector<16xi32>
        %gather3A_687 = arith.constant 1 : i32
        %gather3A_688 = arith.constant 0 : i32
        %gather3A_689 = arith.constant 0 : i32
        %gather3A_690 = tpu.memref_slice %arg10[%gather3A_687, %gather3A_688, %gather3A_689] : memref<2x48x16xf32, #tpu.memory_space<vmem>> -> memref<1x48x16xf32, #tpu.memory_space<vmem>>
        %gather3A_691 = tpu.memref_squeeze %gather3A_690 : memref<1x48x16xf32, #tpu.memory_space<vmem>> -> memref<48x16xf32, #tpu.memory_space<vmem>>
        %gather3A_692 = tpu.vector_load_idx %gather3A_691[%add3A_502, %broadcast_in_dim3A_686] : memref<48x16xf32, #tpu.memory_space<vmem>>[vector<16xi32>, vector<16xi32>], vector<16xf32>,
        %gather3A_693 = arith.constant 1 : i32
        %gather3A_694 = arith.constant 0 : i32
        %gather3A_695 = arith.constant 0 : i32
        %gather3A_696 = tpu.memref_slice %arg11[%gather3A_693, %gather3A_694, %gather3A_695] : memref<2x48x32xf32, #tpu.memory_space<vmem>> -> memref<1x48x32xf32, #tpu.memory_space<vmem>>
        %gather3A_697 = tpu.memref_squeeze %gather3A_696 : memref<1x48x32xf32, #tpu.memory_space<vmem>> -> memref<48x32xf32, #tpu.memory_space<vmem>>
        %gather3A_698 = tpu.vector_load_idx %gather3A_697[%add3A_502, %broadcast_in_dim3A_686] : memref<48x32xf32, #tpu.memory_space<vmem>>[vector<16xi32>, vector<16xi32>], vector<16xf32>,
        %add3A_699 = arith.constant 128 : i32
        %add3A_700 = vector.broadcast %add3A_699 : i32 to vector<16xi32>
        %add3A_701 = arith.addi %broadcast_in_dim3A_686, %add3A_700 : vector<16xi32>
        %gather3A_702 = arith.constant 1 : i32
        %gather3A_703 = arith.constant 0 : i32
        %gather3A_704 = arith.constant 0 : i32
        %gather3A_705 = tpu.memref_slice %arg12[%gather3A_702, %gather3A_703, %gather3A_704] : memref<2x48x160xf32, #tpu.memory_space<vmem>> -> memref<1x48x160xf32, #tpu.memory_space<vmem>>
        %gather3A_706 = tpu.memref_squeeze %gather3A_705 : memref<1x48x160xf32, #tpu.memory_space<vmem>> -> memref<48x160xf32, #tpu.memory_space<vmem>>
        %gather3A_707 = tpu.vector_load_idx %gather3A_706[%add3A_502, %add3A_701] : memref<48x160xf32, #tpu.memory_space<vmem>>[vector<16xi32>, vector<16xi32>], vector<16xf32>,
        %add3A_708 = arith.addf %gather3A_698, %gather3A_707 : vector<16xf32>
        %mul3A_709 = arith.mulf %gather3A_692, %add3A_708 : vector<16xf32>
        %add3A_710 = arith.addf %add3A_684, %mul3A_709 : vector<16xf32>
        %broadcast_in_dim3A_711 = arith.constant 8 : i32
        %broadcast_in_dim3A_712 = vector.broadcast %broadcast_in_dim3A_711 : i32 to vector<16xi32>
        %gather3A_713 = arith.constant 1 : i32
        %gather3A_714 = arith.constant 0 : i32
        %gather3A_715 = arith.constant 0 : i32
        %gather3A_716 = tpu.memref_slice %arg10[%gather3A_713, %gather3A_714, %gather3A_715] : memref<2x48x16xf32, #tpu.memory_space<vmem>> -> memref<1x48x16xf32, #tpu.memory_space<vmem>>
        %gather3A_717 = tpu.memref_squeeze %gather3A_716 : memref<1x48x16xf32, #tpu.memory_space<vmem>> -> memref<48x16xf32, #tpu.memory_space<vmem>>
        %gather3A_718 = tpu.vector_load_idx %gather3A_717[%add3A_502, %broadcast_in_dim3A_712] : memref<48x16xf32, #tpu.memory_space<vmem>>[vector<16xi32>, vector<16xi32>], vector<16xf32>,
        %gather3A_719 = arith.constant 1 : i32
        %gather3A_720 = arith.constant 0 : i32
        %gather3A_721 = arith.constant 0 : i32
        %gather3A_722 = tpu.memref_slice %arg11[%gather3A_719, %gather3A_720, %gather3A_721] : memref<2x48x32xf32, #tpu.memory_space<vmem>> -> memref<1x48x32xf32, #tpu.memory_space<vmem>>
        %gather3A_723 = tpu.memref_squeeze %gather3A_722 : memref<1x48x32xf32, #tpu.memory_space<vmem>> -> memref<48x32xf32, #tpu.memory_space<vmem>>
        %gather3A_724 = tpu.vector_load_idx %gather3A_723[%add3A_502, %broadcast_in_dim3A_712] : memref<48x32xf32, #tpu.memory_space<vmem>>[vector<16xi32>, vector<16xi32>], vector<16xf32>,
        %add3A_725 = arith.constant 128 : i32
        %add3A_726 = vector.broadcast %add3A_725 : i32 to vector<16xi32>
        %add3A_727 = arith.addi %broadcast_in_dim3A_712, %add3A_726 : vector<16xi32>
        %gather3A_728 = arith.constant 1 : i32
        %gather3A_729 = arith.constant 0 : i32
        %gather3A_730 = arith.constant 0 : i32
        %gather3A_731 = tpu.memref_slice %arg12[%gather3A_728, %gather3A_729, %gather3A_730] : memref<2x48x160xf32, #tpu.memory_space<vmem>> -> memref<1x48x160xf32, #tpu.memory_space<vmem>>
        %gather3A_732 = tpu.memref_squeeze %gather3A_731 : memref<1x48x160xf32, #tpu.memory_space<vmem>> -> memref<48x160xf32, #tpu.memory_space<vmem>>
        %gather3A_733 = tpu.vector_load_idx %gather3A_732[%add3A_502, %add3A_727] : memref<48x160xf32, #tpu.memory_space<vmem>>[vector<16xi32>, vector<16xi32>], vector<16xf32>,
        %add3A_734 = arith.addf %gather3A_724, %gather3A_733 : vector<16xf32>
        %mul3A_735 = arith.mulf %gather3A_718, %add3A_734 : vector<16xf32>
        %add3A_736 = arith.addf %add3A_710, %mul3A_735 : vector<16xf32>
        %broadcast_in_dim3A_737 = arith.constant 9 : i32
        %broadcast_in_dim3A_738 = vector.broadcast %broadcast_in_dim3A_737 : i32 to vector<16xi32>
        %gather3A_739 = arith.constant 1 : i32
        %gather3A_740 = arith.constant 0 : i32
        %gather3A_741 = arith.constant 0 : i32
        %gather3A_742 = tpu.memref_slice %arg10[%gather3A_739, %gather3A_740, %gather3A_741] : memref<2x48x16xf32, #tpu.memory_space<vmem>> -> memref<1x48x16xf32, #tpu.memory_space<vmem>>
        %gather3A_743 = tpu.memref_squeeze %gather3A_742 : memref<1x48x16xf32, #tpu.memory_space<vmem>> -> memref<48x16xf32, #tpu.memory_space<vmem>>
        %gather3A_744 = tpu.vector_load_idx %gather3A_743[%add3A_502, %broadcast_in_dim3A_738] : memref<48x16xf32, #tpu.memory_space<vmem>>[vector<16xi32>, vector<16xi32>], vector<16xf32>,
        %gather3A_745 = arith.constant 1 : i32
        %gather3A_746 = arith.constant 0 : i32
        %gather3A_747 = arith.constant 0 : i32
        %gather3A_748 = tpu.memref_slice %arg11[%gather3A_745, %gather3A_746, %gather3A_747] : memref<2x48x32xf32, #tpu.memory_space<vmem>> -> memref<1x48x32xf32, #tpu.memory_space<vmem>>
        %gather3A_749 = tpu.memref_squeeze %gather3A_748 : memref<1x48x32xf32, #tpu.memory_space<vmem>> -> memref<48x32xf32, #tpu.memory_space<vmem>>
        %gather3A_750 = tpu.vector_load_idx %gather3A_749[%add3A_502, %broadcast_in_dim3A_738] : memref<48x32xf32, #tpu.memory_space<vmem>>[vector<16xi32>, vector<16xi32>], vector<16xf32>,
        %add3A_751 = arith.constant 128 : i32
        %add3A_752 = vector.broadcast %add3A_751 : i32 to vector<16xi32>
        %add3A_753 = arith.addi %broadcast_in_dim3A_738, %add3A_752 : vector<16xi32>
        %gather3A_754 = arith.constant 1 : i32
        %gather3A_755 = arith.constant 0 : i32
        %gather3A_756 = arith.constant 0 : i32
        %gather3A_757 = tpu.memref_slice %arg12[%gather3A_754, %gather3A_755, %gather3A_756] : memref<2x48x160xf32, #tpu.memory_space<vmem>> -> memref<1x48x160xf32, #tpu.memory_space<vmem>>
        %gather3A_758 = tpu.memref_squeeze %gather3A_757 : memref<1x48x160xf32, #tpu.memory_space<vmem>> -> memref<48x160xf32, #tpu.memory_space<vmem>>
        %gather3A_759 = tpu.vector_load_idx %gather3A_758[%add3A_502, %add3A_753] : memref<48x160xf32, #tpu.memory_space<vmem>>[vector<16xi32>, vector<16xi32>], vector<16xf32>,
        %add3A_760 = arith.addf %gather3A_750, %gather3A_759 : vector<16xf32>
        %mul3A_761 = arith.mulf %gather3A_744, %add3A_760 : vector<16xf32>
        %add3A_762 = arith.addf %add3A_736, %mul3A_761 : vector<16xf32>
        %broadcast_in_dim3A_763 = arith.constant 10 : i32
        %broadcast_in_dim3A_764 = vector.broadcast %broadcast_in_dim3A_763 : i32 to vector<16xi32>
        %gather3A_765 = arith.constant 1 : i32
        %gather3A_766 = arith.constant 0 : i32
        %gather3A_767 = arith.constant 0 : i32
        %gather3A_768 = tpu.memref_slice %arg10[%gather3A_765, %gather3A_766, %gather3A_767] : memref<2x48x16xf32, #tpu.memory_space<vmem>> -> memref<1x48x16xf32, #tpu.memory_space<vmem>>
        %gather3A_769 = tpu.memref_squeeze %gather3A_768 : memref<1x48x16xf32, #tpu.memory_space<vmem>> -> memref<48x16xf32, #tpu.memory_space<vmem>>
        %gather3A_770 = tpu.vector_load_idx %gather3A_769[%add3A_502, %broadcast_in_dim3A_764] : memref<48x16xf32, #tpu.memory_space<vmem>>[vector<16xi32>, vector<16xi32>], vector<16xf32>,
        %gather3A_771 = arith.constant 1 : i32
        %gather3A_772 = arith.constant 0 : i32
        %gather3A_773 = arith.constant 0 : i32
        %gather3A_774 = tpu.memref_slice %arg11[%gather3A_771, %gather3A_772, %gather3A_773] : memref<2x48x32xf32, #tpu.memory_space<vmem>> -> memref<1x48x32xf32, #tpu.memory_space<vmem>>
        %gather3A_775 = tpu.memref_squeeze %gather3A_774 : memref<1x48x32xf32, #tpu.memory_space<vmem>> -> memref<48x32xf32, #tpu.memory_space<vmem>>
        %gather3A_776 = tpu.vector_load_idx %gather3A_775[%add3A_502, %broadcast_in_dim3A_764] : memref<48x32xf32, #tpu.memory_space<vmem>>[vector<16xi32>, vector<16xi32>], vector<16xf32>,
        %add3A_777 = arith.constant 128 : i32
        %add3A_778 = vector.broadcast %add3A_777 : i32 to vector<16xi32>
        %add3A_779 = arith.addi %broadcast_in_dim3A_764, %add3A_778 : vector<16xi32>
        %gather3A_780 = arith.constant 1 : i32
        %gather3A_781 = arith.constant 0 : i32
        %gather3A_782 = arith.constant 0 : i32
        %gather3A_783 = tpu.memref_slice %arg12[%gather3A_780, %gather3A_781, %gather3A_782] : memref<2x48x160xf32, #tpu.memory_space<vmem>> -> memref<1x48x160xf32, #tpu.memory_space<vmem>>
        %gather3A_784 = tpu.memref_squeeze %gather3A_783 : memref<1x48x160xf32, #tpu.memory_space<vmem>> -> memref<48x160xf32, #tpu.memory_space<vmem>>
        %gather3A_785 = tpu.vector_load_idx %gather3A_784[%add3A_502, %add3A_779] : memref<48x160xf32, #tpu.memory_space<vmem>>[vector<16xi32>, vector<16xi32>], vector<16xf32>,
        %add3A_786 = arith.addf %gather3A_776, %gather3A_785 : vector<16xf32>
        %mul3A_787 = arith.mulf %gather3A_770, %add3A_786 : vector<16xf32>
        %add3A_788 = arith.addf %add3A_762, %mul3A_787 : vector<16xf32>
        %broadcast_in_dim3A_789 = arith.constant 11 : i32
        %broadcast_in_dim3A_790 = vector.broadcast %broadcast_in_dim3A_789 : i32 to vector<16xi32>
        %gather3A_791 = arith.constant 1 : i32
        %gather3A_792 = arith.constant 0 : i32
        %gather3A_793 = arith.constant 0 : i32
        %gather3A_794 = tpu.memref_slice %arg10[%gather3A_791, %gather3A_792, %gather3A_793] : memref<2x48x16xf32, #tpu.memory_space<vmem>> -> memref<1x48x16xf32, #tpu.memory_space<vmem>>
        %gather3A_795 = tpu.memref_squeeze %gather3A_794 : memref<1x48x16xf32, #tpu.memory_space<vmem>> -> memref<48x16xf32, #tpu.memory_space<vmem>>
        %gather3A_796 = tpu.vector_load_idx %gather3A_795[%add3A_502, %broadcast_in_dim3A_790] : memref<48x16xf32, #tpu.memory_space<vmem>>[vector<16xi32>, vector<16xi32>], vector<16xf32>,
        %gather3A_797 = arith.constant 1 : i32
        %gather3A_798 = arith.constant 0 : i32
        %gather3A_799 = arith.constant 0 : i32
        %gather3A_800 = tpu.memref_slice %arg11[%gather3A_797, %gather3A_798, %gather3A_799] : memref<2x48x32xf32, #tpu.memory_space<vmem>> -> memref<1x48x32xf32, #tpu.memory_space<vmem>>
        %gather3A_801 = tpu.memref_squeeze %gather3A_800 : memref<1x48x32xf32, #tpu.memory_space<vmem>> -> memref<48x32xf32, #tpu.memory_space<vmem>>
        %gather3A_802 = tpu.vector_load_idx %gather3A_801[%add3A_502, %broadcast_in_dim3A_790] : memref<48x32xf32, #tpu.memory_space<vmem>>[vector<16xi32>, vector<16xi32>], vector<16xf32>,
        %add3A_803 = arith.constant 128 : i32
        %add3A_804 = vector.broadcast %add3A_803 : i32 to vector<16xi32>
        %add3A_805 = arith.addi %broadcast_in_dim3A_790, %add3A_804 : vector<16xi32>
        %gather3A_806 = arith.constant 1 : i32
        %gather3A_807 = arith.constant 0 : i32
        %gather3A_808 = arith.constant 0 : i32
        %gather3A_809 = tpu.memref_slice %arg12[%gather3A_806, %gather3A_807, %gather3A_808] : memref<2x48x160xf32, #tpu.memory_space<vmem>> -> memref<1x48x160xf32, #tpu.memory_space<vmem>>
        %gather3A_810 = tpu.memref_squeeze %gather3A_809 : memref<1x48x160xf32, #tpu.memory_space<vmem>> -> memref<48x160xf32, #tpu.memory_space<vmem>>
        %gather3A_811 = tpu.vector_load_idx %gather3A_810[%add3A_502, %add3A_805] : memref<48x160xf32, #tpu.memory_space<vmem>>[vector<16xi32>, vector<16xi32>], vector<16xf32>,
        %add3A_812 = arith.addf %gather3A_802, %gather3A_811 : vector<16xf32>
        %mul3A_813 = arith.mulf %gather3A_796, %add3A_812 : vector<16xf32>
        %add3A_814 = arith.addf %add3A_788, %mul3A_813 : vector<16xf32>
        %broadcast_in_dim3A_815 = arith.constant 12 : i32
        %broadcast_in_dim3A_816 = vector.broadcast %broadcast_in_dim3A_815 : i32 to vector<16xi32>
        %gather3A_817 = arith.constant 1 : i32
        %gather3A_818 = arith.constant 0 : i32
        %gather3A_819 = arith.constant 0 : i32
        %gather3A_820 = tpu.memref_slice %arg10[%gather3A_817, %gather3A_818, %gather3A_819] : memref<2x48x16xf32, #tpu.memory_space<vmem>> -> memref<1x48x16xf32, #tpu.memory_space<vmem>>
        %gather3A_821 = tpu.memref_squeeze %gather3A_820 : memref<1x48x16xf32, #tpu.memory_space<vmem>> -> memref<48x16xf32, #tpu.memory_space<vmem>>
        %gather3A_822 = tpu.vector_load_idx %gather3A_821[%add3A_502, %broadcast_in_dim3A_816] : memref<48x16xf32, #tpu.memory_space<vmem>>[vector<16xi32>, vector<16xi32>], vector<16xf32>,
        %gather3A_823 = arith.constant 1 : i32
        %gather3A_824 = arith.constant 0 : i32
        %gather3A_825 = arith.constant 0 : i32
        %gather3A_826 = tpu.memref_slice %arg11[%gather3A_823, %gather3A_824, %gather3A_825] : memref<2x48x32xf32, #tpu.memory_space<vmem>> -> memref<1x48x32xf32, #tpu.memory_space<vmem>>
        %gather3A_827 = tpu.memref_squeeze %gather3A_826 : memref<1x48x32xf32, #tpu.memory_space<vmem>> -> memref<48x32xf32, #tpu.memory_space<vmem>>
        %gather3A_828 = tpu.vector_load_idx %gather3A_827[%add3A_502, %broadcast_in_dim3A_816] : memref<48x32xf32, #tpu.memory_space<vmem>>[vector<16xi32>, vector<16xi32>], vector<16xf32>,
        %add3A_829 = arith.constant 128 : i32
        %add3A_830 = vector.broadcast %add3A_829 : i32 to vector<16xi32>
        %add3A_831 = arith.addi %broadcast_in_dim3A_816, %add3A_830 : vector<16xi32>
        %gather3A_832 = arith.constant 1 : i32
        %gather3A_833 = arith.constant 0 : i32
        %gather3A_834 = arith.constant 0 : i32
        %gather3A_835 = tpu.memref_slice %arg12[%gather3A_832, %gather3A_833, %gather3A_834] : memref<2x48x160xf32, #tpu.memory_space<vmem>> -> memref<1x48x160xf32, #tpu.memory_space<vmem>>
        %gather3A_836 = tpu.memref_squeeze %gather3A_835 : memref<1x48x160xf32, #tpu.memory_space<vmem>> -> memref<48x160xf32, #tpu.memory_space<vmem>>
        %gather3A_837 = tpu.vector_load_idx %gather3A_836[%add3A_502, %add3A_831] : memref<48x160xf32, #tpu.memory_space<vmem>>[vector<16xi32>, vector<16xi32>], vector<16xf32>,
        %add3A_838 = arith.addf %gather3A_828, %gather3A_837 : vector<16xf32>
        %mul3A_839 = arith.mulf %gather3A_822, %add3A_838 : vector<16xf32>
        %add3A_840 = arith.addf %add3A_814, %mul3A_839 : vector<16xf32>
        %broadcast_in_dim3A_841 = arith.constant 13 : i32
        %broadcast_in_dim3A_842 = vector.broadcast %broadcast_in_dim3A_841 : i32 to vector<16xi32>
        %gather3A_843 = arith.constant 1 : i32
        %gather3A_844 = arith.constant 0 : i32
        %gather3A_845 = arith.constant 0 : i32
        %gather3A_846 = tpu.memref_slice %arg10[%gather3A_843, %gather3A_844, %gather3A_845] : memref<2x48x16xf32, #tpu.memory_space<vmem>> -> memref<1x48x16xf32, #tpu.memory_space<vmem>>
        %gather3A_847 = tpu.memref_squeeze %gather3A_846 : memref<1x48x16xf32, #tpu.memory_space<vmem>> -> memref<48x16xf32, #tpu.memory_space<vmem>>
        %gather3A_848 = tpu.vector_load_idx %gather3A_847[%add3A_502, %broadcast_in_dim3A_842] : memref<48x16xf32, #tpu.memory_space<vmem>>[vector<16xi32>, vector<16xi32>], vector<16xf32>,
        %gather3A_849 = arith.constant 1 : i32
        %gather3A_850 = arith.constant 0 : i32
        %gather3A_851 = arith.constant 0 : i32
        %gather3A_852 = tpu.memref_slice %arg11[%gather3A_849, %gather3A_850, %gather3A_851] : memref<2x48x32xf32, #tpu.memory_space<vmem>> -> memref<1x48x32xf32, #tpu.memory_space<vmem>>
        %gather3A_853 = tpu.memref_squeeze %gather3A_852 : memref<1x48x32xf32, #tpu.memory_space<vmem>> -> memref<48x32xf32, #tpu.memory_space<vmem>>
        %gather3A_854 = tpu.vector_load_idx %gather3A_853[%add3A_502, %broadcast_in_dim3A_842] : memref<48x32xf32, #tpu.memory_space<vmem>>[vector<16xi32>, vector<16xi32>], vector<16xf32>,
        %add3A_855 = arith.constant 128 : i32
        %add3A_856 = vector.broadcast %add3A_855 : i32 to vector<16xi32>
        %add3A_857 = arith.addi %broadcast_in_dim3A_842, %add3A_856 : vector<16xi32>
        %gather3A_858 = arith.constant 1 : i32
        %gather3A_859 = arith.constant 0 : i32
        %gather3A_860 = arith.constant 0 : i32
        %gather3A_861 = tpu.memref_slice %arg12[%gather3A_858, %gather3A_859, %gather3A_860] : memref<2x48x160xf32, #tpu.memory_space<vmem>> -> memref<1x48x160xf32, #tpu.memory_space<vmem>>
        %gather3A_862 = tpu.memref_squeeze %gather3A_861 : memref<1x48x160xf32, #tpu.memory_space<vmem>> -> memref<48x160xf32, #tpu.memory_space<vmem>>
        %gather3A_863 = tpu.vector_load_idx %gather3A_862[%add3A_502, %add3A_857] : memref<48x160xf32, #tpu.memory_space<vmem>>[vector<16xi32>, vector<16xi32>], vector<16xf32>,
        %add3A_864 = arith.addf %gather3A_854, %gather3A_863 : vector<16xf32>
        %mul3A_865 = arith.mulf %gather3A_848, %add3A_864 : vector<16xf32>
        %add3A_866 = arith.addf %add3A_840, %mul3A_865 : vector<16xf32>
        %broadcast_in_dim3A_867 = arith.constant 14 : i32
        %broadcast_in_dim3A_868 = vector.broadcast %broadcast_in_dim3A_867 : i32 to vector<16xi32>
        %gather3A_869 = arith.constant 1 : i32
        %gather3A_870 = arith.constant 0 : i32
        %gather3A_871 = arith.constant 0 : i32
        %gather3A_872 = tpu.memref_slice %arg10[%gather3A_869, %gather3A_870, %gather3A_871] : memref<2x48x16xf32, #tpu.memory_space<vmem>> -> memref<1x48x16xf32, #tpu.memory_space<vmem>>
        %gather3A_873 = tpu.memref_squeeze %gather3A_872 : memref<1x48x16xf32, #tpu.memory_space<vmem>> -> memref<48x16xf32, #tpu.memory_space<vmem>>
        %gather3A_874 = tpu.vector_load_idx %gather3A_873[%add3A_502, %broadcast_in_dim3A_868] : memref<48x16xf32, #tpu.memory_space<vmem>>[vector<16xi32>, vector<16xi32>], vector<16xf32>,
        %gather3A_875 = arith.constant 1 : i32
        %gather3A_876 = arith.constant 0 : i32
        %gather3A_877 = arith.constant 0 : i32
        %gather3A_878 = tpu.memref_slice %arg11[%gather3A_875, %gather3A_876, %gather3A_877] : memref<2x48x32xf32, #tpu.memory_space<vmem>> -> memref<1x48x32xf32, #tpu.memory_space<vmem>>
        %gather3A_879 = tpu.memref_squeeze %gather3A_878 : memref<1x48x32xf32, #tpu.memory_space<vmem>> -> memref<48x32xf32, #tpu.memory_space<vmem>>
        %gather3A_880 = tpu.vector_load_idx %gather3A_879[%add3A_502, %broadcast_in_dim3A_868] : memref<48x32xf32, #tpu.memory_space<vmem>>[vector<16xi32>, vector<16xi32>], vector<16xf32>,
        %add3A_881 = arith.constant 128 : i32
        %add3A_882 = vector.broadcast %add3A_881 : i32 to vector<16xi32>
        %add3A_883 = arith.addi %broadcast_in_dim3A_868, %add3A_882 : vector<16xi32>
        %gather3A_884 = arith.constant 1 : i32
        %gather3A_885 = arith.constant 0 : i32
        %gather3A_886 = arith.constant 0 : i32
        %gather3A_887 = tpu.memref_slice %arg12[%gather3A_884, %gather3A_885, %gather3A_886] : memref<2x48x160xf32, #tpu.memory_space<vmem>> -> memref<1x48x160xf32, #tpu.memory_space<vmem>>
        %gather3A_888 = tpu.memref_squeeze %gather3A_887 : memref<1x48x160xf32, #tpu.memory_space<vmem>> -> memref<48x160xf32, #tpu.memory_space<vmem>>
        %gather3A_889 = tpu.vector_load_idx %gather3A_888[%add3A_502, %add3A_883] : memref<48x160xf32, #tpu.memory_space<vmem>>[vector<16xi32>, vector<16xi32>], vector<16xf32>,
        %add3A_890 = arith.addf %gather3A_880, %gather3A_889 : vector<16xf32>
        %mul3A_891 = arith.mulf %gather3A_874, %add3A_890 : vector<16xf32>
        %add3A_892 = arith.addf %add3A_866, %mul3A_891 : vector<16xf32>
        %broadcast_in_dim3A_893 = arith.constant 15 : i32
        %broadcast_in_dim3A_894 = vector.broadcast %broadcast_in_dim3A_893 : i32 to vector<16xi32>
        %gather3A_895 = arith.constant 1 : i32
        %gather3A_896 = arith.constant 0 : i32
        %gather3A_897 = arith.constant 0 : i32
        %gather3A_898 = tpu.memref_slice %arg10[%gather3A_895, %gather3A_896, %gather3A_897] : memref<2x48x16xf32, #tpu.memory_space<vmem>> -> memref<1x48x16xf32, #tpu.memory_space<vmem>>
        %gather3A_899 = tpu.memref_squeeze %gather3A_898 : memref<1x48x16xf32, #tpu.memory_space<vmem>> -> memref<48x16xf32, #tpu.memory_space<vmem>>
        %gather3A_900 = tpu.vector_load_idx %gather3A_899[%add3A_502, %broadcast_in_dim3A_894] : memref<48x16xf32, #tpu.memory_space<vmem>>[vector<16xi32>, vector<16xi32>], vector<16xf32>,
        %gather3A_901 = arith.constant 1 : i32
        %gather3A_902 = arith.constant 0 : i32
        %gather3A_903 = arith.constant 0 : i32
        %gather3A_904 = tpu.memref_slice %arg11[%gather3A_901, %gather3A_902, %gather3A_903] : memref<2x48x32xf32, #tpu.memory_space<vmem>> -> memref<1x48x32xf32, #tpu.memory_space<vmem>>
        %gather3A_905 = tpu.memref_squeeze %gather3A_904 : memref<1x48x32xf32, #tpu.memory_space<vmem>> -> memref<48x32xf32, #tpu.memory_space<vmem>>
        %gather3A_906 = tpu.vector_load_idx %gather3A_905[%add3A_502, %broadcast_in_dim3A_894] : memref<48x32xf32, #tpu.memory_space<vmem>>[vector<16xi32>, vector<16xi32>], vector<16xf32>,
        %add3A_907 = arith.constant 128 : i32
        %add3A_908 = vector.broadcast %add3A_907 : i32 to vector<16xi32>
        %add3A_909 = arith.addi %broadcast_in_dim3A_894, %add3A_908 : vector<16xi32>
        %gather3A_910 = arith.constant 1 : i32
        %gather3A_911 = arith.constant 0 : i32
        %gather3A_912 = arith.constant 0 : i32
        %gather3A_913 = tpu.memref_slice %arg12[%gather3A_910, %gather3A_911, %gather3A_912] : memref<2x48x160xf32, #tpu.memory_space<vmem>> -> memref<1x48x160xf32, #tpu.memory_space<vmem>>
        %gather3A_914 = tpu.memref_squeeze %gather3A_913 : memref<1x48x160xf32, #tpu.memory_space<vmem>> -> memref<48x160xf32, #tpu.memory_space<vmem>>
        %gather3A_915 = tpu.vector_load_idx %gather3A_914[%add3A_502, %add3A_909] : memref<48x160xf32, #tpu.memory_space<vmem>>[vector<16xi32>, vector<16xi32>], vector<16xf32>,
        %add3A_916 = arith.addf %gather3A_906, %gather3A_915 : vector<16xf32>
        %mul3A_917 = arith.mulf %gather3A_900, %add3A_916 : vector<16xf32>
        %add3A_918 = arith.addf %add3A_892, %mul3A_917 : vector<16xf32>
        %broadcast_in_dim3A_919 = arith.constant 16 : i32
        %broadcast_in_dim3A_920 = vector.broadcast %broadcast_in_dim3A_919 : i32 to vector<16xi32>
        %gather3A_921 = arith.constant 1 : i32
        %gather3A_922 = arith.constant 0 : i32
        %gather3A_923 = arith.constant 0 : i32
        %gather3A_924 = tpu.memref_slice %arg11[%gather3A_921, %gather3A_922, %gather3A_923] : memref<2x48x32xf32, #tpu.memory_space<vmem>> -> memref<1x48x32xf32, #tpu.memory_space<vmem>>
        %gather3A_925 = tpu.memref_squeeze %gather3A_924 : memref<1x48x32xf32, #tpu.memory_space<vmem>> -> memref<48x32xf32, #tpu.memory_space<vmem>>
        %gather3A_926 = tpu.vector_load_idx %gather3A_925[%add3A_502, %broadcast_in_dim3A_920] : memref<48x32xf32, #tpu.memory_space<vmem>>[vector<16xi32>, vector<16xi32>], vector<16xf32>,
        %broadcast_in_dim3A_927 = arith.constant 144 : i32
        %broadcast_in_dim3A_928 = vector.broadcast %broadcast_in_dim3A_927 : i32 to vector<16xi32>
        %gather3A_929 = arith.constant 1 : i32
        %gather3A_930 = arith.constant 0 : i32
        %gather3A_931 = arith.constant 0 : i32
        %gather3A_932 = tpu.memref_slice %arg12[%gather3A_929, %gather3A_930, %gather3A_931] : memref<2x48x160xf32, #tpu.memory_space<vmem>> -> memref<1x48x160xf32, #tpu.memory_space<vmem>>
        %gather3A_933 = tpu.memref_squeeze %gather3A_932 : memref<1x48x160xf32, #tpu.memory_space<vmem>> -> memref<48x160xf32, #tpu.memory_space<vmem>>
        %gather3A_934 = tpu.vector_load_idx %gather3A_933[%add3A_502, %broadcast_in_dim3A_928] : memref<48x160xf32, #tpu.memory_space<vmem>>[vector<16xi32>, vector<16xi32>], vector<16xf32>,
        %add3A_935 = arith.addf %add3A_918, %gather3A_926 : vector<16xf32>
        %add3A_936 = arith.addf %add3A_935, %gather3A_934 : vector<16xf32>
        %exp3A = math.exp %add3A_936 : vector<16xf32>
        %gt3A = arith.constant 0.000000e+00 : f32
        %gt3A_937 = vector.broadcast %gt3A : f32 to vector<16xf32>
        %gt3A_938 = arith.cmpf ogt, %add3A_936, %gt3A_937 : vector<16xf32>
        %sub3A = arith.constant 1.000000e+00 : f32
        %sub3A_939 = vector.broadcast %sub3A : f32 to vector<16xf32>
        %sub3A_940 = arith.subf %exp3A, %sub3A_939 : vector<16xf32>
        %exp3A_941 = math.exp %sub3A_940 : vector<16xf32>
        %select_n3A = arith.select %gt3A_938, %exp3A, %exp3A_941 : vector<16xi1>, vector<16xf32>
        %mul3A_942 = arith.constant 16 : i32
        %mul3A_943 = arith.muli %scan3A_498, %mul3A_942 : i32
        %swap3A = arith.index_cast %mul3A_943 : i32 to index
        %swap3A_944 = tpu.vector_load %arg15[%swap3A] {strides = array<i32>} : memref<48xf32, #tpu.memory_space<vmem>>, vector<16xf32>,
        tpu.vector_store %arg15[%swap3A], %select_n3A {strides = array<i32>} : memref<48xf32, #tpu.memory_space<vmem>>, vector<16xf32>,
      }
      %scan3A_429 = arith.constant 3 : i32
      %scan3A_430 = arith.constant 0 : i32
      %scan3A_431 = arith.constant 0 : i32
      %scan3A_432 = arith.constant 5 : i32
      %scan3A_433 = arith.addi %scan3A_431, %scan3A_432 : i32
      %scan3A_434 = arith.constant 1 : i32
      scf.for %scan3A_498 = %scan3A_431 to %scan3A_433 step %scan3A_434  : i32 {
        %mul3A_499 = arith.constant 8 : i32
        %mul3A_500 = arith.muli %scan3A_498, %mul3A_499 : i32
        %add3A_501 = arith.constant 0 : i32
        %add3A_502 = arith.addi %mul3A_500, %add3A_501 : i32
        %broadcast_in_dim3A = vector.broadcast %add3A_502 : i32 to vector<16xi32>
        %gather3A = tpu.vector_load_idx %arg15[%broadcast_in_dim3A] : memref<48xf32, #tpu.memory_space<vmem>>[vector<16xi32>], vector<16xf32>,
        %get3A = arith.constant 1 : i32
        %get3A_503 = arith.index_cast %get3A : i32 to index
        %get3A_504 = arith.index_cast %add3A_502 : i32 to index
        %get3A_505 = arith.constant 0 : index
        %get3A_506 = tpu.vector_load %arg13[%get3A_503, %get3A_504, %get3A_505] {strides = array<i32>} : memref<2x40x128xf32, #tpu.memory_space<vmem>>, vector<16xf32>,
        %mul3A_507 = arith.mulf %gather3A, %get3A_506 : vector<16xf32>
        %get3A_508 = arith.constant 1 : i32
        %get3A_509 = arith.index_cast %get3A_508 : i32 to index
        %get3A_510 = arith.index_cast %add3A_502 : i32 to index
        %get3A_511 = arith.constant 0 : index
        %get3A_512 = tpu.vector_load %arg12[%get3A_509, %get3A_510, %get3A_511] {strides = array<i32>} : memref<2x48x160xf32, #tpu.memory_space<vmem>>, vector<16xf32>,
        %mul3A_513 = arith.mulf %mul3A_507, %get3A_512 : vector<16xf32>
        %swap3A = arith.index_cast %add3A_502 : i32 to index
        %swap3A_514 = arith.constant 0 : index
        %swap3A_515 = tpu.vector_load %arg14[%swap3A, %swap3A_514] {strides = array<i32>} : memref<40x144xf32, #tpu.memory_space<vmem>>, vector<16xf32>,
        tpu.vector_store %arg14[%swap3A, %swap3A_514], %mul3A_513 {strides = array<i32>} : memref<40x144xf32, #tpu.memory_space<vmem>>, vector<16xf32>,
        %get3A_516 = arith.constant 1 : i32
        %get3A_517 = arith.index_cast %get3A_516 : i32 to index
        %get3A_518 = arith.index_cast %add3A_502 : i32 to index
        %get3A_519 = arith.constant 16 : index
        %get3A_520 = tpu.vector_load %arg13[%get3A_517, %get3A_518, %get3A_519] {strides = array<i32>} : memref<2x40x128xf32, #tpu.memory_space<vmem>>, vector<16xf32>,
        %mul3A_521 = arith.mulf %gather3A, %get3A_520 : vector<16xf32>
        %get3A_522 = arith.constant 1 : i32
        %get3A_523 = arith.index_cast %get3A_522 : i32 to index
        %get3A_524 = arith.index_cast %add3A_502 : i32 to index
        %get3A_525 = arith.constant 16 : index
        %get3A_526 = tpu.vector_load %arg12[%get3A_523, %get3A_524, %get3A_525] {strides = array<i32>} : memref<2x48x160xf32, #tpu.memory_space<vmem>>, vector<16xf32>,
        %mul3A_527 = arith.mulf %mul3A_521, %get3A_526 : vector<16xf32>
        %swap3A_528 = arith.index_cast %add3A_502 : i32 to index
        %swap3A_529 = arith.constant 16 : index
        %swap3A_530 = tpu.vector_load %arg14[%swap3A_528, %swap3A_529] {strides = array<i32>} : memref<40x144xf32, #tpu.memory_space<vmem>>, vector<16xf32>,
        tpu.vector_store %arg14[%swap3A_528, %swap3A_529], %mul3A_527 {strides = array<i32>} : memref<40x144xf32, #tpu.memory_space<vmem>>, vector<16xf32>,
        %get3A_531 = arith.constant 1 : i32
        %get3A_532 = arith.index_cast %get3A_531 : i32 to index
        %get3A_533 = arith.index_cast %add3A_502 : i32 to index
        %get3A_534 = arith.constant 32 : index
        %get3A_535 = tpu.vector_load %arg13[%get3A_532, %get3A_533, %get3A_534] {strides = array<i32>} : memref<2x40x128xf32, #tpu.memory_space<vmem>>, vector<16xf32>,
        %mul3A_536 = arith.mulf %gather3A, %get3A_535 : vector<16xf32>
        %get3A_537 = arith.constant 1 : i32
        %get3A_538 = arith.index_cast %get3A_537 : i32 to index
        %get3A_539 = arith.index_cast %add3A_502 : i32 to index
        %get3A_540 = arith.constant 32 : index
        %get3A_541 = tpu.vector_load %arg12[%get3A_538, %get3A_539, %get3A_540] {strides = array<i32>} : memref<2x48x160xf32, #tpu.memory_space<vmem>>, vector<16xf32>,
        %mul3A_542 = arith.mulf %mul3A_536, %get3A_541 : vector<16xf32>
        %swap3A_543 = arith.index_cast %add3A_502 : i32 to index
        %swap3A_544 = arith.constant 32 : index
        %swap3A_545 = tpu.vector_load %arg14[%swap3A_543, %swap3A_544] {strides = array<i32>} : memref<40x144xf32, #tpu.memory_space<vmem>>, vector<16xf32>,
        tpu.vector_store %arg14[%swap3A_543, %swap3A_544], %mul3A_542 {strides = array<i32>} : memref<40x144xf32, #tpu.memory_space<vmem>>, vector<16xf32>,
        %get3A_546 = arith.constant 1 : i32
        %get3A_547 = arith.index_cast %get3A_546 : i32 to index
        %get3A_548 = arith.index_cast %add3A_502 : i32 to index
        %get3A_549 = arith.constant 48 : index
        %get3A_550 = tpu.vector_load %arg13[%get3A_547, %get3A_548, %get3A_549] {strides = array<i32>} : memref<2x40x128xf32, #tpu.memory_space<vmem>>, vector<16xf32>,
        %mul3A_551 = arith.mulf %gather3A, %get3A_550 : vector<16xf32>
        %get3A_552 = arith.constant 1 : i32
        %get3A_553 = arith.index_cast %get3A_552 : i32 to index
        %get3A_554 = arith.index_cast %add3A_502 : i32 to index
        %get3A_555 = arith.constant 48 : index
        %get3A_556 = tpu.vector_load %arg12[%get3A_553, %get3A_554, %get3A_555] {strides = array<i32>} : memref<2x48x160xf32, #tpu.memory_space<vmem>>, vector<16xf32>,
        %mul3A_557 = arith.mulf %mul3A_551, %get3A_556 : vector<16xf32>
        %swap3A_558 = arith.index_cast %add3A_502 : i32 to index
        %swap3A_559 = arith.constant 48 : index
        %swap3A_560 = tpu.vector_load %arg14[%swap3A_558, %swap3A_559] {strides = array<i32>} : memref<40x144xf32, #tpu.memory_space<vmem>>, vector<16xf32>,
        tpu.vector_store %arg14[%swap3A_558, %swap3A_559], %mul3A_557 {strides = array<i32>} : memref<40x144xf32, #tpu.memory_space<vmem>>, vector<16xf32>,
        %get3A_561 = arith.constant 1 : i32
        %get3A_562 = arith.index_cast %get3A_561 : i32 to index
        %get3A_563 = arith.index_cast %add3A_502 : i32 to index
        %get3A_564 = arith.constant 64 : index
        %get3A_565 = tpu.vector_load %arg13[%get3A_562, %get3A_563, %get3A_564] {strides = array<i32>} : memref<2x40x128xf32, #tpu.memory_space<vmem>>, vector<16xf32>,
        %mul3A_566 = arith.mulf %gather3A, %get3A_565 : vector<16xf32>
        %get3A_567 = arith.constant 1 : i32
        %get3A_568 = arith.index_cast %get3A_567 : i32 to index
        %get3A_569 = arith.index_cast %add3A_502 : i32 to index
        %get3A_570 = arith.constant 64 : index
        %get3A_571 = tpu.vector_load %arg12[%get3A_568, %get3A_569, %get3A_570] {strides = array<i32>} : memref<2x48x160xf32, #tpu.memory_space<vmem>>, vector<16xf32>,
        %mul3A_572 = arith.mulf %mul3A_566, %get3A_571 : vector<16xf32>
        %swap3A_573 = arith.index_cast %add3A_502 : i32 to index
        %swap3A_574 = arith.constant 64 : index
        %swap3A_575 = tpu.vector_load %arg14[%swap3A_573, %swap3A_574] {strides = array<i32>} : memref<40x144xf32, #tpu.memory_space<vmem>>, vector<16xf32>,
        tpu.vector_store %arg14[%swap3A_573, %swap3A_574], %mul3A_572 {strides = array<i32>} : memref<40x144xf32, #tpu.memory_space<vmem>>, vector<16xf32>,
        %get3A_576 = arith.constant 1 : i32
        %get3A_577 = arith.index_cast %get3A_576 : i32 to index
        %get3A_578 = arith.index_cast %add3A_502 : i32 to index
        %get3A_579 = arith.constant 80 : index
        %get3A_580 = tpu.vector_load %arg13[%get3A_577, %get3A_578, %get3A_579] {strides = array<i32>} : memref<2x40x128xf32, #tpu.memory_space<vmem>>, vector<16xf32>,
        %mul3A_581 = arith.mulf %gather3A, %get3A_580 : vector<16xf32>
        %get3A_582 = arith.constant 1 : i32
        %get3A_583 = arith.index_cast %get3A_582 : i32 to index
        %get3A_584 = arith.index_cast %add3A_502 : i32 to index
        %get3A_585 = arith.constant 80 : index
        %get3A_586 = tpu.vector_load %arg12[%get3A_583, %get3A_584, %get3A_585] {strides = array<i32>} : memref<2x48x160xf32, #tpu.memory_space<vmem>>, vector<16xf32>,
        %mul3A_587 = arith.mulf %mul3A_581, %get3A_586 : vector<16xf32>
        %swap3A_588 = arith.index_cast %add3A_502 : i32 to index
        %swap3A_589 = arith.constant 80 : index
        %swap3A_590 = tpu.vector_load %arg14[%swap3A_588, %swap3A_589] {strides = array<i32>} : memref<40x144xf32, #tpu.memory_space<vmem>>, vector<16xf32>,
        tpu.vector_store %arg14[%swap3A_588, %swap3A_589], %mul3A_587 {strides = array<i32>} : memref<40x144xf32, #tpu.memory_space<vmem>>, vector<16xf32>,
        %get3A_591 = arith.constant 1 : i32
        %get3A_592 = arith.index_cast %get3A_591 : i32 to index
        %get3A_593 = arith.index_cast %add3A_502 : i32 to index
        %get3A_594 = arith.constant 96 : index
        %get3A_595 = tpu.vector_load %arg13[%get3A_592, %get3A_593, %get3A_594] {strides = array<i32>} : memref<2x40x128xf32, #tpu.memory_space<vmem>>, vector<16xf32>,
        %mul3A_596 = arith.mulf %gather3A, %get3A_595 : vector<16xf32>
        %get3A_597 = arith.constant 1 : i32
        %get3A_598 = arith.index_cast %get3A_597 : i32 to index
        %get3A_599 = arith.index_cast %add3A_502 : i32 to index
        %get3A_600 = arith.constant 96 : index
        %get3A_601 = tpu.vector_load %arg12[%get3A_598, %get3A_599, %get3A_600] {strides = array<i32>} : memref<2x48x160xf32, #tpu.memory_space<vmem>>, vector<16xf32>,
        %mul3A_602 = arith.mulf %mul3A_596, %get3A_601 : vector<16xf32>
        %swap3A_603 = arith.index_cast %add3A_502 : i32 to index
        %swap3A_604 = arith.constant 96 : index
        %swap3A_605 = tpu.vector_load %arg14[%swap3A_603, %swap3A_604] {strides = array<i32>} : memref<40x144xf32, #tpu.memory_space<vmem>>, vector<16xf32>,
        tpu.vector_store %arg14[%swap3A_603, %swap3A_604], %mul3A_602 {strides = array<i32>} : memref<40x144xf32, #tpu.memory_space<vmem>>, vector<16xf32>,
        %get3A_606 = arith.constant 1 : i32
        %get3A_607 = arith.index_cast %get3A_606 : i32 to index
        %get3A_608 = arith.index_cast %add3A_502 : i32 to index
        %get3A_609 = arith.constant 112 : index
        %get3A_610 = tpu.vector_load %arg13[%get3A_607, %get3A_608, %get3A_609] {strides = array<i32>} : memref<2x40x128xf32, #tpu.memory_space<vmem>>, vector<16xf32>,
        %mul3A_611 = arith.mulf %gather3A, %get3A_610 : vector<16xf32>
        %get3A_612 = arith.constant 1 : i32
        %get3A_613 = arith.index_cast %get3A_612 : i32 to index
        %get3A_614 = arith.index_cast %add3A_502 : i32 to index
        %get3A_615 = arith.constant 112 : index
        %get3A_616 = tpu.vector_load %arg12[%get3A_613, %get3A_614, %get3A_615] {strides = array<i32>} : memref<2x48x160xf32, #tpu.memory_space<vmem>>, vector<16xf32>,
        %mul3A_617 = arith.mulf %mul3A_611, %get3A_616 : vector<16xf32>
        %swap3A_618 = arith.index_cast %add3A_502 : i32 to index
        %swap3A_619 = arith.constant 112 : index
        %swap3A_620 = tpu.vector_load %arg14[%swap3A_618, %swap3A_619] {strides = array<i32>} : memref<40x144xf32, #tpu.memory_space<vmem>>, vector<16xf32>,
        tpu.vector_store %arg14[%swap3A_618, %swap3A_619], %mul3A_617 {strides = array<i32>} : memref<40x144xf32, #tpu.memory_space<vmem>>, vector<16xf32>,
        %eq3A = arith.constant 0 : i32
        %eq3A_621 = vector.broadcast %eq3A : i32 to vector<16xi32>
        %eq3A_622 = arith.cmpi eq, %iota3A, %eq3A_621 : vector<16xi32>
        %jit3A = arith.constant 0.000000e+00 : f32
        %broadcast_in_dim3A_623 = vector.broadcast %jit3A : f32 to vector<16xf32>
        %select_n3A = arith.select %eq3A_622, %gather3A, %broadcast_in_dim3A_623 : vector<16xi1>, vector<16xf32>
        %swap3A_624 = arith.index_cast %add3A_502 : i32 to index
        %swap3A_625 = arith.constant 128 : index
        %swap3A_626 = tpu.vector_load %arg14[%swap3A_624, %swap3A_625] {strides = array<i32>} : memref<40x144xf32, #tpu.memory_space<vmem>>, vector<16xf32>,
        tpu.vector_store %arg14[%swap3A_624, %swap3A_625], %select_n3A {strides = array<i32>} : memref<40x144xf32, #tpu.memory_space<vmem>>, vector<16xf32>,
        %add3A_627 = arith.constant 1 : i32
        %add3A_628 = arith.addi %mul3A_500, %add3A_627 : i32
        %broadcast_in_dim3A_629 = vector.broadcast %add3A_628 : i32 to vector<16xi32>
        %gather3A_630 = tpu.vector_load_idx %arg15[%broadcast_in_dim3A_629] : memref<48xf32, #tpu.memory_space<vmem>>[vector<16xi32>], vector<16xf32>,
        %get3A_631 = arith.constant 1 : i32
        %get3A_632 = arith.index_cast %get3A_631 : i32 to index
        %get3A_633 = arith.index_cast %add3A_628 : i32 to index
        %get3A_634 = arith.constant 0 : index
        %get3A_635 = tpu.vector_load %arg13[%get3A_632, %get3A_633, %get3A_634] {strides = array<i32>} : memref<2x40x128xf32, #tpu.memory_space<vmem>>, vector<16xf32>,
        %mul3A_636 = arith.mulf %gather3A_630, %get3A_635 : vector<16xf32>
        %get3A_637 = arith.constant 1 : i32
        %get3A_638 = arith.index_cast %get3A_637 : i32 to index
        %get3A_639 = arith.index_cast %add3A_628 : i32 to index
        %get3A_640 = arith.constant 0 : index
        %get3A_641 = tpu.vector_load %arg12[%get3A_638, %get3A_639, %get3A_640] {strides = array<i32>} : memref<2x48x160xf32, #tpu.memory_space<vmem>>, vector<16xf32>,
        %mul3A_642 = arith.mulf %mul3A_636, %get3A_641 : vector<16xf32>
        %swap3A_643 = arith.index_cast %add3A_628 : i32 to index
        %swap3A_644 = arith.constant 0 : index
        %swap3A_645 = tpu.vector_load %arg14[%swap3A_643, %swap3A_644] {strides = array<i32>} : memref<40x144xf32, #tpu.memory_space<vmem>>, vector<16xf32>,
        tpu.vector_store %arg14[%swap3A_643, %swap3A_644], %mul3A_642 {strides = array<i32>} : memref<40x144xf32, #tpu.memory_space<vmem>>, vector<16xf32>,
        %get3A_646 = arith.constant 1 : i32
        %get3A_647 = arith.index_cast %get3A_646 : i32 to index
        %get3A_648 = arith.index_cast %add3A_628 : i32 to index
        %get3A_649 = arith.constant 16 : index
        %get3A_650 = tpu.vector_load %arg13[%get3A_647, %get3A_648, %get3A_649] {strides = array<i32>} : memref<2x40x128xf32, #tpu.memory_space<vmem>>, vector<16xf32>,
        %mul3A_651 = arith.mulf %gather3A_630, %get3A_650 : vector<16xf32>
        %get3A_652 = arith.constant 1 : i32
        %get3A_653 = arith.index_cast %get3A_652 : i32 to index
        %get3A_654 = arith.index_cast %add3A_628 : i32 to index
        %get3A_655 = arith.constant 16 : index
        %get3A_656 = tpu.vector_load %arg12[%get3A_653, %get3A_654, %get3A_655] {strides = array<i32>} : memref<2x48x160xf32, #tpu.memory_space<vmem>>, vector<16xf32>,
        %mul3A_657 = arith.mulf %mul3A_651, %get3A_656 : vector<16xf32>
        %swap3A_658 = arith.index_cast %add3A_628 : i32 to index
        %swap3A_659 = arith.constant 16 : index
        %swap3A_660 = tpu.vector_load %arg14[%swap3A_658, %swap3A_659] {strides = array<i32>} : memref<40x144xf32, #tpu.memory_space<vmem>>, vector<16xf32>,
        tpu.vector_store %arg14[%swap3A_658, %swap3A_659], %mul3A_657 {strides = array<i32>} : memref<40x144xf32, #tpu.memory_space<vmem>>, vector<16xf32>,
        %get3A_661 = arith.constant 1 : i32
        %get3A_662 = arith.index_cast %get3A_661 : i32 to index
        %get3A_663 = arith.index_cast %add3A_628 : i32 to index
        %get3A_664 = arith.constant 32 : index
        %get3A_665 = tpu.vector_load %arg13[%get3A_662, %get3A_663, %get3A_664] {strides = array<i32>} : memref<2x40x128xf32, #tpu.memory_space<vmem>>, vector<16xf32>,
        %mul3A_666 = arith.mulf %gather3A_630, %get3A_665 : vector<16xf32>
        %get3A_667 = arith.constant 1 : i32
        %get3A_668 = arith.index_cast %get3A_667 : i32 to index
        %get3A_669 = arith.index_cast %add3A_628 : i32 to index
        %get3A_670 = arith.constant 32 : index
        %get3A_671 = tpu.vector_load %arg12[%get3A_668, %get3A_669, %get3A_670] {strides = array<i32>} : memref<2x48x160xf32, #tpu.memory_space<vmem>>, vector<16xf32>,
        %mul3A_672 = arith.mulf %mul3A_666, %get3A_671 : vector<16xf32>
        %swap3A_673 = arith.index_cast %add3A_628 : i32 to index
        %swap3A_674 = arith.constant 32 : index
        %swap3A_675 = tpu.vector_load %arg14[%swap3A_673, %swap3A_674] {strides = array<i32>} : memref<40x144xf32, #tpu.memory_space<vmem>>, vector<16xf32>,
        tpu.vector_store %arg14[%swap3A_673, %swap3A_674], %mul3A_672 {strides = array<i32>} : memref<40x144xf32, #tpu.memory_space<vmem>>, vector<16xf32>,
        %get3A_676 = arith.constant 1 : i32
        %get3A_677 = arith.index_cast %get3A_676 : i32 to index
        %get3A_678 = arith.index_cast %add3A_628 : i32 to index
        %get3A_679 = arith.constant 48 : index
        %get3A_680 = tpu.vector_load %arg13[%get3A_677, %get3A_678, %get3A_679] {strides = array<i32>} : memref<2x40x128xf32, #tpu.memory_space<vmem>>, vector<16xf32>,
        %mul3A_681 = arith.mulf %gather3A_630, %get3A_680 : vector<16xf32>
        %get3A_682 = arith.constant 1 : i32
        %get3A_683 = arith.index_cast %get3A_682 : i32 to index
        %get3A_684 = arith.index_cast %add3A_628 : i32 to index
        %get3A_685 = arith.constant 48 : index
        %get3A_686 = tpu.vector_load %arg12[%get3A_683, %get3A_684, %get3A_685] {strides = array<i32>} : memref<2x48x160xf32, #tpu.memory_space<vmem>>, vector<16xf32>,
        %mul3A_687 = arith.mulf %mul3A_681, %get3A_686 : vector<16xf32>
        %swap3A_688 = arith.index_cast %add3A_628 : i32 to index
        %swap3A_689 = arith.constant 48 : index
        %swap3A_690 = tpu.vector_load %arg14[%swap3A_688, %swap3A_689] {strides = array<i32>} : memref<40x144xf32, #tpu.memory_space<vmem>>, vector<16xf32>,
        tpu.vector_store %arg14[%swap3A_688, %swap3A_689], %mul3A_687 {strides = array<i32>} : memref<40x144xf32, #tpu.memory_space<vmem>>, vector<16xf32>,
        %get3A_691 = arith.constant 1 : i32
        %get3A_692 = arith.index_cast %get3A_691 : i32 to index
        %get3A_693 = arith.index_cast %add3A_628 : i32 to index
        %get3A_694 = arith.constant 64 : index
        %get3A_695 = tpu.vector_load %arg13[%get3A_692, %get3A_693, %get3A_694] {strides = array<i32>} : memref<2x40x128xf32, #tpu.memory_space<vmem>>, vector<16xf32>,
        %mul3A_696 = arith.mulf %gather3A_630, %get3A_695 : vector<16xf32>
        %get3A_697 = arith.constant 1 : i32
        %get3A_698 = arith.index_cast %get3A_697 : i32 to index
        %get3A_699 = arith.index_cast %add3A_628 : i32 to index
        %get3A_700 = arith.constant 64 : index
        %get3A_701 = tpu.vector_load %arg12[%get3A_698, %get3A_699, %get3A_700] {strides = array<i32>} : memref<2x48x160xf32, #tpu.memory_space<vmem>>, vector<16xf32>,
        %mul3A_702 = arith.mulf %mul3A_696, %get3A_701 : vector<16xf32>
        %swap3A_703 = arith.index_cast %add3A_628 : i32 to index
        %swap3A_704 = arith.constant 64 : index
        %swap3A_705 = tpu.vector_load %arg14[%swap3A_703, %swap3A_704] {strides = array<i32>} : memref<40x144xf32, #tpu.memory_space<vmem>>, vector<16xf32>,
        tpu.vector_store %arg14[%swap3A_703, %swap3A_704], %mul3A_702 {strides = array<i32>} : memref<40x144xf32, #tpu.memory_space<vmem>>, vector<16xf32>,
        %get3A_706 = arith.constant 1 : i32
        %get3A_707 = arith.index_cast %get3A_706 : i32 to index
        %get3A_708 = arith.index_cast %add3A_628 : i32 to index
        %get3A_709 = arith.constant 80 : index
        %get3A_710 = tpu.vector_load %arg13[%get3A_707, %get3A_708, %get3A_709] {strides = array<i32>} : memref<2x40x128xf32, #tpu.memory_space<vmem>>, vector<16xf32>,
        %mul3A_711 = arith.mulf %gather3A_630, %get3A_710 : vector<16xf32>
        %get3A_712 = arith.constant 1 : i32
        %get3A_713 = arith.index_cast %get3A_712 : i32 to index
        %get3A_714 = arith.index_cast %add3A_628 : i32 to index
        %get3A_715 = arith.constant 80 : index
        %get3A_716 = tpu.vector_load %arg12[%get3A_713, %get3A_714, %get3A_715] {strides = array<i32>} : memref<2x48x160xf32, #tpu.memory_space<vmem>>, vector<16xf32>,
        %mul3A_717 = arith.mulf %mul3A_711, %get3A_716 : vector<16xf32>
        %swap3A_718 = arith.index_cast %add3A_628 : i32 to index
        %swap3A_719 = arith.constant 80 : index
        %swap3A_720 = tpu.vector_load %arg14[%swap3A_718, %swap3A_719] {strides = array<i32>} : memref<40x144xf32, #tpu.memory_space<vmem>>, vector<16xf32>,
        tpu.vector_store %arg14[%swap3A_718, %swap3A_719], %mul3A_717 {strides = array<i32>} : memref<40x144xf32, #tpu.memory_space<vmem>>, vector<16xf32>,
        %get3A_721 = arith.constant 1 : i32
        %get3A_722 = arith.index_cast %get3A_721 : i32 to index
        %get3A_723 = arith.index_cast %add3A_628 : i32 to index
        %get3A_724 = arith.constant 96 : index
        %get3A_725 = tpu.vector_load %arg13[%get3A_722, %get3A_723, %get3A_724] {strides = array<i32>} : memref<2x40x128xf32, #tpu.memory_space<vmem>>, vector<16xf32>,
        %mul3A_726 = arith.mulf %gather3A_630, %get3A_725 : vector<16xf32>
        %get3A_727 = arith.constant 1 : i32
        %get3A_728 = arith.index_cast %get3A_727 : i32 to index
        %get3A_729 = arith.index_cast %add3A_628 : i32 to index
        %get3A_730 = arith.constant 96 : index
        %get3A_731 = tpu.vector_load %arg12[%get3A_728, %get3A_729, %get3A_730] {strides = array<i32>} : memref<2x48x160xf32, #tpu.memory_space<vmem>>, vector<16xf32>,
        %mul3A_732 = arith.mulf %mul3A_726, %get3A_731 : vector<16xf32>
        %swap3A_733 = arith.index_cast %add3A_628 : i32 to index
        %swap3A_734 = arith.constant 96 : index
        %swap3A_735 = tpu.vector_load %arg14[%swap3A_733, %swap3A_734] {strides = array<i32>} : memref<40x144xf32, #tpu.memory_space<vmem>>, vector<16xf32>,
        tpu.vector_store %arg14[%swap3A_733, %swap3A_734], %mul3A_732 {strides = array<i32>} : memref<40x144xf32, #tpu.memory_space<vmem>>, vector<16xf32>,
        %get3A_736 = arith.constant 1 : i32
        %get3A_737 = arith.index_cast %get3A_736 : i32 to index
        %get3A_738 = arith.index_cast %add3A_628 : i32 to index
        %get3A_739 = arith.constant 112 : index
        %get3A_740 = tpu.vector_load %arg13[%get3A_737, %get3A_738, %get3A_739] {strides = array<i32>} : memref<2x40x128xf32, #tpu.memory_space<vmem>>, vector<16xf32>,
        %mul3A_741 = arith.mulf %gather3A_630, %get3A_740 : vector<16xf32>
        %get3A_742 = arith.constant 1 : i32
        %get3A_743 = arith.index_cast %get3A_742 : i32 to index
        %get3A_744 = arith.index_cast %add3A_628 : i32 to index
        %get3A_745 = arith.constant 112 : index
        %get3A_746 = tpu.vector_load %arg12[%get3A_743, %get3A_744, %get3A_745] {strides = array<i32>} : memref<2x48x160xf32, #tpu.memory_space<vmem>>, vector<16xf32>,
        %mul3A_747 = arith.mulf %mul3A_741, %get3A_746 : vector<16xf32>
        %swap3A_748 = arith.index_cast %add3A_628 : i32 to index
        %swap3A_749 = arith.constant 112 : index
        %swap3A_750 = tpu.vector_load %arg14[%swap3A_748, %swap3A_749] {strides = array<i32>} : memref<40x144xf32, #tpu.memory_space<vmem>>, vector<16xf32>,
        tpu.vector_store %arg14[%swap3A_748, %swap3A_749], %mul3A_747 {strides = array<i32>} : memref<40x144xf32, #tpu.memory_space<vmem>>, vector<16xf32>,
        %eq3A_751 = arith.constant 0 : i32
        %eq3A_752 = vector.broadcast %eq3A_751 : i32 to vector<16xi32>
        %eq3A_753 = arith.cmpi eq, %iota3A, %eq3A_752 : vector<16xi32>
        %jit3A_754 = arith.constant 0.000000e+00 : f32
        %broadcast_in_dim3A_755 = vector.broadcast %jit3A_754 : f32 to vector<16xf32>
        %select_n3A_756 = arith.select %eq3A_753, %gather3A_630, %broadcast_in_dim3A_755 : vector<16xi1>, vector<16xf32>
        %swap3A_757 = arith.index_cast %add3A_628 : i32 to index
        %swap3A_758 = arith.constant 128 : index
        %swap3A_759 = tpu.vector_load %arg14[%swap3A_757, %swap3A_758] {strides = array<i32>} : memref<40x144xf32, #tpu.memory_space<vmem>>, vector<16xf32>,
        tpu.vector_store %arg14[%swap3A_757, %swap3A_758], %select_n3A_756 {strides = array<i32>} : memref<40x144xf32, #tpu.memory_space<vmem>>, vector<16xf32>,
        %add3A_760 = arith.constant 2 : i32
        %add3A_761 = arith.addi %mul3A_500, %add3A_760 : i32
        %broadcast_in_dim3A_762 = vector.broadcast %add3A_761 : i32 to vector<16xi32>
        %gather3A_763 = tpu.vector_load_idx %arg15[%broadcast_in_dim3A_762] : memref<48xf32, #tpu.memory_space<vmem>>[vector<16xi32>], vector<16xf32>,
        %get3A_764 = arith.constant 1 : i32
        %get3A_765 = arith.index_cast %get3A_764 : i32 to index
        %get3A_766 = arith.index_cast %add3A_761 : i32 to index
        %get3A_767 = arith.constant 0 : index
        %get3A_768 = tpu.vector_load %arg13[%get3A_765, %get3A_766, %get3A_767] {strides = array<i32>} : memref<2x40x128xf32, #tpu.memory_space<vmem>>, vector<16xf32>,
        %mul3A_769 = arith.mulf %gather3A_763, %get3A_768 : vector<16xf32>
        %get3A_770 = arith.constant 1 : i32
        %get3A_771 = arith.index_cast %get3A_770 : i32 to index
        %get3A_772 = arith.index_cast %add3A_761 : i32 to index
        %get3A_773 = arith.constant 0 : index
        %get3A_774 = tpu.vector_load %arg12[%get3A_771, %get3A_772, %get3A_773] {strides = array<i32>} : memref<2x48x160xf32, #tpu.memory_space<vmem>>, vector<16xf32>,
        %mul3A_775 = arith.mulf %mul3A_769, %get3A_774 : vector<16xf32>
        %swap3A_776 = arith.index_cast %add3A_761 : i32 to index
        %swap3A_777 = arith.constant 0 : index
        %swap3A_778 = tpu.vector_load %arg14[%swap3A_776, %swap3A_777] {strides = array<i32>} : memref<40x144xf32, #tpu.memory_space<vmem>>, vector<16xf32>,
        tpu.vector_store %arg14[%swap3A_776, %swap3A_777], %mul3A_775 {strides = array<i32>} : memref<40x144xf32, #tpu.memory_space<vmem>>, vector<16xf32>,
        %get3A_779 = arith.constant 1 : i32
        %get3A_780 = arith.index_cast %get3A_779 : i32 to index
        %get3A_781 = arith.index_cast %add3A_761 : i32 to index
        %get3A_782 = arith.constant 16 : index
        %get3A_783 = tpu.vector_load %arg13[%get3A_780, %get3A_781, %get3A_782] {strides = array<i32>} : memref<2x40x128xf32, #tpu.memory_space<vmem>>, vector<16xf32>,
        %mul3A_784 = arith.mulf %gather3A_763, %get3A_783 : vector<16xf32>
        %get3A_785 = arith.constant 1 : i32
        %get3A_786 = arith.index_cast %get3A_785 : i32 to index
        %get3A_787 = arith.index_cast %add3A_761 : i32 to index
        %get3A_788 = arith.constant 16 : index
        %get3A_789 = tpu.vector_load %arg12[%get3A_786, %get3A_787, %get3A_788] {strides = array<i32>} : memref<2x48x160xf32, #tpu.memory_space<vmem>>, vector<16xf32>,
        %mul3A_790 = arith.mulf %mul3A_784, %get3A_789 : vector<16xf32>
        %swap3A_791 = arith.index_cast %add3A_761 : i32 to index
        %swap3A_792 = arith.constant 16 : index
        %swap3A_793 = tpu.vector_load %arg14[%swap3A_791, %swap3A_792] {strides = array<i32>} : memref<40x144xf32, #tpu.memory_space<vmem>>, vector<16xf32>,
        tpu.vector_store %arg14[%swap3A_791, %swap3A_792], %mul3A_790 {strides = array<i32>} : memref<40x144xf32, #tpu.memory_space<vmem>>, vector<16xf32>,
        %get3A_794 = arith.constant 1 : i32
        %get3A_795 = arith.index_cast %get3A_794 : i32 to index
        %get3A_796 = arith.index_cast %add3A_761 : i32 to index
        %get3A_797 = arith.constant 32 : index
        %get3A_798 = tpu.vector_load %arg13[%get3A_795, %get3A_796, %get3A_797] {strides = array<i32>} : memref<2x40x128xf32, #tpu.memory_space<vmem>>, vector<16xf32>,
        %mul3A_799 = arith.mulf %gather3A_763, %get3A_798 : vector<16xf32>
        %get3A_800 = arith.constant 1 : i32
        %get3A_801 = arith.index_cast %get3A_800 : i32 to index
        %get3A_802 = arith.index_cast %add3A_761 : i32 to index
        %get3A_803 = arith.constant 32 : index
        %get3A_804 = tpu.vector_load %arg12[%get3A_801, %get3A_802, %get3A_803] {strides = array<i32>} : memref<2x48x160xf32, #tpu.memory_space<vmem>>, vector<16xf32>,
        %mul3A_805 = arith.mulf %mul3A_799, %get3A_804 : vector<16xf32>
        %swap3A_806 = arith.index_cast %add3A_761 : i32 to index
        %swap3A_807 = arith.constant 32 : index
        %swap3A_808 = tpu.vector_load %arg14[%swap3A_806, %swap3A_807] {strides = array<i32>} : memref<40x144xf32, #tpu.memory_space<vmem>>, vector<16xf32>,
        tpu.vector_store %arg14[%swap3A_806, %swap3A_807], %mul3A_805 {strides = array<i32>} : memref<40x144xf32, #tpu.memory_space<vmem>>, vector<16xf32>,
        %get3A_809 = arith.constant 1 : i32
        %get3A_810 = arith.index_cast %get3A_809 : i32 to index
        %get3A_811 = arith.index_cast %add3A_761 : i32 to index
        %get3A_812 = arith.constant 48 : index
        %get3A_813 = tpu.vector_load %arg13[%get3A_810, %get3A_811, %get3A_812] {strides = array<i32>} : memref<2x40x128xf32, #tpu.memory_space<vmem>>, vector<16xf32>,
        %mul3A_814 = arith.mulf %gather3A_763, %get3A_813 : vector<16xf32>
        %get3A_815 = arith.constant 1 : i32
        %get3A_816 = arith.index_cast %get3A_815 : i32 to index
        %get3A_817 = arith.index_cast %add3A_761 : i32 to index
        %get3A_818 = arith.constant 48 : index
        %get3A_819 = tpu.vector_load %arg12[%get3A_816, %get3A_817, %get3A_818] {strides = array<i32>} : memref<2x48x160xf32, #tpu.memory_space<vmem>>, vector<16xf32>,
        %mul3A_820 = arith.mulf %mul3A_814, %get3A_819 : vector<16xf32>
        %swap3A_821 = arith.index_cast %add3A_761 : i32 to index
        %swap3A_822 = arith.constant 48 : index
        %swap3A_823 = tpu.vector_load %arg14[%swap3A_821, %swap3A_822] {strides = array<i32>} : memref<40x144xf32, #tpu.memory_space<vmem>>, vector<16xf32>,
        tpu.vector_store %arg14[%swap3A_821, %swap3A_822], %mul3A_820 {strides = array<i32>} : memref<40x144xf32, #tpu.memory_space<vmem>>, vector<16xf32>,
        %get3A_824 = arith.constant 1 : i32
        %get3A_825 = arith.index_cast %get3A_824 : i32 to index
        %get3A_826 = arith.index_cast %add3A_761 : i32 to index
        %get3A_827 = arith.constant 64 : index
        %get3A_828 = tpu.vector_load %arg13[%get3A_825, %get3A_826, %get3A_827] {strides = array<i32>} : memref<2x40x128xf32, #tpu.memory_space<vmem>>, vector<16xf32>,
        %mul3A_829 = arith.mulf %gather3A_763, %get3A_828 : vector<16xf32>
        %get3A_830 = arith.constant 1 : i32
        %get3A_831 = arith.index_cast %get3A_830 : i32 to index
        %get3A_832 = arith.index_cast %add3A_761 : i32 to index
        %get3A_833 = arith.constant 64 : index
        %get3A_834 = tpu.vector_load %arg12[%get3A_831, %get3A_832, %get3A_833] {strides = array<i32>} : memref<2x48x160xf32, #tpu.memory_space<vmem>>, vector<16xf32>,
        %mul3A_835 = arith.mulf %mul3A_829, %get3A_834 : vector<16xf32>
        %swap3A_836 = arith.index_cast %add3A_761 : i32 to index
        %swap3A_837 = arith.constant 64 : index
        %swap3A_838 = tpu.vector_load %arg14[%swap3A_836, %swap3A_837] {strides = array<i32>} : memref<40x144xf32, #tpu.memory_space<vmem>>, vector<16xf32>,
        tpu.vector_store %arg14[%swap3A_836, %swap3A_837], %mul3A_835 {strides = array<i32>} : memref<40x144xf32, #tpu.memory_space<vmem>>, vector<16xf32>,
        %get3A_839 = arith.constant 1 : i32
        %get3A_840 = arith.index_cast %get3A_839 : i32 to index
        %get3A_841 = arith.index_cast %add3A_761 : i32 to index
        %get3A_842 = arith.constant 80 : index
        %get3A_843 = tpu.vector_load %arg13[%get3A_840, %get3A_841, %get3A_842] {strides = array<i32>} : memref<2x40x128xf32, #tpu.memory_space<vmem>>, vector<16xf32>,
        %mul3A_844 = arith.mulf %gather3A_763, %get3A_843 : vector<16xf32>
        %get3A_845 = arith.constant 1 : i32
        %get3A_846 = arith.index_cast %get3A_845 : i32 to index
        %get3A_847 = arith.index_cast %add3A_761 : i32 to index
        %get3A_848 = arith.constant 80 : index
        %get3A_849 = tpu.vector_load %arg12[%get3A_846, %get3A_847, %get3A_848] {strides = array<i32>} : memref<2x48x160xf32, #tpu.memory_space<vmem>>, vector<16xf32>,
        %mul3A_850 = arith.mulf %mul3A_844, %get3A_849 : vector<16xf32>
        %swap3A_851 = arith.index_cast %add3A_761 : i32 to index
        %swap3A_852 = arith.constant 80 : index
        %swap3A_853 = tpu.vector_load %arg14[%swap3A_851, %swap3A_852] {strides = array<i32>} : memref<40x144xf32, #tpu.memory_space<vmem>>, vector<16xf32>,
        tpu.vector_store %arg14[%swap3A_851, %swap3A_852], %mul3A_850 {strides = array<i32>} : memref<40x144xf32, #tpu.memory_space<vmem>>, vector<16xf32>,
        %get3A_854 = arith.constant 1 : i32
        %get3A_855 = arith.index_cast %get3A_854 : i32 to index
        %get3A_856 = arith.index_cast %add3A_761 : i32 to index
        %get3A_857 = arith.constant 96 : index
        %get3A_858 = tpu.vector_load %arg13[%get3A_855, %get3A_856, %get3A_857] {strides = array<i32>} : memref<2x40x128xf32, #tpu.memory_space<vmem>>, vector<16xf32>,
        %mul3A_859 = arith.mulf %gather3A_763, %get3A_858 : vector<16xf32>
        %get3A_860 = arith.constant 1 : i32
        %get3A_861 = arith.index_cast %get3A_860 : i32 to index
        %get3A_862 = arith.index_cast %add3A_761 : i32 to index
        %get3A_863 = arith.constant 96 : index
        %get3A_864 = tpu.vector_load %arg12[%get3A_861, %get3A_862, %get3A_863] {strides = array<i32>} : memref<2x48x160xf32, #tpu.memory_space<vmem>>, vector<16xf32>,
        %mul3A_865 = arith.mulf %mul3A_859, %get3A_864 : vector<16xf32>
        %swap3A_866 = arith.index_cast %add3A_761 : i32 to index
        %swap3A_867 = arith.constant 96 : index
        %swap3A_868 = tpu.vector_load %arg14[%swap3A_866, %swap3A_867] {strides = array<i32>} : memref<40x144xf32, #tpu.memory_space<vmem>>, vector<16xf32>,
        tpu.vector_store %arg14[%swap3A_866, %swap3A_867], %mul3A_865 {strides = array<i32>} : memref<40x144xf32, #tpu.memory_space<vmem>>, vector<16xf32>,
        %get3A_869 = arith.constant 1 : i32
        %get3A_870 = arith.index_cast %get3A_869 : i32 to index
        %get3A_871 = arith.index_cast %add3A_761 : i32 to index
        %get3A_872 = arith.constant 112 : index
        %get3A_873 = tpu.vector_load %arg13[%get3A_870, %get3A_871, %get3A_872] {strides = array<i32>} : memref<2x40x128xf32, #tpu.memory_space<vmem>>, vector<16xf32>,
        %mul3A_874 = arith.mulf %gather3A_763, %get3A_873 : vector<16xf32>
        %get3A_875 = arith.constant 1 : i32
        %get3A_876 = arith.index_cast %get3A_875 : i32 to index
        %get3A_877 = arith.index_cast %add3A_761 : i32 to index
        %get3A_878 = arith.constant 112 : index
        %get3A_879 = tpu.vector_load %arg12[%get3A_876, %get3A_877, %get3A_878] {strides = array<i32>} : memref<2x48x160xf32, #tpu.memory_space<vmem>>, vector<16xf32>,
        %mul3A_880 = arith.mulf %mul3A_874, %get3A_879 : vector<16xf32>
        %swap3A_881 = arith.index_cast %add3A_761 : i32 to index
        %swap3A_882 = arith.constant 112 : index
        %swap3A_883 = tpu.vector_load %arg14[%swap3A_881, %swap3A_882] {strides = array<i32>} : memref<40x144xf32, #tpu.memory_space<vmem>>, vector<16xf32>,
        tpu.vector_store %arg14[%swap3A_881, %swap3A_882], %mul3A_880 {strides = array<i32>} : memref<40x144xf32, #tpu.memory_space<vmem>>, vector<16xf32>,
        %eq3A_884 = arith.constant 0 : i32
        %eq3A_885 = vector.broadcast %eq3A_884 : i32 to vector<16xi32>
        %eq3A_886 = arith.cmpi eq, %iota3A, %eq3A_885 : vector<16xi32>
        %jit3A_887 = arith.constant 0.000000e+00 : f32
        %broadcast_in_dim3A_888 = vector.broadcast %jit3A_887 : f32 to vector<16xf32>
        %select_n3A_889 = arith.select %eq3A_886, %gather3A_763, %broadcast_in_dim3A_888 : vector<16xi1>, vector<16xf32>
        %swap3A_890 = arith.index_cast %add3A_761 : i32 to index
        %swap3A_891 = arith.constant 128 : index
        %swap3A_892 = tpu.vector_load %arg14[%swap3A_890, %swap3A_891] {strides = array<i32>} : memref<40x144xf32, #tpu.memory_space<vmem>>, vector<16xf32>,
        tpu.vector_store %arg14[%swap3A_890, %swap3A_891], %select_n3A_889 {strides = array<i32>} : memref<40x144xf32, #tpu.memory_space<vmem>>, vector<16xf32>,
        %add3A_893 = arith.constant 3 : i32
        %add3A_894 = arith.addi %mul3A_500, %add3A_893 : i32
        %broadcast_in_dim3A_895 = vector.broadcast %add3A_894 : i32 to vector<16xi32>
        %gather3A_896 = tpu.vector_load_idx %arg15[%broadcast_in_dim3A_895] : memref<48xf32, #tpu.memory_space<vmem>>[vector<16xi32>], vector<16xf32>,
        %get3A_897 = arith.constant 1 : i32
        %get3A_898 = arith.index_cast %get3A_897 : i32 to index
        %get3A_899 = arith.index_cast %add3A_894 : i32 to index
        %get3A_900 = arith.constant 0 : index
        %get3A_901 = tpu.vector_load %arg13[%get3A_898, %get3A_899, %get3A_900] {strides = array<i32>} : memref<2x40x128xf32, #tpu.memory_space<vmem>>, vector<16xf32>,
        %mul3A_902 = arith.mulf %gather3A_896, %get3A_901 : vector<16xf32>
        %get3A_903 = arith.constant 1 : i32
        %get3A_904 = arith.index_cast %get3A_903 : i32 to index
        %get3A_905 = arith.index_cast %add3A_894 : i32 to index
        %get3A_906 = arith.constant 0 : index
        %get3A_907 = tpu.vector_load %arg12[%get3A_904, %get3A_905, %get3A_906] {strides = array<i32>} : memref<2x48x160xf32, #tpu.memory_space<vmem>>, vector<16xf32>,
        %mul3A_908 = arith.mulf %mul3A_902, %get3A_907 : vector<16xf32>
        %swap3A_909 = arith.index_cast %add3A_894 : i32 to index
        %swap3A_910 = arith.constant 0 : index
        %swap3A_911 = tpu.vector_load %arg14[%swap3A_909, %swap3A_910] {strides = array<i32>} : memref<40x144xf32, #tpu.memory_space<vmem>>, vector<16xf32>,
        tpu.vector_store %arg14[%swap3A_909, %swap3A_910], %mul3A_908 {strides = array<i32>} : memref<40x144xf32, #tpu.memory_space<vmem>>, vector<16xf32>,
        %get3A_912 = arith.constant 1 : i32
        %get3A_913 = arith.index_cast %get3A_912 : i32 to index
        %get3A_914 = arith.index_cast %add3A_894 : i32 to index
        %get3A_915 = arith.constant 16 : index
        %get3A_916 = tpu.vector_load %arg13[%get3A_913, %get3A_914, %get3A_915] {strides = array<i32>} : memref<2x40x128xf32, #tpu.memory_space<vmem>>, vector<16xf32>,
        %mul3A_917 = arith.mulf %gather3A_896, %get3A_916 : vector<16xf32>
        %get3A_918 = arith.constant 1 : i32
        %get3A_919 = arith.index_cast %get3A_918 : i32 to index
        %get3A_920 = arith.index_cast %add3A_894 : i32 to index
        %get3A_921 = arith.constant 16 : index
        %get3A_922 = tpu.vector_load %arg12[%get3A_919, %get3A_920, %get3A_921] {strides = array<i32>} : memref<2x48x160xf32, #tpu.memory_space<vmem>>, vector<16xf32>,
        %mul3A_923 = arith.mulf %mul3A_917, %get3A_922 : vector<16xf32>
        %swap3A_924 = arith.index_cast %add3A_894 : i32 to index
        %swap3A_925 = arith.constant 16 : index
        %swap3A_926 = tpu.vector_load %arg14[%swap3A_924, %swap3A_925] {strides = array<i32>} : memref<40x144xf32, #tpu.memory_space<vmem>>, vector<16xf32>,
        tpu.vector_store %arg14[%swap3A_924, %swap3A_925], %mul3A_923 {strides = array<i32>} : memref<40x144xf32, #tpu.memory_space<vmem>>, vector<16xf32>,
        %get3A_927 = arith.constant 1 : i32
        %get3A_928 = arith.index_cast %get3A_927 : i32 to index
        %get3A_929 = arith.index_cast %add3A_894 : i32 to index
        %get3A_930 = arith.constant 32 : index
        %get3A_931 = tpu.vector_load %arg13[%get3A_928, %get3A_929, %get3A_930] {strides = array<i32>} : memref<2x40x128xf32, #tpu.memory_space<vmem>>, vector<16xf32>,
        %mul3A_932 = arith.mulf %gather3A_896, %get3A_931 : vector<16xf32>
        %get3A_933 = arith.constant 1 : i32
        %get3A_934 = arith.index_cast %get3A_933 : i32 to index
        %get3A_935 = arith.index_cast %add3A_894 : i32 to index
        %get3A_936 = arith.constant 32 : index
        %get3A_937 = tpu.vector_load %arg12[%get3A_934, %get3A_935, %get3A_936] {strides = array<i32>} : memref<2x48x160xf32, #tpu.memory_space<vmem>>, vector<16xf32>,
        %mul3A_938 = arith.mulf %mul3A_932, %get3A_937 : vector<16xf32>
        %swap3A_939 = arith.index_cast %add3A_894 : i32 to index
        %swap3A_940 = arith.constant 32 : index
        %swap3A_941 = tpu.vector_load %arg14[%swap3A_939, %swap3A_940] {strides = array<i32>} : memref<40x144xf32, #tpu.memory_space<vmem>>, vector<16xf32>,
        tpu.vector_store %arg14[%swap3A_939, %swap3A_940], %mul3A_938 {strides = array<i32>} : memref<40x144xf32, #tpu.memory_space<vmem>>, vector<16xf32>,
        %get3A_942 = arith.constant 1 : i32
        %get3A_943 = arith.index_cast %get3A_942 : i32 to index
        %get3A_944 = arith.index_cast %add3A_894 : i32 to index
        %get3A_945 = arith.constant 48 : index
        %get3A_946 = tpu.vector_load %arg13[%get3A_943, %get3A_944, %get3A_945] {strides = array<i32>} : memref<2x40x128xf32, #tpu.memory_space<vmem>>, vector<16xf32>,
        %mul3A_947 = arith.mulf %gather3A_896, %get3A_946 : vector<16xf32>
        %get3A_948 = arith.constant 1 : i32
        %get3A_949 = arith.index_cast %get3A_948 : i32 to index
        %get3A_950 = arith.index_cast %add3A_894 : i32 to index
        %get3A_951 = arith.constant 48 : index
        %get3A_952 = tpu.vector_load %arg12[%get3A_949, %get3A_950, %get3A_951] {strides = array<i32>} : memref<2x48x160xf32, #tpu.memory_space<vmem>>, vector<16xf32>,
        %mul3A_953 = arith.mulf %mul3A_947, %get3A_952 : vector<16xf32>
        %swap3A_954 = arith.index_cast %add3A_894 : i32 to index
        %swap3A_955 = arith.constant 48 : index
        %swap3A_956 = tpu.vector_load %arg14[%swap3A_954, %swap3A_955] {strides = array<i32>} : memref<40x144xf32, #tpu.memory_space<vmem>>, vector<16xf32>,
        tpu.vector_store %arg14[%swap3A_954, %swap3A_955], %mul3A_953 {strides = array<i32>} : memref<40x144xf32, #tpu.memory_space<vmem>>, vector<16xf32>,
        %get3A_957 = arith.constant 1 : i32
        %get3A_958 = arith.index_cast %get3A_957 : i32 to index
        %get3A_959 = arith.index_cast %add3A_894 : i32 to index
        %get3A_960 = arith.constant 64 : index
        %get3A_961 = tpu.vector_load %arg13[%get3A_958, %get3A_959, %get3A_960] {strides = array<i32>} : memref<2x40x128xf32, #tpu.memory_space<vmem>>, vector<16xf32>,
        %mul3A_962 = arith.mulf %gather3A_896, %get3A_961 : vector<16xf32>
        %get3A_963 = arith.constant 1 : i32
        %get3A_964 = arith.index_cast %get3A_963 : i32 to index
        %get3A_965 = arith.index_cast %add3A_894 : i32 to index
        %get3A_966 = arith.constant 64 : index
        %get3A_967 = tpu.vector_load %arg12[%get3A_964, %get3A_965, %get3A_966] {strides = array<i32>} : memref<2x48x160xf32, #tpu.memory_space<vmem>>, vector<16xf32>,
        %mul3A_968 = arith.mulf %mul3A_962, %get3A_967 : vector<16xf32>
        %swap3A_969 = arith.index_cast %add3A_894 : i32 to index
        %swap3A_970 = arith.constant 64 : index
        %swap3A_971 = tpu.vector_load %arg14[%swap3A_969, %swap3A_970] {strides = array<i32>} : memref<40x144xf32, #tpu.memory_space<vmem>>, vector<16xf32>,
        tpu.vector_store %arg14[%swap3A_969, %swap3A_970], %mul3A_968 {strides = array<i32>} : memref<40x144xf32, #tpu.memory_space<vmem>>, vector<16xf32>,
        %get3A_972 = arith.constant 1 : i32
        %get3A_973 = arith.index_cast %get3A_972 : i32 to index
        %get3A_974 = arith.index_cast %add3A_894 : i32 to index
        %get3A_975 = arith.constant 80 : index
        %get3A_976 = tpu.vector_load %arg13[%get3A_973, %get3A_974, %get3A_975] {strides = array<i32>} : memref<2x40x128xf32, #tpu.memory_space<vmem>>, vector<16xf32>,
        %mul3A_977 = arith.mulf %gather3A_896, %get3A_976 : vector<16xf32>
        %get3A_978 = arith.constant 1 : i32
        %get3A_979 = arith.index_cast %get3A_978 : i32 to index
        %get3A_980 = arith.index_cast %add3A_894 : i32 to index
        %get3A_981 = arith.constant 80 : index
        %get3A_982 = tpu.vector_load %arg12[%get3A_979, %get3A_980, %get3A_981] {strides = array<i32>} : memref<2x48x160xf32, #tpu.memory_space<vmem>>, vector<16xf32>,
        %mul3A_983 = arith.mulf %mul3A_977, %get3A_982 : vector<16xf32>
        %swap3A_984 = arith.index_cast %add3A_894 : i32 to index
        %swap3A_985 = arith.constant 80 : index
        %swap3A_986 = tpu.vector_load %arg14[%swap3A_984, %swap3A_985] {strides = array<i32>} : memref<40x144xf32, #tpu.memory_space<vmem>>, vector<16xf32>,
        tpu.vector_store %arg14[%swap3A_984, %swap3A_985], %mul3A_983 {strides = array<i32>} : memref<40x144xf32, #tpu.memory_space<vmem>>, vector<16xf32>,
        %get3A_987 = arith.constant 1 : i32
        %get3A_988 = arith.index_cast %get3A_987 : i32 to index
        %get3A_989 = arith.index_cast %add3A_894 : i32 to index
        %get3A_990 = arith.constant 96 : index
        %get3A_991 = tpu.vector_load %arg13[%get3A_988, %get3A_989, %get3A_990] {strides = array<i32>} : memref<2x40x128xf32, #tpu.memory_space<vmem>>, vector<16xf32>,
        %mul3A_992 = arith.mulf %gather3A_896, %get3A_991 : vector<16xf32>
        %get3A_993 = arith.constant 1 : i32
        %get3A_994 = arith.index_cast %get3A_993 : i32 to index
        %get3A_995 = arith.index_cast %add3A_894 : i32 to index
        %get3A_996 = arith.constant 96 : index
        %get3A_997 = tpu.vector_load %arg12[%get3A_994, %get3A_995, %get3A_996] {strides = array<i32>} : memref<2x48x160xf32, #tpu.memory_space<vmem>>, vector<16xf32>,
        %mul3A_998 = arith.mulf %mul3A_992, %get3A_997 : vector<16xf32>
        %swap3A_999 = arith.index_cast %add3A_894 : i32 to index
        %swap3A_1000 = arith.constant 96 : index
        %swap3A_1001 = tpu.vector_load %arg14[%swap3A_999, %swap3A_1000] {strides = array<i32>} : memref<40x144xf32, #tpu.memory_space<vmem>>, vector<16xf32>,
        tpu.vector_store %arg14[%swap3A_999, %swap3A_1000], %mul3A_998 {strides = array<i32>} : memref<40x144xf32, #tpu.memory_space<vmem>>, vector<16xf32>,
        %get3A_1002 = arith.constant 1 : i32
        %get3A_1003 = arith.index_cast %get3A_1002 : i32 to index
        %get3A_1004 = arith.index_cast %add3A_894 : i32 to index
        %get3A_1005 = arith.constant 112 : index
        %get3A_1006 = tpu.vector_load %arg13[%get3A_1003, %get3A_1004, %get3A_1005] {strides = array<i32>} : memref<2x40x128xf32, #tpu.memory_space<vmem>>, vector<16xf32>,
        %mul3A_1007 = arith.mulf %gather3A_896, %get3A_1006 : vector<16xf32>
        %get3A_1008 = arith.constant 1 : i32
        %get3A_1009 = arith.index_cast %get3A_1008 : i32 to index
        %get3A_1010 = arith.index_cast %add3A_894 : i32 to index
        %get3A_1011 = arith.constant 112 : index
        %get3A_1012 = tpu.vector_load %arg12[%get3A_1009, %get3A_1010, %get3A_1011] {strides = array<i32>} : memref<2x48x160xf32, #tpu.memory_space<vmem>>, vector<16xf32>,
        %mul3A_1013 = arith.mulf %mul3A_1007, %get3A_1012 : vector<16xf32>
        %swap3A_1014 = arith.index_cast %add3A_894 : i32 to index
        %swap3A_1015 = arith.constant 112 : index
        %swap3A_1016 = tpu.vector_load %arg14[%swap3A_1014, %swap3A_1015] {strides = array<i32>} : memref<40x144xf32, #tpu.memory_space<vmem>>, vector<16xf32>,
        tpu.vector_store %arg14[%swap3A_1014, %swap3A_1015], %mul3A_1013 {strides = array<i32>} : memref<40x144xf32, #tpu.memory_space<vmem>>, vector<16xf32>,
        %eq3A_1017 = arith.constant 0 : i32
        %eq3A_1018 = vector.broadcast %eq3A_1017 : i32 to vector<16xi32>
        %eq3A_1019 = arith.cmpi eq, %iota3A, %eq3A_1018 : vector<16xi32>
        %jit3A_1020 = arith.constant 0.000000e+00 : f32
        %broadcast_in_dim3A_1021 = vector.broadcast %jit3A_1020 : f32 to vector<16xf32>
        %select_n3A_1022 = arith.select %eq3A_1019, %gather3A_896, %broadcast_in_dim3A_1021 : vector<16xi1>, vector<16xf32>
        %swap3A_1023 = arith.index_cast %add3A_894 : i32 to index
        %swap3A_1024 = arith.constant 128 : index
        %swap3A_1025 = tpu.vector_load %arg14[%swap3A_1023, %swap3A_1024] {strides = array<i32>} : memref<40x144xf32, #tpu.memory_space<vmem>>, vector<16xf32>,
        tpu.vector_store %arg14[%swap3A_1023, %swap3A_1024], %select_n3A_1022 {strides = array<i32>} : memref<40x144xf32, #tpu.memory_space<vmem>>, vector<16xf32>,
        %add3A_1026 = arith.constant 4 : i32
        %add3A_1027 = arith.addi %mul3A_500, %add3A_1026 : i32
        %broadcast_in_dim3A_1028 = vector.broadcast %add3A_1027 : i32 to vector<16xi32>
        %gather3A_1029 = tpu.vector_load_idx %arg15[%broadcast_in_dim3A_1028] : memref<48xf32, #tpu.memory_space<vmem>>[vector<16xi32>], vector<16xf32>,
        %get3A_1030 = arith.constant 1 : i32
        %get3A_1031 = arith.index_cast %get3A_1030 : i32 to index
        %get3A_1032 = arith.index_cast %add3A_1027 : i32 to index
        %get3A_1033 = arith.constant 0 : index
        %get3A_1034 = tpu.vector_load %arg13[%get3A_1031, %get3A_1032, %get3A_1033] {strides = array<i32>} : memref<2x40x128xf32, #tpu.memory_space<vmem>>, vector<16xf32>,
        %mul3A_1035 = arith.mulf %gather3A_1029, %get3A_1034 : vector<16xf32>
        %get3A_1036 = arith.constant 1 : i32
        %get3A_1037 = arith.index_cast %get3A_1036 : i32 to index
        %get3A_1038 = arith.index_cast %add3A_1027 : i32 to index
        %get3A_1039 = arith.constant 0 : index
        %get3A_1040 = tpu.vector_load %arg12[%get3A_1037, %get3A_1038, %get3A_1039] {strides = array<i32>} : memref<2x48x160xf32, #tpu.memory_space<vmem>>, vector<16xf32>,
        %mul3A_1041 = arith.mulf %mul3A_1035, %get3A_1040 : vector<16xf32>
        %swap3A_1042 = arith.index_cast %add3A_1027 : i32 to index
        %swap3A_1043 = arith.constant 0 : index
        %swap3A_1044 = tpu.vector_load %arg14[%swap3A_1042, %swap3A_1043] {strides = array<i32>} : memref<40x144xf32, #tpu.memory_space<vmem>>, vector<16xf32>,
        tpu.vector_store %arg14[%swap3A_1042, %swap3A_1043], %mul3A_1041 {strides = array<i32>} : memref<40x144xf32, #tpu.memory_space<vmem>>, vector<16xf32>,
        %get3A_1045 = arith.constant 1 : i32
        %get3A_1046 = arith.index_cast %get3A_1045 : i32 to index
        %get3A_1047 = arith.index_cast %add3A_1027 : i32 to index
        %get3A_1048 = arith.constant 16 : index
        %get3A_1049 = tpu.vector_load %arg13[%get3A_1046, %get3A_1047, %get3A_1048] {strides = array<i32>} : memref<2x40x128xf32, #tpu.memory_space<vmem>>, vector<16xf32>,
        %mul3A_1050 = arith.mulf %gather3A_1029, %get3A_1049 : vector<16xf32>
        %get3A_1051 = arith.constant 1 : i32
        %get3A_1052 = arith.index_cast %get3A_1051 : i32 to index
        %get3A_1053 = arith.index_cast %add3A_1027 : i32 to index
        %get3A_1054 = arith.constant 16 : index
        %get3A_1055 = tpu.vector_load %arg12[%get3A_1052, %get3A_1053, %get3A_1054] {strides = array<i32>} : memref<2x48x160xf32, #tpu.memory_space<vmem>>, vector<16xf32>,
        %mul3A_1056 = arith.mulf %mul3A_1050, %get3A_1055 : vector<16xf32>
        %swap3A_1057 = arith.index_cast %add3A_1027 : i32 to index
        %swap3A_1058 = arith.constant 16 : index
        %swap3A_1059 = tpu.vector_load %arg14[%swap3A_1057, %swap3A_1058] {strides = array<i32>} : memref<40x144xf32, #tpu.memory_space<vmem>>, vector<16xf32>,
        tpu.vector_store %arg14[%swap3A_1057, %swap3A_1058], %mul3A_1056 {strides = array<i32>} : memref<40x144xf32, #tpu.memory_space<vmem>>, vector<16xf32>,
        %get3A_1060 = arith.constant 1 : i32
        %get3A_1061 = arith.index_cast %get3A_1060 : i32 to index
        %get3A_1062 = arith.index_cast %add3A_1027 : i32 to index
        %get3A_1063 = arith.constant 32 : index
        %get3A_1064 = tpu.vector_load %arg13[%get3A_1061, %get3A_1062, %get3A_1063] {strides = array<i32>} : memref<2x40x128xf32, #tpu.memory_space<vmem>>, vector<16xf32>,
        %mul3A_1065 = arith.mulf %gather3A_1029, %get3A_1064 : vector<16xf32>
        %get3A_1066 = arith.constant 1 : i32
        %get3A_1067 = arith.index_cast %get3A_1066 : i32 to index
        %get3A_1068 = arith.index_cast %add3A_1027 : i32 to index
        %get3A_1069 = arith.constant 32 : index
        %get3A_1070 = tpu.vector_load %arg12[%get3A_1067, %get3A_1068, %get3A_1069] {strides = array<i32>} : memref<2x48x160xf32, #tpu.memory_space<vmem>>, vector<16xf32>,
        %mul3A_1071 = arith.mulf %mul3A_1065, %get3A_1070 : vector<16xf32>
        %swap3A_1072 = arith.index_cast %add3A_1027 : i32 to index
        %swap3A_1073 = arith.constant 32 : index
        %swap3A_1074 = tpu.vector_load %arg14[%swap3A_1072, %swap3A_1073] {strides = array<i32>} : memref<40x144xf32, #tpu.memory_space<vmem>>, vector<16xf32>,
        tpu.vector_store %arg14[%swap3A_1072, %swap3A_1073], %mul3A_1071 {strides = array<i32>} : memref<40x144xf32, #tpu.memory_space<vmem>>, vector<16xf32>,
        %get3A_1075 = arith.constant 1 : i32
        %get3A_1076 = arith.index_cast %get3A_1075 : i32 to index
        %get3A_1077 = arith.index_cast %add3A_1027 : i32 to index
        %get3A_1078 = arith.constant 48 : index
        %get3A_1079 = tpu.vector_load %arg13[%get3A_1076, %get3A_1077, %get3A_1078] {strides = array<i32>} : memref<2x40x128xf32, #tpu.memory_space<vmem>>, vector<16xf32>,
        %mul3A_1080 = arith.mulf %gather3A_1029, %get3A_1079 : vector<16xf32>
        %get3A_1081 = arith.constant 1 : i32
        %get3A_1082 = arith.index_cast %get3A_1081 : i32 to index
        %get3A_1083 = arith.index_cast %add3A_1027 : i32 to index
        %get3A_1084 = arith.constant 48 : index
        %get3A_1085 = tpu.vector_load %arg12[%get3A_1082, %get3A_1083, %get3A_1084] {strides = array<i32>} : memref<2x48x160xf32, #tpu.memory_space<vmem>>, vector<16xf32>,
        %mul3A_1086 = arith.mulf %mul3A_1080, %get3A_1085 : vector<16xf32>
        %swap3A_1087 = arith.index_cast %add3A_1027 : i32 to index
        %swap3A_1088 = arith.constant 48 : index
        %swap3A_1089 = tpu.vector_load %arg14[%swap3A_1087, %swap3A_1088] {strides = array<i32>} : memref<40x144xf32, #tpu.memory_space<vmem>>, vector<16xf32>,
        tpu.vector_store %arg14[%swap3A_1087, %swap3A_1088], %mul3A_1086 {strides = array<i32>} : memref<40x144xf32, #tpu.memory_space<vmem>>, vector<16xf32>,
        %get3A_1090 = arith.constant 1 : i32
        %get3A_1091 = arith.index_cast %get3A_1090 : i32 to index
        %get3A_1092 = arith.index_cast %add3A_1027 : i32 to index
        %get3A_1093 = arith.constant 64 : index
        %get3A_1094 = tpu.vector_load %arg13[%get3A_1091, %get3A_1092, %get3A_1093] {strides = array<i32>} : memref<2x40x128xf32, #tpu.memory_space<vmem>>, vector<16xf32>,
        %mul3A_1095 = arith.mulf %gather3A_1029, %get3A_1094 : vector<16xf32>
        %get3A_1096 = arith.constant 1 : i32
        %get3A_1097 = arith.index_cast %get3A_1096 : i32 to index
        %get3A_1098 = arith.index_cast %add3A_1027 : i32 to index
        %get3A_1099 = arith.constant 64 : index
        %get3A_1100 = tpu.vector_load %arg12[%get3A_1097, %get3A_1098, %get3A_1099] {strides = array<i32>} : memref<2x48x160xf32, #tpu.memory_space<vmem>>, vector<16xf32>,
        %mul3A_1101 = arith.mulf %mul3A_1095, %get3A_1100 : vector<16xf32>
        %swap3A_1102 = arith.index_cast %add3A_1027 : i32 to index
        %swap3A_1103 = arith.constant 64 : index
        %swap3A_1104 = tpu.vector_load %arg14[%swap3A_1102, %swap3A_1103] {strides = array<i32>} : memref<40x144xf32, #tpu.memory_space<vmem>>, vector<16xf32>,
        tpu.vector_store %arg14[%swap3A_1102, %swap3A_1103], %mul3A_1101 {strides = array<i32>} : memref<40x144xf32, #tpu.memory_space<vmem>>, vector<16xf32>,
        %get3A_1105 = arith.constant 1 : i32
        %get3A_1106 = arith.index_cast %get3A_1105 : i32 to index
        %get3A_1107 = arith.index_cast %add3A_1027 : i32 to index
        %get3A_1108 = arith.constant 80 : index
        %get3A_1109 = tpu.vector_load %arg13[%get3A_1106, %get3A_1107, %get3A_1108] {strides = array<i32>} : memref<2x40x128xf32, #tpu.memory_space<vmem>>, vector<16xf32>,
        %mul3A_1110 = arith.mulf %gather3A_1029, %get3A_1109 : vector<16xf32>
        %get3A_1111 = arith.constant 1 : i32
        %get3A_1112 = arith.index_cast %get3A_1111 : i32 to index
        %get3A_1113 = arith.index_cast %add3A_1027 : i32 to index
        %get3A_1114 = arith.constant 80 : index
        %get3A_1115 = tpu.vector_load %arg12[%get3A_1112, %get3A_1113, %get3A_1114] {strides = array<i32>} : memref<2x48x160xf32, #tpu.memory_space<vmem>>, vector<16xf32>,
        %mul3A_1116 = arith.mulf %mul3A_1110, %get3A_1115 : vector<16xf32>
        %swap3A_1117 = arith.index_cast %add3A_1027 : i32 to index
        %swap3A_1118 = arith.constant 80 : index
        %swap3A_1119 = tpu.vector_load %arg14[%swap3A_1117, %swap3A_1118] {strides = array<i32>} : memref<40x144xf32, #tpu.memory_space<vmem>>, vector<16xf32>,
        tpu.vector_store %arg14[%swap3A_1117, %swap3A_1118], %mul3A_1116 {strides = array<i32>} : memref<40x144xf32, #tpu.memory_space<vmem>>, vector<16xf32>,
        %get3A_1120 = arith.constant 1 : i32
        %get3A_1121 = arith.index_cast %get3A_1120 : i32 to index
        %get3A_1122 = arith.index_cast %add3A_1027 : i32 to index
        %get3A_1123 = arith.constant 96 : index
        %get3A_1124 = tpu.vector_load %arg13[%get3A_1121, %get3A_1122, %get3A_1123] {strides = array<i32>} : memref<2x40x128xf32, #tpu.memory_space<vmem>>, vector<16xf32>,
        %mul3A_1125 = arith.mulf %gather3A_1029, %get3A_1124 : vector<16xf32>
        %get3A_1126 = arith.constant 1 : i32
        %get3A_1127 = arith.index_cast %get3A_1126 : i32 to index
        %get3A_1128 = arith.index_cast %add3A_1027 : i32 to index
        %get3A_1129 = arith.constant 96 : index
        %get3A_1130 = tpu.vector_load %arg12[%get3A_1127, %get3A_1128, %get3A_1129] {strides = array<i32>} : memref<2x48x160xf32, #tpu.memory_space<vmem>>, vector<16xf32>,
        %mul3A_1131 = arith.mulf %mul3A_1125, %get3A_1130 : vector<16xf32>
        %swap3A_1132 = arith.index_cast %add3A_1027 : i32 to index
        %swap3A_1133 = arith.constant 96 : index
        %swap3A_1134 = tpu.vector_load %arg14[%swap3A_1132, %swap3A_1133] {strides = array<i32>} : memref<40x144xf32, #tpu.memory_space<vmem>>, vector<16xf32>,
        tpu.vector_store %arg14[%swap3A_1132, %swap3A_1133], %mul3A_1131 {strides = array<i32>} : memref<40x144xf32, #tpu.memory_space<vmem>>, vector<16xf32>,
        %get3A_1135 = arith.constant 1 : i32
        %get3A_1136 = arith.index_cast %get3A_1135 : i32 to index
        %get3A_1137 = arith.index_cast %add3A_1027 : i32 to index
        %get3A_1138 = arith.constant 112 : index
        %get3A_1139 = tpu.vector_load %arg13[%get3A_1136, %get3A_1137, %get3A_1138] {strides = array<i32>} : memref<2x40x128xf32, #tpu.memory_space<vmem>>, vector<16xf32>,
        %mul3A_1140 = arith.mulf %gather3A_1029, %get3A_1139 : vector<16xf32>
        %get3A_1141 = arith.constant 1 : i32
        %get3A_1142 = arith.index_cast %get3A_1141 : i32 to index
        %get3A_1143 = arith.index_cast %add3A_1027 : i32 to index
        %get3A_1144 = arith.constant 112 : index
        %get3A_1145 = tpu.vector_load %arg12[%get3A_1142, %get3A_1143, %get3A_1144] {strides = array<i32>} : memref<2x48x160xf32, #tpu.memory_space<vmem>>, vector<16xf32>,
        %mul3A_1146 = arith.mulf %mul3A_1140, %get3A_1145 : vector<16xf32>
        %swap3A_1147 = arith.index_cast %add3A_1027 : i32 to index
        %swap3A_1148 = arith.constant 112 : index
        %swap3A_1149 = tpu.vector_load %arg14[%swap3A_1147, %swap3A_1148] {strides = array<i32>} : memref<40x144xf32, #tpu.memory_space<vmem>>, vector<16xf32>,
        tpu.vector_store %arg14[%swap3A_1147, %swap3A_1148], %mul3A_1146 {strides = array<i32>} : memref<40x144xf32, #tpu.memory_space<vmem>>, vector<16xf32>,
        %eq3A_1150 = arith.constant 0 : i32
        %eq3A_1151 = vector.broadcast %eq3A_1150 : i32 to vector<16xi32>
        %eq3A_1152 = arith.cmpi eq, %iota3A, %eq3A_1151 : vector<16xi32>
        %jit3A_1153 = arith.constant 0.000000e+00 : f32
        %broadcast_in_dim3A_1154 = vector.broadcast %jit3A_1153 : f32 to vector<16xf32>
        %select_n3A_1155 = arith.select %eq3A_1152, %gather3A_1029, %broadcast_in_dim3A_1154 : vector<16xi1>, vector<16xf32>
        %swap3A_1156 = arith.index_cast %add3A_1027 : i32 to index
        %swap3A_1157 = arith.constant 128 : index
        %swap3A_1158 = tpu.vector_load %arg14[%swap3A_1156, %swap3A_1157] {strides = array<i32>} : memref<40x144xf32, #tpu.memory_space<vmem>>, vector<16xf32>,
        tpu.vector_store %arg14[%swap3A_1156, %swap3A_1157], %select_n3A_1155 {strides = array<i32>} : memref<40x144xf32, #tpu.memory_space<vmem>>, vector<16xf32>,
        %add3A_1159 = arith.constant 5 : i32
        %add3A_1160 = arith.addi %mul3A_500, %add3A_1159 : i32
        %broadcast_in_dim3A_1161 = vector.broadcast %add3A_1160 : i32 to vector<16xi32>
        %gather3A_1162 = tpu.vector_load_idx %arg15[%broadcast_in_dim3A_1161] : memref<48xf32, #tpu.memory_space<vmem>>[vector<16xi32>], vector<16xf32>,
        %get3A_1163 = arith.constant 1 : i32
        %get3A_1164 = arith.index_cast %get3A_1163 : i32 to index
        %get3A_1165 = arith.index_cast %add3A_1160 : i32 to index
        %get3A_1166 = arith.constant 0 : index
        %get3A_1167 = tpu.vector_load %arg13[%get3A_1164, %get3A_1165, %get3A_1166] {strides = array<i32>} : memref<2x40x128xf32, #tpu.memory_space<vmem>>, vector<16xf32>,
        %mul3A_1168 = arith.mulf %gather3A_1162, %get3A_1167 : vector<16xf32>
        %get3A_1169 = arith.constant 1 : i32
        %get3A_1170 = arith.index_cast %get3A_1169 : i32 to index
        %get3A_1171 = arith.index_cast %add3A_1160 : i32 to index
        %get3A_1172 = arith.constant 0 : index
        %get3A_1173 = tpu.vector_load %arg12[%get3A_1170, %get3A_1171, %get3A_1172] {strides = array<i32>} : memref<2x48x160xf32, #tpu.memory_space<vmem>>, vector<16xf32>,
        %mul3A_1174 = arith.mulf %mul3A_1168, %get3A_1173 : vector<16xf32>
        %swap3A_1175 = arith.index_cast %add3A_1160 : i32 to index
        %swap3A_1176 = arith.constant 0 : index
        %swap3A_1177 = tpu.vector_load %arg14[%swap3A_1175, %swap3A_1176] {strides = array<i32>} : memref<40x144xf32, #tpu.memory_space<vmem>>, vector<16xf32>,
        tpu.vector_store %arg14[%swap3A_1175, %swap3A_1176], %mul3A_1174 {strides = array<i32>} : memref<40x144xf32, #tpu.memory_space<vmem>>, vector<16xf32>,
        %get3A_1178 = arith.constant 1 : i32
        %get3A_1179 = arith.index_cast %get3A_1178 : i32 to index
        %get3A_1180 = arith.index_cast %add3A_1160 : i32 to index
        %get3A_1181 = arith.constant 16 : index
        %get3A_1182 = tpu.vector_load %arg13[%get3A_1179, %get3A_1180, %get3A_1181] {strides = array<i32>} : memref<2x40x128xf32, #tpu.memory_space<vmem>>, vector<16xf32>,
        %mul3A_1183 = arith.mulf %gather3A_1162, %get3A_1182 : vector<16xf32>
        %get3A_1184 = arith.constant 1 : i32
        %get3A_1185 = arith.index_cast %get3A_1184 : i32 to index
        %get3A_1186 = arith.index_cast %add3A_1160 : i32 to index
        %get3A_1187 = arith.constant 16 : index
        %get3A_1188 = tpu.vector_load %arg12[%get3A_1185, %get3A_1186, %get3A_1187] {strides = array<i32>} : memref<2x48x160xf32, #tpu.memory_space<vmem>>, vector<16xf32>,
        %mul3A_1189 = arith.mulf %mul3A_1183, %get3A_1188 : vector<16xf32>
        %swap3A_1190 = arith.index_cast %add3A_1160 : i32 to index
        %swap3A_1191 = arith.constant 16 : index
        %swap3A_1192 = tpu.vector_load %arg14[%swap3A_1190, %swap3A_1191] {strides = array<i32>} : memref<40x144xf32, #tpu.memory_space<vmem>>, vector<16xf32>,
        tpu.vector_store %arg14[%swap3A_1190, %swap3A_1191], %mul3A_1189 {strides = array<i32>} : memref<40x144xf32, #tpu.memory_space<vmem>>, vector<16xf32>,
        %get3A_1193 = arith.constant 1 : i32
        %get3A_1194 = arith.index_cast %get3A_1193 : i32 to index
        %get3A_1195 = arith.index_cast %add3A_1160 : i32 to index
        %get3A_1196 = arith.constant 32 : index
        %get3A_1197 = tpu.vector_load %arg13[%get3A_1194, %get3A_1195, %get3A_1196] {strides = array<i32>} : memref<2x40x128xf32, #tpu.memory_space<vmem>>, vector<16xf32>,
        %mul3A_1198 = arith.mulf %gather3A_1162, %get3A_1197 : vector<16xf32>
        %get3A_1199 = arith.constant 1 : i32
        %get3A_1200 = arith.index_cast %get3A_1199 : i32 to index
        %get3A_1201 = arith.index_cast %add3A_1160 : i32 to index
        %get3A_1202 = arith.constant 32 : index
        %get3A_1203 = tpu.vector_load %arg12[%get3A_1200, %get3A_1201, %get3A_1202] {strides = array<i32>} : memref<2x48x160xf32, #tpu.memory_space<vmem>>, vector<16xf32>,
        %mul3A_1204 = arith.mulf %mul3A_1198, %get3A_1203 : vector<16xf32>
        %swap3A_1205 = arith.index_cast %add3A_1160 : i32 to index
        %swap3A_1206 = arith.constant 32 : index
        %swap3A_1207 = tpu.vector_load %arg14[%swap3A_1205, %swap3A_1206] {strides = array<i32>} : memref<40x144xf32, #tpu.memory_space<vmem>>, vector<16xf32>,
        tpu.vector_store %arg14[%swap3A_1205, %swap3A_1206], %mul3A_1204 {strides = array<i32>} : memref<40x144xf32, #tpu.memory_space<vmem>>, vector<16xf32>,
        %get3A_1208 = arith.constant 1 : i32
        %get3A_1209 = arith.index_cast %get3A_1208 : i32 to index
        %get3A_1210 = arith.index_cast %add3A_1160 : i32 to index
        %get3A_1211 = arith.constant 48 : index
        %get3A_1212 = tpu.vector_load %arg13[%get3A_1209, %get3A_1210, %get3A_1211] {strides = array<i32>} : memref<2x40x128xf32, #tpu.memory_space<vmem>>, vector<16xf32>,
        %mul3A_1213 = arith.mulf %gather3A_1162, %get3A_1212 : vector<16xf32>
        %get3A_1214 = arith.constant 1 : i32
        %get3A_1215 = arith.index_cast %get3A_1214 : i32 to index
        %get3A_1216 = arith.index_cast %add3A_1160 : i32 to index
        %get3A_1217 = arith.constant 48 : index
        %get3A_1218 = tpu.vector_load %arg12[%get3A_1215, %get3A_1216, %get3A_1217] {strides = array<i32>} : memref<2x48x160xf32, #tpu.memory_space<vmem>>, vector<16xf32>,
        %mul3A_1219 = arith.mulf %mul3A_1213, %get3A_1218 : vector<16xf32>
        %swap3A_1220 = arith.index_cast %add3A_1160 : i32 to index
        %swap3A_1221 = arith.constant 48 : index
        %swap3A_1222 = tpu.vector_load %arg14[%swap3A_1220, %swap3A_1221] {strides = array<i32>} : memref<40x144xf32, #tpu.memory_space<vmem>>, vector<16xf32>,
        tpu.vector_store %arg14[%swap3A_1220, %swap3A_1221], %mul3A_1219 {strides = array<i32>} : memref<40x144xf32, #tpu.memory_space<vmem>>, vector<16xf32>,
        %get3A_1223 = arith.constant 1 : i32
        %get3A_1224 = arith.index_cast %get3A_1223 : i32 to index
        %get3A_1225 = arith.index_cast %add3A_1160 : i32 to index
        %get3A_1226 = arith.constant 64 : index
        %get3A_1227 = tpu.vector_load %arg13[%get3A_1224, %get3A_1225, %get3A_1226] {strides = array<i32>} : memref<2x40x128xf32, #tpu.memory_space<vmem>>, vector<16xf32>,
        %mul3A_1228 = arith.mulf %gather3A_1162, %get3A_1227 : vector<16xf32>
        %get3A_1229 = arith.constant 1 : i32
        %get3A_1230 = arith.index_cast %get3A_1229 : i32 to index
        %get3A_1231 = arith.index_cast %add3A_1160 : i32 to index
        %get3A_1232 = arith.constant 64 : index
        %get3A_1233 = tpu.vector_load %arg12[%get3A_1230, %get3A_1231, %get3A_1232] {strides = array<i32>} : memref<2x48x160xf32, #tpu.memory_space<vmem>>, vector<16xf32>,
        %mul3A_1234 = arith.mulf %mul3A_1228, %get3A_1233 : vector<16xf32>
        %swap3A_1235 = arith.index_cast %add3A_1160 : i32 to index
        %swap3A_1236 = arith.constant 64 : index
        %swap3A_1237 = tpu.vector_load %arg14[%swap3A_1235, %swap3A_1236] {strides = array<i32>} : memref<40x144xf32, #tpu.memory_space<vmem>>, vector<16xf32>,
        tpu.vector_store %arg14[%swap3A_1235, %swap3A_1236], %mul3A_1234 {strides = array<i32>} : memref<40x144xf32, #tpu.memory_space<vmem>>, vector<16xf32>,
        %get3A_1238 = arith.constant 1 : i32
        %get3A_1239 = arith.index_cast %get3A_1238 : i32 to index
        %get3A_1240 = arith.index_cast %add3A_1160 : i32 to index
        %get3A_1241 = arith.constant 80 : index
        %get3A_1242 = tpu.vector_load %arg13[%get3A_1239, %get3A_1240, %get3A_1241] {strides = array<i32>} : memref<2x40x128xf32, #tpu.memory_space<vmem>>, vector<16xf32>,
        %mul3A_1243 = arith.mulf %gather3A_1162, %get3A_1242 : vector<16xf32>
        %get3A_1244 = arith.constant 1 : i32
        %get3A_1245 = arith.index_cast %get3A_1244 : i32 to index
        %get3A_1246 = arith.index_cast %add3A_1160 : i32 to index
        %get3A_1247 = arith.constant 80 : index
        %get3A_1248 = tpu.vector_load %arg12[%get3A_1245, %get3A_1246, %get3A_1247] {strides = array<i32>} : memref<2x48x160xf32, #tpu.memory_space<vmem>>, vector<16xf32>,
        %mul3A_1249 = arith.mulf %mul3A_1243, %get3A_1248 : vector<16xf32>
        %swap3A_1250 = arith.index_cast %add3A_1160 : i32 to index
        %swap3A_1251 = arith.constant 80 : index
        %swap3A_1252 = tpu.vector_load %arg14[%swap3A_1250, %swap3A_1251] {strides = array<i32>} : memref<40x144xf32, #tpu.memory_space<vmem>>, vector<16xf32>,
        tpu.vector_store %arg14[%swap3A_1250, %swap3A_1251], %mul3A_1249 {strides = array<i32>} : memref<40x144xf32, #tpu.memory_space<vmem>>, vector<16xf32>,
        %get3A_1253 = arith.constant 1 : i32
        %get3A_1254 = arith.index_cast %get3A_1253 : i32 to index
        %get3A_1255 = arith.index_cast %add3A_1160 : i32 to index
        %get3A_1256 = arith.constant 96 : index
        %get3A_1257 = tpu.vector_load %arg13[%get3A_1254, %get3A_1255, %get3A_1256] {strides = array<i32>} : memref<2x40x128xf32, #tpu.memory_space<vmem>>, vector<16xf32>,
        %mul3A_1258 = arith.mulf %gather3A_1162, %get3A_1257 : vector<16xf32>
        %get3A_1259 = arith.constant 1 : i32
        %get3A_1260 = arith.index_cast %get3A_1259 : i32 to index
        %get3A_1261 = arith.index_cast %add3A_1160 : i32 to index
        %get3A_1262 = arith.constant 96 : index
        %get3A_1263 = tpu.vector_load %arg12[%get3A_1260, %get3A_1261, %get3A_1262] {strides = array<i32>} : memref<2x48x160xf32, #tpu.memory_space<vmem>>, vector<16xf32>,
        %mul3A_1264 = arith.mulf %mul3A_1258, %get3A_1263 : vector<16xf32>
        %swap3A_1265 = arith.index_cast %add3A_1160 : i32 to index
        %swap3A_1266 = arith.constant 96 : index
        %swap3A_1267 = tpu.vector_load %arg14[%swap3A_1265, %swap3A_1266] {strides = array<i32>} : memref<40x144xf32, #tpu.memory_space<vmem>>, vector<16xf32>,
        tpu.vector_store %arg14[%swap3A_1265, %swap3A_1266], %mul3A_1264 {strides = array<i32>} : memref<40x144xf32, #tpu.memory_space<vmem>>, vector<16xf32>,
        %get3A_1268 = arith.constant 1 : i32
        %get3A_1269 = arith.index_cast %get3A_1268 : i32 to index
        %get3A_1270 = arith.index_cast %add3A_1160 : i32 to index
        %get3A_1271 = arith.constant 112 : index
        %get3A_1272 = tpu.vector_load %arg13[%get3A_1269, %get3A_1270, %get3A_1271] {strides = array<i32>} : memref<2x40x128xf32, #tpu.memory_space<vmem>>, vector<16xf32>,
        %mul3A_1273 = arith.mulf %gather3A_1162, %get3A_1272 : vector<16xf32>
        %get3A_1274 = arith.constant 1 : i32
        %get3A_1275 = arith.index_cast %get3A_1274 : i32 to index
        %get3A_1276 = arith.index_cast %add3A_1160 : i32 to index
        %get3A_1277 = arith.constant 112 : index
        %get3A_1278 = tpu.vector_load %arg12[%get3A_1275, %get3A_1276, %get3A_1277] {strides = array<i32>} : memref<2x48x160xf32, #tpu.memory_space<vmem>>, vector<16xf32>,
        %mul3A_1279 = arith.mulf %mul3A_1273, %get3A_1278 : vector<16xf32>
        %swap3A_1280 = arith.index_cast %add3A_1160 : i32 to index
        %swap3A_1281 = arith.constant 112 : index
        %swap3A_1282 = tpu.vector_load %arg14[%swap3A_1280, %swap3A_1281] {strides = array<i32>} : memref<40x144xf32, #tpu.memory_space<vmem>>, vector<16xf32>,
        tpu.vector_store %arg14[%swap3A_1280, %swap3A_1281], %mul3A_1279 {strides = array<i32>} : memref<40x144xf32, #tpu.memory_space<vmem>>, vector<16xf32>,
        %eq3A_1283 = arith.constant 0 : i32
        %eq3A_1284 = vector.broadcast %eq3A_1283 : i32 to vector<16xi32>
        %eq3A_1285 = arith.cmpi eq, %iota3A, %eq3A_1284 : vector<16xi32>
        %jit3A_1286 = arith.constant 0.000000e+00 : f32
        %broadcast_in_dim3A_1287 = vector.broadcast %jit3A_1286 : f32 to vector<16xf32>
        %select_n3A_1288 = arith.select %eq3A_1285, %gather3A_1162, %broadcast_in_dim3A_1287 : vector<16xi1>, vector<16xf32>
        %swap3A_1289 = arith.index_cast %add3A_1160 : i32 to index
        %swap3A_1290 = arith.constant 128 : index
        %swap3A_1291 = tpu.vector_load %arg14[%swap3A_1289, %swap3A_1290] {strides = array<i32>} : memref<40x144xf32, #tpu.memory_space<vmem>>, vector<16xf32>,
        tpu.vector_store %arg14[%swap3A_1289, %swap3A_1290], %select_n3A_1288 {strides = array<i32>} : memref<40x144xf32, #tpu.memory_space<vmem>>, vector<16xf32>,
        %add3A_1292 = arith.constant 6 : i32
        %add3A_1293 = arith.addi %mul3A_500, %add3A_1292 : i32
        %broadcast_in_dim3A_1294 = vector.broadcast %add3A_1293 : i32 to vector<16xi32>
        %gather3A_1295 = tpu.vector_load_idx %arg15[%broadcast_in_dim3A_1294] : memref<48xf32, #tpu.memory_space<vmem>>[vector<16xi32>], vector<16xf32>,
        %get3A_1296 = arith.constant 1 : i32
        %get3A_1297 = arith.index_cast %get3A_1296 : i32 to index
        %get3A_1298 = arith.index_cast %add3A_1293 : i32 to index
        %get3A_1299 = arith.constant 0 : index
        %get3A_1300 = tpu.vector_load %arg13[%get3A_1297, %get3A_1298, %get3A_1299] {strides = array<i32>} : memref<2x40x128xf32, #tpu.memory_space<vmem>>, vector<16xf32>,
        %mul3A_1301 = arith.mulf %gather3A_1295, %get3A_1300 : vector<16xf32>
        %get3A_1302 = arith.constant 1 : i32
        %get3A_1303 = arith.index_cast %get3A_1302 : i32 to index
        %get3A_1304 = arith.index_cast %add3A_1293 : i32 to index
        %get3A_1305 = arith.constant 0 : index
        %get3A_1306 = tpu.vector_load %arg12[%get3A_1303, %get3A_1304, %get3A_1305] {strides = array<i32>} : memref<2x48x160xf32, #tpu.memory_space<vmem>>, vector<16xf32>,
        %mul3A_1307 = arith.mulf %mul3A_1301, %get3A_1306 : vector<16xf32>
        %swap3A_1308 = arith.index_cast %add3A_1293 : i32 to index
        %swap3A_1309 = arith.constant 0 : index
        %swap3A_1310 = tpu.vector_load %arg14[%swap3A_1308, %swap3A_1309] {strides = array<i32>} : memref<40x144xf32, #tpu.memory_space<vmem>>, vector<16xf32>,
        tpu.vector_store %arg14[%swap3A_1308, %swap3A_1309], %mul3A_1307 {strides = array<i32>} : memref<40x144xf32, #tpu.memory_space<vmem>>, vector<16xf32>,
        %get3A_1311 = arith.constant 1 : i32
        %get3A_1312 = arith.index_cast %get3A_1311 : i32 to index
        %get3A_1313 = arith.index_cast %add3A_1293 : i32 to index
        %get3A_1314 = arith.constant 16 : index
        %get3A_1315 = tpu.vector_load %arg13[%get3A_1312, %get3A_1313, %get3A_1314] {strides = array<i32>} : memref<2x40x128xf32, #tpu.memory_space<vmem>>, vector<16xf32>,
        %mul3A_1316 = arith.mulf %gather3A_1295, %get3A_1315 : vector<16xf32>
        %get3A_1317 = arith.constant 1 : i32
        %get3A_1318 = arith.index_cast %get3A_1317 : i32 to index
        %get3A_1319 = arith.index_cast %add3A_1293 : i32 to index
        %get3A_1320 = arith.constant 16 : index
        %get3A_1321 = tpu.vector_load %arg12[%get3A_1318, %get3A_1319, %get3A_1320] {strides = array<i32>} : memref<2x48x160xf32, #tpu.memory_space<vmem>>, vector<16xf32>,
        %mul3A_1322 = arith.mulf %mul3A_1316, %get3A_1321 : vector<16xf32>
        %swap3A_1323 = arith.index_cast %add3A_1293 : i32 to index
        %swap3A_1324 = arith.constant 16 : index
        %swap3A_1325 = tpu.vector_load %arg14[%swap3A_1323, %swap3A_1324] {strides = array<i32>} : memref<40x144xf32, #tpu.memory_space<vmem>>, vector<16xf32>,
        tpu.vector_store %arg14[%swap3A_1323, %swap3A_1324], %mul3A_1322 {strides = array<i32>} : memref<40x144xf32, #tpu.memory_space<vmem>>, vector<16xf32>,
        %get3A_1326 = arith.constant 1 : i32
        %get3A_1327 = arith.index_cast %get3A_1326 : i32 to index
        %get3A_1328 = arith.index_cast %add3A_1293 : i32 to index
        %get3A_1329 = arith.constant 32 : index
        %get3A_1330 = tpu.vector_load %arg13[%get3A_1327, %get3A_1328, %get3A_1329] {strides = array<i32>} : memref<2x40x128xf32, #tpu.memory_space<vmem>>, vector<16xf32>,
        %mul3A_1331 = arith.mulf %gather3A_1295, %get3A_1330 : vector<16xf32>
        %get3A_1332 = arith.constant 1 : i32
        %get3A_1333 = arith.index_cast %get3A_1332 : i32 to index
        %get3A_1334 = arith.index_cast %add3A_1293 : i32 to index
        %get3A_1335 = arith.constant 32 : index
        %get3A_1336 = tpu.vector_load %arg12[%get3A_1333, %get3A_1334, %get3A_1335] {strides = array<i32>} : memref<2x48x160xf32, #tpu.memory_space<vmem>>, vector<16xf32>,
        %mul3A_1337 = arith.mulf %mul3A_1331, %get3A_1336 : vector<16xf32>
        %swap3A_1338 = arith.index_cast %add3A_1293 : i32 to index
        %swap3A_1339 = arith.constant 32 : index
        %swap3A_1340 = tpu.vector_load %arg14[%swap3A_1338, %swap3A_1339] {strides = array<i32>} : memref<40x144xf32, #tpu.memory_space<vmem>>, vector<16xf32>,
        tpu.vector_store %arg14[%swap3A_1338, %swap3A_1339], %mul3A_1337 {strides = array<i32>} : memref<40x144xf32, #tpu.memory_space<vmem>>, vector<16xf32>,
        %get3A_1341 = arith.constant 1 : i32
        %get3A_1342 = arith.index_cast %get3A_1341 : i32 to index
        %get3A_1343 = arith.index_cast %add3A_1293 : i32 to index
        %get3A_1344 = arith.constant 48 : index
        %get3A_1345 = tpu.vector_load %arg13[%get3A_1342, %get3A_1343, %get3A_1344] {strides = array<i32>} : memref<2x40x128xf32, #tpu.memory_space<vmem>>, vector<16xf32>,
        %mul3A_1346 = arith.mulf %gather3A_1295, %get3A_1345 : vector<16xf32>
        %get3A_1347 = arith.constant 1 : i32
        %get3A_1348 = arith.index_cast %get3A_1347 : i32 to index
        %get3A_1349 = arith.index_cast %add3A_1293 : i32 to index
        %get3A_1350 = arith.constant 48 : index
        %get3A_1351 = tpu.vector_load %arg12[%get3A_1348, %get3A_1349, %get3A_1350] {strides = array<i32>} : memref<2x48x160xf32, #tpu.memory_space<vmem>>, vector<16xf32>,
        %mul3A_1352 = arith.mulf %mul3A_1346, %get3A_1351 : vector<16xf32>
        %swap3A_1353 = arith.index_cast %add3A_1293 : i32 to index
        %swap3A_1354 = arith.constant 48 : index
        %swap3A_1355 = tpu.vector_load %arg14[%swap3A_1353, %swap3A_1354] {strides = array<i32>} : memref<40x144xf32, #tpu.memory_space<vmem>>, vector<16xf32>,
        tpu.vector_store %arg14[%swap3A_1353, %swap3A_1354], %mul3A_1352 {strides = array<i32>} : memref<40x144xf32, #tpu.memory_space<vmem>>, vector<16xf32>,
        %get3A_1356 = arith.constant 1 : i32
        %get3A_1357 = arith.index_cast %get3A_1356 : i32 to index
        %get3A_1358 = arith.index_cast %add3A_1293 : i32 to index
        %get3A_1359 = arith.constant 64 : index
        %get3A_1360 = tpu.vector_load %arg13[%get3A_1357, %get3A_1358, %get3A_1359] {strides = array<i32>} : memref<2x40x128xf32, #tpu.memory_space<vmem>>, vector<16xf32>,
        %mul3A_1361 = arith.mulf %gather3A_1295, %get3A_1360 : vector<16xf32>
        %get3A_1362 = arith.constant 1 : i32
        %get3A_1363 = arith.index_cast %get3A_1362 : i32 to index
        %get3A_1364 = arith.index_cast %add3A_1293 : i32 to index
        %get3A_1365 = arith.constant 64 : index
        %get3A_1366 = tpu.vector_load %arg12[%get3A_1363, %get3A_1364, %get3A_1365] {strides = array<i32>} : memref<2x48x160xf32, #tpu.memory_space<vmem>>, vector<16xf32>,
        %mul3A_1367 = arith.mulf %mul3A_1361, %get3A_1366 : vector<16xf32>
        %swap3A_1368 = arith.index_cast %add3A_1293 : i32 to index
        %swap3A_1369 = arith.constant 64 : index
        %swap3A_1370 = tpu.vector_load %arg14[%swap3A_1368, %swap3A_1369] {strides = array<i32>} : memref<40x144xf32, #tpu.memory_space<vmem>>, vector<16xf32>,
        tpu.vector_store %arg14[%swap3A_1368, %swap3A_1369], %mul3A_1367 {strides = array<i32>} : memref<40x144xf32, #tpu.memory_space<vmem>>, vector<16xf32>,
        %get3A_1371 = arith.constant 1 : i32
        %get3A_1372 = arith.index_cast %get3A_1371 : i32 to index
        %get3A_1373 = arith.index_cast %add3A_1293 : i32 to index
        %get3A_1374 = arith.constant 80 : index
        %get3A_1375 = tpu.vector_load %arg13[%get3A_1372, %get3A_1373, %get3A_1374] {strides = array<i32>} : memref<2x40x128xf32, #tpu.memory_space<vmem>>, vector<16xf32>,
        %mul3A_1376 = arith.mulf %gather3A_1295, %get3A_1375 : vector<16xf32>
        %get3A_1377 = arith.constant 1 : i32
        %get3A_1378 = arith.index_cast %get3A_1377 : i32 to index
        %get3A_1379 = arith.index_cast %add3A_1293 : i32 to index
        %get3A_1380 = arith.constant 80 : index
        %get3A_1381 = tpu.vector_load %arg12[%get3A_1378, %get3A_1379, %get3A_1380] {strides = array<i32>} : memref<2x48x160xf32, #tpu.memory_space<vmem>>, vector<16xf32>,
        %mul3A_1382 = arith.mulf %mul3A_1376, %get3A_1381 : vector<16xf32>
        %swap3A_1383 = arith.index_cast %add3A_1293 : i32 to index
        %swap3A_1384 = arith.constant 80 : index
        %swap3A_1385 = tpu.vector_load %arg14[%swap3A_1383, %swap3A_1384] {strides = array<i32>} : memref<40x144xf32, #tpu.memory_space<vmem>>, vector<16xf32>,
        tpu.vector_store %arg14[%swap3A_1383, %swap3A_1384], %mul3A_1382 {strides = array<i32>} : memref<40x144xf32, #tpu.memory_space<vmem>>, vector<16xf32>,
        %get3A_1386 = arith.constant 1 : i32
        %get3A_1387 = arith.index_cast %get3A_1386 : i32 to index
        %get3A_1388 = arith.index_cast %add3A_1293 : i32 to index
        %get3A_1389 = arith.constant 96 : index
        %get3A_1390 = tpu.vector_load %arg13[%get3A_1387, %get3A_1388, %get3A_1389] {strides = array<i32>} : memref<2x40x128xf32, #tpu.memory_space<vmem>>, vector<16xf32>,
        %mul3A_1391 = arith.mulf %gather3A_1295, %get3A_1390 : vector<16xf32>
        %get3A_1392 = arith.constant 1 : i32
        %get3A_1393 = arith.index_cast %get3A_1392 : i32 to index
        %get3A_1394 = arith.index_cast %add3A_1293 : i32 to index
        %get3A_1395 = arith.constant 96 : index
        %get3A_1396 = tpu.vector_load %arg12[%get3A_1393, %get3A_1394, %get3A_1395] {strides = array<i32>} : memref<2x48x160xf32, #tpu.memory_space<vmem>>, vector<16xf32>,
        %mul3A_1397 = arith.mulf %mul3A_1391, %get3A_1396 : vector<16xf32>
        %swap3A_1398 = arith.index_cast %add3A_1293 : i32 to index
        %swap3A_1399 = arith.constant 96 : index
        %swap3A_1400 = tpu.vector_load %arg14[%swap3A_1398, %swap3A_1399] {strides = array<i32>} : memref<40x144xf32, #tpu.memory_space<vmem>>, vector<16xf32>,
        tpu.vector_store %arg14[%swap3A_1398, %swap3A_1399], %mul3A_1397 {strides = array<i32>} : memref<40x144xf32, #tpu.memory_space<vmem>>, vector<16xf32>,
        %get3A_1401 = arith.constant 1 : i32
        %get3A_1402 = arith.index_cast %get3A_1401 : i32 to index
        %get3A_1403 = arith.index_cast %add3A_1293 : i32 to index
        %get3A_1404 = arith.constant 112 : index
        %get3A_1405 = tpu.vector_load %arg13[%get3A_1402, %get3A_1403, %get3A_1404] {strides = array<i32>} : memref<2x40x128xf32, #tpu.memory_space<vmem>>, vector<16xf32>,
        %mul3A_1406 = arith.mulf %gather3A_1295, %get3A_1405 : vector<16xf32>
        %get3A_1407 = arith.constant 1 : i32
        %get3A_1408 = arith.index_cast %get3A_1407 : i32 to index
        %get3A_1409 = arith.index_cast %add3A_1293 : i32 to index
        %get3A_1410 = arith.constant 112 : index
        %get3A_1411 = tpu.vector_load %arg12[%get3A_1408, %get3A_1409, %get3A_1410] {strides = array<i32>} : memref<2x48x160xf32, #tpu.memory_space<vmem>>, vector<16xf32>,
        %mul3A_1412 = arith.mulf %mul3A_1406, %get3A_1411 : vector<16xf32>
        %swap3A_1413 = arith.index_cast %add3A_1293 : i32 to index
        %swap3A_1414 = arith.constant 112 : index
        %swap3A_1415 = tpu.vector_load %arg14[%swap3A_1413, %swap3A_1414] {strides = array<i32>} : memref<40x144xf32, #tpu.memory_space<vmem>>, vector<16xf32>,
        tpu.vector_store %arg14[%swap3A_1413, %swap3A_1414], %mul3A_1412 {strides = array<i32>} : memref<40x144xf32, #tpu.memory_space<vmem>>, vector<16xf32>,
        %eq3A_1416 = arith.constant 0 : i32
        %eq3A_1417 = vector.broadcast %eq3A_1416 : i32 to vector<16xi32>
        %eq3A_1418 = arith.cmpi eq, %iota3A, %eq3A_1417 : vector<16xi32>
        %jit3A_1419 = arith.constant 0.000000e+00 : f32
        %broadcast_in_dim3A_1420 = vector.broadcast %jit3A_1419 : f32 to vector<16xf32>
        %select_n3A_1421 = arith.select %eq3A_1418, %gather3A_1295, %broadcast_in_dim3A_1420 : vector<16xi1>, vector<16xf32>
        %swap3A_1422 = arith.index_cast %add3A_1293 : i32 to index
        %swap3A_1423 = arith.constant 128 : index
        %swap3A_1424 = tpu.vector_load %arg14[%swap3A_1422, %swap3A_1423] {strides = array<i32>} : memref<40x144xf32, #tpu.memory_space<vmem>>, vector<16xf32>,
        tpu.vector_store %arg14[%swap3A_1422, %swap3A_1423], %select_n3A_1421 {strides = array<i32>} : memref<40x144xf32, #tpu.memory_space<vmem>>, vector<16xf32>,
        %add3A_1425 = arith.constant 7 : i32
        %add3A_1426 = arith.addi %mul3A_500, %add3A_1425 : i32
        %broadcast_in_dim3A_1427 = vector.broadcast %add3A_1426 : i32 to vector<16xi32>
        %gather3A_1428 = tpu.vector_load_idx %arg15[%broadcast_in_dim3A_1427] : memref<48xf32, #tpu.memory_space<vmem>>[vector<16xi32>], vector<16xf32>,
        %get3A_1429 = arith.constant 1 : i32
        %get3A_1430 = arith.index_cast %get3A_1429 : i32 to index
        %get3A_1431 = arith.index_cast %add3A_1426 : i32 to index
        %get3A_1432 = arith.constant 0 : index
        %get3A_1433 = tpu.vector_load %arg13[%get3A_1430, %get3A_1431, %get3A_1432] {strides = array<i32>} : memref<2x40x128xf32, #tpu.memory_space<vmem>>, vector<16xf32>,
        %mul3A_1434 = arith.mulf %gather3A_1428, %get3A_1433 : vector<16xf32>
        %get3A_1435 = arith.constant 1 : i32
        %get3A_1436 = arith.index_cast %get3A_1435 : i32 to index
        %get3A_1437 = arith.index_cast %add3A_1426 : i32 to index
        %get3A_1438 = arith.constant 0 : index
        %get3A_1439 = tpu.vector_load %arg12[%get3A_1436, %get3A_1437, %get3A_1438] {strides = array<i32>} : memref<2x48x160xf32, #tpu.memory_space<vmem>>, vector<16xf32>,
        %mul3A_1440 = arith.mulf %mul3A_1434, %get3A_1439 : vector<16xf32>
        %swap3A_1441 = arith.index_cast %add3A_1426 : i32 to index
        %swap3A_1442 = arith.constant 0 : index
        %swap3A_1443 = tpu.vector_load %arg14[%swap3A_1441, %swap3A_1442] {strides = array<i32>} : memref<40x144xf32, #tpu.memory_space<vmem>>, vector<16xf32>,
        tpu.vector_store %arg14[%swap3A_1441, %swap3A_1442], %mul3A_1440 {strides = array<i32>} : memref<40x144xf32, #tpu.memory_space<vmem>>, vector<16xf32>,
        %get3A_1444 = arith.constant 1 : i32
        %get3A_1445 = arith.index_cast %get3A_1444 : i32 to index
        %get3A_1446 = arith.index_cast %add3A_1426 : i32 to index
        %get3A_1447 = arith.constant 16 : index
        %get3A_1448 = tpu.vector_load %arg13[%get3A_1445, %get3A_1446, %get3A_1447] {strides = array<i32>} : memref<2x40x128xf32, #tpu.memory_space<vmem>>, vector<16xf32>,
        %mul3A_1449 = arith.mulf %gather3A_1428, %get3A_1448 : vector<16xf32>
        %get3A_1450 = arith.constant 1 : i32
        %get3A_1451 = arith.index_cast %get3A_1450 : i32 to index
        %get3A_1452 = arith.index_cast %add3A_1426 : i32 to index
        %get3A_1453 = arith.constant 16 : index
        %get3A_1454 = tpu.vector_load %arg12[%get3A_1451, %get3A_1452, %get3A_1453] {strides = array<i32>} : memref<2x48x160xf32, #tpu.memory_space<vmem>>, vector<16xf32>,
        %mul3A_1455 = arith.mulf %mul3A_1449, %get3A_1454 : vector<16xf32>
        %swap3A_1456 = arith.index_cast %add3A_1426 : i32 to index
        %swap3A_1457 = arith.constant 16 : index
        %swap3A_1458 = tpu.vector_load %arg14[%swap3A_1456, %swap3A_1457] {strides = array<i32>} : memref<40x144xf32, #tpu.memory_space<vmem>>, vector<16xf32>,
        tpu.vector_store %arg14[%swap3A_1456, %swap3A_1457], %mul3A_1455 {strides = array<i32>} : memref<40x144xf32, #tpu.memory_space<vmem>>, vector<16xf32>,
        %get3A_1459 = arith.constant 1 : i32
        %get3A_1460 = arith.index_cast %get3A_1459 : i32 to index
        %get3A_1461 = arith.index_cast %add3A_1426 : i32 to index
        %get3A_1462 = arith.constant 32 : index
        %get3A_1463 = tpu.vector_load %arg13[%get3A_1460, %get3A_1461, %get3A_1462] {strides = array<i32>} : memref<2x40x128xf32, #tpu.memory_space<vmem>>, vector<16xf32>,
        %mul3A_1464 = arith.mulf %gather3A_1428, %get3A_1463 : vector<16xf32>
        %get3A_1465 = arith.constant 1 : i32
        %get3A_1466 = arith.index_cast %get3A_1465 : i32 to index
        %get3A_1467 = arith.index_cast %add3A_1426 : i32 to index
        %get3A_1468 = arith.constant 32 : index
        %get3A_1469 = tpu.vector_load %arg12[%get3A_1466, %get3A_1467, %get3A_1468] {strides = array<i32>} : memref<2x48x160xf32, #tpu.memory_space<vmem>>, vector<16xf32>,
        %mul3A_1470 = arith.mulf %mul3A_1464, %get3A_1469 : vector<16xf32>
        %swap3A_1471 = arith.index_cast %add3A_1426 : i32 to index
        %swap3A_1472 = arith.constant 32 : index
        %swap3A_1473 = tpu.vector_load %arg14[%swap3A_1471, %swap3A_1472] {strides = array<i32>} : memref<40x144xf32, #tpu.memory_space<vmem>>, vector<16xf32>,
        tpu.vector_store %arg14[%swap3A_1471, %swap3A_1472], %mul3A_1470 {strides = array<i32>} : memref<40x144xf32, #tpu.memory_space<vmem>>, vector<16xf32>,
        %get3A_1474 = arith.constant 1 : i32
        %get3A_1475 = arith.index_cast %get3A_1474 : i32 to index
        %get3A_1476 = arith.index_cast %add3A_1426 : i32 to index
        %get3A_1477 = arith.constant 48 : index
        %get3A_1478 = tpu.vector_load %arg13[%get3A_1475, %get3A_1476, %get3A_1477] {strides = array<i32>} : memref<2x40x128xf32, #tpu.memory_space<vmem>>, vector<16xf32>,
        %mul3A_1479 = arith.mulf %gather3A_1428, %get3A_1478 : vector<16xf32>
        %get3A_1480 = arith.constant 1 : i32
        %get3A_1481 = arith.index_cast %get3A_1480 : i32 to index
        %get3A_1482 = arith.index_cast %add3A_1426 : i32 to index
        %get3A_1483 = arith.constant 48 : index
        %get3A_1484 = tpu.vector_load %arg12[%get3A_1481, %get3A_1482, %get3A_1483] {strides = array<i32>} : memref<2x48x160xf32, #tpu.memory_space<vmem>>, vector<16xf32>,
        %mul3A_1485 = arith.mulf %mul3A_1479, %get3A_1484 : vector<16xf32>
        %swap3A_1486 = arith.index_cast %add3A_1426 : i32 to index
        %swap3A_1487 = arith.constant 48 : index
        %swap3A_1488 = tpu.vector_load %arg14[%swap3A_1486, %swap3A_1487] {strides = array<i32>} : memref<40x144xf32, #tpu.memory_space<vmem>>, vector<16xf32>,
        tpu.vector_store %arg14[%swap3A_1486, %swap3A_1487], %mul3A_1485 {strides = array<i32>} : memref<40x144xf32, #tpu.memory_space<vmem>>, vector<16xf32>,
        %get3A_1489 = arith.constant 1 : i32
        %get3A_1490 = arith.index_cast %get3A_1489 : i32 to index
        %get3A_1491 = arith.index_cast %add3A_1426 : i32 to index
        %get3A_1492 = arith.constant 64 : index
        %get3A_1493 = tpu.vector_load %arg13[%get3A_1490, %get3A_1491, %get3A_1492] {strides = array<i32>} : memref<2x40x128xf32, #tpu.memory_space<vmem>>, vector<16xf32>,
        %mul3A_1494 = arith.mulf %gather3A_1428, %get3A_1493 : vector<16xf32>
        %get3A_1495 = arith.constant 1 : i32
        %get3A_1496 = arith.index_cast %get3A_1495 : i32 to index
        %get3A_1497 = arith.index_cast %add3A_1426 : i32 to index
        %get3A_1498 = arith.constant 64 : index
        %get3A_1499 = tpu.vector_load %arg12[%get3A_1496, %get3A_1497, %get3A_1498] {strides = array<i32>} : memref<2x48x160xf32, #tpu.memory_space<vmem>>, vector<16xf32>,
        %mul3A_1500 = arith.mulf %mul3A_1494, %get3A_1499 : vector<16xf32>
        %swap3A_1501 = arith.index_cast %add3A_1426 : i32 to index
        %swap3A_1502 = arith.constant 64 : index
        %swap3A_1503 = tpu.vector_load %arg14[%swap3A_1501, %swap3A_1502] {strides = array<i32>} : memref<40x144xf32, #tpu.memory_space<vmem>>, vector<16xf32>,
        tpu.vector_store %arg14[%swap3A_1501, %swap3A_1502], %mul3A_1500 {strides = array<i32>} : memref<40x144xf32, #tpu.memory_space<vmem>>, vector<16xf32>,
        %get3A_1504 = arith.constant 1 : i32
        %get3A_1505 = arith.index_cast %get3A_1504 : i32 to index
        %get3A_1506 = arith.index_cast %add3A_1426 : i32 to index
        %get3A_1507 = arith.constant 80 : index
        %get3A_1508 = tpu.vector_load %arg13[%get3A_1505, %get3A_1506, %get3A_1507] {strides = array<i32>} : memref<2x40x128xf32, #tpu.memory_space<vmem>>, vector<16xf32>,
        %mul3A_1509 = arith.mulf %gather3A_1428, %get3A_1508 : vector<16xf32>
        %get3A_1510 = arith.constant 1 : i32
        %get3A_1511 = arith.index_cast %get3A_1510 : i32 to index
        %get3A_1512 = arith.index_cast %add3A_1426 : i32 to index
        %get3A_1513 = arith.constant 80 : index
        %get3A_1514 = tpu.vector_load %arg12[%get3A_1511, %get3A_1512, %get3A_1513] {strides = array<i32>} : memref<2x48x160xf32, #tpu.memory_space<vmem>>, vector<16xf32>,
        %mul3A_1515 = arith.mulf %mul3A_1509, %get3A_1514 : vector<16xf32>
        %swap3A_1516 = arith.index_cast %add3A_1426 : i32 to index
        %swap3A_1517 = arith.constant 80 : index
        %swap3A_1518 = tpu.vector_load %arg14[%swap3A_1516, %swap3A_1517] {strides = array<i32>} : memref<40x144xf32, #tpu.memory_space<vmem>>, vector<16xf32>,
        tpu.vector_store %arg14[%swap3A_1516, %swap3A_1517], %mul3A_1515 {strides = array<i32>} : memref<40x144xf32, #tpu.memory_space<vmem>>, vector<16xf32>,
        %get3A_1519 = arith.constant 1 : i32
        %get3A_1520 = arith.index_cast %get3A_1519 : i32 to index
        %get3A_1521 = arith.index_cast %add3A_1426 : i32 to index
        %get3A_1522 = arith.constant 96 : index
        %get3A_1523 = tpu.vector_load %arg13[%get3A_1520, %get3A_1521, %get3A_1522] {strides = array<i32>} : memref<2x40x128xf32, #tpu.memory_space<vmem>>, vector<16xf32>,
        %mul3A_1524 = arith.mulf %gather3A_1428, %get3A_1523 : vector<16xf32>
        %get3A_1525 = arith.constant 1 : i32
        %get3A_1526 = arith.index_cast %get3A_1525 : i32 to index
        %get3A_1527 = arith.index_cast %add3A_1426 : i32 to index
        %get3A_1528 = arith.constant 96 : index
        %get3A_1529 = tpu.vector_load %arg12[%get3A_1526, %get3A_1527, %get3A_1528] {strides = array<i32>} : memref<2x48x160xf32, #tpu.memory_space<vmem>>, vector<16xf32>,
        %mul3A_1530 = arith.mulf %mul3A_1524, %get3A_1529 : vector<16xf32>
        %swap3A_1531 = arith.index_cast %add3A_1426 : i32 to index
        %swap3A_1532 = arith.constant 96 : index
        %swap3A_1533 = tpu.vector_load %arg14[%swap3A_1531, %swap3A_1532] {strides = array<i32>} : memref<40x144xf32, #tpu.memory_space<vmem>>, vector<16xf32>,
        tpu.vector_store %arg14[%swap3A_1531, %swap3A_1532], %mul3A_1530 {strides = array<i32>} : memref<40x144xf32, #tpu.memory_space<vmem>>, vector<16xf32>,
        %get3A_1534 = arith.constant 1 : i32
        %get3A_1535 = arith.index_cast %get3A_1534 : i32 to index
        %get3A_1536 = arith.index_cast %add3A_1426 : i32 to index
        %get3A_1537 = arith.constant 112 : index
        %get3A_1538 = tpu.vector_load %arg13[%get3A_1535, %get3A_1536, %get3A_1537] {strides = array<i32>} : memref<2x40x128xf32, #tpu.memory_space<vmem>>, vector<16xf32>,
        %mul3A_1539 = arith.mulf %gather3A_1428, %get3A_1538 : vector<16xf32>
        %get3A_1540 = arith.constant 1 : i32
        %get3A_1541 = arith.index_cast %get3A_1540 : i32 to index
        %get3A_1542 = arith.index_cast %add3A_1426 : i32 to index
        %get3A_1543 = arith.constant 112 : index
        %get3A_1544 = tpu.vector_load %arg12[%get3A_1541, %get3A_1542, %get3A_1543] {strides = array<i32>} : memref<2x48x160xf32, #tpu.memory_space<vmem>>, vector<16xf32>,
        %mul3A_1545 = arith.mulf %mul3A_1539, %get3A_1544 : vector<16xf32>
        %swap3A_1546 = arith.index_cast %add3A_1426 : i32 to index
        %swap3A_1547 = arith.constant 112 : index
        %swap3A_1548 = tpu.vector_load %arg14[%swap3A_1546, %swap3A_1547] {strides = array<i32>} : memref<40x144xf32, #tpu.memory_space<vmem>>, vector<16xf32>,
        tpu.vector_store %arg14[%swap3A_1546, %swap3A_1547], %mul3A_1545 {strides = array<i32>} : memref<40x144xf32, #tpu.memory_space<vmem>>, vector<16xf32>,
        %eq3A_1549 = arith.constant 0 : i32
        %eq3A_1550 = vector.broadcast %eq3A_1549 : i32 to vector<16xi32>
        %eq3A_1551 = arith.cmpi eq, %iota3A, %eq3A_1550 : vector<16xi32>
        %jit3A_1552 = arith.constant 0.000000e+00 : f32
        %broadcast_in_dim3A_1553 = vector.broadcast %jit3A_1552 : f32 to vector<16xf32>
        %select_n3A_1554 = arith.select %eq3A_1551, %gather3A_1428, %broadcast_in_dim3A_1553 : vector<16xi1>, vector<16xf32>
        %swap3A_1555 = arith.index_cast %add3A_1426 : i32 to index
        %swap3A_1556 = arith.constant 128 : index
        %swap3A_1557 = tpu.vector_load %arg14[%swap3A_1555, %swap3A_1556] {strides = array<i32>} : memref<40x144xf32, #tpu.memory_space<vmem>>, vector<16xf32>,
        tpu.vector_store %arg14[%swap3A_1555, %swap3A_1556], %select_n3A_1554 {strides = array<i32>} : memref<40x144xf32, #tpu.memory_space<vmem>>, vector<16xf32>,
      }
      %scan3A_435 = arith.constant 5 : i32
      %run_scoped3A_436 = arith.constant 1 : i32
      %run_scoped3A_437 = arith.constant 1 : i32
      "tpu.region"() ({
        %run_scoped3A_498 = tpu.sem_alloc : memref<!tpu.dma_semaphore, #tpu.memory_space<semaphore_mem>>
        %dma_start3A_499 = arith.constant 0 : i32
        %dma_start3A_500 = tpu.memref_slice %arg9[%run_scoped3A_436, %run_scoped3A_437, %dma_start3A_499] : memref<2x2x40xi32, #tpu.memory_space<vmem>> -> memref<1x1x40xi32, #tpu.memory_space<vmem>>
        %dma_start3A_501 = tpu.memref_squeeze %dma_start3A_500 : memref<1x1x40xi32, #tpu.memory_space<vmem>> -> memref<40xi32, #tpu.memory_space<vmem>>
        %dma_start3A_502 = arith.constant 0 : i32
        %dma_start3A_503 = arith.constant 0 : i32
        %dma_start3A_504 = tpu.memref_slice %arg17[%dma_start3A_502, %dma_start3A_503] : memref<10000x144xf32, #tpu.memory_space<vmem_shared>> -> memref<10000x144xf32, #tpu.memory_space<vmem_shared>>
        tpu.enqueue_indirect_dma source(%arg14 : memref<40x144xf32, #tpu.memory_space<vmem>>) target(%dma_start3A_504 : memref<10000x144xf32, #tpu.memory_space<vmem_shared>>) offsets(%dma_start3A_501 : memref<40xi32, #tpu.memory_space<vmem>>) semaphore(%run_scoped3A_498 : memref<!tpu.dma_semaphore, #tpu.memory_space<semaphore_mem>>) {add = true}
        %dma_wait3A_505 = arith.constant 0 : i32
        %dma_wait3A_506 = tpu.memref_slice %arg9[%run_scoped3A_436, %run_scoped3A_437, %dma_wait3A_505] : memref<2x2x40xi32, #tpu.memory_space<vmem>> -> memref<1x1x40xi32, #tpu.memory_space<vmem>>
        %dma_wait3A_507 = tpu.memref_squeeze %dma_wait3A_506 : memref<1x1x40xi32, #tpu.memory_space<vmem>> -> memref<40xi32, #tpu.memory_space<vmem>>
        %dma_wait3A_508 = arith.constant 0 : i32
        %dma_wait3A_509 = arith.constant 0 : i32
        %dma_wait3A_510 = tpu.memref_slice %arg17[%dma_wait3A_508, %dma_wait3A_509] : memref<10000x144xf32, #tpu.memory_space<vmem_shared>> -> memref<10000x144xf32, #tpu.memory_space<vmem_shared>>
        tpu.wait_indirect_dma semaphore(%run_scoped3A_498 : memref<!tpu.dma_semaphore, #tpu.memory_space<semaphore_mem>>) src(%arg14 : memref<40x144xf32, #tpu.memory_space<vmem>>) dst(%dma_wait3A_510 : memref<10000x144xf32, #tpu.memory_space<vmem_shared>>)
        tpu.yield
      }) : () -> ()
      %add3A_438 = arith.constant 2 : i32
      %add3A_439 = arith.addi %add3A_367, %add3A_438 : i32
      %min3A_440 = arith.constant 249 : i32
      %min3A_441 = arith.minsi %add3A_439, %min3A_440 : i32
      %mul3A_442 = arith.constant 40 : i32
      %mul3A_443 = arith.muli %min3A_441, %mul3A_442 : i32
      %add3A_444 = arith.addi %add3A, %mul3A_443 : i32
      %run_scoped3A_445 = arith.constant 1 : i32
      "tpu.region"() ({
        %run_scoped3A_498 = tpu.sem_alloc : memref<!tpu.dma_semaphore, #tpu.memory_space<semaphore_mem>>
        %dma_start3A_499 = arith.constant 0 : i32
        %dma_start3A_500 = arith.constant 0 : i32
        %dma_start3A_501 = tpu.memref_slice %arg9[%run_scoped3A_445, %dma_start3A_499, %dma_start3A_500] : memref<2x2x40xi32, #tpu.memory_space<vmem>> -> memref<1x2x40xi32, #tpu.memory_space<vmem>>
        %dma_start3A_502 = tpu.memref_squeeze %dma_start3A_501 : memref<1x2x40xi32, #tpu.memory_space<vmem>> -> memref<2x40xi32, #tpu.memory_space<vmem>>
        %dma_start3A_503 = arith.constant 0 : i32
        %dma_start3A_504 = arith.constant 0 : i32
        %dma_start3A_505 = tpu.memref_slice %arg2[%arg0, %arg1, %min3A_441, %dma_start3A_503, %dma_start3A_504] : memref<2x16x250x2x40xi32, #tpu.memory_space<hbm>> -> memref<1x1x1x2x40xi32, #tpu.memory_space<hbm>>
        %dma_start3A_506 = tpu.memref_squeeze %dma_start3A_505 : memref<1x1x1x2x40xi32, #tpu.memory_space<hbm>> -> memref<2x40xi32, #tpu.memory_space<hbm>>
        %dma_start3A_507 = arith.constant 0 : i32
        %dma_start3A_508 = arith.constant 0 : i32
        %dma_start3A_509 = tpu.memref_slice %arg9[%run_scoped3A_445, %dma_start3A_507, %dma_start3A_508] : memref<2x2x40xi32, #tpu.memory_space<vmem>> -> memref<1x2x40xi32, #tpu.memory_space<vmem>>
        %dma_start3A_510 = tpu.memref_squeeze %dma_start3A_509 : memref<1x2x40xi32, #tpu.memory_space<vmem>> -> memref<2x40xi32, #tpu.memory_space<vmem>>
        %dma_start3A_511 = arith.constant 0 : i32
        %dma_start3A_512 = arith.constant 0 : i32
        %dma_start3A_513 = tpu.memref_slice %arg2[%arg0, %arg1, %min3A_441, %dma_start3A_511, %dma_start3A_512] : memref<2x16x250x2x40xi32, #tpu.memory_space<hbm>> -> memref<1x1x1x2x40xi32, #tpu.memory_space<hbm>>
        %dma_start3A_514 = tpu.memref_squeeze %dma_start3A_513 : memref<1x1x1x2x40xi32, #tpu.memory_space<hbm>> -> memref<2x40xi32, #tpu.memory_space<hbm>>
        tpu.enqueue_dma source(%dma_start3A_514 : memref<2x40xi32, #tpu.memory_space<hbm>>) target(%dma_start3A_510 : memref<2x40xi32, #tpu.memory_space<vmem>>) target_semaphore(%run_scoped3A_498 : memref<!tpu.dma_semaphore, #tpu.memory_space<semaphore_mem>>)
        %dma_wait3A_515 = arith.constant 0 : i32
        %dma_wait3A_516 = arith.constant 0 : i32
        %dma_wait3A_517 = tpu.memref_slice %arg9[%run_scoped3A_445, %dma_wait3A_515, %dma_wait3A_516] : memref<2x2x40xi32, #tpu.memory_space<vmem>> -> memref<1x2x40xi32, #tpu.memory_space<vmem>>
        %dma_wait3A_518 = tpu.memref_squeeze %dma_wait3A_517 : memref<1x2x40xi32, #tpu.memory_space<vmem>> -> memref<2x40xi32, #tpu.memory_space<vmem>>
        %dma_wait3A_519 = arith.constant 0 : i32
        %dma_wait3A_520 = arith.constant 0 : i32
        %dma_wait3A_521 = tpu.memref_slice %arg2[%arg0, %arg1, %min3A_441, %dma_wait3A_519, %dma_wait3A_520] : memref<2x16x250x2x40xi32, #tpu.memory_space<hbm>> -> memref<1x1x1x2x40xi32, #tpu.memory_space<hbm>>
        %dma_wait3A_522 = tpu.memref_squeeze %dma_wait3A_521 : memref<1x1x1x2x40xi32, #tpu.memory_space<hbm>> -> memref<2x40xi32, #tpu.memory_space<hbm>>
        %dma_wait3A_523 = arith.constant 0 : i32
        %dma_wait3A_524 = arith.constant 0 : i32
        %dma_wait3A_525 = tpu.memref_slice %arg9[%run_scoped3A_445, %dma_wait3A_523, %dma_wait3A_524] : memref<2x2x40xi32, #tpu.memory_space<vmem>> -> memref<1x2x40xi32, #tpu.memory_space<vmem>>
        %dma_wait3A_526 = tpu.memref_squeeze %dma_wait3A_525 : memref<1x2x40xi32, #tpu.memory_space<vmem>> -> memref<2x40xi32, #tpu.memory_space<vmem>>
        %dma_wait3A_527 = arith.constant 0 : i32
        %dma_wait3A_528 = arith.constant 0 : i32
        %dma_wait3A_529 = tpu.memref_slice %arg2[%arg0, %arg1, %min3A_441, %dma_wait3A_527, %dma_wait3A_528] : memref<2x16x250x2x40xi32, #tpu.memory_space<hbm>> -> memref<1x1x1x2x40xi32, #tpu.memory_space<hbm>>
        %dma_wait3A_530 = tpu.memref_squeeze %dma_wait3A_529 : memref<1x1x1x2x40xi32, #tpu.memory_space<hbm>> -> memref<2x40xi32, #tpu.memory_space<hbm>>
        tpu.wait_dma2 semaphore(%run_scoped3A_498 : memref<!tpu.dma_semaphore, #tpu.memory_space<semaphore_mem>>) src(%dma_wait3A_530 : memref<2x40xi32, #tpu.memory_space<hbm>>) dst(%dma_wait3A_526 : memref<2x40xi32, #tpu.memory_space<vmem>>)
        tpu.yield
      }) : () -> ()
      %dma_start3A_446 = arith.constant 1 : i32
      %dma_start3A_447 = arith.constant 0 : i32
      %dma_start3A_448 = arith.constant 1 : i32
      %dma_start3A_449 = arith.constant 0 : i32
      %dma_start3A_450 = arith.constant 0 : i32
      %dma_start3A_451 = tpu.memref_slice %arg12[%dma_start3A_448, %dma_start3A_449, %dma_start3A_450] : memref<2x48x160xf32, #tpu.memory_space<vmem>> -> memref<1x40x160xf32, #tpu.memory_space<vmem>>
      %dma_start3A_452 = tpu.memref_squeeze %dma_start3A_451 : memref<1x40x160xf32, #tpu.memory_space<vmem>> -> memref<40x160xf32, #tpu.memory_space<vmem>>
      %dma_start3A_453 = arith.constant 0 : i32
      %dma_start3A_454 = tpu.memref_slice %arg9[%dma_start3A_446, %dma_start3A_447, %dma_start3A_453] : memref<2x2x40xi32, #tpu.memory_space<vmem>> -> memref<1x1x40xi32, #tpu.memory_space<vmem>>
      %dma_start3A_455 = tpu.memref_squeeze %dma_start3A_454 : memref<1x1x40xi32, #tpu.memory_space<vmem>> -> memref<40xi32, #tpu.memory_space<vmem>>
      %dma_start3A_456 = arith.constant 0 : i32
      %dma_start3A_457 = arith.constant 0 : i32
      %dma_start3A_458 = tpu.memref_slice %arg4[%dma_start3A_456, %dma_start3A_457] : memref<10000x160xf32, #tpu.memory_space<hbm>> -> memref<10000x160xf32, #tpu.memory_space<hbm>>
      tpu.enqueue_indirect_dma source(%dma_start3A_458 : memref<10000x160xf32, #tpu.memory_space<hbm>>) target(%dma_start3A_452 : memref<40x160xf32, #tpu.memory_space<vmem>>) offsets(%dma_start3A_455 : memref<40xi32, #tpu.memory_space<vmem>>) semaphore(%arg19 : memref<!tpu.dma_semaphore, #tpu.memory_space<semaphore_mem>>)
      %dma_start3A_459 = arith.constant 1 : i32
      %dma_start3A_460 = arith.constant 1 : i32
      %dma_start3A_461 = arith.constant 1 : i32
      %dma_start3A_462 = arith.constant 0 : i32
      %dma_start3A_463 = arith.constant 0 : i32
      %dma_start3A_464 = tpu.memref_slice %arg11[%dma_start3A_461, %dma_start3A_462, %dma_start3A_463] : memref<2x48x32xf32, #tpu.memory_space<vmem>> -> memref<1x40x32xf32, #tpu.memory_space<vmem>>
      %dma_start3A_465 = tpu.memref_squeeze %dma_start3A_464 : memref<1x40x32xf32, #tpu.memory_space<vmem>> -> memref<40x32xf32, #tpu.memory_space<vmem>>
      %dma_start3A_466 = arith.constant 0 : i32
      %dma_start3A_467 = tpu.memref_slice %arg9[%dma_start3A_459, %dma_start3A_460, %dma_start3A_466] : memref<2x2x40xi32, #tpu.memory_space<vmem>> -> memref<1x1x40xi32, #tpu.memory_space<vmem>>
      %dma_start3A_468 = tpu.memref_squeeze %dma_start3A_467 : memref<1x1x40xi32, #tpu.memory_space<vmem>> -> memref<40xi32, #tpu.memory_space<vmem>>
      %dma_start3A_469 = arith.constant 0 : i32
      %dma_start3A_470 = arith.constant 0 : i32
      %dma_start3A_471 = tpu.memref_slice %arg5[%dma_start3A_469, %dma_start3A_470] : memref<10000x32xf32, #tpu.memory_space<hbm>> -> memref<10000x32xf32, #tpu.memory_space<hbm>>
      tpu.enqueue_indirect_dma source(%dma_start3A_471 : memref<10000x32xf32, #tpu.memory_space<hbm>>) target(%dma_start3A_465 : memref<40x32xf32, #tpu.memory_space<vmem>>) offsets(%dma_start3A_468 : memref<40xi32, #tpu.memory_space<vmem>>) semaphore(%arg19 : memref<!tpu.dma_semaphore, #tpu.memory_space<semaphore_mem>>)
      %dma_start3A_472 = arith.constant 1 : i32
      %dma_start3A_473 = arith.constant 0 : i32
      %dma_start3A_474 = arith.constant 0 : i32
      %dma_start3A_475 = tpu.memref_slice %arg10[%dma_start3A_472, %dma_start3A_473, %dma_start3A_474] : memref<2x48x16xf32, #tpu.memory_space<vmem>> -> memref<1x40x16xf32, #tpu.memory_space<vmem>>
      %dma_start3A_476 = tpu.memref_squeeze %dma_start3A_475 : memref<1x40x16xf32, #tpu.memory_space<vmem>> -> memref<40x16xf32, #tpu.memory_space<vmem>>
      %dma_start3A_477 = arith.constant 0 : i32
      %dma_start3A_478 = tpu.memref_slice %arg3[%add3A_444, %dma_start3A_477] : memref<320000x16xf32, #tpu.memory_space<hbm>> -> memref<40x16xf32, #tpu.memory_space<hbm>>
      %dma_start3A_479 = arith.constant 0 : i32
      %dma_start3A_480 = arith.constant 0 : i32
      %dma_start3A_481 = tpu.memref_slice %arg10[%dma_start3A_472, %dma_start3A_479, %dma_start3A_480] : memref<2x48x16xf32, #tpu.memory_space<vmem>> -> memref<1x40x16xf32, #tpu.memory_space<vmem>>
      %dma_start3A_482 = tpu.memref_squeeze %dma_start3A_481 : memref<1x40x16xf32, #tpu.memory_space<vmem>> -> memref<40x16xf32, #tpu.memory_space<vmem>>
      %dma_start3A_483 = arith.constant 0 : i32
      %dma_start3A_484 = tpu.memref_slice %arg3[%add3A_444, %dma_start3A_483] : memref<320000x16xf32, #tpu.memory_space<hbm>> -> memref<40x16xf32, #tpu.memory_space<hbm>>
      tpu.enqueue_dma source(%dma_start3A_484 : memref<40x16xf32, #tpu.memory_space<hbm>>) target(%dma_start3A_482 : memref<40x16xf32, #tpu.memory_space<vmem>>) target_semaphore(%arg19 : memref<!tpu.dma_semaphore, #tpu.memory_space<semaphore_mem>>)
      %dma_start3A_485 = arith.constant 1 : i32
      %dma_start3A_486 = arith.constant 0 : i32
      %dma_start3A_487 = arith.constant 0 : i32
      %dma_start3A_488 = tpu.memref_slice %arg13[%dma_start3A_485, %dma_start3A_486, %dma_start3A_487] : memref<2x40x128xf32, #tpu.memory_space<vmem>> -> memref<1x40x128xf32, #tpu.memory_space<vmem>>
      %dma_start3A_489 = tpu.memref_squeeze %dma_start3A_488 : memref<1x40x128xf32, #tpu.memory_space<vmem>> -> memref<40x128xf32, #tpu.memory_space<vmem>>
      %dma_start3A_490 = arith.constant 0 : i32
      %dma_start3A_491 = tpu.memref_slice %arg6[%add3A_444, %dma_start3A_490] : memref<320000x128xf32, #tpu.memory_space<hbm>> -> memref<40x128xf32, #tpu.memory_space<hbm>>
      %dma_start3A_492 = arith.constant 0 : i32
      %dma_start3A_493 = arith.constant 0 : i32
      %dma_start3A_494 = tpu.memref_slice %arg13[%dma_start3A_485, %dma_start3A_492, %dma_start3A_493] : memref<2x40x128xf32, #tpu.memory_space<vmem>> -> memref<1x40x128xf32, #tpu.memory_space<vmem>>
      %dma_start3A_495 = tpu.memref_squeeze %dma_start3A_494 : memref<1x40x128xf32, #tpu.memory_space<vmem>> -> memref<40x128xf32, #tpu.memory_space<vmem>>
      %dma_start3A_496 = arith.constant 0 : i32
      %dma_start3A_497 = tpu.memref_slice %arg6[%add3A_444, %dma_start3A_496] : memref<320000x128xf32, #tpu.memory_space<hbm>> -> memref<40x128xf32, #tpu.memory_space<hbm>>
      tpu.enqueue_dma source(%dma_start3A_497 : memref<40x128xf32, #tpu.memory_space<hbm>>) target(%dma_start3A_495 : memref<40x128xf32, #tpu.memory_space<vmem>>) target_semaphore(%arg19 : memref<!tpu.dma_semaphore, #tpu.memory_space<semaphore_mem>>)
    }
    %scan3A_119 = arith.constant 125 : i32
    %dma_wait3A = arith.constant 0 : i32
    %dma_wait3A_120 = arith.constant 0 : i32
    %dma_wait3A_121 = arith.constant 0 : i32
    %dma_wait3A_122 = arith.constant 0 : i32
    %dma_wait3A_123 = arith.constant 0 : i32
    %dma_wait3A_124 = tpu.memref_slice %arg12[%dma_wait3A_121, %dma_wait3A_122, %dma_wait3A_123] : memref<2x48x160xf32, #tpu.memory_space<vmem>> -> memref<1x40x160xf32, #tpu.memory_space<vmem>>
    %dma_wait3A_125 = tpu.memref_squeeze %dma_wait3A_124 : memref<1x40x160xf32, #tpu.memory_space<vmem>> -> memref<40x160xf32, #tpu.memory_space<vmem>>
    %dma_wait3A_126 = arith.constant 0 : i32
    %dma_wait3A_127 = tpu.memref_slice %arg9[%dma_wait3A, %dma_wait3A_120, %dma_wait3A_126] : memref<2x2x40xi32, #tpu.memory_space<vmem>> -> memref<1x1x40xi32, #tpu.memory_space<vmem>>
    %dma_wait3A_128 = tpu.memref_squeeze %dma_wait3A_127 : memref<1x1x40xi32, #tpu.memory_space<vmem>> -> memref<40xi32, #tpu.memory_space<vmem>>
    %dma_wait3A_129 = arith.constant 0 : i32
    %dma_wait3A_130 = arith.constant 0 : i32
    %dma_wait3A_131 = tpu.memref_slice %arg4[%dma_wait3A_129, %dma_wait3A_130] : memref<10000x160xf32, #tpu.memory_space<hbm>> -> memref<10000x160xf32, #tpu.memory_space<hbm>>
    tpu.wait_indirect_dma semaphore(%arg18 : memref<!tpu.dma_semaphore, #tpu.memory_space<semaphore_mem>>) src(%dma_wait3A_131 : memref<10000x160xf32, #tpu.memory_space<hbm>>) dst(%dma_wait3A_125 : memref<40x160xf32, #tpu.memory_space<vmem>>)
    %dma_wait3A_132 = arith.constant 0 : i32
    %dma_wait3A_133 = arith.constant 1 : i32
    %dma_wait3A_134 = arith.constant 0 : i32
    %dma_wait3A_135 = arith.constant 0 : i32
    %dma_wait3A_136 = arith.constant 0 : i32
    %dma_wait3A_137 = tpu.memref_slice %arg11[%dma_wait3A_134, %dma_wait3A_135, %dma_wait3A_136] : memref<2x48x32xf32, #tpu.memory_space<vmem>> -> memref<1x40x32xf32, #tpu.memory_space<vmem>>
    %dma_wait3A_138 = tpu.memref_squeeze %dma_wait3A_137 : memref<1x40x32xf32, #tpu.memory_space<vmem>> -> memref<40x32xf32, #tpu.memory_space<vmem>>
    %dma_wait3A_139 = arith.constant 0 : i32
    %dma_wait3A_140 = tpu.memref_slice %arg9[%dma_wait3A_132, %dma_wait3A_133, %dma_wait3A_139] : memref<2x2x40xi32, #tpu.memory_space<vmem>> -> memref<1x1x40xi32, #tpu.memory_space<vmem>>
    %dma_wait3A_141 = tpu.memref_squeeze %dma_wait3A_140 : memref<1x1x40xi32, #tpu.memory_space<vmem>> -> memref<40xi32, #tpu.memory_space<vmem>>
    %dma_wait3A_142 = arith.constant 0 : i32
    %dma_wait3A_143 = arith.constant 0 : i32
    %dma_wait3A_144 = tpu.memref_slice %arg5[%dma_wait3A_142, %dma_wait3A_143] : memref<10000x32xf32, #tpu.memory_space<hbm>> -> memref<10000x32xf32, #tpu.memory_space<hbm>>
    tpu.wait_indirect_dma semaphore(%arg18 : memref<!tpu.dma_semaphore, #tpu.memory_space<semaphore_mem>>) src(%dma_wait3A_144 : memref<10000x32xf32, #tpu.memory_space<hbm>>) dst(%dma_wait3A_138 : memref<40x32xf32, #tpu.memory_space<vmem>>)
    %dma_wait3A_145 = arith.constant 0 : i32
    %dma_wait3A_146 = arith.constant 0 : i32
    %dma_wait3A_147 = arith.constant 0 : i32
    %dma_wait3A_148 = tpu.memref_slice %arg10[%dma_wait3A_145, %dma_wait3A_146, %dma_wait3A_147] : memref<2x48x16xf32, #tpu.memory_space<vmem>> -> memref<1x40x16xf32, #tpu.memory_space<vmem>>
    %dma_wait3A_149 = tpu.memref_squeeze %dma_wait3A_148 : memref<1x40x16xf32, #tpu.memory_space<vmem>> -> memref<40x16xf32, #tpu.memory_space<vmem>>
    %dma_wait3A_150 = arith.constant 0 : i32
    %dma_wait3A_151 = arith.constant 0 : i32
    %dma_wait3A_152 = tpu.memref_slice %arg3[%dma_wait3A_150, %dma_wait3A_151] : memref<320000x16xf32, #tpu.memory_space<hbm>> -> memref<40x16xf32, #tpu.memory_space<hbm>>
    %dma_wait3A_153 = arith.constant 0 : i32
    %dma_wait3A_154 = arith.constant 0 : i32
    %dma_wait3A_155 = tpu.memref_slice %arg10[%dma_wait3A_145, %dma_wait3A_153, %dma_wait3A_154] : memref<2x48x16xf32, #tpu.memory_space<vmem>> -> memref<1x40x16xf32, #tpu.memory_space<vmem>>
    %dma_wait3A_156 = tpu.memref_squeeze %dma_wait3A_155 : memref<1x40x16xf32, #tpu.memory_space<vmem>> -> memref<40x16xf32, #tpu.memory_space<vmem>>
    %dma_wait3A_157 = arith.constant 0 : i32
    %dma_wait3A_158 = arith.constant 0 : i32
    %dma_wait3A_159 = tpu.memref_slice %arg3[%dma_wait3A_157, %dma_wait3A_158] : memref<320000x16xf32, #tpu.memory_space<hbm>> -> memref<40x16xf32, #tpu.memory_space<hbm>>
    tpu.wait_dma2 semaphore(%arg18 : memref<!tpu.dma_semaphore, #tpu.memory_space<semaphore_mem>>) src(%dma_wait3A_159 : memref<40x16xf32, #tpu.memory_space<hbm>>) dst(%dma_wait3A_156 : memref<40x16xf32, #tpu.memory_space<vmem>>)
    %dma_wait3A_160 = arith.constant 0 : i32
    %dma_wait3A_161 = arith.constant 0 : i32
    %dma_wait3A_162 = arith.constant 0 : i32
    %dma_wait3A_163 = tpu.memref_slice %arg13[%dma_wait3A_160, %dma_wait3A_161, %dma_wait3A_162] : memref<2x40x128xf32, #tpu.memory_space<vmem>> -> memref<1x40x128xf32, #tpu.memory_space<vmem>>
    %dma_wait3A_164 = tpu.memref_squeeze %dma_wait3A_163 : memref<1x40x128xf32, #tpu.memory_space<vmem>> -> memref<40x128xf32, #tpu.memory_space<vmem>>
    %dma_wait3A_165 = arith.constant 0 : i32
    %dma_wait3A_166 = arith.constant 0 : i32
    %dma_wait3A_167 = tpu.memref_slice %arg6[%dma_wait3A_165, %dma_wait3A_166] : memref<320000x128xf32, #tpu.memory_space<hbm>> -> memref<40x128xf32, #tpu.memory_space<hbm>>
    %dma_wait3A_168 = arith.constant 0 : i32
    %dma_wait3A_169 = arith.constant 0 : i32
    %dma_wait3A_170 = tpu.memref_slice %arg13[%dma_wait3A_160, %dma_wait3A_168, %dma_wait3A_169] : memref<2x40x128xf32, #tpu.memory_space<vmem>> -> memref<1x40x128xf32, #tpu.memory_space<vmem>>
    %dma_wait3A_171 = tpu.memref_squeeze %dma_wait3A_170 : memref<1x40x128xf32, #tpu.memory_space<vmem>> -> memref<40x128xf32, #tpu.memory_space<vmem>>
    %dma_wait3A_172 = arith.constant 0 : i32
    %dma_wait3A_173 = arith.constant 0 : i32
    %dma_wait3A_174 = tpu.memref_slice %arg6[%dma_wait3A_172, %dma_wait3A_173] : memref<320000x128xf32, #tpu.memory_space<hbm>> -> memref<40x128xf32, #tpu.memory_space<hbm>>
    tpu.wait_dma2 semaphore(%arg18 : memref<!tpu.dma_semaphore, #tpu.memory_space<semaphore_mem>>) src(%dma_wait3A_174 : memref<40x128xf32, #tpu.memory_space<hbm>>) dst(%dma_wait3A_171 : memref<40x128xf32, #tpu.memory_space<vmem>>)
    %dma_wait3A_175 = arith.constant 1 : i32
    %dma_wait3A_176 = arith.constant 0 : i32
    %dma_wait3A_177 = arith.constant 1 : i32
    %dma_wait3A_178 = arith.constant 0 : i32
    %dma_wait3A_179 = arith.constant 0 : i32
    %dma_wait3A_180 = tpu.memref_slice %arg12[%dma_wait3A_177, %dma_wait3A_178, %dma_wait3A_179] : memref<2x48x160xf32, #tpu.memory_space<vmem>> -> memref<1x40x160xf32, #tpu.memory_space<vmem>>
    %dma_wait3A_181 = tpu.memref_squeeze %dma_wait3A_180 : memref<1x40x160xf32, #tpu.memory_space<vmem>> -> memref<40x160xf32, #tpu.memory_space<vmem>>
    %dma_wait3A_182 = arith.constant 0 : i32
    %dma_wait3A_183 = tpu.memref_slice %arg9[%dma_wait3A_175, %dma_wait3A_176, %dma_wait3A_182] : memref<2x2x40xi32, #tpu.memory_space<vmem>> -> memref<1x1x40xi32, #tpu.memory_space<vmem>>
    %dma_wait3A_184 = tpu.memref_squeeze %dma_wait3A_183 : memref<1x1x40xi32, #tpu.memory_space<vmem>> -> memref<40xi32, #tpu.memory_space<vmem>>
    %dma_wait3A_185 = arith.constant 0 : i32
    %dma_wait3A_186 = arith.constant 0 : i32
    %dma_wait3A_187 = tpu.memref_slice %arg4[%dma_wait3A_185, %dma_wait3A_186] : memref<10000x160xf32, #tpu.memory_space<hbm>> -> memref<10000x160xf32, #tpu.memory_space<hbm>>
    tpu.wait_indirect_dma semaphore(%arg19 : memref<!tpu.dma_semaphore, #tpu.memory_space<semaphore_mem>>) src(%dma_wait3A_187 : memref<10000x160xf32, #tpu.memory_space<hbm>>) dst(%dma_wait3A_181 : memref<40x160xf32, #tpu.memory_space<vmem>>)
    %dma_wait3A_188 = arith.constant 1 : i32
    %dma_wait3A_189 = arith.constant 1 : i32
    %dma_wait3A_190 = arith.constant 1 : i32
    %dma_wait3A_191 = arith.constant 0 : i32
    %dma_wait3A_192 = arith.constant 0 : i32
    %dma_wait3A_193 = tpu.memref_slice %arg11[%dma_wait3A_190, %dma_wait3A_191, %dma_wait3A_192] : memref<2x48x32xf32, #tpu.memory_space<vmem>> -> memref<1x40x32xf32, #tpu.memory_space<vmem>>
    %dma_wait3A_194 = tpu.memref_squeeze %dma_wait3A_193 : memref<1x40x32xf32, #tpu.memory_space<vmem>> -> memref<40x32xf32, #tpu.memory_space<vmem>>
    %dma_wait3A_195 = arith.constant 0 : i32
    %dma_wait3A_196 = tpu.memref_slice %arg9[%dma_wait3A_188, %dma_wait3A_189, %dma_wait3A_195] : memref<2x2x40xi32, #tpu.memory_space<vmem>> -> memref<1x1x40xi32, #tpu.memory_space<vmem>>
    %dma_wait3A_197 = tpu.memref_squeeze %dma_wait3A_196 : memref<1x1x40xi32, #tpu.memory_space<vmem>> -> memref<40xi32, #tpu.memory_space<vmem>>
    %dma_wait3A_198 = arith.constant 0 : i32
    %dma_wait3A_199 = arith.constant 0 : i32
    %dma_wait3A_200 = tpu.memref_slice %arg5[%dma_wait3A_198, %dma_wait3A_199] : memref<10000x32xf32, #tpu.memory_space<hbm>> -> memref<10000x32xf32, #tpu.memory_space<hbm>>
    tpu.wait_indirect_dma semaphore(%arg19 : memref<!tpu.dma_semaphore, #tpu.memory_space<semaphore_mem>>) src(%dma_wait3A_200 : memref<10000x32xf32, #tpu.memory_space<hbm>>) dst(%dma_wait3A_194 : memref<40x32xf32, #tpu.memory_space<vmem>>)
    %dma_wait3A_201 = arith.constant 1 : i32
    %dma_wait3A_202 = arith.constant 0 : i32
    %dma_wait3A_203 = arith.constant 0 : i32
    %dma_wait3A_204 = tpu.memref_slice %arg10[%dma_wait3A_201, %dma_wait3A_202, %dma_wait3A_203] : memref<2x48x16xf32, #tpu.memory_space<vmem>> -> memref<1x40x16xf32, #tpu.memory_space<vmem>>
    %dma_wait3A_205 = tpu.memref_squeeze %dma_wait3A_204 : memref<1x40x16xf32, #tpu.memory_space<vmem>> -> memref<40x16xf32, #tpu.memory_space<vmem>>
    %dma_wait3A_206 = arith.constant 0 : i32
    %dma_wait3A_207 = arith.constant 0 : i32
    %dma_wait3A_208 = tpu.memref_slice %arg3[%dma_wait3A_206, %dma_wait3A_207] : memref<320000x16xf32, #tpu.memory_space<hbm>> -> memref<40x16xf32, #tpu.memory_space<hbm>>
    %dma_wait3A_209 = arith.constant 0 : i32
    %dma_wait3A_210 = arith.constant 0 : i32
    %dma_wait3A_211 = tpu.memref_slice %arg10[%dma_wait3A_201, %dma_wait3A_209, %dma_wait3A_210] : memref<2x48x16xf32, #tpu.memory_space<vmem>> -> memref<1x40x16xf32, #tpu.memory_space<vmem>>
    %dma_wait3A_212 = tpu.memref_squeeze %dma_wait3A_211 : memref<1x40x16xf32, #tpu.memory_space<vmem>> -> memref<40x16xf32, #tpu.memory_space<vmem>>
    %dma_wait3A_213 = arith.constant 0 : i32
    %dma_wait3A_214 = arith.constant 0 : i32
    %dma_wait3A_215 = tpu.memref_slice %arg3[%dma_wait3A_213, %dma_wait3A_214] : memref<320000x16xf32, #tpu.memory_space<hbm>> -> memref<40x16xf32, #tpu.memory_space<hbm>>
    tpu.wait_dma2 semaphore(%arg19 : memref<!tpu.dma_semaphore, #tpu.memory_space<semaphore_mem>>) src(%dma_wait3A_215 : memref<40x16xf32, #tpu.memory_space<hbm>>) dst(%dma_wait3A_212 : memref<40x16xf32, #tpu.memory_space<vmem>>)
    %dma_wait3A_216 = arith.constant 1 : i32
    %dma_wait3A_217 = arith.constant 0 : i32
    %dma_wait3A_218 = arith.constant 0 : i32
    %dma_wait3A_219 = tpu.memref_slice %arg13[%dma_wait3A_216, %dma_wait3A_217, %dma_wait3A_218] : memref<2x40x128xf32, #tpu.memory_space<vmem>> -> memref<1x40x128xf32, #tpu.memory_space<vmem>>
    %dma_wait3A_220 = tpu.memref_squeeze %dma_wait3A_219 : memref<1x40x128xf32, #tpu.memory_space<vmem>> -> memref<40x128xf32, #tpu.memory_space<vmem>>
    %dma_wait3A_221 = arith.constant 0 : i32
    %dma_wait3A_222 = arith.constant 0 : i32
    %dma_wait3A_223 = tpu.memref_slice %arg6[%dma_wait3A_221, %dma_wait3A_222] : memref<320000x128xf32, #tpu.memory_space<hbm>> -> memref<40x128xf32, #tpu.memory_space<hbm>>
    %dma_wait3A_224 = arith.constant 0 : i32
    %dma_wait3A_225 = arith.constant 0 : i32
    %dma_wait3A_226 = tpu.memref_slice %arg13[%dma_wait3A_216, %dma_wait3A_224, %dma_wait3A_225] : memref<2x40x128xf32, #tpu.memory_space<vmem>> -> memref<1x40x128xf32, #tpu.memory_space<vmem>>
    %dma_wait3A_227 = tpu.memref_squeeze %dma_wait3A_226 : memref<1x40x128xf32, #tpu.memory_space<vmem>> -> memref<40x128xf32, #tpu.memory_space<vmem>>
    %dma_wait3A_228 = arith.constant 0 : i32
    %dma_wait3A_229 = arith.constant 0 : i32
    %dma_wait3A_230 = tpu.memref_slice %arg6[%dma_wait3A_228, %dma_wait3A_229] : memref<320000x128xf32, #tpu.memory_space<hbm>> -> memref<40x128xf32, #tpu.memory_space<hbm>>
    tpu.wait_dma2 semaphore(%arg19 : memref<!tpu.dma_semaphore, #tpu.memory_space<semaphore_mem>>) src(%dma_wait3A_230 : memref<40x128xf32, #tpu.memory_space<hbm>>) dst(%dma_wait3A_227 : memref<40x128xf32, #tpu.memory_space<vmem>>)
    %barrier3A_231 = arith.constant 0 : index
    tpu.barrier barrier_id(%barrier3A_231)
    "tpu.region"() ({
      %run_scoped3A_232 = tpu.sem_alloc : memref<!tpu.dma_semaphore, #tpu.memory_space<semaphore_mem>>
      %dma_start3A_233 = arith.constant 0 : i32
      %dma_start3A_234 = tpu.memref_slice %arg8[%arg0, %mul3A_0, %dma_start3A_233] : memref<2x10000x144xf32, #tpu.memory_space<hbm>> -> memref<1x625x144xf32, #tpu.memory_space<hbm>>
      %dma_start3A_235 = tpu.memref_squeeze %dma_start3A_234 : memref<1x625x144xf32, #tpu.memory_space<hbm>> -> memref<625x144xf32, #tpu.memory_space<hbm>>
      %dma_start3A_236 = arith.constant 0 : i32
      %dma_start3A_237 = tpu.memref_slice %arg17[%mul3A_0, %dma_start3A_236] : memref<10000x144xf32, #tpu.memory_space<vmem_shared>> -> memref<625x144xf32, #tpu.memory_space<vmem_shared>>
      tpu.enqueue_dma source(%dma_start3A_237 : memref<625x144xf32, #tpu.memory_space<vmem_shared>>) target(%dma_start3A_235 : memref<625x144xf32, #tpu.memory_space<hbm>>) target_semaphore(%run_scoped3A_232 : memref<!tpu.dma_semaphore, #tpu.memory_space<semaphore_mem>>)
      %dma_wait3A_238 = arith.constant 0 : i32
      %dma_wait3A_239 = tpu.memref_slice %arg8[%arg0, %mul3A_0, %dma_wait3A_238] : memref<2x10000x144xf32, #tpu.memory_space<hbm>> -> memref<1x625x144xf32, #tpu.memory_space<hbm>>
      %dma_wait3A_240 = tpu.memref_squeeze %dma_wait3A_239 : memref<1x625x144xf32, #tpu.memory_space<hbm>> -> memref<625x144xf32, #tpu.memory_space<hbm>>
      %dma_wait3A_241 = arith.constant 0 : i32
      %dma_wait3A_242 = tpu.memref_slice %arg17[%mul3A_0, %dma_wait3A_241] : memref<10000x144xf32, #tpu.memory_space<vmem_shared>> -> memref<625x144xf32, #tpu.memory_space<vmem_shared>>
      tpu.wait_dma2 semaphore(%run_scoped3A_232 : memref<!tpu.dma_semaphore, #tpu.memory_space<semaphore_mem>>) src(%dma_wait3A_242 : memref<625x144xf32, #tpu.memory_space<vmem_shared>>) dst(%dma_wait3A_240 : memref<625x144xf32, #tpu.memory_space<hbm>>)
      tpu.yield
    }) : () -> ()
    return
  }
}

module attributes {stable_mosaic.version = 14 : i64} {
  func.func @_k_matmul_body(%arg0: i32, %arg1: memref<4000x16xf32, #tpu.memory_space<vmem>>, %arg2: memref<16x128xf32, #tpu.memory_space<vmem>>, %arg3: memref<1x128xf32, #tpu.memory_space<vmem>>, %arg4: memref<4000x128xf32, #tpu.memory_space<vmem>>) attributes {dimension_semantics = [#tpu.dimension_semantics<arbitrary>], iteration_bounds = array<i64: 80>, scalar_prefetch = 0 : i64, scratch_operands = 0 : i64, tpu.core_type = #tpu.core_type<tc>, window_params = [{transform_indices = @transform_0, window_bounds = array<i64: 4000, 16>}, {pipeline_mode = #tpu.pipeline_mode<synchronous>, transform_indices = @transform_1, window_bounds = array<i64: 16, 128>}, {pipeline_mode = #tpu.pipeline_mode<synchronous>, transform_indices = @transform_2, window_bounds = array<i64: 1, 128>}, {transform_indices = @transform_3, window_bounds = array<i64: 4000, 128>}]} {
    %get3A = arith.constant 0 : index
    %get3A_0 = arith.constant 0 : index
    %get3A_1 = vector.load %arg1[%get3A, %get3A_0] : memref<4000x16xf32, #tpu.memory_space<vmem>>, vector<4000x16xf32>
    %get3A_2 = arith.constant 0 : index
    %get3A_3 = arith.constant 0 : index
    %get3A_4 = vector.load %arg2[%get3A_2, %get3A_3] : memref<16x128xf32, #tpu.memory_space<vmem>>, vector<16x128xf32>
    %dot_general3A = arith.constant dense<0.000000e+00> : vector<4000x128xf32>
    %dot_general3A_5 = tpu.matmul %get3A_1, %get3A_4, %dot_general3A {dimension_numbers = #tpu.dot_dimension_numbers<[1], [0], [0], [1], [0, 0, 1, 1], [], []>, transpose_lhs_hint = false} : vector<4000x16xf32>, vector<16x128xf32>, vector<4000x128xf32> -> vector<4000x128xf32>
    %get3A_6 = arith.constant 0 : index
    %get3A_7 = arith.constant 0 : index
    %get3A_8 = vector.load %arg3[%get3A_6, %get3A_7] : memref<1x128xf32, #tpu.memory_space<vmem>>, vector<1x128xf32>
    %add3A = vector.broadcast %get3A_8 : vector<1x128xf32> to vector<4000x128xf32>
    %add3A_9 = arith.addf %dot_general3A_5, %add3A : vector<4000x128xf32>
    %swap3A = arith.constant 0 : index
    %swap3A_10 = arith.constant 0 : index
    %swap3A_11 = vector.load %arg4[%swap3A, %swap3A_10] : memref<4000x128xf32, #tpu.memory_space<vmem>>, vector<4000x128xf32>
    tpu.vector_store %arg4[%swap3A, %swap3A_10], %add3A_9 {strides = array<i32>} : memref<4000x128xf32, #tpu.memory_space<vmem>>, vector<4000x128xf32>,
    return
  }
  func.func @transform_0(%arg0: i32) -> (i32, i32) {
    %c0_i32 = arith.constant 0 : i32
    %c0_i32_0 = arith.constant 0 : i32
    return %arg0, %c0_i32 : i32, i32
  }
  func.func @transform_1(%arg0: i32) -> (i32, i32) {
    %c0_i32 = arith.constant 0 : i32
    %c0_i32_0 = arith.constant 0 : i32
    %c0_i32_1 = arith.constant 0 : i32
    return %c0_i32, %c0_i32_0 : i32, i32
  }
  func.func @transform_2(%arg0: i32) -> (i32, i32) {
    %c0_i32 = arith.constant 0 : i32
    %c0_i32_0 = arith.constant 0 : i32
    %c0_i32_1 = arith.constant 0 : i32
    return %c0_i32, %c0_i32_0 : i32, i32
  }
  func.func @transform_3(%arg0: i32) -> (i32, i32) {
    %c0_i32 = arith.constant 0 : i32
    %c0_i32_0 = arith.constant 0 : i32
    return %arg0, %c0_i32 : i32, i32
  }
}

module attributes {stable_mosaic.version = 14 : i64} {
  func.func @_node_tables_body(%arg0: i32, %arg1: memref<1000x128xf32, #tpu.memory_space<vmem>>, %arg2: memref<128x128xf32, #tpu.memory_space<vmem>>, %arg3: memref<16x128xf32, #tpu.memory_space<vmem>>, %arg4: memref<1x128xf32, #tpu.memory_space<vmem>>, %arg5: memref<1x128xf32, #tpu.memory_space<vmem>>, %arg6: memref<1x128xf32, #tpu.memory_space<vmem>>, %arg7: memref<1x32xf32, #tpu.memory_space<vmem>>, %arg8: memref<1000x160xf32, #tpu.memory_space<vmem>>, %arg9: memref<1000x32xf32, #tpu.memory_space<vmem>>) attributes {dimension_semantics = [#tpu.dimension_semantics<arbitrary>], iteration_bounds = array<i64: 10>, scalar_prefetch = 0 : i64, scratch_operands = 0 : i64, tpu.core_type = #tpu.core_type<tc>, window_params = [{transform_indices = @transform_0, window_bounds = array<i64: 1000, 128>}, {pipeline_mode = #tpu.pipeline_mode<synchronous>, transform_indices = @transform_1, window_bounds = array<i64: 128, 128>}, {pipeline_mode = #tpu.pipeline_mode<synchronous>, transform_indices = @transform_2, window_bounds = array<i64: 16, 128>}, {pipeline_mode = #tpu.pipeline_mode<synchronous>, transform_indices = @transform_3, window_bounds = array<i64: 1, 128>}, {pipeline_mode = #tpu.pipeline_mode<synchronous>, transform_indices = @transform_4, window_bounds = array<i64: 1, 128>}, {pipeline_mode = #tpu.pipeline_mode<synchronous>, transform_indices = @transform_5, window_bounds = array<i64: 1, 128>}, {pipeline_mode = #tpu.pipeline_mode<synchronous>, transform_indices = @transform_6, window_bounds = array<i64: 1, 32>}, {transform_indices = @transform_7, window_bounds = array<i64: 1000, 160>}, {transform_indices = @transform_8, window_bounds = array<i64: 1000, 32>}]} {
    %get3A = arith.constant 0 : index
    %get3A_0 = arith.constant 0 : index
    %get3A_1 = vector.load %arg1[%get3A, %get3A_0] : memref<1000x128xf32, #tpu.memory_space<vmem>>, vector<1000x128xf32>
    %get3A_2 = arith.constant 0 : index
    %get3A_3 = arith.constant 0 : index
    %get3A_4 = vector.load %arg2[%get3A_2, %get3A_3] : memref<128x128xf32, #tpu.memory_space<vmem>>, vector<128x128xf32>
    %dot_general3A = arith.constant dense<0.000000e+00> : vector<1000x128xf32>
    %dot_general3A_5 = tpu.matmul %get3A_1, %get3A_4, %dot_general3A {dimension_numbers = #tpu.dot_dimension_numbers<[1], [0], [0], [1], [0, 0, 1, 1], [], []>, transpose_lhs_hint = false} : vector<1000x128xf32>, vector<128x128xf32>, vector<1000x128xf32> -> vector<1000x128xf32>
    %get3A_6 = arith.constant 0 : index
    %get3A_7 = arith.constant 0 : index
    %get3A_8 = vector.load %arg5[%get3A_6, %get3A_7] : memref<1x128xf32, #tpu.memory_space<vmem>>, vector<1x128xf32>
    %mul3A = vector.broadcast %get3A_8 : vector<1x128xf32> to vector<1000x128xf32>
    %mul3A_9 = arith.mulf %dot_general3A_5, %mul3A : vector<1000x128xf32>
    %get3A_10 = arith.constant 0 : index
    %get3A_11 = arith.constant 0 : index
    %get3A_12 = vector.load %arg6[%get3A_10, %get3A_11] : memref<1x128xf32, #tpu.memory_space<vmem>>, vector<1x128xf32>
    %mul3A_13 = vector.broadcast %get3A_12 : vector<1x128xf32> to vector<1000x128xf32>
    %mul3A_14 = arith.mulf %dot_general3A_5, %mul3A_13 : vector<1000x128xf32>
    %get3A_15 = arith.constant 0 : index
    %get3A_16 = arith.constant 0 : index
    %get3A_17 = vector.load %arg3[%get3A_15, %get3A_16] : memref<16x128xf32, #tpu.memory_space<vmem>>, vector<16x128xf32>
    %dot_general3A_18 = arith.constant dense<0.000000e+00> : vector<1000x16xf32>
    %dot_general3A_19 = tpu.matmul %mul3A_9, %get3A_17, %dot_general3A_18 {dimension_numbers = #tpu.dot_dimension_numbers<[1], [1], [0], [0], [0, 0, 1, 0], [], []>, transpose_lhs_hint = false} : vector<1000x128xf32>, vector<16x128xf32>, vector<1000x16xf32> -> vector<1000x16xf32>
    %get3A_20 = arith.constant 0 : index
    %get3A_21 = arith.constant 0 : index
    %get3A_22 = vector.load %arg3[%get3A_20, %get3A_21] : memref<16x128xf32, #tpu.memory_space<vmem>>, vector<16x128xf32>
    %dot_general3A_23 = arith.constant dense<0.000000e+00> : vector<1000x16xf32>
    %dot_general3A_24 = tpu.matmul %mul3A_14, %get3A_22, %dot_general3A_23 {dimension_numbers = #tpu.dot_dimension_numbers<[1], [1], [0], [0], [0, 0, 1, 0], [], []>, transpose_lhs_hint = false} : vector<1000x128xf32>, vector<16x128xf32>, vector<1000x16xf32> -> vector<1000x16xf32>
    %get3A_25 = arith.constant 0 : index
    %get3A_26 = arith.constant 0 : index
    %get3A_27 = vector.load %arg4[%get3A_25, %get3A_26] : memref<1x128xf32, #tpu.memory_space<vmem>>, vector<1x128xf32>
    %dot_general3A_28 = arith.constant dense<0.000000e+00> : vector<1000x1xf32>
    %dot_general3A_29 = tpu.matmul %mul3A_9, %get3A_27, %dot_general3A_28 {dimension_numbers = #tpu.dot_dimension_numbers<[1], [1], [0], [0], [0, 0, 1, 0], [], []>, transpose_lhs_hint = false} : vector<1000x128xf32>, vector<1x128xf32>, vector<1000x1xf32> -> vector<1000x1xf32>
    %get3A_30 = arith.constant 0 : index
    %get3A_31 = arith.constant 0 : index
    %get3A_32 = vector.load %arg4[%get3A_30, %get3A_31] : memref<1x128xf32, #tpu.memory_space<vmem>>, vector<1x128xf32>
    %dot_general3A_33 = arith.constant dense<0.000000e+00> : vector<1000x1xf32>
    %dot_general3A_34 = tpu.matmul %mul3A_14, %get3A_32, %dot_general3A_33 {dimension_numbers = #tpu.dot_dimension_numbers<[1], [1], [0], [0], [0, 0, 1, 0], [], []>, transpose_lhs_hint = false} : vector<1000x128xf32>, vector<1x128xf32>, vector<1000x1xf32> -> vector<1000x1xf32>
    %broadcast_in_dim3A = arith.constant 0.000000e+00 : f32
    %broadcast_in_dim3A_35 = vector.broadcast %broadcast_in_dim3A : f32 to vector<1000x15xf32>
    %concatenate3A = tpu.concatenate %dot_general3A_5, %dot_general3A_24, %dot_general3A_34, %broadcast_in_dim3A_35 in 1 : vector<1000x128xf32>, vector<1000x16xf32>, vector<1000x1xf32>, vector<1000x15xf32> -> vector<1000x160xf32>
    %swap3A = arith.constant 0 : index
    %swap3A_36 = arith.constant 0 : index
    %swap3A_37 = vector.load %arg8[%swap3A, %swap3A_36] : memref<1000x160xf32, #tpu.memory_space<vmem>>, vector<1000x160xf32>
    tpu.vector_store %arg8[%swap3A, %swap3A_36], %concatenate3A {strides = array<i32>} : memref<1000x160xf32, #tpu.memory_space<vmem>>, vector<1000x160xf32>,
    %concatenate3A_38 = tpu.concatenate %dot_general3A_19, %dot_general3A_29, %broadcast_in_dim3A_35 in 1 : vector<1000x16xf32>, vector<1000x1xf32>, vector<1000x15xf32> -> vector<1000x32xf32>
    %get3A_39 = arith.constant 0 : index
    %get3A_40 = arith.constant 0 : index
    %get3A_41 = vector.load %arg7[%get3A_39, %get3A_40] : memref<1x32xf32, #tpu.memory_space<vmem>>, vector<1x32xf32>
    %add3A = vector.broadcast %get3A_41 : vector<1x32xf32> to vector<1000x32xf32>
    %add3A_42 = arith.addf %concatenate3A_38, %add3A : vector<1000x32xf32>
    %swap3A_43 = arith.constant 0 : index
    %swap3A_44 = arith.constant 0 : index
    %swap3A_45 = vector.load %arg9[%swap3A_43, %swap3A_44] : memref<1000x32xf32, #tpu.memory_space<vmem>>, vector<1000x32xf32>
    tpu.vector_store %arg9[%swap3A_43, %swap3A_44], %add3A_42 {strides = array<i32>} : memref<1000x32xf32, #tpu.memory_space<vmem>>, vector<1000x32xf32>,
    return
  }
  func.func @transform_0(%arg0: i32) -> (i32, i32) {
    %c0_i32 = arith.constant 0 : i32
    %c0_i32_0 = arith.constant 0 : i32
    return %arg0, %c0_i32 : i32, i32
  }
  func.func @transform_1(%arg0: i32) -> (i32, i32) {
    %c0_i32 = arith.constant 0 : i32
    %c0_i32_0 = arith.constant 0 : i32
    %c0_i32_1 = arith.constant 0 : i32
    return %c0_i32, %c0_i32_0 : i32, i32
  }
  func.func @transform_2(%arg0: i32) -> (i32, i32) {
    %c0_i32 = arith.constant 0 : i32
    %c0_i32_0 = arith.constant 0 : i32
    %c0_i32_1 = arith.constant 0 : i32
    return %c0_i32, %c0_i32_0 : i32, i32
  }
  func.func @transform_3(%arg0: i32) -> (i32, i32) {
    %c0_i32 = arith.constant 0 : i32
    %c0_i32_0 = arith.constant 0 : i32
    %c0_i32_1 = arith.constant 0 : i32
    return %c0_i32, %c0_i32_0 : i32, i32
  }
  func.func @transform_4(%arg0: i32) -> (i32, i32) {
    %c0_i32 = arith.constant 0 : i32
    %c0_i32_0 = arith.constant 0 : i32
    %c0_i32_1 = arith.constant 0 : i32
    return %c0_i32, %c0_i32_0 : i32, i32
  }
  func.func @transform_5(%arg0: i32) -> (i32, i32) {
    %c0_i32 = arith.constant 0 : i32
    %c0_i32_0 = arith.constant 0 : i32
    %c0_i32_1 = arith.constant 0 : i32
    return %c0_i32, %c0_i32_0 : i32, i32
  }
  func.func @transform_6(%arg0: i32) -> (i32, i32) {
    %c0_i32 = arith.constant 0 : i32
    %c0_i32_0 = arith.constant 0 : i32
    %c0_i32_1 = arith.constant 0 : i32
    return %c0_i32, %c0_i32_0 : i32, i32
  }
  func.func @transform_7(%arg0: i32) -> (i32, i32) {
    %c0_i32 = arith.constant 0 : i32
    %c0_i32_0 = arith.constant 0 : i32
    return %arg0, %c0_i32 : i32, i32
  }
  func.func @transform_8(%arg0: i32) -> (i32, i32) {
    %c0_i32 = arith.constant 0 : i32
    %c0_i32_0 = arith.constant 0 : i32
    return %arg0, %c0_i32 : i32, i32
  }
}

module attributes {stable_mosaic.version = 14 : i64} {
  func.func @_norm_body(%arg0: i32, %arg1: memref<1000x144xf32, #tpu.memory_space<vmem>>, %arg2: memref<1000x144xf32, #tpu.memory_space<vmem>>, %arg3: memref<1000x128xf32, #tpu.memory_space<vmem>>) attributes {dimension_semantics = [#tpu.dimension_semantics<arbitrary>], iteration_bounds = array<i64: 10>, scalar_prefetch = 0 : i64, scratch_operands = 0 : i64, tpu.core_type = #tpu.core_type<tc>, window_params = [{transform_indices = @transform_0, window_bounds = array<i64: 1000, 144>}, {transform_indices = @transform_1, window_bounds = array<i64: 1000, 144>}, {transform_indices = @transform_2, window_bounds = array<i64: 1000, 128>}]} {
    %get3A = arith.constant 0 : index
    %get3A_0 = arith.constant 0 : index
    %get3A_1 = vector.load %arg1[%get3A, %get3A_0] : memref<1000x144xf32, #tpu.memory_space<vmem>>, vector<1000x144xf32>
    %get3A_2 = arith.constant 0 : index
    %get3A_3 = arith.constant 0 : index
    %get3A_4 = vector.load %arg2[%get3A_2, %get3A_3] : memref<1000x144xf32, #tpu.memory_space<vmem>>, vector<1000x144xf32>
    %add3A = arith.addf %get3A_1, %get3A_4 : vector<1000x144xf32>
    %slice3A = vector.extract_strided_slice %add3A {offsets = [0, 128], sizes = [1000, 1], strides = [1, 1]} : vector<1000x144xf32> to vector<1000x1xf32>
    %max3A = arith.constant 1.000000e-16 : f32
    %max3A_5 = vector.broadcast %max3A : f32 to vector<1000x1xf32>
    %max3A_6 = arith.maximumf %slice3A, %max3A_5 : vector<1000x1xf32>
    %slice3A_7 = vector.extract_strided_slice %add3A {offsets = [0, 0], sizes = [1000, 128], strides = [1, 1]} : vector<1000x144xf32> to vector<1000x128xf32>
    %div3A = vector.broadcast %max3A_6 : vector<1000x1xf32> to vector<1000x128xf32>
    %div3A_8 = arith.divf %slice3A_7, %div3A : vector<1000x128xf32>
    %swap3A = arith.constant 0 : index
    %swap3A_9 = arith.constant 0 : index
    %swap3A_10 = vector.load %arg3[%swap3A, %swap3A_9] : memref<1000x128xf32, #tpu.memory_space<vmem>>, vector<1000x128xf32>
    tpu.vector_store %arg3[%swap3A, %swap3A_9], %div3A_8 {strides = array<i32>} : memref<1000x128xf32, #tpu.memory_space<vmem>>, vector<1000x128xf32>,
    return
  }
  func.func @transform_0(%arg0: i32) -> (i32, i32) {
    %c0_i32 = arith.constant 0 : i32
    %c0_i32_0 = arith.constant 0 : i32
    return %arg0, %c0_i32 : i32, i32
  }
  func.func @transform_1(%arg0: i32) -> (i32, i32) {
    %c0_i32 = arith.constant 0 : i32
    %c0_i32_0 = arith.constant 0 : i32
    return %arg0, %c0_i32 : i32, i32
  }
  func.func @transform_2(%arg0: i32) -> (i32, i32) {
    %c0_i32 = arith.constant 0 : i32
    %c0_i32_0 = arith.constant 0 : i32
    return %arg0, %c0_i32 : i32, i32
  }
}

</mosaic_0001>

<sc_bundles>
// kernel: kernel.6.cloned.1.call-start
scs
__scs_entry_jumppad:
0x0: {  	(pc) =	sbr.rel $0x88, $3  }
0x1: {  	(tag) =	ssettag $0x0;
	lr =	simm.s32 $0x1  }
0x2: {  	[smem:$0x3F99] =	sst lr;
	_ =	strace $0xD0000000  }
0x3: {  	_ = 	snop  }
0x4: {  	_ = 	snop  }
0x5: {  	_ = 	snop  }
0x6: {  	_ = 	snop  }
0x7: {  	_ = 	snop  }
__scs_overlays_trampoline_lowered:
0x8: {  	[smem:$0x3FA8] =	sst s0  }
0x9: {  	[smem:$0x3FA9] =	sst s1  }
0xa: {  	[smem:$0x3FAA] =	sst s2  }
0xb: {  	[smem:$0x3FAB] =	sst s3  }
0xc: {  	[smem:$0x3FAC] =	sst s4  }
0xd: {  	[smem:$0x3FAD] =	sst s5  }
0xe: {  	[smem:$0x3FAE] =	sst s6  }
0xf: {  	[smem:$0x3FAF] =	sst s7  }
0x10: {  	[smem:$0x3FB0] =	sst s8  }
0x11: {  	[smem:$0x3FB1] =	sst s9;
	s0 =	simm.s32 @!p0 $0x0  }
0x12: {  	s1 =	sld [smem:$0x3F97];
	s0 =	simm.s32 @p0 $0x1  }
0x13: {  	[smem:$0x3FB2] =	sst s0;
	s0 =	simm.s32 @!p1 $0x0  }
0x14: {  	s2 =	sld [smem:$0x3F96];
	s0 =	simm.s32 @p1 $0x1  }
0x15: {  	[smem:$0x3FB3] =	sst s0;
	s0 =	simm.s32 @!p2 $0x0  }
0x16: {  	s3 =	sld [smem:$0x3FDB];
	s0 =	simm.s32 @p2 $0x1  }
0x17: {  	s4 =	simm.s32 $0x1BF5;
	[smem:$0x3FB5] =	sst s0  }
0x18: {  	s0 =	sld [smem:$0x3F98];
	_ =	swait.ge [sflag:s4], $0x0  }
0x19: {  	s7 =	sld [smem:$0x3F99]  }
0x1a: {  	s8 =	sadd.s32 $0xFFFFE003, lr  }
0x1b: {  	s9 =	sadd.s32 $0xFFFFFEF7, lr;
	s5 =	simm.s32 $0xFFFFFFFF;
	p2 =	slt.u32 s8, $0xFFFFF086  }
0x1c: {  	p1 =	slt.u32 s9, $0xF7A;
	s5 =	simm.s32 @!p2 $0x0  }
0x1d: {  	s5 =	simm.s32 @p1 $0x1;
	p0 =	seq.s32 s7, s2  }
0x1e: {  	s7 =	smul.u32 @!p0 $0xF7A, s2;
	p2 =	seq.s32 @!p0 s5, $0x0  }
0x1f: {  	s9 =	smul.u32 $0xF7A, s1;
	s8 =	simm.s32 @!p0 $0x1BF5;
	p2 =	por !p2, p0  }
0x20: {  	[sflag:s8] =	ssyncset.s32 @!p0 $0xFFFFF086;
	s6 =	sadd.s32 @!p0 s3, s7;
	s7 =	simm.s32 @!p0 $0x108  }
0x21: {  	s3 =	sadd.s32 s3, s9;
	s6 =	sadd.s32 @!p0 $0x88, s6;
	s7 =	simm.s32 @p2 $0x1082  }
0x22: {  	[simem:s7], [sflag:s8] =	dma.local @!p0 [hbm:s6], $0xF7A  }
0x23: {  	s9 =	sor.u32 $0xD0000000, s2;
	s6 =	simm.s32 $0x108;
	_ =	swait.ge @!p0 [sflag:s8], $0x0  }
0x24: {  	s3 =	sadd.s32 $0x88, s3;
	s6 =	simm.s32 @!p1 $0x1082;
	[sflag:s4] =	ssyncset.s32 $0xFFFFF086  }
0x25: {  	[simem:s6], [sflag:s4] =	dma.local [hbm:s3], $0xF7A  }
0x26: {  	[smem:$0x3F99] =	sst s1;
	(tag) =	ssettag s2;
	_ =	strace s9  }
0x27: {  	s1 =	sld [smem:$0x3FA9]  }
0x28: {  	s2 =	sld [smem:$0x3FAA]  }
0x29: {  	s4 =	sld [smem:$0x3FAC]  }
0x2a: {  	p0 =	seq.s32 s5, $0x0;
	s5 =	sld [smem:$0x3FAD]  }
0x2b: {  	s6 =	sld [smem:$0x3FAE]  }
0x2c: {  	s7 =	sld [smem:$0x3FAF]  }
0x2d: {  	s3 =	simm.s32 $0x108;
	s8 =	sld [smem:$0x3FB0]  }
0x2e: {  	s3 =	simm.s32 @!p0 $0x1082;
	s9 =	sld [smem:$0x3FB1]  }
0x2f: {  	lr =	sadd.s32 s0, s3;
	s0 =	sld [smem:$0x3FA8]  }
0x30: {  	s3 =	sld [smem:$0x3FAB]  }
0x31: {  	[smem:$0x3FB4] =	sst s10  }
0x32: {  	s10 =	sld [smem:$0x3FB2];
	_ =	sdelay $0x3  }
0x33: {  	p0 =	seq.s32 s10, $0x1;
	s10 =	sld [smem:$0x3FB4];
	_ =	sdelay $0x3  }
0x34: {  	[smem:$0x3FB4] =	sst s10  }
0x35: {  	s10 =	sld [smem:$0x3FB3];
	_ =	sdelay $0x3  }
0x36: {  	p1 =	seq.s32 s10, $0x1;
	s10 =	sld [smem:$0x3FB4];
	_ =	sdelay $0x3  }
0x37: {  	[smem:$0x3FB4] =	sst s10  }
0x38: {  	s10 =	sld [smem:$0x3FB5]  }
0x39: {  	_ = 	snop;
	(pc) =	sbr.ind lr, $3  }
0x3a: {  	_ = 	snop  }
0x3b: {  	_ = 	snop  }
0x3c: {  	p2 =	seq.s32 s10, $0x1;
	s10 =	sld [smem:$0x3FB4]  }
0x3d: {  	_ =	shalt  }
0x3e: {  	_ =	shalt  }
0x3f: {  	_ =	shalt  }
0x40: {  	_ =	shalt  }
0x41: {  	_ =	shalt  }
0x42: {  	_ =	shalt  }
0x43: {  	_ =	shalt  }
0x44: {  	_ =	shalt  }
0x45: {  	_ =	shalt  }
0x46: {  	_ =	shalt  }
0x47: {  	_ =	shalt  }
0x48: {  	_ =	shalt  }
0x49: {  	_ =	shalt  }
0x4a: {  	_ =	shalt  }
0x4b: {  	_ =	shalt  }
0x4c: {  	_ =	shalt  }
0x4d: {  	_ =	shalt  }
0x4e: {  	_ =	shalt  }
0x4f: {  	_ =	shalt  }
0x50: {  	_ =	shalt  }
0x51: {  	_ =	shalt  }
0x52: {  	_ =	shalt  }
0x53: {  	_ =	shalt  }
0x54: {  	_ =	shalt  }
0x55: {  	_ =	shalt  }
0x56: {  	_ =	shalt  }
0x57: {  	_ =	shalt  }
0x58: {  	_ =	shalt  }
0x59: {  	_ =	shalt  }
0x5a: {  	_ =	shalt  }
0x5b: {  	_ =	shalt  }
0x5c: {  	_ =	shalt  }
0x5d: {  	_ =	shalt  }
0x5e: {  	_ =	shalt  }
0x5f: {  	_ =	shalt  }
0x60: {  	_ =	shalt  }
0x61: {  	_ =	shalt  }
0x62: {  	_ =	shalt  }
0x63: {  	_ =	shalt  }
0x64: {  	_ =	shalt  }
0x65: {  	_ =	shalt  }
0x66: {  	_ =	shalt  }
0x67: {  	_ =	shalt  }
0x68: {  	_ =	shalt  }
0x69: {  	_ =	shalt  }
0x6a: {  	_ =	shalt  }
0x6b: {  	_ =	shalt  }
0x6c: {  	_ =	shalt  }
0x6d: {  	_ =	shalt  }
0x6e: {  	_ =	shalt  }
0x6f: {  	_ =	shalt  }
0x70: {  	_ =	shalt  }
0x71: {  	_ =	shalt  }
0x72: {  	_ =	shalt  }
0x73: {  	_ =	shalt  }
0x74: {  	_ =	shalt  }
0x75: {  	_ =	shalt  }
0x76: {  	_ =	shalt  }
0x77: {  	_ =	shalt  }
0x78: {  	_ =	shalt  }
0x79: {  	_ =	shalt  }
0x7a: {  	_ =	shalt  }
0x7b: {  	_ =	shalt  }
0x7c: {  	_ =	shalt  }
0x7d: {  	_ =	shalt  }
0x7e: {  	_ =	shalt  }
0x7f: {  	_ =	shalt  }
0x80: {  	_ =	shalt  }
0x81: {  	_ =	shalt  }
0x82: {  	_ =	shalt  }
0x83: {  	_ =	shalt  }
0x84: {  	_ =	shalt  }
0x85: {  	_ =	shalt  }
0x86: {  	_ =	shalt  }
0x87: {  	_ =	shalt  }
.Lfunc_end0:
.L_simem_size_0:
called_computation_lowered:
.L_overlay_start_0:
0x88: {  	s2 =	sld [smem:$0x3FD9]  }
0x89: {  	s3 =	sld [smem:$0x3FFE];
	_ =	sdelay $0x1  }
0x8a: {  	s1 =	srdreg.scid  }
0x8b: {  	s0 =	sand.u32 $0x1, s1  }
0x8c: {  	s17 =	sshll.u32 s0, $0xA;
	s2 =	sadd.s32 s3, s2  }
0x8d: {  	s2 =	sadd.s32 s2, s17  }
0x8e: {  	[smem:$0x3FC0] =	sst s2  }
0x8f: {  	_ = 	snop  }
0x90: {  	s2 =	sld [smem:$0x3FD0];
	(tm) =	ssettm $0x1  }
0x91: {  	s18 =	sld [smem:$0x3FFB];
	_ =	sdelay $0x3  }
0x92: {  	_ =	strace s18  }
0x93: {  	s3 =	sld [smem:$0x3FFC];
	_ =	sdelay $0x3  }
0x94: {  	_ =	strace s3  }
0x95: {  	s3 =	sld [smem:$0x3FFD];
	_ =	sdelay $0x3  }
0x96: {  	_ =	strace s3  }
0x97: {  	_ =	strace $0x8FFFFFFF  }
0x98: {  	s19 =	sld [smem:$0x3FDB];
	_ =	sdelay $0x1  }
0x99: {  	s4 =	simm.s32 $_scs_section_size  }
0x9a: {  	s5 =	simm.s32 $_size__tile_overlayer_lowered;
	s6 =	simm.s32 $_tile_overlayer_lowered  }
0x9b: {  	s22 =	simm.s32 $0x1BFF;
	s21 =	sshll.u32 s6, $0x1;
	s3 =	sadd.s32 s4, s19  }
0x9c: {  	s7 =	simm.s32 $0x0;
	s20 =	sshll.u32 s5, $0x1;
	s5 =	sadd.s32 s21, s3  }
0x9d: {  	[timem:s7], [sflag:s22] =	dma.local [hbm:s5], s20  }
0x9e: {  	_ =	swait.ge [sflag:s22], s20  }
0x9f: {  	s4 =	ssub.s32 $0x0, s20;
	[sflag:s22] =	ssyncset.done $0x0  }
0xa0: {  	[sflag:s22] =	ssyncadd.s32 s4;
	_ =	sdelay $0x1  }
0xa1: {  	s23 =	simm.s32 $0x1B8B  }
0xa2: {  	_ =	swait.ge [sflag:s23], $0x1  }
0xa3: {  	[sflag:s23] =	ssyncset.done $0x0  }
0xa4: {  	s25 =	simm.s32 $0x1B8E;
	s24 =	sld [smem:$0x3FFE];
	[sflag:s23] =	ssyncadd.s32 $0xFFFFFFFF  }
0xa5: {  	s26 =	simm.s32 $execute0_lowered;
	[smem:$0x3FD2] =	sst s25  }
0xa6: {  	s5 =	sshll.u32 s26, $0x1;
	_ =	strace $0x80000046;
	[dreg:$0x1] =	wrdreg $0xFFFFFFFF  }
0xa7: {  	s28 =	simm.s32 $_size_execute0_lowered;
	s3 =	sadd.s32 s3, s5;
	[dreg:$0x0] =	wrdreg $0x0  }
0xa8: {  	s5 =	sshll.u32 s28, $0x1;
	[dreg:$0x2] =	wrdreg s3  }
0xa9: {  	[dreg:$0x3] =	wrdreg s5  }
0xaa: {  	[dreg:$0x4] =	wrdreg $0xC0  }
0xab: {  	_ =	task [dreg:s7], $0x5FFFF  }
0xac: {  	[dreg:$0x1] =	wrdreg $0xFFFFFFFF  }
0xad: {  	[dreg:$0x0] =	wrdreg $0x60  }
0xae: {  	[dreg:$0x2] =	wrdreg s2  }
0xaf: {  	[dreg:$0x3] =	wrdreg s24  }
0xb0: {  	[dreg:$0x4] =	wrdreg $0x8D500  }
0xb1: {  	[dreg:$0x5] =	wrdreg $0x9  }
0xb2: {  	_ =	task.clear_ibuf [dreg:s7], $0x6FFFF;
	_ =	strace $0x90000046  }
0xb3: {  	s29 =	simm.s32 $0x9;
	_ =	strace $0x80000048  }
0xb4: {  	_ =	swait.ge [sflag:s29], $0x1  }
0xb5: {  	[sflag:s29] =	ssyncadd.s32 $0xFFFFFFFF  }
0xb6: {  	_ =	strace $0x90000048  }
0xb7: {  	_ =	sfence  }
0xb8: {  	s30 =	sld [smem:$0x0];
	_ =	sdelay $0x2  }
0xb9: {  	s31 =	sshll.u32 s1, $0xD;
	s1 =	sshrl.u32 s1, $0x2  }
0xba: {  	s3 =	sand.u32 $0x4000, s31;
	s1 =	sadd.s32 s1, s30  }
0xbb: {  	s0 =	sor.u32 s3, s0;
	s1 =	sshll.u32 s1, $0x11  }
0xbc: {  	s0 =	sor.u32 s1, s0  }
0xbd: {  	s0 =	sadd.s32 $0x8F2B, s0  }
0xbe: {  	[sflag:s0] =	ssyncadd.remote.s32 $0x1  }
0xbf: {  	_ =	sfence.sel $0xFFFF  }
0xc0: {  	[dreg:$0x0] =	wrdreg $0xFFFFFFFF;
	(pc) =	sbr.abs _section_cstart, $3  }
0xc1: {  	[dreg:$0x1] =	wrdreg $0xFFFFFFFF  }
0xc2: {  	_ =	task.clear_ibuf [dreg:s7], $0x2FFFF;
	_ =	strace $0x9FFFFFFF  }
0xc3: {  	(tm) =	ssettm $0x7FFFFFFF  }
tec
execute0_lowered:
.L_overlay_start_1:
0x0: {  	(tag) =	ssettag $0x1  }
0x1: {  	s1 =	rddreg [dreg:$0x0]  }
0x2: {  	s0 =	rddreg [dreg:$0x1]  }
0x3: {  	s2 =	rddreg [dreg:$0x2];
	s4 =	simm.s32 $0x0  }
0x4: {  	s3 =	srdreg.scid;
	s15 =	stileid.u32;
	s29 =	simm.s32 $0x50  }
0x5: {  	s30 =	simm.s32 $0x30A0;
	s31 =	simm.s32 $0x78;
	[smem:$0x7FF] =	sst s4  }
0x6: {  	s3 =	sand.u32 $0x1, s3;
	s9 =	smul.u32 $0x15F90, s15;
	s5 =	sadd.s32 $0x4E3800, s0  }
0x7: {  	s6 =	sadd.s32 $0x1000, s0;
	s7 =	sadd.s32 $0x31E00, s0;
	s13 =	smul.u32 $0x4E20, s15  }
0x8: {  	s8 =	sadd.s32 $0x57FC00, s0;
	s11 =	sadd.s32 $0x3BC00, s0;
	s17 =	smul.u32 $0x2710, s15  }
0x9: {  	s19 =	sshll.u32 s15, $0x6;
	s15 =	simm.s32 $0x8D20;
	s10 =	smul.u32 $0x15F900, s3  }
0xa: {  	_ =	strace $0x80000047;
	[dreg:$0x4] =	wrdreg s11;
	s28 =	smul.u32 $0x4E200, s3  }
0xb: {  	s12 =	ssub.s32 $0x2, s3;
	s3 =	smul.u32 $0x27100, s3;
	s18 =	sor.u32 $0x1C03, s19  }
0xc: {  	s19 =	simm.s32 $0x0;
	s16 =	sshrl.u32 s12, $0x1;
	[dreg:$0x5] =	wrdreg s18  }
0xd: {  	s10 =	sadd.s32 s9, s10;
	s14 =	ssub.s32 s12, s16;
	s9 =	sadd.s32 s9, s2  }
0xe: {  	s12 =	sadd.s32 s17, s3;
	s16 =	simm.s32 $0x76A0;
	s17 =	simm.s32 $0x2  }
0xf: {  	s10 =	sshrl.u32 s10, $0x3;
	s3 =	sshll.u32 s12, $0x1;
	s21 =	sshll.u32 s12, $0x4  }
0x10: {  	s22 =	sadd.s32 $0x28, s12;
	s0 =	sadd.s32 s10, s0;
	s10 =	sadd.s32 s13, s28  }
0x11: {  	s3 =	sadd.s32 s5, s3;
	s23 =	sadd.s32 s8, s21;
	s24 =	sshll.u32 s22, $0x1  }
0x12: {  	s26 =	sshll.u32 s22, $0x4;
	s28 =	smax.u32 s14, $0x1;
	[dreg:$0x7] =	wrdreg s3  }
0x13: {  	s22 =	simm.s32 $0x3;
	s14 =	simm.s32 $0x1;
	[dreg:$0x8] =	wrdreg s23  }
0x14: {  	s13 =	sshrl.u32 s10, $0x3;
	s3 =	sadd.s32 s5, s24;
	[dreg:$0xd] =	wrdreg s28  }
0x15: {  	s0 =	sadd.s32 $0x3E800, s0;
	s23 =	simm.s32 $0x28;
	[dreg:$0xa] =	wrdreg s3  }
0x16: {  	s24 =	simm.s32 $0x12A0;
	s20 =	sadd.s32 s1, s13;
	[dreg:$0xc] =	wrdreg s0  }
0x17: {  	s3 =	sadd.s32 s8, s26;
	s13 =	sshrl.u32 s9, $0x3;
	[dreg:$0x6] =	wrdreg s20  }
0x18: {  	s26 =	simm.s32 $0xA0;
	s0 =	simm.s32 $0xCA0;
	[dreg:$0xb] =	wrdreg s3  }
0x19: {  	v1 =	vimm.s32 $0x0;
	vm0 =	vcmask $0x300;
	s9 =	simm.s32 $0x62A0;
	s25 =	sadd.s32 $0xA, s20;
	[dreg:$0xe] =	wrdreg s13  }
0x1a: {  	v0 =	vlaneseq.u32;
	v1 =	vsel vm0, $0x3, v1;
	vm0 =	vmmov $0x1;
	s3 =	simm.s32 $0x3A0;
	[dreg:$0x9] =	wrdreg s25;
	s25 =	simm.s32 $0x6A0  }
.LBB2_1:
0x1b: {  	[dreg:$0xf] =	wrdreg s19  }
0x1c: {  	s11 =	rddreg [dreg:$0x4]  }
0x1d: {  	[spmem:s13], [sflag:s18] =	dma.local [hbm:s11], $0x2BF2  }
0x1e: {  	_ =	swait.ge [sflag:s22], $0x2BF2  }
0x1f: {  	[sflag:s22] =	ssyncset.done $0x0  }
0x20: {  	[sflag:s22] =	ssyncadd.s32 $0xFFFFD40E  }
0x21: {  	[bflag:$0x0] =	sbarrier.arrive $0xFFFF  }
0x22: {  	s28 =	rddreg [dreg:$0x6]  }
0x23: {  	[tilespmem:s4], [sflag:$0x3] =	stream.linear.gather [hbm4b:s28+s4], $0x50, $0x38;
	[tilespmem:$0x1ECE0] =	vst v63  }
0x24: {  	_ =	swait.ge [sflag:s22], $0x50  }
0x25: {  	[sflag:s22] =	ssyncset.done $0x0  }
0x26: {  	[sflag:s22] =	ssyncadd.s32 $0xFFFFFFB0  }
0x27: {  	[tilespmem:s24], [sflag:$0x1] =	stream.indirect.gather [hbm4b:s6+s23], $0xA0, s4, s23, $0xb8;
	[tilespmem:$0x1ECE0] =	vst v63  }
0x28: {  	_ = 	snop  }
0x29: {  	[tilespmem:s25], [sflag:$0x1] =	stream.indirect.gather [hbm4b:s7+s23], $0x20, s23, s23, $0xb8;
	[tilespmem:$0x1ECE0] =	vst v63  }
0x2a: {  	s13 =	rddreg [dreg:$0x7]  }
0x2b: {  	[tilespmem:s26], [sflag:$0x1] =	stream.linear.gather [hbm4b:s13+s4], $0x280, $0x38;
	[tilespmem:$0x1ECE0] =	vst v63  }
0x2c: {  	s19 =	simm.s32 $0x4EA0;
	s18 =	rddreg [dreg:$0x8]  }
0x2d: {  	[tilespmem:s19], [sflag:$0x1] =	stream.linear.gather [hbm4b:s18+s4], $0x1400, $0x38;
	[tilespmem:$0x1ECE0] =	vst v63  }
0x2e: {  	s20 =	rddreg [dreg:$0x9]  }
0x2f: {  	[tilespmem:s29], [sflag:$0x3] =	stream.linear.gather [hbm4b:s20+s4], $0x50, $0x38;
	[tilespmem:$0x1ECE0] =	vst v63  }
0x30: {  	_ =	swait.ge [sflag:s22], $0x50  }
0x31: {  	[sflag:s22] =	ssyncset.done $0x0  }
0x32: {  	[sflag:s22] =	ssyncadd.s32 $0xFFFFFFB0  }
0x33: {  	[tilespmem:s30], [sflag:$0x2] =	stream.indirect.gather [hbm4b:s6+s23], $0xA0, s29, s23, $0xb8;
	[tilespmem:$0x1ECE0] =	vst v63  }
0x34: {  	_ = 	snop  }
0x35: {  	[tilespmem:s0], [sflag:$0x2] =	stream.indirect.gather [hbm4b:s7+s23], $0x20, s31, s23, $0xb8;
	[tilespmem:$0x1ECE0] =	vst v63  }
0x36: {  	s21 =	rddreg [dreg:$0xa]  }
0x37: {  	[tilespmem:s3], [sflag:$0x2] =	stream.linear.gather [hbm4b:s21+s4], $0x280, $0x38;
	[tilespmem:$0x1ECE0] =	vst v63  }
0x38: {  	s19 =	simm.s32 $0x0;
	s28 =	rddreg [dreg:$0xb]  }
0x39: {  	[tilespmem:s9], [sflag:$0x2] =	stream.linear.gather [hbm4b:s28+s4], $0x1400, $0x38;
	[tilespmem:$0x1ECE0] =	vst v63  }
.LBB2_2:
0x3a: {  	_ =	swait.ge [sflag:s14], $0x1900  }
0x3b: {  	[sflag:s14] =	ssyncset.done $0x0  }
0x3c: {  	[sflag:s14] =	ssyncadd.s32 $0xFFFFE700  }
0x3d: {  	_ =	swait.ge [sflag:s14], $0x500  }
0x3e: {  	[sflag:s14] =	ssyncset.done $0x0  }
0x3f: {  	s13 =	simm.s32 $0x0;
	[sflag:s14] =	ssyncadd.s32 $0xFFFFFB00  }
0x40: {  	v3 =	vor.u32 s13, v0;
	_ =	swait.ge [sflag:s14], $0x280  }
0x41: {  	v4 =	vshll.u32 v3, $0x4;
	v2 =	vmul.u32 $0xA0, v3;
	[sflag:s14] =	ssyncset.done $0x0  }
0x42: {  	v5 =	vor.u32 $0x1, v4;
	[sflag:s14] =	ssyncadd.s32 $0xFFFFFD80  }
0x43: {  	v6 =	vadd.s32 $0x82, v2;
	_ =	swait.ge [sflag:s14], $0x1400  }
0x44: {  	v7 =	vadd.s32 $0x83, v2;
	[sflag:s14] =	ssyncset.done $0x0  }
0x45: {  	v8 =	vadd.s32 $0x84, v2;
	[sflag:s14] =	ssyncadd.s32 $0xFFFFEC00  }
0x46: {  	v10 =	vadd.s32 $0x85, v2;
	v9 =	vld.idx.msk [tilespmem:v4+s26+$0x0], $0xffff  }
0x47: {  	v11 =	vor.u32 $0x4, v4;
	v5 =	vld.idx.msk [tilespmem:v5+s26+$0x0], $0xffff  }
0x48: {  	v12 =	vor.u32 $0x3, v4;
	v6 =	vld.idx.msk [tilespmem:v6+s24+$0x0], $0xffff  }
0x49: {  	v3 =	vshll.u32 v3, $0x5;
	v13 =	vor.u32 $0x2, v4;
	v7 =	vld.idx.msk [tilespmem:v7+s24+$0x0], $0xffff  }
0x4a: {  	v14 =	vor.u32 $0x3, v3;
	v8 =	vld.idx.msk [tilespmem:v8+s24+$0x0], $0xffff  }
0x4b: {  	v15 =	vor.u32 $0x1, v3;
	v10 =	vld.idx.msk [tilespmem:v10+s24+$0x0], $0xffff  }
0x4c: {  	v16 =	vor.u32 $0x4, v3;
	v11 =	vld.idx.msk [tilespmem:v11+s26+$0x0], $0xffff  }
0x4d: {  	v17 =	vadd.s32 $0x81, v2;
	v12 =	vld.idx.msk [tilespmem:v12+s26+$0x0], $0xffff  }
0x4e: {  	v18 =	vor.u32 $0x5, v3;
	v13 =	vld.idx.msk [tilespmem:v13+s26+$0x0], $0xffff  }
0x4f: {  	v14 =	vld.idx.msk [tilespmem:v14+s25+$0x0], $0xffff  }
0x50: {  	v19 =	vor.u32 $0x6, v3;
	v15 =	vld.idx.msk [tilespmem:v15+s25+$0x0], $0xffff  }
0x51: {  	v20 =	vadd.s32 $0x80, v2;
	v16 =	vld.idx.msk [tilespmem:v16+s25+$0x0], $0xffff  }
0x52: {  	v21 =	vor.u32 $0x5, v4;
	v17 =	vld.idx.msk [tilespmem:v17+s24+$0x0], $0xffff  }
0x53: {  	v22 =	vadd.s32 $0x86, v2;
	v18 =	vld.idx.msk [tilespmem:v18+s25+$0x0], $0xffff  }
0x54: {  	v23 =	vor.u32 $0x6, v4;
	v24 =	vld.idx.msk [tilespmem:v3+s25+$0x0], $0xffff  }
0x55: {  	v25 =	vor.u32 $0x2, v3;
	v19 =	vld.idx.msk [tilespmem:v19+s25+$0x0], $0xffff  }
0x56: {  	v26 =	vor.u32 $0xF, v3;
	v20 =	vld.idx.msk [tilespmem:v20+s24+$0x0], $0xffff  }
0x57: {  	v27 =	vor.u32 $0xE, v3;
	v21 =	vld.idx.msk [tilespmem:v21+s26+$0x0], $0xffff  }
0x58: {  	v29 =	vor.u32 $0xB, v4;
	v22 =	vld.idx.msk [tilespmem:v22+s24+$0x0], $0xffff  }
0x59: {  	v30 =	vor.u32 $0xB, v3;
	v23 =	vld.idx.msk [tilespmem:v23+s26+$0x0], $0xffff  }
0x5a: {  	v31 =	vor.u32 $0xA, v3;
	v25 =	vld.idx.msk [tilespmem:v25+s25+$0x0], $0xffff  }
0x5b: {  	v62 =	vor.u32 $0x9, v3;
	v26 =	vld.idx.msk [tilespmem:v26+s25+$0x0], $0xffff;
	v20 =	vadd.f32 v20, v24  }
0x5c: {  	v32 =	vor.u32 $0x8, v3;
	v27 =	vld.idx.msk [tilespmem:v27+s25+$0x0], $0xffff  }
0x5d: {  	v63 =	vor.u32 $0x7, v3;
	v29 =	vld.idx.msk [tilespmem:v29+s26+$0x0], $0xffff;
	v15 =	vadd.f32 v17, v15;
	v9 =	vmul.f32 v20, v9  }
0x5e: {  	v35 =	vor.u32 $0x7, v4;
	v33 =	vadd.s32 $0x87, v2;
	v34 =	vld.idx.msk [tilespmem:v30+s25+$0x0], $0xffff  }
0x5f: {  	v31 =	vld.idx.msk [tilespmem:v31+s25+$0x0], $0xffff;
	v6 =	vadd.f32 v6, v25;
	v5 =	vmul.f32 v15, v5;
	v9 =	vadd.f32 $0.0e+00, v9  }
0x60: {  	v51 =	vor.u32 $0xD, v3;
	v36 =	vadd.s32 $0x88, v2;
	v37 =	vld.idx.msk [tilespmem:v62+s25+$0x0], $0xffff  }
0x61: {  	v40 =	vld.idx.msk [tilespmem:v32+s25+$0x0], $0xffff;
	v7 =	vadd.f32 v7, v14;
	v6 =	vmul.f32 v6, v13;
	v5 =	vadd.f32 v5, v9  }
0x62: {  	v38 =	vor.u32 $0x8, v4;
	v39 =	vadd.s32 $0x89, v2;
	v41 =	vld.idx.msk [tilespmem:v63+s25+$0x0], $0xffff  }
0x63: {  	v43 =	vld.idx.msk [tilespmem:v33+s24+$0x0], $0xffff;
	v8 =	vadd.f32 v8, v16;
	v7 =	vmul.f32 v7, v12;
	v5 =	vadd.f32 v6, v5  }
0x64: {  	v42 =	vadd.s32 $0x8A, v2;
	v44 =	vld.idx.msk [tilespmem:v35+s26+$0x0], $0xffff;
	v10 =	vadd.f32 v10, v18  }
0x65: {  	v46 =	vld.idx.msk [tilespmem:v36+s24+$0x0], $0xffff;
	v8 =	vmul.f32 v8, v11;
	v6 =	vor.u32 $0x9, v4;
	v5 =	vadd.f32 v7, v5  }
0x66: {  	v45 =	vadd.s32 $0x8B, v2;
	v58 =	vld.idx.msk [tilespmem:v51+s25+$0x0], $0xffff;
	v19 =	vadd.f32 v22, v19  }
0x67: {  	v10 =	vmul.f32 v10, v21;
	v13 =	vld.idx.msk [tilespmem:v39+s24+$0x0], $0xffff;
	v7 =	vor.u32 $0xA, v4;
	v5 =	vadd.f32 v8, v5  }
0x68: {  	v48 =	vor.u32 $0xC, v3;
	v47 =	vadd.s32 $0x8C, v2;
	v9 =	vld.idx.msk [tilespmem:v38+s26+$0x0], $0xffff  }
0x69: {  	v49 =	vadd.f32 v43, v41;
	v16 =	vld.idx.msk [tilespmem:v42+s24+$0x0], $0xffff;
	v19 =	vmul.f32 v19, v23;
	v5 =	vadd.f32 v10, v5  }
0x6a: {  	v28 =	vor.u32 $0xC, v4;
	v50 =	vadd.s32 $0x8D, v2;
	v6 =	vld.idx.msk [tilespmem:v6+s26+$0x0], $0xffff  }
0x6b: {  	v52 =	vadd.f32 v46, v40;
	v18 =	vld.idx.msk [tilespmem:v45+s24+$0x0], $0xffff;
	v10 =	vmul.f32 v49, v44;
	v5 =	vadd.f32 v19, v5  }
0x6c: {  	v53 =	vor.u32 $0xD, v4;
	v54 =	vadd.s32 $0x8E, v2;
	v7 =	vld.idx.msk [tilespmem:v7+s26+$0x0], $0xffff  }
0x6d: {  	v21 =	vld.idx.msk [tilespmem:v48+s25+$0x0], $0xffff;
	v55 =	vadd.f32 v13, v37;
	v9 =	vmul.f32 v52, v9;
	v5 =	vadd.f32 v10, v5  }
0x6e: {  	v56 =	vor.u32 $0xE, v4;
	v57 =	vadd.s32 $0x8F, v2;
	v8 =	vld.idx.msk [tilespmem:v47+s24+$0x0], $0xffff  }
0x6f: {  	v60 =	vld.idx.msk [tilespmem:v50+s24+$0x0], $0xffff;
	v59 =	vadd.f32 v16, v31;
	v6 =	vmul.f32 v55, v6;
	v5 =	vadd.f32 v9, v5  }
0x70: {  	v17 =	vld.idx.msk [tilespmem:v28+s26+$0x0], $0xffff;
	v4 =	vor.u32 $0xF, v4  }
0x71: {  	v61 =	vld.idx.msk [tilespmem:v53+s26+$0x0], $0xffff;
	v5 =	vadd.f32 v6, v5;
	v6 =	vmul.f32 v59, v7;
	v7 =	vadd.f32 v18, v34  }
0x72: {  	v62 =	vld.idx.msk [tilespmem:v54+s24+$0x0], $0xffff  }
0x73: {  	v63 =	vld.idx.msk [tilespmem:v57+s24+$0x0], $0xffff;
	v5 =	vadd.f32 v6, v5;
	v6 =	vmul.f32 v7, v29;
	v7 =	vadd.f32 v8, v21  }
0x74: {  	v3 =	vor.u32 $0x10, v3;
	v11 =	vld.idx.msk [tilespmem:v56+s26+$0x0], $0xffff  }
0x75: {  	v5 =	vadd.f32 v6, v5;
	v6 =	vmul.f32 v7, v17;
	v7 =	vadd.f32 v60, v58  }
0x76: {  	v2 =	vadd.s32 $0x90, v2;
	v4 =	vld.idx.msk [tilespmem:v4+s26+$0x0], $0xffff  }
0x77: {  	v5 =	vadd.f32 v6, v5;
	v6 =	vmul.f32 v7, v61;
	v7 =	vadd.f32 v62, v27;
	_ =	sdelay $0x1  }
0x78: {  	v5 =	vadd.f32 v6, v5;
	v6 =	vmul.f32 v7, v11;
	v7 =	vadd.f32 v63, v26  }
0x79: {  	v3 =	vld.idx.msk [tilespmem:v3+s25+$0x0], $0xffff  }
0x7a: {  	v5 =	vadd.f32 v6, v5;
	v4 =	vmul.f32 v7, v4  }
0x7b: {  	v2 =	vld.idx.msk [tilespmem:v2+s24+$0x0], $0xffff  }
0x7c: {  	v4 =	vadd.f32 v4, v5;
	_ =	sdelay $0x1  }
0x7d: {  	v3 =	vadd.f32 v4, v3;
	_ =	sdelay $0x1  }
0x7e: {  	v2 =	vadd.f32 v3, v2;
	_ =	sdelay $0x1  }
0x7f: {  	v3 =	vmul.f32 $1.442695020e+00, v2;
	_ =	sdelay $0x1  }
0x80: {  	(erf) = vpow2.f32 v3;
	_ =	sdelay $0x8  }
0x81: {  	v3 =	vpop (erf)  }
0x82: {  	s20 =	simm.s32 $0x8D20;
	s21 =	simm.s32 $0x10;
	s11 =	simm.s32 $0x8D20;
	v4 =	vadd.f32 $-1.000000000e+00, v3  }
.LBB2_3:
0x83: {  	p0 =	sne.s32 s21, $0x20  }
0x84: {  	s20 =	sadd.s32 $0x10, s20;
	s18 =	smov.u32 s21;
	s21 =	sadd.s32 $0x10, s21  }
0x85: {  	v4 =	vmul.f32 $1.442695020e+00, v4;
	_ =	sdelay $0x1  }
0x86: {  	(erf) = vpow2.f32 v4;
	_ =	sdelay $0x5  }
0x87: {  	vm1 =	vgt.f32 v2, $0.0e+00;
	v4 =	vor.u32 s18, v0  }
0x88: {  	v2 =	vshll.u32 v4, $0x4;
	v5 =	vshll.u32 v4, $0x5;
	v4 =	vmul.u32 $0xA0, v4  }
0x89: {  	v6 =	vor.u32 $0x1, v2;
	v7 =	vor.u32 $0x1, v5;
	v8 =	vor.u32 $0x6, v2  }
0x8a: {  	v9 =	vadd.s32 $0x80, v4;
	v10 =	vadd.s32 $0x81, v4;
	v11 =	vadd.s32 $0x82, v4;
	v12 =	vpop (erf)  }
0x8b: {  	v13 =	vor.u32 $0x2, v2;
	v14 =	vadd.s32 $0x83, v4;
	v3 =	vsel vm1, v3, v12  }
0x8c: {  	v15 =	vor.u32 $0x4, v5;
	v16 =	vadd.s32 $0x84, v4;
	v12 =	vor.u32 $0x3, v2;
	[tilespmem:s11+$0x0] =	vst v3;
	s11 =	smov.u32 s20  }
0x8d: {  	v17 =	vor.u32 $0x4, v2;
	v18 =	vor.u32 $0x5, v5;
	v19 =	vadd.s32 $0x85, v4;
	v3 =	vld.idx.msk [tilespmem:v2+s26+$0x0], $0xffff  }
0x8e: {  	v20 =	vor.u32 $0x5, v2;
	v21 =	vor.u32 $0x6, v5;
	v22 =	vadd.s32 $0x86, v4;
	v6 =	vld.idx.msk [tilespmem:v6+s26+$0x0], $0xffff  }
0x8f: {  	v23 =	vor.u32 $0x2, v5;
	v24 =	vor.u32 $0x7, v5;
	v25 =	vadd.s32 $0x87, v4;
	v11 =	vld.idx.msk [tilespmem:v11+s24+$0x0], $0xffff  }
0x90: {  	v26 =	vor.u32 $0x3, v5;
	v27 =	vor.u32 $0x7, v2;
	v28 =	vadd.s32 $0x88, v4;
	v14 =	vld.idx.msk [tilespmem:v14+s24+$0x0], $0xffff  }
0x91: {  	v29 =	vor.u32 $0x8, v2;
	v30 =	vor.u32 $0x8, v5;
	v31 =	vadd.s32 $0x89, v4;
	v16 =	vld.idx.msk [tilespmem:v16+s24+$0x0], $0xffff  }
0x92: {  	v32 =	vor.u32 $0x9, v2;
	v33 =	vor.u32 $0x9, v5;
	v34 =	vadd.s32 $0x8A, v4;
	v19 =	vld.idx.msk [tilespmem:v19+s24+$0x0], $0xffff  }
0x93: {  	v35 =	vor.u32 $0xA, v2;
	v36 =	vor.u32 $0xA, v5;
	v37 =	vadd.s32 $0x8B, v4;
	v17 =	vld.idx.msk [tilespmem:v17+s26+$0x0], $0xffff  }
0x94: {  	v38 =	vor.u32 $0xB, v2;
	v39 =	vor.u32 $0xB, v5;
	v40 =	vadd.s32 $0x8C, v4;
	v12 =	vld.idx.msk [tilespmem:v12+s26+$0x0], $0xffff  }
0x95: {  	v41 =	vor.u32 $0xC, v2;
	v42 =	vor.u32 $0xC, v5;
	v43 =	vadd.s32 $0x8D, v4;
	v13 =	vld.idx.msk [tilespmem:v13+s26+$0x0], $0xffff  }
0x96: {  	v44 =	vor.u32 $0xD, v2;
	v45 =	vor.u32 $0xD, v5;
	v46 =	vadd.s32 $0x8E, v4;
	v26 =	vld.idx.msk [tilespmem:v26+s25+$0x0], $0xffff  }
0x97: {  	v47 =	vor.u32 $0xE, v2;
	v48 =	vor.u32 $0xE, v5;
	v49 =	vadd.s32 $0x8F, v4;
	v7 =	vld.idx.msk [tilespmem:v7+s25+$0x0], $0xffff  }
0x98: {  	v50 =	vor.u32 $0xF, v5;
	v51 =	vor.u32 $0x10, v5;
	v2 =	vor.u32 $0xF, v2;
	v15 =	vld.idx.msk [tilespmem:v15+s25+$0x0], $0xffff  }
0x99: {  	v4 =	vadd.s32 $0x90, v4;
	v10 =	vld.idx.msk [tilespmem:v10+s24+$0x0], $0xffff  }
0x9a: {  	v18 =	vld.idx.msk [tilespmem:v18+s25+$0x0], $0xffff  }
0x9b: {  	v5 =	vld.idx.msk [tilespmem:v5+s25+$0x0], $0xffff  }
0x9c: {  	v21 =	vld.idx.msk [tilespmem:v21+s25+$0x0], $0xffff  }
0x9d: {  	v9 =	vld.idx.msk [tilespmem:v9+s24+$0x0], $0xffff  }
0x9e: {  	v20 =	vld.idx.msk [tilespmem:v20+s26+$0x0], $0xffff  }
0x9f: {  	v7 =	vadd.f32 v10, v7;
	v10 =	vadd.f32 v14, v26;
	v14 =	vld.idx.msk [tilespmem:v22+s24+$0x0], $0xffff  }
0xa0: {  	v8 =	vld.idx.msk [tilespmem:v8+s26+$0x0], $0xffff  }
0xa1: {  	v6 =	vmul.f32 v7, v6;
	v10 =	vmul.f32 v10, v12;
	v12 =	vadd.f32 v16, v15;
	v7 =	vld.idx.msk [tilespmem:v23+s25+$0x0], $0xffff  }
0xa2: {  	v15 =	vld.idx.msk [tilespmem:v50+s25+$0x0], $0xffff  }
0xa3: {  	v5 =	vadd.f32 v9, v5;
	v9 =	vmul.f32 v12, v17;
	v12 =	vadd.f32 v19, v18;
	v16 =	vld.idx.msk [tilespmem:v48+s25+$0x0], $0xffff  }
0xa4: {  	v17 =	vld.idx.msk [tilespmem:v41+s26+$0x0], $0xffff  }
0xa5: {  	v3 =	vmul.f32 v5, v3;
	v5 =	vmul.f32 v12, v20;
	v12 =	vadd.f32 v14, v21;
	v14 =	vld.idx.msk [tilespmem:v38+s26+$0x0], $0xffff  }
0xa6: {  	v18 =	vld.idx.msk [tilespmem:v39+s25+$0x0], $0xffff  }
0xa7: {  	v3 =	vadd.f32 $0.0e+00, v3;
	v7 =	vadd.f32 v11, v7;
	v8 =	vmul.f32 v12, v8;
	v11 =	vld.idx.msk [tilespmem:v36+s25+$0x0], $0xffff  }
0xa8: {  	v12 =	vld.idx.msk [tilespmem:v33+s25+$0x0], $0xffff  }
0xa9: {  	v3 =	vadd.f32 v6, v3;
	v6 =	vmul.f32 v7, v13;
	v7 =	vld.idx.msk [tilespmem:v30+s25+$0x0], $0xffff  }
0xaa: {  	v13 =	vld.idx.msk [tilespmem:v24+s25+$0x0], $0xffff  }
0xab: {  	v3 =	vadd.f32 v6, v3;
	v6 =	vld.idx.msk [tilespmem:v25+s24+$0x0], $0xffff  }
0xac: {  	v19 =	vld.idx.msk [tilespmem:v27+s26+$0x0], $0xffff  }
0xad: {  	v3 =	vadd.f32 v10, v3;
	v10 =	vld.idx.msk [tilespmem:v28+s24+$0x0], $0xffff  }
0xae: {  	v20 =	vld.idx.msk [tilespmem:v29+s26+$0x0], $0xffff  }
0xaf: {  	v3 =	vadd.f32 v9, v3;
	v9 =	vld.idx.msk [tilespmem:v31+s24+$0x0], $0xffff  }
0xb0: {  	v21 =	vld.idx.msk [tilespmem:v32+s26+$0x0], $0xffff  }
0xb1: {  	v3 =	vadd.f32 v5, v3;
	v5 =	vadd.f32 v6, v13;
	v6 =	vld.idx.msk [tilespmem:v34+s24+$0x0], $0xffff  }
0xb2: {  	v13 =	vld.idx.msk [tilespmem:v35+s26+$0x0], $0xffff  }
0xb3: {  	v3 =	vadd.f32 v8, v3;
	v5 =	vmul.f32 v5, v19;
	v7 =	vadd.f32 v10, v7;
	v8 =	vld.idx.msk [tilespmem:v37+s24+$0x0], $0xffff  }
0xb4: {  	v10 =	vld.idx.msk [tilespmem:v42+s25+$0x0], $0xffff  }
0xb5: {  	v3 =	vadd.f32 v5, v3;
	v5 =	vmul.f32 v7, v20;
	v7 =	vadd.f32 v9, v12;
	v9 =	vld.idx.msk [tilespmem:v40+s24+$0x0], $0xffff  }
0xb6: {  	v12 =	vld.idx.msk [tilespmem:v45+s25+$0x0], $0xffff  }
0xb7: {  	v3 =	vadd.f32 v5, v3;
	v5 =	vmul.f32 v7, v21;
	v6 =	vadd.f32 v6, v11;
	v7 =	vld.idx.msk [tilespmem:v43+s24+$0x0], $0xffff  }
0xb8: {  	v11 =	vld.idx.msk [tilespmem:v44+s26+$0x0], $0xffff  }
0xb9: {  	v3 =	vadd.f32 v5, v3;
	v5 =	vmul.f32 v6, v13;
	v6 =	vadd.f32 v8, v18;
	v8 =	vld.idx.msk [tilespmem:v46+s24+$0x0], $0xffff  }
0xba: {  	v13 =	vld.idx.msk [tilespmem:v47+s26+$0x0], $0xffff  }
0xbb: {  	v3 =	vadd.f32 v5, v3;
	v5 =	vmul.f32 v6, v14;
	v6 =	vadd.f32 v9, v10;
	v9 =	vld.idx.msk [tilespmem:v49+s24+$0x0], $0xffff;
	_ =	sdelay $0x1  }
0xbc: {  	v3 =	vadd.f32 v5, v3;
	v5 =	vmul.f32 v6, v17;
	v6 =	vadd.f32 v7, v12;
	v2 =	vld.idx.msk [tilespmem:v2+s26+$0x0], $0xffff;
	_ =	sdelay $0x1  }
0xbd: {  	v3 =	vadd.f32 v5, v3;
	v5 =	vmul.f32 v6, v11;
	v6 =	vadd.f32 v8, v16;
	_ =	sdelay $0x1  }
0xbe: {  	v3 =	vadd.f32 v5, v3;
	v5 =	vmul.f32 v6, v13;
	v6 =	vadd.f32 v9, v15;
	v7 =	vld.idx.msk [tilespmem:v51+s25+$0x0], $0xffff;
	_ =	sdelay $0x1  }
0xbf: {  	v3 =	vadd.f32 v5, v3;
	v2 =	vmul.f32 v6, v2;
	v4 =	vld.idx.msk [tilespmem:v4+s24+$0x0], $0xffff;
	_ =	sdelay $0x1  }
0xc0: {  	v2 =	vadd.f32 v2, v3;
	_ =	sdelay $0x1  }
0xc1: {  	v2 =	vadd.f32 v2, v7;
	_ =	sdelay $0x1  }
0xc2: {  	v2 =	vadd.f32 v2, v4;
	_ =	sdelay $0x1  }
0xc3: {  	v3 =	vmul.f32 $1.442695020e+00, v2;
	_ =	sdelay $0x1  }
0xc4: {  	(erf) = vpow2.f32 v3;
	_ =	sdelay $0x5  }
.Ltmp0:
0xc5: {  	(pc) =	sbr.rel @p0 .LBB2_3-.Ltmp0, $3  }
0xc6: {  	_ =	sdelay $0x1  }
0xc7: {  	v3 =	vpop (erf)  }
0xc8: {  	v4 =	vadd.f32 $-1.000000000e+00, v3  }
0xc9: {  	_ = 	snop  }
0xca: {  	v4 =	vmul.f32 $1.442695020e+00, v4;
	_ =	sdelay $0x1  }
0xcb: {  	(erf) = vpow2.f32 v4;
	_ =	sdelay $0x8  }
0xcc: {  	vm1 =	vgt.f32 v2, $0.0e+00;
	v2 =	vpop (erf)  }
0xcd: {  	v2 =	vsel vm1, v3, v2  }
0xce: {  	[tilespmem:s11+$0x0] =	vst v2  }
.LBB2_5:
0xcf: {  	s20 =	sshll.u32 s13, $0x3  }
0xd0: {  	v2 =	vmov s20  }
0xd1: {  	v2 =	vshrl.u32 v2, $0x3  }
0xd2: {  	v2 =	vshll.u32 v2, v1  }
0xd3: {  	v2 =	vbroadcast v2, $0x0;
	_ =	sdelay $0x2  }
0xd4: {  	s11 =	sshll.u32 s13, $0xA  }
0xd5: {  	s11 =	sand.u32 $0x3FFFFC00, s11  }
0xd6: {  	s18 =	smul.u32 $0x1400, s13;
	v3 =	vld [tilespmem:s11+$0x4EA0]  }
0xd7: {  	v2 =	vld.idx.msk [tilespmem:v2+s15+$0x0], $0xffff  }
0xd8: {  	s18 =	sshra.s32 s18, $0x2  }
0xd9: {  	v4 =	vld [tilespmem:s18+$0x12A0];
	_ =	sdelay $0x2  }
0xda: {  	v3 =	vmul.f32 v3, v2  }
0xdb: {  	s21 =	smul.u32 $0x1200, s13  }
0xdc: {  	v3 =	vmul.f32 v4, v3  }
0xdd: {  	s21 =	sshra.s32 s21, $0x2  }
0xde: {  	[tilespmem:s21+$0x76A0] =	vst v3  }
0xdf: {  	v3 =	vld [tilespmem:s11+$0x4EB0];
	_ =	sdelay $0x1  }
0xe0: {  	v51 =	vld [tilespmem:s18+$0x12B0];
	_ =	sdelay $0x2  }
0xe1: {  	v3 =	vmul.f32 v3, v2;
	_ =	sdelay $0x1  }
0xe2: {  	v3 =	vmul.f32 v51, v3;
	_ =	sdelay $0x1  }
0xe3: {  	[tilespmem:s21+$0x76B0] =	vst v3  }
0xe4: {  	v3 =	vld [tilespmem:s11+$0x4EC0];
	_ =	sdelay $0x1  }
0xe5: {  	v52 =	vld [tilespmem:s18+$0x12C0];
	_ =	sdelay $0x2  }
0xe6: {  	v3 =	vmul.f32 v3, v2;
	_ =	sdelay $0x1  }
0xe7: {  	v3 =	vmul.f32 v52, v3;
	_ =	sdelay $0x1  }
0xe8: {  	[tilespmem:s21+$0x76C0] =	vst v3  }
0xe9: {  	v3 =	vld [tilespmem:s11+$0x4ED0];
	_ =	sdelay $0x1  }
0xea: {  	v53 =	vld [tilespmem:s18+$0x12D0];
	_ =	sdelay $0x2  }
0xeb: {  	v3 =	vmul.f32 v3, v2;
	_ =	sdelay $0x1  }
0xec: {  	v3 =	vmul.f32 v53, v3;
	_ =	sdelay $0x1  }
0xed: {  	[tilespmem:s21+$0x76D0] =	vst v3  }
0xee: {  	v3 =	vld [tilespmem:s11+$0x4EE0];
	_ =	sdelay $0x1  }
0xef: {  	v54 =	vld [tilespmem:s18+$0x12E0];
	_ =	sdelay $0x2  }
0xf0: {  	v3 =	vmul.f32 v3, v2;
	_ =	sdelay $0x1  }
0xf1: {  	v3 =	vmul.f32 v54, v3;
	_ =	sdelay $0x1  }
0xf2: {  	[tilespmem:s21+$0x76E0] =	vst v3  }
0xf3: {  	v3 =	vld [tilespmem:s11+$0x4EF0];
	_ =	sdelay $0x1  }
0xf4: {  	v55 =	vld [tilespmem:s18+$0x12F0];
	_ =	sdelay $0x2  }
0xf5: {  	v3 =	vmul.f32 v3, v2;
	_ =	sdelay $0x1  }
0xf6: {  	v3 =	vmul.f32 v55, v3;
	_ =	sdelay $0x1  }
0xf7: {  	[tilespmem:s21+$0x76F0] =	vst v3  }
0xf8: {  	v3 =	vld [tilespmem:s11+$0x4F00];
	_ =	sdelay $0x1  }
0xf9: {  	v56 =	vld [tilespmem:s18+$0x1300];
	_ =	sdelay $0x2  }
0xfa: {  	v3 =	vmul.f32 v3, v2;
	_ =	sdelay $0x1  }
0xfb: {  	v3 =	vmul.f32 v56, v3;
	_ =	sdelay $0x1  }
0xfc: {  	[tilespmem:s21+$0x7700] =	vst v3  }
0xfd: {  	v3 =	vld [tilespmem:s11+$0x4F10];
	s11 =	sor.u32 $0x1, s20  }
0xfe: {  	v57 =	vmov s11  }
0xff: {  	v4 =	vshrl.u32 v57, $0x3  }
0x100: {  	v5 =	vld [tilespmem:s18+$0x1310];
	v4 =	vshll.u32 v4, v1  }
0x101: {  	v4 =	vadd.s32 $0x1, v4  }
0x102: {  	v4 =	vbroadcast v4, $0x0  }
0x103: {  	v3 =	vmul.f32 v3, v2;
	_ =	sdelay $0x1  }
0x104: {  	v2 =	vnsel vm0, $0x0, v2;
	v3 =	vmul.f32 v5, v3  }
0x105: {  	[tilespmem:s21+$0x7720] =	vst v2  }
0x106: {  	[tilespmem:s21+$0x7710] =	vst v3;
	s21 =	sshll.u32 s11, $0x7  }
0x107: {  	s28 =	smul.u32 $0x280, s11;
	s18 =	sand.u32 $0x3FFFFC80, s21;
	v2 =	vld.idx.msk [tilespmem:v4+s15+$0x0], $0xffff  }
0x108: {  	v3 =	vld [tilespmem:s18+$0x4EA0]  }
0x109: {  	s21 =	sshra.s32 s28, $0x2  }
0x10a: {  	v58 =	vld [tilespmem:s21+$0x12A0];
	_ =	sdelay $0x2  }
0x10b: {  	v3 =	vmul.f32 v3, v2  }
0x10c: {  	s11 =	smul.u32 $0x240, s11  }
0x10d: {  	v3 =	vmul.f32 v58, v3  }
0x10e: {  	s11 =	sshra.s32 s11, $0x2  }
0x10f: {  	[tilespmem:s11+$0x76A0] =	vst v3  }
0x110: {  	v3 =	vld [tilespmem:s18+$0x4EB0];
	_ =	sdelay $0x1  }
0x111: {  	v59 =	vld [tilespmem:s21+$0x12B0];
	_ =	sdelay $0x2  }
0x112: {  	v3 =	vmul.f32 v3, v2;
	_ =	sdelay $0x1  }
0x113: {  	v3 =	vmul.f32 v59, v3;
	_ =	sdelay $0x1  }
0x114: {  	[tilespmem:s11+$0x76B0] =	vst v3  }
0x115: {  	v3 =	vld [tilespmem:s18+$0x4EC0];
	_ =	sdelay $0x1  }
0x116: {  	v60 =	vld [tilespmem:s21+$0x12C0];
	_ =	sdelay $0x2  }
0x117: {  	v3 =	vmul.f32 v3, v2;
	_ =	sdelay $0x1  }
0x118: {  	v3 =	vmul.f32 v60, v3;
	_ =	sdelay $0x1  }
0x119: {  	[tilespmem:s11+$0x76C0] =	vst v3  }
0x11a: {  	v3 =	vld [tilespmem:s18+$0x4ED0];
	_ =	sdelay $0x1  }
0x11b: {  	v61 =	vld [tilespmem:s21+$0x12D0];
	_ =	sdelay $0x2  }
0x11c: {  	v3 =	vmul.f32 v3, v2;
	_ =	sdelay $0x1  }
0x11d: {  	v3 =	vmul.f32 v61, v3;
	_ =	sdelay $0x1  }
0x11e: {  	[tilespmem:s11+$0x76D0] =	vst v3  }
0x11f: {  	v3 =	vld [tilespmem:s18+$0x4EE0];
	_ =	sdelay $0x1  }
0x120: {  	v62 =	vld [tilespmem:s21+$0x12E0];
	_ =	sdelay $0x2  }
0x121: {  	v3 =	vmul.f32 v3, v2;
	_ =	sdelay $0x1  }
0x122: {  	v3 =	vmul.f32 v62, v3;
	_ =	sdelay $0x1  }
0x123: {  	[tilespmem:s11+$0x76E0] =	vst v3  }
0x124: {  	v3 =	vld [tilespmem:s18+$0x4EF0];
	_ =	sdelay $0x1  }
0x125: {  	v63 =	vld [tilespmem:s21+$0x12F0];
	_ =	sdelay $0x2  }
0x126: {  	v3 =	vmul.f32 v3, v2;
	_ =	sdelay $0x1  }
0x127: {  	v3 =	vmul.f32 v63, v3;
	_ =	sdelay $0x1  }
0x128: {  	[tilespmem:s11+$0x76F0] =	vst v3  }
0x129: {  	v3 =	vld [tilespmem:s18+$0x4F00];
	_ =	sdelay $0x1  }
0x12a: {  	v8 =	vld [tilespmem:s21+$0x1300];
	_ =	sdelay $0x2  }
0x12b: {  	v3 =	vmul.f32 v3, v2;
	_ =	sdelay $0x1  }
0x12c: {  	v3 =	vmul.f32 v8, v3;
	_ =	sdelay $0x1  }
0x12d: {  	[tilespmem:s11+$0x7700] =	vst v3  }
0x12e: {  	v3 =	vld [tilespmem:s18+$0x4F10];
	s18 =	sor.u32 $0x2, s20  }
0x12f: {  	v9 =	vmov s18  }
0x130: {  	v10 =	vld [tilespmem:s21+$0x1310];
	v4 =	vshrl.u32 v9, $0x3  }
0x131: {  	v4 =	vshll.u32 v4, v1  }
0x132: {  	v4 =	vadd.s32 $0x2, v4  }
0x133: {  	v3 =	vmul.f32 v3, v2;
	v4 =	vbroadcast v4, $0x0;
	_ =	sdelay $0x1  }
0x134: {  	v2 =	vnsel vm0, $0x0, v2;
	v3 =	vmul.f32 v10, v3  }
0x135: {  	s21 =	sshll.u32 s18, $0x7;
	[tilespmem:s11+$0x7720] =	vst v2  }
0x136: {  	[tilespmem:s11+$0x7710] =	vst v3;
	s11 =	sand.u32 $0x3FFFFD00, s21  }
0x137: {  	s28 =	smul.u32 $0x280, s18;
	v3 =	vld [tilespmem:s11+$0x4EA0]  }
0x138: {  	v2 =	vld.idx.msk [tilespmem:v4+s15+$0x0], $0xffff  }
0x139: {  	s21 =	sshra.s32 s28, $0x2  }
0x13a: {  	v11 =	vld [tilespmem:s21+$0x12A0];
	_ =	sdelay $0x2  }
0x13b: {  	v3 =	vmul.f32 v3, v2  }
0x13c: {  	s18 =	smul.u32 $0x240, s18  }
0x13d: {  	v3 =	vmul.f32 v11, v3  }
0x13e: {  	s18 =	sshra.s32 s18, $0x2  }
0x13f: {  	[tilespmem:s18+$0x76A0] =	vst v3  }
0x140: {  	v3 =	vld [tilespmem:s11+$0x4EB0];
	_ =	sdelay $0x1  }
0x141: {  	v12 =	vld [tilespmem:s21+$0x12B0];
	_ =	sdelay $0x2  }
0x142: {  	v3 =	vmul.f32 v3, v2;
	_ =	sdelay $0x1  }
0x143: {  	v3 =	vmul.f32 v12, v3;
	_ =	sdelay $0x1  }
0x144: {  	[tilespmem:s18+$0x76B0] =	vst v3  }
0x145: {  	v3 =	vld [tilespmem:s11+$0x4EC0];
	_ =	sdelay $0x1  }
0x146: {  	v13 =	vld [tilespmem:s21+$0x12C0];
	_ =	sdelay $0x2  }
0x147: {  	v3 =	vmul.f32 v3, v2;
	_ =	sdelay $0x1  }
0x148: {  	v3 =	vmul.f32 v13, v3;
	_ =	sdelay $0x1  }
0x149: {  	[tilespmem:s18+$0x76C0] =	vst v3  }
0x14a: {  	v3 =	vld [tilespmem:s11+$0x4ED0];
	_ =	sdelay $0x1  }
0x14b: {  	v14 =	vld [tilespmem:s21+$0x12D0];
	_ =	sdelay $0x2  }
0x14c: {  	v3 =	vmul.f32 v3, v2;
	_ =	sdelay $0x1  }
0x14d: {  	v3 =	vmul.f32 v14, v3;
	_ =	sdelay $0x1  }
0x14e: {  	[tilespmem:s18+$0x76D0] =	vst v3  }
0x14f: {  	v3 =	vld [tilespmem:s11+$0x4EE0];
	_ =	sdelay $0x1  }
0x150: {  	v15 =	vld [tilespmem:s21+$0x12E0];
	_ =	sdelay $0x2  }
0x151: {  	v3 =	vmul.f32 v3, v2;
	_ =	sdelay $0x1  }
0x152: {  	v3 =	vmul.f32 v15, v3;
	_ =	sdelay $0x1  }
0x153: {  	[tilespmem:s18+$0x76E0] =	vst v3  }
0x154: {  	v3 =	vld [tilespmem:s11+$0x4EF0];
	_ =	sdelay $0x1  }
0x155: {  	v16 =	vld [tilespmem:s21+$0x12F0];
	_ =	sdelay $0x2  }
0x156: {  	v3 =	vmul.f32 v3, v2;
	_ =	sdelay $0x1  }
0x157: {  	v3 =	vmul.f32 v16, v3;
	_ =	sdelay $0x1  }
0x158: {  	[tilespmem:s18+$0x76F0] =	vst v3  }
0x159: {  	v3 =	vld [tilespmem:s11+$0x4F00];
	_ =	sdelay $0x1  }
0x15a: {  	v17 =	vld [tilespmem:s21+$0x1300];
	_ =	sdelay $0x2  }
0x15b: {  	v3 =	vmul.f32 v3, v2;
	_ =	sdelay $0x1  }
0x15c: {  	v3 =	vmul.f32 v17, v3;
	_ =	sdelay $0x1  }
0x15d: {  	[tilespmem:s18+$0x7700] =	vst v3  }
0x15e: {  	v3 =	vld [tilespmem:s11+$0x4F10];
	s11 =	sor.u32 $0x3, s20  }
0x15f: {  	v18 =	vmov s11  }
0x160: {  	v19 =	vld [tilespmem:s21+$0x1310];
	v4 =	vshrl.u32 v18, $0x3  }
0x161: {  	v4 =	vshll.u32 v4, v1  }
0x162: {  	v4 =	vadd.s32 $0x3, v4  }
0x163: {  	v3 =	vmul.f32 v3, v2;
	v4 =	vbroadcast v4, $0x0;
	_ =	sdelay $0x1  }
0x164: {  	v2 =	vnsel vm0, $0x0, v2;
	v3 =	vmul.f32 v19, v3  }
0x165: {  	s21 =	sshll.u32 s11, $0x7;
	[tilespmem:s18+$0x7720] =	vst v2  }
0x166: {  	[tilespmem:s18+$0x7710] =	vst v3;
	s18 =	sand.u32 $0x3FFFFD80, s21  }
0x167: {  	s28 =	smul.u32 $0x280, s11;
	v3 =	vld [tilespmem:s18+$0x4EA0]  }
0x168: {  	v2 =	vld.idx.msk [tilespmem:v4+s15+$0x0], $0xffff  }
0x169: {  	s21 =	sshra.s32 s28, $0x2  }
0x16a: {  	v20 =	vld [tilespmem:s21+$0x12A0];
	_ =	sdelay $0x2  }
0x16b: {  	v3 =	vmul.f32 v3, v2  }
0x16c: {  	s11 =	smul.u32 $0x240, s11  }
0x16d: {  	v3 =	vmul.f32 v20, v3  }
0x16e: {  	s11 =	sshra.s32 s11, $0x2  }
0x16f: {  	[tilespmem:s11+$0x76A0] =	vst v3  }
0x170: {  	v3 =	vld [tilespmem:s18+$0x4EB0];
	_ =	sdelay $0x1  }
0x171: {  	v21 =	vld [tilespmem:s21+$0x12B0];
	_ =	sdelay $0x2  }
0x172: {  	v3 =	vmul.f32 v3, v2;
	_ =	sdelay $0x1  }
0x173: {  	v3 =	vmul.f32 v21, v3;
	_ =	sdelay $0x1  }
0x174: {  	[tilespmem:s11+$0x76B0] =	vst v3  }
0x175: {  	v3 =	vld [tilespmem:s18+$0x4EC0];
	_ =	sdelay $0x1  }
0x176: {  	v22 =	vld [tilespmem:s21+$0x12C0];
	_ =	sdelay $0x2  }
0x177: {  	v3 =	vmul.f32 v3, v2;
	_ =	sdelay $0x1  }
0x178: {  	v3 =	vmul.f32 v22, v3;
	_ =	sdelay $0x1  }
0x179: {  	[tilespmem:s11+$0x76C0] =	vst v3  }
0x17a: {  	v3 =	vld [tilespmem:s18+$0x4ED0];
	_ =	sdelay $0x1  }
0x17b: {  	v23 =	vld [tilespmem:s21+$0x12D0];
	_ =	sdelay $0x2  }
0x17c: {  	v3 =	vmul.f32 v3, v2;
	_ =	sdelay $0x1  }
0x17d: {  	v3 =	vmul.f32 v23, v3;
	_ =	sdelay $0x1  }
0x17e: {  	[tilespmem:s11+$0x76D0] =	vst v3  }
0x17f: {  	v3 =	vld [tilespmem:s18+$0x4EE0];
	_ =	sdelay $0x1  }
0x180: {  	v24 =	vld [tilespmem:s21+$0x12E0];
	_ =	sdelay $0x2  }
0x181: {  	v3 =	vmul.f32 v3, v2;
	_ =	sdelay $0x1  }
0x182: {  	v3 =	vmul.f32 v24, v3;
	_ =	sdelay $0x1  }
0x183: {  	[tilespmem:s11+$0x76E0] =	vst v3  }
0x184: {  	v3 =	vld [tilespmem:s18+$0x4EF0];
	_ =	sdelay $0x1  }
0x185: {  	v25 =	vld [tilespmem:s21+$0x12F0];
	_ =	sdelay $0x2  }
0x186: {  	v3 =	vmul.f32 v3, v2;
	_ =	sdelay $0x1  }
0x187: {  	v3 =	vmul.f32 v25, v3;
	_ =	sdelay $0x1  }
0x188: {  	[tilespmem:s11+$0x76F0] =	vst v3  }
0x189: {  	v3 =	vld [tilespmem:s18+$0x4F00];
	_ =	sdelay $0x1  }
0x18a: {  	v26 =	vld [tilespmem:s21+$0x1300];
	_ =	sdelay $0x2  }
0x18b: {  	v3 =	vmul.f32 v3, v2;
	_ =	sdelay $0x1  }
0x18c: {  	v3 =	vmul.f32 v26, v3;
	_ =	sdelay $0x1  }
0x18d: {  	[tilespmem:s11+$0x7700] =	vst v3  }
0x18e: {  	v3 =	vld [tilespmem:s18+$0x4F10];
	s18 =	sor.u32 $0x4, s20  }
0x18f: {  	v27 =	vmov s18  }
0x190: {  	v28 =	vld [tilespmem:s21+$0x1310];
	v4 =	vshrl.u32 v27, $0x3  }
0x191: {  	v4 =	vshll.u32 v4, v1  }
0x192: {  	v4 =	vadd.s32 $0x4, v4  }
0x193: {  	v3 =	vmul.f32 v3, v2;
	v4 =	vbroadcast v4, $0x0;
	_ =	sdelay $0x1  }
0x194: {  	v2 =	vnsel vm0, $0x0, v2;
	v3 =	vmul.f32 v28, v3  }
0x195: {  	s21 =	sshll.u32 s18, $0x7;
	[tilespmem:s11+$0x7720] =	vst v2  }
0x196: {  	[tilespmem:s11+$0x7710] =	vst v3;
	s11 =	sand.u32 $0x3FFFFE00, s21  }
0x197: {  	s28 =	smul.u32 $0x280, s18;
	v3 =	vld [tilespmem:s11+$0x4EA0]  }
0x198: {  	v2 =	vld.idx.msk [tilespmem:v4+s15+$0x0], $0xffff  }
0x199: {  	s21 =	sshra.s32 s28, $0x2  }
0x19a: {  	v29 =	vld [tilespmem:s21+$0x12A0];
	_ =	sdelay $0x2  }
0x19b: {  	v3 =	vmul.f32 v3, v2  }
0x19c: {  	s18 =	smul.u32 $0x240, s18  }
0x19d: {  	v3 =	vmul.f32 v29, v3  }
0x19e: {  	s18 =	sshra.s32 s18, $0x2  }
0x19f: {  	[tilespmem:s18+$0x76A0] =	vst v3  }
0x1a0: {  	v3 =	vld [tilespmem:s11+$0x4EB0];
	_ =	sdelay $0x1  }
0x1a1: {  	v30 =	vld [tilespmem:s21+$0x12B0];
	_ =	sdelay $0x2  }
0x1a2: {  	v3 =	vmul.f32 v3, v2;
	_ =	sdelay $0x1  }
0x1a3: {  	v3 =	vmul.f32 v30, v3;
	_ =	sdelay $0x1  }
0x1a4: {  	[tilespmem:s18+$0x76B0] =	vst v3  }
0x1a5: {  	v3 =	vld [tilespmem:s11+$0x4EC0];
	_ =	sdelay $0x1  }
0x1a6: {  	v31 =	vld [tilespmem:s21+$0x12C0];
	_ =	sdelay $0x2  }
0x1a7: {  	v3 =	vmul.f32 v3, v2;
	_ =	sdelay $0x1  }
0x1a8: {  	v3 =	vmul.f32 v31, v3;
	_ =	sdelay $0x1  }
0x1a9: {  	[tilespmem:s18+$0x76C0] =	vst v3  }
0x1aa: {  	v3 =	vld [tilespmem:s11+$0x4ED0];
	_ =	sdelay $0x1  }
0x1ab: {  	v32 =	vld [tilespmem:s21+$0x12D0];
	_ =	sdelay $0x2  }
0x1ac: {  	v3 =	vmul.f32 v3, v2;
	_ =	sdelay $0x1  }
0x1ad: {  	v3 =	vmul.f32 v32, v3;
	_ =	sdelay $0x1  }
0x1ae: {  	[tilespmem:s18+$0x76D0] =	vst v3  }
0x1af: {  	v3 =	vld [tilespmem:s11+$0x4EE0];
	_ =	sdelay $0x1  }
0x1b0: {  	v33 =	vld [tilespmem:s21+$0x12E0];
	_ =	sdelay $0x2  }
0x1b1: {  	v3 =	vmul.f32 v3, v2;
	_ =	sdelay $0x1  }
0x1b2: {  	v3 =	vmul.f32 v33, v3;
	_ =	sdelay $0x1  }
0x1b3: {  	[tilespmem:s18+$0x76E0] =	vst v3  }
0x1b4: {  	v3 =	vld [tilespmem:s11+$0x4EF0];
	_ =	sdelay $0x1  }
0x1b5: {  	v34 =	vld [tilespmem:s21+$0x12F0];
	_ =	sdelay $0x2  }
0x1b6: {  	v3 =	vmul.f32 v3, v2;
	_ =	sdelay $0x1  }
0x1b7: {  	v3 =	vmul.f32 v34, v3;
	_ =	sdelay $0x1  }
0x1b8: {  	[tilespmem:s18+$0x76F0] =	vst v3  }
0x1b9: {  	v3 =	vld [tilespmem:s11+$0x4F00];
	_ =	sdelay $0x1  }
0x1ba: {  	v35 =	vld [tilespmem:s21+$0x1300];
	_ =	sdelay $0x2  }
0x1bb: {  	v3 =	vmul.f32 v3, v2;
	_ =	sdelay $0x1  }
0x1bc: {  	v3 =	vmul.f32 v35, v3;
	_ =	sdelay $0x1  }
0x1bd: {  	[tilespmem:s18+$0x7700] =	vst v3  }
0x1be: {  	v3 =	vld [tilespmem:s11+$0x4F10];
	s11 =	sor.u32 $0x5, s20  }
0x1bf: {  	v36 =	vmov s11  }
0x1c0: {  	v37 =	vld [tilespmem:s21+$0x1310];
	v4 =	vshrl.u32 v36, $0x3  }
0x1c1: {  	v4 =	vshll.u32 v4, v1  }
0x1c2: {  	v4 =	vadd.s32 $0x5, v4  }
0x1c3: {  	v3 =	vmul.f32 v3, v2;
	v4 =	vbroadcast v4, $0x0;
	_ =	sdelay $0x1  }
0x1c4: {  	v2 =	vnsel vm0, $0x0, v2;
	v3 =	vmul.f32 v37, v3  }
0x1c5: {  	s21 =	sshll.u32 s11, $0x7;
	[tilespmem:s18+$0x7720] =	vst v2  }
0x1c6: {  	[tilespmem:s18+$0x7710] =	vst v3;
	s18 =	sand.u32 $0x3FFFFE80, s21  }
0x1c7: {  	s28 =	smul.u32 $0x280, s11;
	v3 =	vld [tilespmem:s18+$0x4EA0]  }
0x1c8: {  	v2 =	vld.idx.msk [tilespmem:v4+s15+$0x0], $0xffff  }
0x1c9: {  	s21 =	sshra.s32 s28, $0x2  }
0x1ca: {  	v38 =	vld [tilespmem:s21+$0x12A0];
	_ =	sdelay $0x2  }
0x1cb: {  	v3 =	vmul.f32 v3, v2  }
0x1cc: {  	s11 =	smul.u32 $0x240, s11  }
0x1cd: {  	v3 =	vmul.f32 v38, v3  }
0x1ce: {  	s11 =	sshra.s32 s11, $0x2  }
0x1cf: {  	[tilespmem:s11+$0x76A0] =	vst v3  }
0x1d0: {  	v3 =	vld [tilespmem:s18+$0x4EB0];
	_ =	sdelay $0x1  }
0x1d1: {  	v39 =	vld [tilespmem:s21+$0x12B0];
	_ =	sdelay $0x2  }
0x1d2: {  	v3 =	vmul.f32 v3, v2;
	_ =	sdelay $0x1  }
0x1d3: {  	v3 =	vmul.f32 v39, v3;
	_ =	sdelay $0x1  }
0x1d4: {  	[tilespmem:s11+$0x76B0] =	vst v3  }
0x1d5: {  	v3 =	vld [tilespmem:s18+$0x4EC0];
	_ =	sdelay $0x1  }
0x1d6: {  	v40 =	vld [tilespmem:s21+$0x12C0];
	_ =	sdelay $0x2  }
0x1d7: {  	v3 =	vmul.f32 v3, v2;
	_ =	sdelay $0x1  }
0x1d8: {  	v3 =	vmul.f32 v40, v3;
	_ =	sdelay $0x1  }
0x1d9: {  	[tilespmem:s11+$0x76C0] =	vst v3  }
0x1da: {  	v3 =	vld [tilespmem:s18+$0x4ED0];
	_ =	sdelay $0x1  }
0x1db: {  	v41 =	vld [tilespmem:s21+$0x12D0];
	_ =	sdelay $0x2  }
0x1dc: {  	v3 =	vmul.f32 v3, v2;
	_ =	sdelay $0x1  }
0x1dd: {  	v3 =	vmul.f32 v41, v3;
	_ =	sdelay $0x1  }
0x1de: {  	[tilespmem:s11+$0x76D0] =	vst v3  }
0x1df: {  	v3 =	vld [tilespmem:s18+$0x4EE0];
	_ =	sdelay $0x1  }
0x1e0: {  	v42 =	vld [tilespmem:s21+$0x12E0];
	_ =	sdelay $0x2  }
0x1e1: {  	v3 =	vmul.f32 v3, v2;
	_ =	sdelay $0x1  }
0x1e2: {  	v3 =	vmul.f32 v42, v3;
	_ =	sdelay $0x1  }
0x1e3: {  	[tilespmem:s11+$0x76E0] =	vst v3  }
0x1e4: {  	v3 =	vld [tilespmem:s18+$0x4EF0];
	_ =	sdelay $0x1  }
0x1e5: {  	v43 =	vld [tilespmem:s21+$0x12F0];
	_ =	sdelay $0x2  }
0x1e6: {  	v3 =	vmul.f32 v3, v2;
	_ =	sdelay $0x1  }
0x1e7: {  	v3 =	vmul.f32 v43, v3;
	_ =	sdelay $0x1  }
0x1e8: {  	[tilespmem:s11+$0x76F0] =	vst v3  }
0x1e9: {  	v3 =	vld [tilespmem:s18+$0x4F00];
	_ =	sdelay $0x1  }
0x1ea: {  	v44 =	vld [tilespmem:s21+$0x1300];
	_ =	sdelay $0x2  }
0x1eb: {  	v3 =	vmul.f32 v3, v2;
	_ =	sdelay $0x1  }
0x1ec: {  	v3 =	vmul.f32 v44, v3;
	_ =	sdelay $0x1  }
0x1ed: {  	s28 =	sor.u32 $0x6, s20;
	[tilespmem:s11+$0x7700] =	vst v3  }
0x1ee: {  	v45 =	vmov s28;
	v3 =	vld [tilespmem:s18+$0x4F10]  }
0x1ef: {  	v4 =	vshrl.u32 v45, $0x3  }
0x1f0: {  	v4 =	vshll.u32 v4, v1;
	v46 =	vld [tilespmem:s21+$0x1310]  }
0x1f1: {  	v4 =	vadd.s32 $0x6, v4  }
0x1f2: {  	v4 =	vbroadcast v4, $0x0  }
0x1f3: {  	v3 =	vmul.f32 v3, v2;
	_ =	sdelay $0x1  }
0x1f4: {  	v2 =	vnsel vm0, $0x0, v2;
	v3 =	vmul.f32 v46, v3  }
0x1f5: {  	[tilespmem:s11+$0x7720] =	vst v2  }
0x1f6: {  	s20 =	sshll.u32 s28, $0x7;
	[tilespmem:s11+$0x7710] =	vst v3  }
0x1f7: {  	s11 =	sand.u32 $0x3FFFFF00, s20;
	s20 =	smul.u32 $0x280, s28;
	v2 =	vld.idx.msk [tilespmem:v4+s15+$0x0], $0xffff  }
0x1f8: {  	v3 =	vld [tilespmem:s11+$0x4EA0]  }
0x1f9: {  	s20 =	sshra.s32 s20, $0x2  }
0x1fa: {  	v47 =	vld [tilespmem:s20+$0x12A0];
	_ =	sdelay $0x2  }
0x1fb: {  	v3 =	vmul.f32 v3, v2  }
0x1fc: {  	s18 =	smul.u32 $0x240, s28  }
0x1fd: {  	v3 =	vmul.f32 v47, v3  }
0x1fe: {  	s18 =	sshra.s32 s18, $0x2  }
0x1ff: {  	[tilespmem:s18+$0x76A0] =	vst v3  }
0x200: {  	v3 =	vld [tilespmem:s11+$0x4EB0];
	_ =	sdelay $0x1  }
0x201: {  	v48 =	vld [tilespmem:s20+$0x12B0];
	_ =	sdelay $0x2  }
0x202: {  	v3 =	vmul.f32 v3, v2;
	_ =	sdelay $0x1  }
0x203: {  	v3 =	vmul.f32 v48, v3;
	_ =	sdelay $0x1  }
0x204: {  	[tilespmem:s18+$0x76B0] =	vst v3  }
0x205: {  	v3 =	vld [tilespmem:s11+$0x4EC0];
	_ =	sdelay $0x1  }
0x206: {  	v49 =	vld [tilespmem:s20+$0x12C0];
	_ =	sdelay $0x2  }
0x207: {  	v3 =	vmul.f32 v3, v2;
	_ =	sdelay $0x1  }
0x208: {  	v3 =	vmul.f32 v49, v3;
	_ =	sdelay $0x1  }
0x209: {  	[tilespmem:s18+$0x76C0] =	vst v3  }
0x20a: {  	v3 =	vld [tilespmem:s11+$0x4ED0];
	_ =	sdelay $0x1  }
0x20b: {  	v50 =	vld [tilespmem:s20+$0x12D0];
	_ =	sdelay $0x2  }
0x20c: {  	v3 =	vmul.f32 v3, v2;
	_ =	sdelay $0x1  }
0x20d: {  	v3 =	vmul.f32 v50, v3;
	_ =	sdelay $0x1  }
0x20e: {  	[tilespmem:s18+$0x76D0] =	vst v3  }
0x20f: {  	v3 =	vld [tilespmem:s11+$0x4EE0];
	_ =	sdelay $0x1  }
0x210: {  	v51 =	vld [tilespmem:s20+$0x12E0];
	_ =	sdelay $0x2  }
0x211: {  	v3 =	vmul.f32 v3, v2;
	_ =	sdelay $0x1  }
0x212: {  	v3 =	vmul.f32 v51, v3;
	_ =	sdelay $0x1  }
0x213: {  	[tilespmem:s18+$0x76E0] =	vst v3  }
0x214: {  	v3 =	vld [tilespmem:s11+$0x4EF0];
	_ =	sdelay $0x1  }
0x215: {  	v52 =	vld [tilespmem:s20+$0x12F0];
	_ =	sdelay $0x2  }
0x216: {  	v3 =	vmul.f32 v3, v2;
	_ =	sdelay $0x1  }
0x217: {  	v3 =	vmul.f32 v52, v3;
	_ =	sdelay $0x1  }
0x218: {  	[tilespmem:s18+$0x76F0] =	vst v3  }
0x219: {  	v3 =	vld [tilespmem:s11+$0x4F00];
	_ =	sdelay $0x1  }
0x21a: {  	v53 =	vld [tilespmem:s20+$0x1300];
	_ =	sdelay $0x2  }
0x21b: {  	v3 =	vmul.f32 v3, v2;
	_ =	sdelay $0x1  }
0x21c: {  	v3 =	vmul.f32 v53, v3;
	_ =	sdelay $0x1  }
0x21d: {  	[tilespmem:s18+$0x7700] =	vst v3  }
0x21e: {  	v3 =	vld [tilespmem:s11+$0x4F10];
	s11 =	sshllo.u32 s13, $0x3  }
0x21f: {  	v54 =	vmov s11  }
0x220: {  	v55 =	vld [tilespmem:s20+$0x1310];
	v4 =	vshrl.u32 v54, $0x3  }
0x221: {  	v4 =	vshll.u32 v4, v1  }
0x222: {  	v4 =	vadd.s32 $0x7, v4  }
0x223: {  	v3 =	vmul.f32 v3, v2;
	v4 =	vbroadcast v4, $0x0;
	_ =	sdelay $0x1  }
0x224: {  	v2 =	vnsel vm0, $0x0, v2;
	v3 =	vmul.f32 v55, v3  }
0x225: {  	s21 =	sshll.u32 s11, $0x7;
	[tilespmem:s18+$0x7720] =	vst v2  }
0x226: {  	[tilespmem:s18+$0x7710] =	vst v3;
	s18 =	sand.u32 $0x3FFFFF80, s21  }
0x227: {  	s28 =	smul.u32 $0x280, s11;
	v3 =	vld [tilespmem:s18+$0x4EA0]  }
0x228: {  	v2 =	vld.idx.msk [tilespmem:v4+s15+$0x0], $0xffff  }
0x229: {  	s20 =	sshra.s32 s28, $0x2  }
0x22a: {  	v56 =	vld [tilespmem:s20+$0x12A0];
	_ =	sdelay $0x2  }
0x22b: {  	v3 =	vmul.f32 v3, v2  }
0x22c: {  	s11 =	smul.u32 $0x240, s11  }
0x22d: {  	v3 =	vmul.f32 v56, v3  }
0x22e: {  	s11 =	sshra.s32 s11, $0x2  }
0x22f: {  	[tilespmem:s11+$0x76A0] =	vst v3  }
0x230: {  	v3 =	vld [tilespmem:s18+$0x4EB0];
	_ =	sdelay $0x1  }
0x231: {  	v57 =	vld [tilespmem:s20+$0x12B0];
	_ =	sdelay $0x2  }
0x232: {  	v3 =	vmul.f32 v3, v2;
	_ =	sdelay $0x1  }
0x233: {  	v3 =	vmul.f32 v57, v3;
	_ =	sdelay $0x1  }
0x234: {  	[tilespmem:s11+$0x76B0] =	vst v3  }
0x235: {  	v3 =	vld [tilespmem:s18+$0x4EC0];
	_ =	sdelay $0x1  }
0x236: {  	v58 =	vld [tilespmem:s20+$0x12C0];
	_ =	sdelay $0x2  }
0x237: {  	v3 =	vmul.f32 v3, v2;
	_ =	sdelay $0x1  }
0x238: {  	v3 =	vmul.f32 v58, v3;
	_ =	sdelay $0x1  }
0x239: {  	[tilespmem:s11+$0x76C0] =	vst v3  }
0x23a: {  	v3 =	vld [tilespmem:s18+$0x4ED0];
	_ =	sdelay $0x1  }
0x23b: {  	v59 =	vld [tilespmem:s20+$0x12D0];
	_ =	sdelay $0x2  }
0x23c: {  	v3 =	vmul.f32 v3, v2;
	_ =	sdelay $0x1  }
0x23d: {  	v3 =	vmul.f32 v59, v3;
	_ =	sdelay $0x1  }
0x23e: {  	[tilespmem:s11+$0x76D0] =	vst v3  }
0x23f: {  	v3 =	vld [tilespmem:s18+$0x4EE0];
	_ =	sdelay $0x1  }
0x240: {  	v60 =	vld [tilespmem:s20+$0x12E0];
	_ =	sdelay $0x2  }
0x241: {  	v3 =	vmul.f32 v3, v2;
	_ =	sdelay $0x1  }
0x242: {  	v3 =	vmul.f32 v60, v3;
	_ =	sdelay $0x1  }
0x243: {  	[tilespmem:s11+$0x76E0] =	vst v3  }
0x244: {  	v3 =	vld [tilespmem:s18+$0x4EF0];
	_ =	sdelay $0x1  }
0x245: {  	v61 =	vld [tilespmem:s20+$0x12F0];
	_ =	sdelay $0x2  }
0x246: {  	v3 =	vmul.f32 v3, v2;
	_ =	sdelay $0x1  }
0x247: {  	v3 =	vmul.f32 v61, v3;
	_ =	sdelay $0x1  }
0x248: {  	[tilespmem:s11+$0x76F0] =	vst v3  }
0x249: {  	v3 =	vld [tilespmem:s18+$0x4F00];
	_ =	sdelay $0x1  }
0x24a: {  	v62 =	vld [tilespmem:s20+$0x1300];
	_ =	sdelay $0x2  }
0x24b: {  	v3 =	vmul.f32 v3, v2;
	_ =	sdelay $0x1  }
0x24c: {  	v3 =	vmul.f32 v62, v3;
	_ =	sdelay $0x1  }
0x24d: {  	[tilespmem:s11+$0x7700] =	vst v3  }
0x24e: {  	v3 =	vld [tilespmem:s18+$0x4F10];
	_ =	sdelay $0x1  }
0x24f: {  	v63 =	vld [tilespmem:s20+$0x1310];
	_ =	sdelay $0x1  }
0x250: {  	p0 =	sne.s32 s13, $0x4  }
.Ltmp1:
0x251: {  	v3 =	vmul.f32 v3, v2;
	(pc) =	sbr.rel @p0 .LBB2_5-.Ltmp1, $4  }
0x252: {  	_ = 	snop  }
0x253: {  	v2 =	vnsel vm0, $0x0, v2;
	v3 =	vmul.f32 v63, v3  }
0x254: {  	[tilespmem:s11+$0x7720] =	vst v2  }
0x255: {  	s13 =	sadd.s32 $0x1, s13;
	[tilespmem:s11+$0x7710] =	vst v3  }
0x256: {  	s20 =	sshll.u32 s19, $0x1  }
0x257: {  	[spmem:s2] =	stream.indirect.scatter.add.f32 [tilespmem:s16], [sflag:$0x3], $0x90, s23, s23, $0xb8;
	[tilespmem:$0x1ECE0] =	vst v63  }
0x258: {  	s11 =	smin.u32 s20, $0xF7  }
0x259: {  	s11 =	sadd.s32 $0x2, s11  }
0x25a: {  	s13 =	smul.u32 $0x50, s11  }
0x25b: {  	_ =	swait.ge [sflag:s22], $0x1680  }
0x25c: {  	[sflag:s22] =	ssyncset.done $0x0;
	s13 =	sadd.s32 s10, s13  }
0x25d: {  	[sflag:s22] =	ssyncadd.s32 $0xFFFFE980;
	s13 =	sshrl.u32 s13, $0x3  }
0x25e: {  	s11 =	smul.u32 $0x28, s11;
	s18 =	sadd.s32 s1, s13;
	s13 =	simm.s32 $0x0  }
0x25f: {  	[tilespmem:s13], [sflag:$0x3] =	stream.linear.gather [hbm4b:s18+s13], $0x50, $0x38;
	[tilespmem:$0x1ECE0] =	vst v63  }
0x260: {  	_ =	swait.ge [sflag:s22], $0x50  }
0x261: {  	s11 =	sadd.s32 s12, s11;
	[sflag:s22] =	ssyncset.done $0x0  }
0x262: {  	s21 =	sshll.u32 s11, $0x1;
	[sflag:s22] =	ssyncadd.s32 $0xFFFFFFB0  }
0x263: {  	[tilespmem:s24], [sflag:$0x1] =	stream.indirect.gather [hbm4b:s6+s23], $0xA0, s13, s23, $0xb8;
	[tilespmem:$0x1ECE0] =	vst v63  }
0x264: {  	s11 =	sshll.u32 s11, $0x4;
	s18 =	sand.u32 $0x1FFFF0, s21  }
0x265: {  	[tilespmem:s25], [sflag:$0x1] =	stream.indirect.gather [hbm4b:s7+s23], $0x20, s23, s23, $0xb8;
	[tilespmem:$0x1ECE0] =	vst v63  }
0x266: {  	s11 =	sand.u32 $0xFFFF80, s11;
	s18 =	sadd.s32 s5, s18  }
0x267: {  	[tilespmem:s26], [sflag:$0x1] =	stream.linear.gather [hbm4b:s18+s13], $0x280, $0x38;
	[tilespmem:$0x1ECE0] =	vst v63  }
0x268: {  	s28 =	simm.s32 $0x4EA0;
	s11 =	sadd.s32 s8, s11  }
0x269: {  	[tilespmem:s28], [sflag:$0x1] =	stream.linear.gather [hbm4b:s11+s13], $0x1400, $0x38;
	[tilespmem:$0x1ECE0] =	vst v63  }
0x26a: {  	_ =	swait.ge [sflag:s17], $0x1900  }
0x26b: {  	[sflag:s17] =	ssyncset.done $0x0  }
0x26c: {  	[sflag:s17] =	ssyncadd.s32 $0xFFFFE700  }
0x26d: {  	_ =	swait.ge [sflag:s17], $0x500  }
0x26e: {  	[sflag:s17] =	ssyncset.done $0x0  }
0x26f: {  	[sflag:s17] =	ssyncadd.s32 $0xFFFFFB00  }
0x270: {  	v3 =	vor.u32 s13, v0;
	_ =	swait.ge [sflag:s17], $0x280  }
0x271: {  	v4 =	vshll.u32 v3, $0x4;
	v2 =	vmul.u32 $0xA0, v3;
	[sflag:s17] =	ssyncset.done $0x0  }
0x272: {  	v5 =	vor.u32 $0x1, v4;
	[sflag:s17] =	ssyncadd.s32 $0xFFFFFD80  }
0x273: {  	v6 =	vadd.s32 $0x82, v2;
	_ =	swait.ge [sflag:s17], $0x1400  }
0x274: {  	v7 =	vadd.s32 $0x83, v2;
	[sflag:s17] =	ssyncset.done $0x0  }
0x275: {  	v8 =	vadd.s32 $0x84, v2;
	[sflag:s17] =	ssyncadd.s32 $0xFFFFEC00  }
0x276: {  	v10 =	vadd.s32 $0x85, v2;
	v9 =	vld.idx.msk [tilespmem:v4+s3+$0x0], $0xffff  }
0x277: {  	v11 =	vor.u32 $0x4, v4;
	v5 =	vld.idx.msk [tilespmem:v5+s3+$0x0], $0xffff  }
0x278: {  	v12 =	vor.u32 $0x3, v4;
	v6 =	vld.idx.msk [tilespmem:v6+s30+$0x0], $0xffff  }
0x279: {  	v3 =	vshll.u32 v3, $0x5;
	v13 =	vor.u32 $0x2, v4;
	v7 =	vld.idx.msk [tilespmem:v7+s30+$0x0], $0xffff  }
0x27a: {  	v14 =	vor.u32 $0x3, v3;
	v8 =	vld.idx.msk [tilespmem:v8+s30+$0x0], $0xffff  }
0x27b: {  	v15 =	vor.u32 $0x1, v3;
	v10 =	vld.idx.msk [tilespmem:v10+s30+$0x0], $0xffff  }
0x27c: {  	v16 =	vor.u32 $0x4, v3;
	v11 =	vld.idx.msk [tilespmem:v11+s3+$0x0], $0xffff  }
0x27d: {  	v17 =	vadd.s32 $0x81, v2;
	v12 =	vld.idx.msk [tilespmem:v12+s3+$0x0], $0xffff  }
0x27e: {  	v18 =	vor.u32 $0x5, v3;
	v13 =	vld.idx.msk [tilespmem:v13+s3+$0x0], $0xffff  }
0x27f: {  	v14 =	vld.idx.msk [tilespmem:v14+s0+$0x0], $0xffff  }
0x280: {  	v19 =	vor.u32 $0x6, v3;
	v15 =	vld.idx.msk [tilespmem:v15+s0+$0x0], $0xffff  }
0x281: {  	v20 =	vadd.s32 $0x80, v2;
	v16 =	vld.idx.msk [tilespmem:v16+s0+$0x0], $0xffff  }
0x282: {  	v21 =	vor.u32 $0x5, v4;
	v17 =	vld.idx.msk [tilespmem:v17+s30+$0x0], $0xffff  }
0x283: {  	v22 =	vadd.s32 $0x86, v2;
	v18 =	vld.idx.msk [tilespmem:v18+s0+$0x0], $0xffff  }
0x284: {  	v23 =	vor.u32 $0x6, v4;
	v24 =	vld.idx.msk [tilespmem:v3+s0+$0x0], $0xffff  }
0x285: {  	v25 =	vor.u32 $0x2, v3;
	v19 =	vld.idx.msk [tilespmem:v19+s0+$0x0], $0xffff  }
0x286: {  	v26 =	vor.u32 $0xF, v3;
	v20 =	vld.idx.msk [tilespmem:v20+s30+$0x0], $0xffff  }
0x287: {  	v27 =	vor.u32 $0xE, v3;
	v21 =	vld.idx.msk [tilespmem:v21+s3+$0x0], $0xffff  }
0x288: {  	v29 =	vor.u32 $0xB, v4;
	v22 =	vld.idx.msk [tilespmem:v22+s30+$0x0], $0xffff  }
0x289: {  	v30 =	vor.u32 $0xB, v3;
	v23 =	vld.idx.msk [tilespmem:v23+s3+$0x0], $0xffff  }
0x28a: {  	v31 =	vor.u32 $0xA, v3;
	v25 =	vld.idx.msk [tilespmem:v25+s0+$0x0], $0xffff  }
0x28b: {  	v62 =	vor.u32 $0x9, v3;
	v26 =	vld.idx.msk [tilespmem:v26+s0+$0x0], $0xffff;
	v20 =	vadd.f32 v20, v24  }
0x28c: {  	v32 =	vor.u32 $0x8, v3;
	v27 =	vld.idx.msk [tilespmem:v27+s0+$0x0], $0xffff  }
0x28d: {  	v63 =	vor.u32 $0x7, v3;
	v29 =	vld.idx.msk [tilespmem:v29+s3+$0x0], $0xffff;
	v15 =	vadd.f32 v17, v15;
	v9 =	vmul.f32 v20, v9  }
0x28e: {  	v35 =	vor.u32 $0x7, v4;
	v33 =	vadd.s32 $0x87, v2;
	v34 =	vld.idx.msk [tilespmem:v30+s0+$0x0], $0xffff  }
0x28f: {  	v31 =	vld.idx.msk [tilespmem:v31+s0+$0x0], $0xffff;
	v6 =	vadd.f32 v6, v25;
	v5 =	vmul.f32 v15, v5;
	v9 =	vadd.f32 $0.0e+00, v9  }
0x290: {  	v51 =	vor.u32 $0xD, v3;
	v36 =	vadd.s32 $0x88, v2;
	v37 =	vld.idx.msk [tilespmem:v62+s0+$0x0], $0xffff  }
0x291: {  	v40 =	vld.idx.msk [tilespmem:v32+s0+$0x0], $0xffff;
	v7 =	vadd.f32 v7, v14;
	v6 =	vmul.f32 v6, v13;
	v5 =	vadd.f32 v5, v9  }
0x292: {  	v38 =	vor.u32 $0x8, v4;
	v39 =	vadd.s32 $0x89, v2;
	v41 =	vld.idx.msk [tilespmem:v63+s0+$0x0], $0xffff  }
0x293: {  	v43 =	vld.idx.msk [tilespmem:v33+s30+$0x0], $0xffff;
	v8 =	vadd.f32 v8, v16;
	v7 =	vmul.f32 v7, v12;
	v5 =	vadd.f32 v6, v5  }
0x294: {  	v42 =	vadd.s32 $0x8A, v2;
	v44 =	vld.idx.msk [tilespmem:v35+s3+$0x0], $0xffff;
	v10 =	vadd.f32 v10, v18  }
0x295: {  	v46 =	vld.idx.msk [tilespmem:v36+s30+$0x0], $0xffff;
	v8 =	vmul.f32 v8, v11;
	v6 =	vor.u32 $0x9, v4;
	v5 =	vadd.f32 v7, v5  }
0x296: {  	v45 =	vadd.s32 $0x8B, v2;
	v58 =	vld.idx.msk [tilespmem:v51+s0+$0x0], $0xffff;
	v19 =	vadd.f32 v22, v19  }
0x297: {  	v10 =	vmul.f32 v10, v21;
	v13 =	vld.idx.msk [tilespmem:v39+s30+$0x0], $0xffff;
	v7 =	vor.u32 $0xA, v4;
	v5 =	vadd.f32 v8, v5  }
0x298: {  	v48 =	vor.u32 $0xC, v3;
	v47 =	vadd.s32 $0x8C, v2;
	v9 =	vld.idx.msk [tilespmem:v38+s3+$0x0], $0xffff  }
0x299: {  	v49 =	vadd.f32 v43, v41;
	v16 =	vld.idx.msk [tilespmem:v42+s30+$0x0], $0xffff;
	v19 =	vmul.f32 v19, v23;
	v5 =	vadd.f32 v10, v5  }
0x29a: {  	v28 =	vor.u32 $0xC, v4;
	v50 =	vadd.s32 $0x8D, v2;
	v6 =	vld.idx.msk [tilespmem:v6+s3+$0x0], $0xffff  }
0x29b: {  	v52 =	vadd.f32 v46, v40;
	v18 =	vld.idx.msk [tilespmem:v45+s30+$0x0], $0xffff;
	v10 =	vmul.f32 v49, v44;
	v5 =	vadd.f32 v19, v5  }
0x29c: {  	v53 =	vor.u32 $0xD, v4;
	v54 =	vadd.s32 $0x8E, v2;
	v7 =	vld.idx.msk [tilespmem:v7+s3+$0x0], $0xffff  }
0x29d: {  	v21 =	vld.idx.msk [tilespmem:v48+s0+$0x0], $0xffff;
	v55 =	vadd.f32 v13, v37;
	v9 =	vmul.f32 v52, v9;
	v5 =	vadd.f32 v10, v5  }
0x29e: {  	v56 =	vor.u32 $0xE, v4;
	v57 =	vadd.s32 $0x8F, v2;
	v8 =	vld.idx.msk [tilespmem:v47+s30+$0x0], $0xffff  }
0x29f: {  	v60 =	vld.idx.msk [tilespmem:v50+s30+$0x0], $0xffff;
	v59 =	vadd.f32 v16, v31;
	v6 =	vmul.f32 v55, v6;
	v5 =	vadd.f32 v9, v5  }
0x2a0: {  	v17 =	vld.idx.msk [tilespmem:v28+s3+$0x0], $0xffff;
	v4 =	vor.u32 $0xF, v4  }
0x2a1: {  	v61 =	vld.idx.msk [tilespmem:v53+s3+$0x0], $0xffff;
	v5 =	vadd.f32 v6, v5;
	v6 =	vmul.f32 v59, v7;
	v7 =	vadd.f32 v18, v34  }
0x2a2: {  	v62 =	vld.idx.msk [tilespmem:v54+s30+$0x0], $0xffff  }
0x2a3: {  	v63 =	vld.idx.msk [tilespmem:v57+s30+$0x0], $0xffff;
	v5 =	vadd.f32 v6, v5;
	v6 =	vmul.f32 v7, v29;
	v7 =	vadd.f32 v8, v21  }
0x2a4: {  	v3 =	vor.u32 $0x10, v3;
	v11 =	vld.idx.msk [tilespmem:v56+s3+$0x0], $0xffff  }
0x2a5: {  	v5 =	vadd.f32 v6, v5;
	v6 =	vmul.f32 v7, v17;
	v7 =	vadd.f32 v60, v58  }
0x2a6: {  	v2 =	vadd.s32 $0x90, v2;
	v4 =	vld.idx.msk [tilespmem:v4+s3+$0x0], $0xffff  }
0x2a7: {  	v5 =	vadd.f32 v6, v5;
	v6 =	vmul.f32 v7, v61;
	v7 =	vadd.f32 v62, v27;
	_ =	sdelay $0x1  }
0x2a8: {  	v5 =	vadd.f32 v6, v5;
	v6 =	vmul.f32 v7, v11;
	v7 =	vadd.f32 v63, v26  }
0x2a9: {  	v3 =	vld.idx.msk [tilespmem:v3+s0+$0x0], $0xffff  }
0x2aa: {  	v5 =	vadd.f32 v6, v5;
	v4 =	vmul.f32 v7, v4  }
0x2ab: {  	v2 =	vld.idx.msk [tilespmem:v2+s30+$0x0], $0xffff  }
0x2ac: {  	v4 =	vadd.f32 v4, v5;
	_ =	sdelay $0x1  }
0x2ad: {  	v3 =	vadd.f32 v4, v3;
	_ =	sdelay $0x1  }
0x2ae: {  	v2 =	vadd.f32 v3, v2;
	_ =	sdelay $0x1  }
0x2af: {  	v3 =	vmul.f32 $1.442695020e+00, v2;
	_ =	sdelay $0x1  }
0x2b0: {  	(erf) = vpow2.f32 v3;
	_ =	sdelay $0x8  }
0x2b1: {  	v3 =	vpop (erf)  }
0x2b2: {  	s21 =	simm.s32 $0x8D20;
	s18 =	simm.s32 $0x10;
	s11 =	simm.s32 $0x8D20;
	v4 =	vadd.f32 $-1.000000000e+00, v3  }
.LBB2_7:
0x2b3: {  	p0 =	sne.s32 s18, $0x20  }
0x2b4: {  	s21 =	sadd.s32 $0x10, s21;
	s28 =	smov.u32 s18;
	s18 =	sadd.s32 $0x10, s18  }
0x2b5: {  	v4 =	vmul.f32 $1.442695020e+00, v4;
	_ =	sdelay $0x1  }
0x2b6: {  	(erf) = vpow2.f32 v4;
	_ =	sdelay $0x5  }
0x2b7: {  	vm1 =	vgt.f32 v2, $0.0e+00;
	v4 =	vor.u32 s28, v0  }
0x2b8: {  	v2 =	vshll.u32 v4, $0x4;
	v5 =	vshll.u32 v4, $0x5;
	v4 =	vmul.u32 $0xA0, v4  }
0x2b9: {  	v6 =	vor.u32 $0x1, v2;
	v7 =	vor.u32 $0x1, v5;
	v8 =	vor.u32 $0x6, v2  }
0x2ba: {  	v9 =	vadd.s32 $0x80, v4;
	v10 =	vadd.s32 $0x81, v4;
	v11 =	vadd.s32 $0x82, v4;
	v12 =	vpop (erf)  }
0x2bb: {  	v13 =	vor.u32 $0x2, v2;
	v14 =	vadd.s32 $0x83, v4;
	v3 =	vsel vm1, v3, v12  }
0x2bc: {  	v15 =	vor.u32 $0x4, v5;
	v16 =	vadd.s32 $0x84, v4;
	v12 =	vor.u32 $0x3, v2;
	[tilespmem:s11+$0x0] =	vst v3;
	s11 =	smov.u32 s21  }
0x2bd: {  	v17 =	vor.u32 $0x4, v2;
	v18 =	vor.u32 $0x5, v5;
	v19 =	vadd.s32 $0x85, v4;
	v3 =	vld.idx.msk [tilespmem:v2+s3+$0x0], $0xffff  }
0x2be: {  	v20 =	vor.u32 $0x5, v2;
	v21 =	vor.u32 $0x6, v5;
	v22 =	vadd.s32 $0x86, v4;
	v6 =	vld.idx.msk [tilespmem:v6+s3+$0x0], $0xffff  }
0x2bf: {  	v23 =	vor.u32 $0x2, v5;
	v24 =	vor.u32 $0x7, v5;
	v25 =	vadd.s32 $0x87, v4;
	v11 =	vld.idx.msk [tilespmem:v11+s30+$0x0], $0xffff  }
0x2c0: {  	v26 =	vor.u32 $0x3, v5;
	v27 =	vor.u32 $0x7, v2;
	v28 =	vadd.s32 $0x88, v4;
	v14 =	vld.idx.msk [tilespmem:v14+s30+$0x0], $0xffff  }
0x2c1: {  	v29 =	vor.u32 $0x8, v2;
	v30 =	vor.u32 $0x8, v5;
	v31 =	vadd.s32 $0x89, v4;
	v16 =	vld.idx.msk [tilespmem:v16+s30+$0x0], $0xffff  }
0x2c2: {  	v32 =	vor.u32 $0x9, v2;
	v33 =	vor.u32 $0x9, v5;
	v34 =	vadd.s32 $0x8A, v4;
	v19 =	vld.idx.msk [tilespmem:v19+s30+$0x0], $0xffff  }
0x2c3: {  	v35 =	vor.u32 $0xA, v2;
	v36 =	vor.u32 $0xA, v5;
	v37 =	vadd.s32 $0x8B, v4;
	v17 =	vld.idx.msk [tilespmem:v17+s3+$0x0], $0xffff  }
0x2c4: {  	v38 =	vor.u32 $0xB, v2;
	v39 =	vor.u32 $0xB, v5;
	v40 =	vadd.s32 $0x8C, v4;
	v12 =	vld.idx.msk [tilespmem:v12+s3+$0x0], $0xffff  }
0x2c5: {  	v41 =	vor.u32 $0xC, v2;
	v42 =	vor.u32 $0xC, v5;
	v43 =	vadd.s32 $0x8D, v4;
	v13 =	vld.idx.msk [tilespmem:v13+s3+$0x0], $0xffff  }
0x2c6: {  	v44 =	vor.u32 $0xD, v2;
	v45 =	vor.u32 $0xD, v5;
	v46 =	vadd.s32 $0x8E, v4;
	v26 =	vld.idx.msk [tilespmem:v26+s0+$0x0], $0xffff  }
0x2c7: {  	v47 =	vor.u32 $0xE, v2;
	v48 =	vor.u32 $0xE, v5;
	v49 =	vadd.s32 $0x8F, v4;
	v7 =	vld.idx.msk [tilespmem:v7+s0+$0x0], $0xffff  }
0x2c8: {  	v50 =	vor.u32 $0xF, v5;
	v51 =	vor.u32 $0x10, v5;
	v2 =	vor.u32 $0xF, v2;
	v15 =	vld.idx.msk [tilespmem:v15+s0+$0x0], $0xffff  }
0x2c9: {  	v4 =	vadd.s32 $0x90, v4;
	v10 =	vld.idx.msk [tilespmem:v10+s30+$0x0], $0xffff  }
0x2ca: {  	v18 =	vld.idx.msk [tilespmem:v18+s0+$0x0], $0xffff  }
0x2cb: {  	v5 =	vld.idx.msk [tilespmem:v5+s0+$0x0], $0xffff  }
0x2cc: {  	v21 =	vld.idx.msk [tilespmem:v21+s0+$0x0], $0xffff  }
0x2cd: {  	v9 =	vld.idx.msk [tilespmem:v9+s30+$0x0], $0xffff  }
0x2ce: {  	v20 =	vld.idx.msk [tilespmem:v20+s3+$0x0], $0xffff  }
0x2cf: {  	v7 =	vadd.f32 v10, v7;
	v10 =	vadd.f32 v14, v26;
	v14 =	vld.idx.msk [tilespmem:v22+s30+$0x0], $0xffff  }
0x2d0: {  	v8 =	vld.idx.msk [tilespmem:v8+s3+$0x0], $0xffff  }
0x2d1: {  	v6 =	vmul.f32 v7, v6;
	v10 =	vmul.f32 v10, v12;
	v12 =	vadd.f32 v16, v15;
	v7 =	vld.idx.msk [tilespmem:v23+s0+$0x0], $0xffff  }
0x2d2: {  	v15 =	vld.idx.msk [tilespmem:v50+s0+$0x0], $0xffff  }
0x2d3: {  	v5 =	vadd.f32 v9, v5;
	v9 =	vmul.f32 v12, v17;
	v12 =	vadd.f32 v19, v18;
	v16 =	vld.idx.msk [tilespmem:v48+s0+$0x0], $0xffff  }
0x2d4: {  	v17 =	vld.idx.msk [tilespmem:v41+s3+$0x0], $0xffff  }
0x2d5: {  	v3 =	vmul.f32 v5, v3;
	v5 =	vmul.f32 v12, v20;
	v12 =	vadd.f32 v14, v21;
	v14 =	vld.idx.msk [tilespmem:v38+s3+$0x0], $0xffff  }
0x2d6: {  	v18 =	vld.idx.msk [tilespmem:v39+s0+$0x0], $0xffff  }
0x2d7: {  	v3 =	vadd.f32 $0.0e+00, v3;
	v7 =	vadd.f32 v11, v7;
	v8 =	vmul.f32 v12, v8;
	v11 =	vld.idx.msk [tilespmem:v36+s0+$0x0], $0xffff  }
0x2d8: {  	v12 =	vld.idx.msk [tilespmem:v33+s0+$0x0], $0xffff  }
0x2d9: {  	v3 =	vadd.f32 v6, v3;
	v6 =	vmul.f32 v7, v13;
	v7 =	vld.idx.msk [tilespmem:v30+s0+$0x0], $0xffff  }
0x2da: {  	v13 =	vld.idx.msk [tilespmem:v24+s0+$0x0], $0xffff  }
0x2db: {  	v3 =	vadd.f32 v6, v3;
	v6 =	vld.idx.msk [tilespmem:v25+s30+$0x0], $0xffff  }
0x2dc: {  	v19 =	vld.idx.msk [tilespmem:v27+s3+$0x0], $0xffff  }
0x2dd: {  	v3 =	vadd.f32 v10, v3;
	v10 =	vld.idx.msk [tilespmem:v28+s30+$0x0], $0xffff  }
0x2de: {  	v20 =	vld.idx.msk [tilespmem:v29+s3+$0x0], $0xffff  }
0x2df: {  	v3 =	vadd.f32 v9, v3;
	v9 =	vld.idx.msk [tilespmem:v31+s30+$0x0], $0xffff  }
0x2e0: {  	v21 =	vld.idx.msk [tilespmem:v32+s3+$0x0], $0xffff  }
0x2e1: {  	v3 =	vadd.f32 v5, v3;
	v5 =	vadd.f32 v6, v13;
	v6 =	vld.idx.msk [tilespmem:v34+s30+$0x0], $0xffff  }
0x2e2: {  	v13 =	vld.idx.msk [tilespmem:v35+s3+$0x0], $0xffff  }
0x2e3: {  	v3 =	vadd.f32 v8, v3;
	v5 =	vmul.f32 v5, v19;
	v7 =	vadd.f32 v10, v7;
	v8 =	vld.idx.msk [tilespmem:v37+s30+$0x0], $0xffff  }
0x2e4: {  	v10 =	vld.idx.msk [tilespmem:v42+s0+$0x0], $0xffff  }
0x2e5: {  	v3 =	vadd.f32 v5, v3;
	v5 =	vmul.f32 v7, v20;
	v7 =	vadd.f32 v9, v12;
	v9 =	vld.idx.msk [tilespmem:v40+s30+$0x0], $0xffff  }
0x2e6: {  	v12 =	vld.idx.msk [tilespmem:v45+s0+$0x0], $0xffff  }
0x2e7: {  	v3 =	vadd.f32 v5, v3;
	v5 =	vmul.f32 v7, v21;
	v6 =	vadd.f32 v6, v11;
	v7 =	vld.idx.msk [tilespmem:v43+s30+$0x0], $0xffff  }
0x2e8: {  	v11 =	vld.idx.msk [tilespmem:v44+s3+$0x0], $0xffff  }
0x2e9: {  	v3 =	vadd.f32 v5, v3;
	v5 =	vmul.f32 v6, v13;
	v6 =	vadd.f32 v8, v18;
	v8 =	vld.idx.msk [tilespmem:v46+s30+$0x0], $0xffff  }
0x2ea: {  	v13 =	vld.idx.msk [tilespmem:v47+s3+$0x0], $0xffff  }
0x2eb: {  	v3 =	vadd.f32 v5, v3;
	v5 =	vmul.f32 v6, v14;
	v6 =	vadd.f32 v9, v10;
	v9 =	vld.idx.msk [tilespmem:v49+s30+$0x0], $0xffff;
	_ =	sdelay $0x1  }
0x2ec: {  	v3 =	vadd.f32 v5, v3;
	v5 =	vmul.f32 v6, v17;
	v6 =	vadd.f32 v7, v12;
	v2 =	vld.idx.msk [tilespmem:v2+s3+$0x0], $0xffff;
	_ =	sdelay $0x1  }
0x2ed: {  	v3 =	vadd.f32 v5, v3;
	v5 =	vmul.f32 v6, v11;
	v6 =	vadd.f32 v8, v16;
	_ =	sdelay $0x1  }
0x2ee: {  	v3 =	vadd.f32 v5, v3;
	v5 =	vmul.f32 v6, v13;
	v6 =	vadd.f32 v9, v15;
	v7 =	vld.idx.msk [tilespmem:v51+s0+$0x0], $0xffff;
	_ =	sdelay $0x1  }
0x2ef: {  	v3 =	vadd.f32 v5, v3;
	v2 =	vmul.f32 v6, v2;
	v4 =	vld.idx.msk [tilespmem:v4+s30+$0x0], $0xffff;
	_ =	sdelay $0x1  }
0x2f0: {  	v2 =	vadd.f32 v2, v3;
	_ =	sdelay $0x1  }
0x2f1: {  	v2 =	vadd.f32 v2, v7;
	_ =	sdelay $0x1  }
0x2f2: {  	v2 =	vadd.f32 v2, v4;
	_ =	sdelay $0x1  }
0x2f3: {  	v3 =	vmul.f32 $1.442695020e+00, v2;
	_ =	sdelay $0x1  }
0x2f4: {  	(erf) = vpow2.f32 v3;
	_ =	sdelay $0x5  }
.Ltmp2:
0x2f5: {  	(pc) =	sbr.rel @p0 .LBB2_7-.Ltmp2, $3  }
0x2f6: {  	_ =	sdelay $0x1  }
0x2f7: {  	v3 =	vpop (erf)  }
0x2f8: {  	v4 =	vadd.f32 $-1.000000000e+00, v3  }
0x2f9: {  	_ = 	snop  }
0x2fa: {  	v4 =	vmul.f32 $1.442695020e+00, v4;
	_ =	sdelay $0x1  }
0x2fb: {  	(erf) = vpow2.f32 v4;
	_ =	sdelay $0x8  }
0x2fc: {  	vm1 =	vgt.f32 v2, $0.0e+00;
	v2 =	vpop (erf)  }
0x2fd: {  	v2 =	vsel vm1, v3, v2  }
0x2fe: {  	[tilespmem:s11+$0x0] =	vst v2  }
.LBB2_9:
0x2ff: {  	s11 =	sshll.u32 s13, $0x3  }
0x300: {  	v2 =	vmov s11  }
0x301: {  	v2 =	vshrl.u32 v2, $0x3  }
0x302: {  	v2 =	vshll.u32 v2, v1  }
0x303: {  	v2 =	vbroadcast v2, $0x0;
	_ =	sdelay $0x2  }
0x304: {  	s18 =	sshll.u32 s13, $0xA  }
0x305: {  	s18 =	sand.u32 $0x3FFFFC00, s18  }
0x306: {  	s21 =	smul.u32 $0x1400, s13;
	v3 =	vld [tilespmem:s18+$0x62A0]  }
0x307: {  	v2 =	vld.idx.msk [tilespmem:v2+s15+$0x0], $0xffff  }
0x308: {  	s21 =	sshra.s32 s21, $0x2  }
0x309: {  	v4 =	vld [tilespmem:s21+$0x30A0];
	_ =	sdelay $0x2  }
0x30a: {  	v3 =	vmul.f32 v3, v2  }
0x30b: {  	s28 =	smul.u32 $0x1200, s13  }
0x30c: {  	v3 =	vmul.f32 v4, v3  }
0x30d: {  	s28 =	sshra.s32 s28, $0x2  }
0x30e: {  	[tilespmem:s28+$0x76A0] =	vst v3  }
0x30f: {  	v3 =	vld [tilespmem:s18+$0x62B0];
	_ =	sdelay $0x1  }
0x310: {  	v51 =	vld [tilespmem:s21+$0x30B0];
	_ =	sdelay $0x2  }
0x311: {  	v3 =	vmul.f32 v3, v2;
	_ =	sdelay $0x1  }
0x312: {  	v3 =	vmul.f32 v51, v3;
	_ =	sdelay $0x1  }
0x313: {  	[tilespmem:s28+$0x76B0] =	vst v3  }
0x314: {  	v3 =	vld [tilespmem:s18+$0x62C0];
	_ =	sdelay $0x1  }
0x315: {  	v52 =	vld [tilespmem:s21+$0x30C0];
	_ =	sdelay $0x2  }
0x316: {  	v3 =	vmul.f32 v3, v2;
	_ =	sdelay $0x1  }
0x317: {  	v3 =	vmul.f32 v52, v3;
	_ =	sdelay $0x1  }
0x318: {  	[tilespmem:s28+$0x76C0] =	vst v3  }
0x319: {  	v3 =	vld [tilespmem:s18+$0x62D0];
	_ =	sdelay $0x1  }
0x31a: {  	v53 =	vld [tilespmem:s21+$0x30D0];
	_ =	sdelay $0x2  }
0x31b: {  	v3 =	vmul.f32 v3, v2;
	_ =	sdelay $0x1  }
0x31c: {  	v3 =	vmul.f32 v53, v3;
	_ =	sdelay $0x1  }
0x31d: {  	[tilespmem:s28+$0x76D0] =	vst v3  }
0x31e: {  	v3 =	vld [tilespmem:s18+$0x62E0];
	_ =	sdelay $0x1  }
0x31f: {  	v54 =	vld [tilespmem:s21+$0x30E0];
	_ =	sdelay $0x2  }
0x320: {  	v3 =	vmul.f32 v3, v2;
	_ =	sdelay $0x1  }
0x321: {  	v3 =	vmul.f32 v54, v3;
	_ =	sdelay $0x1  }
0x322: {  	[tilespmem:s28+$0x76E0] =	vst v3  }
0x323: {  	v3 =	vld [tilespmem:s18+$0x62F0];
	_ =	sdelay $0x1  }
0x324: {  	v55 =	vld [tilespmem:s21+$0x30F0];
	_ =	sdelay $0x2  }
0x325: {  	v3 =	vmul.f32 v3, v2;
	_ =	sdelay $0x1  }
0x326: {  	v3 =	vmul.f32 v55, v3;
	_ =	sdelay $0x1  }
0x327: {  	[tilespmem:s28+$0x76F0] =	vst v3  }
0x328: {  	v3 =	vld [tilespmem:s18+$0x6300];
	_ =	sdelay $0x1  }
0x329: {  	v56 =	vld [tilespmem:s21+$0x3100];
	_ =	sdelay $0x2  }
0x32a: {  	v3 =	vmul.f32 v3, v2;
	_ =	sdelay $0x1  }
0x32b: {  	v3 =	vmul.f32 v56, v3;
	_ =	sdelay $0x1  }
0x32c: {  	[tilespmem:s28+$0x7700] =	vst v3  }
0x32d: {  	v3 =	vld [tilespmem:s18+$0x6310];
	s18 =	sor.u32 $0x1, s11  }
0x32e: {  	v57 =	vmov s18  }
0x32f: {  	v4 =	vshrl.u32 v57, $0x3  }
0x330: {  	v5 =	vld [tilespmem:s21+$0x3110];
	v4 =	vshll.u32 v4, v1  }
0x331: {  	v4 =	vadd.s32 $0x1, v4  }
0x332: {  	v4 =	vbroadcast v4, $0x0  }
0x333: {  	v3 =	vmul.f32 v3, v2;
	_ =	sdelay $0x1  }
0x334: {  	v2 =	vnsel vm0, $0x0, v2;
	v3 =	vmul.f32 v5, v3  }
0x335: {  	[tilespmem:s28+$0x7720] =	vst v2  }
0x336: {  	[tilespmem:s28+$0x7710] =	vst v3;
	s28 =	sshll.u32 s18, $0x7  }
0x337: {  	s21 =	sand.u32 $0x3FFFFC80, s28;
	s28 =	smul.u32 $0x280, s18;
	v2 =	vld.idx.msk [tilespmem:v4+s15+$0x0], $0xffff  }
0x338: {  	v3 =	vld [tilespmem:s21+$0x62A0]  }
0x339: {  	s28 =	sshra.s32 s28, $0x2  }
0x33a: {  	v58 =	vld [tilespmem:s28+$0x30A0];
	_ =	sdelay $0x2  }
0x33b: {  	v3 =	vmul.f32 v3, v2  }
0x33c: {  	s18 =	smul.u32 $0x240, s18  }
0x33d: {  	v3 =	vmul.f32 v58, v3  }
0x33e: {  	s18 =	sshra.s32 s18, $0x2  }
0x33f: {  	[tilespmem:s18+$0x76A0] =	vst v3  }
0x340: {  	v3 =	vld [tilespmem:s21+$0x62B0];
	_ =	sdelay $0x1  }
0x341: {  	v59 =	vld [tilespmem:s28+$0x30B0];
	_ =	sdelay $0x2  }
0x342: {  	v3 =	vmul.f32 v3, v2;
	_ =	sdelay $0x1  }
0x343: {  	v3 =	vmul.f32 v59, v3;
	_ =	sdelay $0x1  }
0x344: {  	[tilespmem:s18+$0x76B0] =	vst v3  }
0x345: {  	v3 =	vld [tilespmem:s21+$0x62C0];
	_ =	sdelay $0x1  }
0x346: {  	v60 =	vld [tilespmem:s28+$0x30C0];
	_ =	sdelay $0x2  }
0x347: {  	v3 =	vmul.f32 v3, v2;
	_ =	sdelay $0x1  }
0x348: {  	v3 =	vmul.f32 v60, v3;
	_ =	sdelay $0x1  }
0x349: {  	[tilespmem:s18+$0x76C0] =	vst v3  }
0x34a: {  	v3 =	vld [tilespmem:s21+$0x62D0];
	_ =	sdelay $0x1  }
0x34b: {  	v61 =	vld [tilespmem:s28+$0x30D0];
	_ =	sdelay $0x2  }
0x34c: {  	v3 =	vmul.f32 v3, v2;
	_ =	sdelay $0x1  }
0x34d: {  	v3 =	vmul.f32 v61, v3;
	_ =	sdelay $0x1  }
0x34e: {  	[tilespmem:s18+$0x76D0] =	vst v3  }
0x34f: {  	v3 =	vld [tilespmem:s21+$0x62E0];
	_ =	sdelay $0x1  }
0x350: {  	v62 =	vld [tilespmem:s28+$0x30E0];
	_ =	sdelay $0x2  }
0x351: {  	v3 =	vmul.f32 v3, v2;
	_ =	sdelay $0x1  }
0x352: {  	v3 =	vmul.f32 v62, v3;
	_ =	sdelay $0x1  }
0x353: {  	[tilespmem:s18+$0x76E0] =	vst v3  }
0x354: {  	v3 =	vld [tilespmem:s21+$0x62F0];
	_ =	sdelay $0x1  }
0x355: {  	v63 =	vld [tilespmem:s28+$0x30F0];
	_ =	sdelay $0x2  }
0x356: {  	v3 =	vmul.f32 v3, v2;
	_ =	sdelay $0x1  }
0x357: {  	v3 =	vmul.f32 v63, v3;
	_ =	sdelay $0x1  }
0x358: {  	[tilespmem:s18+$0x76F0] =	vst v3  }
0x359: {  	v3 =	vld [tilespmem:s21+$0x6300];
	_ =	sdelay $0x1  }
0x35a: {  	v8 =	vld [tilespmem:s28+$0x3100];
	_ =	sdelay $0x2  }
0x35b: {  	v3 =	vmul.f32 v3, v2;
	_ =	sdelay $0x1  }
0x35c: {  	v3 =	vmul.f32 v8, v3;
	_ =	sdelay $0x1  }
0x35d: {  	[tilespmem:s18+$0x7700] =	vst v3  }
0x35e: {  	v3 =	vld [tilespmem:s21+$0x6310];
	s21 =	sor.u32 $0x2, s11  }
0x35f: {  	v9 =	vmov s21  }
0x360: {  	v10 =	vld [tilespmem:s28+$0x3110];
	v4 =	vshrl.u32 v9, $0x3  }
0x361: {  	v4 =	vshll.u32 v4, v1  }
0x362: {  	v4 =	vadd.s32 $0x2, v4  }
0x363: {  	v3 =	vmul.f32 v3, v2;
	v4 =	vbroadcast v4, $0x0;
	_ =	sdelay $0x1  }
0x364: {  	v2 =	vnsel vm0, $0x0, v2;
	v3 =	vmul.f32 v10, v3  }
0x365: {  	s28 =	sshll.u32 s21, $0x7;
	[tilespmem:s18+$0x7720] =	vst v2  }
0x366: {  	[tilespmem:s18+$0x7710] =	vst v3;
	s18 =	sand.u32 $0x3FFFFD00, s28  }
0x367: {  	s28 =	smul.u32 $0x280, s21;
	v3 =	vld [tilespmem:s18+$0x62A0]  }
0x368: {  	v2 =	vld.idx.msk [tilespmem:v4+s15+$0x0], $0xffff  }
0x369: {  	s28 =	sshra.s32 s28, $0x2  }
0x36a: {  	v11 =	vld [tilespmem:s28+$0x30A0];
	_ =	sdelay $0x2  }
0x36b: {  	v3 =	vmul.f32 v3, v2  }
0x36c: {  	s21 =	smul.u32 $0x240, s21  }
0x36d: {  	v3 =	vmul.f32 v11, v3  }
0x36e: {  	s21 =	sshra.s32 s21, $0x2  }
0x36f: {  	[tilespmem:s21+$0x76A0] =	vst v3  }
0x370: {  	v3 =	vld [tilespmem:s18+$0x62B0];
	_ =	sdelay $0x1  }
0x371: {  	v12 =	vld [tilespmem:s28+$0x30B0];
	_ =	sdelay $0x2  }
0x372: {  	v3 =	vmul.f32 v3, v2;
	_ =	sdelay $0x1  }
0x373: {  	v3 =	vmul.f32 v12, v3;
	_ =	sdelay $0x1  }
0x374: {  	[tilespmem:s21+$0x76B0] =	vst v3  }
0x375: {  	v3 =	vld [tilespmem:s18+$0x62C0];
	_ =	sdelay $0x1  }
0x376: {  	v13 =	vld [tilespmem:s28+$0x30C0];
	_ =	sdelay $0x2  }
0x377: {  	v3 =	vmul.f32 v3, v2;
	_ =	sdelay $0x1  }
0x378: {  	v3 =	vmul.f32 v13, v3;
	_ =	sdelay $0x1  }
0x379: {  	[tilespmem:s21+$0x76C0] =	vst v3  }
0x37a: {  	v3 =	vld [tilespmem:s18+$0x62D0];
	_ =	sdelay $0x1  }
0x37b: {  	v14 =	vld [tilespmem:s28+$0x30D0];
	_ =	sdelay $0x2  }
0x37c: {  	v3 =	vmul.f32 v3, v2;
	_ =	sdelay $0x1  }
0x37d: {  	v3 =	vmul.f32 v14, v3;
	_ =	sdelay $0x1  }
0x37e: {  	[tilespmem:s21+$0x76D0] =	vst v3  }
0x37f: {  	v3 =	vld [tilespmem:s18+$0x62E0];
	_ =	sdelay $0x1  }
0x380: {  	v15 =	vld [tilespmem:s28+$0x30E0];
	_ =	sdelay $0x2  }
0x381: {  	v3 =	vmul.f32 v3, v2;
	_ =	sdelay $0x1  }
0x382: {  	v3 =	vmul.f32 v15, v3;
	_ =	sdelay $0x1  }
0x383: {  	[tilespmem:s21+$0x76E0] =	vst v3  }
0x384: {  	v3 =	vld [tilespmem:s18+$0x62F0];
	_ =	sdelay $0x1  }
0x385: {  	v16 =	vld [tilespmem:s28+$0x30F0];
	_ =	sdelay $0x2  }
0x386: {  	v3 =	vmul.f32 v3, v2;
	_ =	sdelay $0x1  }
0x387: {  	v3 =	vmul.f32 v16, v3;
	_ =	sdelay $0x1  }
0x388: {  	[tilespmem:s21+$0x76F0] =	vst v3  }
0x389: {  	v3 =	vld [tilespmem:s18+$0x6300];
	_ =	sdelay $0x1  }
0x38a: {  	v17 =	vld [tilespmem:s28+$0x3100];
	_ =	sdelay $0x2  }
0x38b: {  	v3 =	vmul.f32 v3, v2;
	_ =	sdelay $0x1  }
0x38c: {  	v3 =	vmul.f32 v17, v3;
	_ =	sdelay $0x1  }
0x38d: {  	[tilespmem:s21+$0x7700] =	vst v3  }
0x38e: {  	v3 =	vld [tilespmem:s18+$0x6310];
	s18 =	sor.u32 $0x3, s11  }
0x38f: {  	v18 =	vmov s18  }
0x390: {  	v19 =	vld [tilespmem:s28+$0x3110];
	v4 =	vshrl.u32 v18, $0x3  }
0x391: {  	v4 =	vshll.u32 v4, v1  }
0x392: {  	v4 =	vadd.s32 $0x3, v4  }
0x393: {  	v3 =	vmul.f32 v3, v2;
	v4 =	vbroadcast v4, $0x0;
	_ =	sdelay $0x1  }
0x394: {  	v2 =	vnsel vm0, $0x0, v2;
	v3 =	vmul.f32 v19, v3  }
0x395: {  	s28 =	sshll.u32 s18, $0x7;
	[tilespmem:s21+$0x7720] =	vst v2  }
0x396: {  	[tilespmem:s21+$0x7710] =	vst v3;
	s21 =	sand.u32 $0x3FFFFD80, s28  }
0x397: {  	s28 =	smul.u32 $0x280, s18;
	v3 =	vld [tilespmem:s21+$0x62A0]  }
0x398: {  	v2 =	vld.idx.msk [tilespmem:v4+s15+$0x0], $0xffff  }
0x399: {  	s28 =	sshra.s32 s28, $0x2  }
0x39a: {  	v20 =	vld [tilespmem:s28+$0x30A0];
	_ =	sdelay $0x2  }
0x39b: {  	v3 =	vmul.f32 v3, v2  }
0x39c: {  	s18 =	smul.u32 $0x240, s18  }
0x39d: {  	v3 =	vmul.f32 v20, v3  }
0x39e: {  	s18 =	sshra.s32 s18, $0x2  }
0x39f: {  	[tilespmem:s18+$0x76A0] =	vst v3  }
0x3a0: {  	v3 =	vld [tilespmem:s21+$0x62B0];
	_ =	sdelay $0x1  }
0x3a1: {  	v21 =	vld [tilespmem:s28+$0x30B0];
	_ =	sdelay $0x2  }
0x3a2: {  	v3 =	vmul.f32 v3, v2;
	_ =	sdelay $0x1  }
0x3a3: {  	v3 =	vmul.f32 v21, v3;
	_ =	sdelay $0x1  }
0x3a4: {  	[tilespmem:s18+$0x76B0] =	vst v3  }
0x3a5: {  	v3 =	vld [tilespmem:s21+$0x62C0];
	_ =	sdelay $0x1  }
0x3a6: {  	v22 =	vld [tilespmem:s28+$0x30C0];
	_ =	sdelay $0x2  }
0x3a7: {  	v3 =	vmul.f32 v3, v2;
	_ =	sdelay $0x1  }
0x3a8: {  	v3 =	vmul.f32 v22, v3;
	_ =	sdelay $0x1  }
0x3a9: {  	[tilespmem:s18+$0x76C0] =	vst v3  }
0x3aa: {  	v3 =	vld [tilespmem:s21+$0x62D0];
	_ =	sdelay $0x1  }
0x3ab: {  	v23 =	vld [tilespmem:s28+$0x30D0];
	_ =	sdelay $0x2  }
0x3ac: {  	v3 =	vmul.f32 v3, v2;
	_ =	sdelay $0x1  }
0x3ad: {  	v3 =	vmul.f32 v23, v3;
	_ =	sdelay $0x1  }
0x3ae: {  	[tilespmem:s18+$0x76D0] =	vst v3  }
0x3af: {  	v3 =	vld [tilespmem:s21+$0x62E0];
	_ =	sdelay $0x1  }
0x3b0: {  	v24 =	vld [tilespmem:s28+$0x30E0];
	_ =	sdelay $0x2  }
0x3b1: {  	v3 =	vmul.f32 v3, v2;
	_ =	sdelay $0x1  }
0x3b2: {  	v3 =	vmul.f32 v24, v3;
	_ =	sdelay $0x1  }
0x3b3: {  	[tilespmem:s18+$0x76E0] =	vst v3  }
0x3b4: {  	v3 =	vld [tilespmem:s21+$0x62F0];
	_ =	sdelay $0x1  }
0x3b5: {  	v25 =	vld [tilespmem:s28+$0x30F0];
	_ =	sdelay $0x2  }
0x3b6: {  	v3 =	vmul.f32 v3, v2;
	_ =	sdelay $0x1  }
0x3b7: {  	v3 =	vmul.f32 v25, v3;
	_ =	sdelay $0x1  }
0x3b8: {  	[tilespmem:s18+$0x76F0] =	vst v3  }
0x3b9: {  	v3 =	vld [tilespmem:s21+$0x6300];
	_ =	sdelay $0x1  }
0x3ba: {  	v26 =	vld [tilespmem:s28+$0x3100];
	_ =	sdelay $0x2  }
0x3bb: {  	v3 =	vmul.f32 v3, v2;
	_ =	sdelay $0x1  }
0x3bc: {  	v3 =	vmul.f32 v26, v3;
	_ =	sdelay $0x1  }
0x3bd: {  	[tilespmem:s18+$0x7700] =	vst v3  }
0x3be: {  	v3 =	vld [tilespmem:s21+$0x6310];
	s21 =	sor.u32 $0x4, s11  }
0x3bf: {  	v27 =	vmov s21  }
0x3c0: {  	v28 =	vld [tilespmem:s28+$0x3110];
	v4 =	vshrl.u32 v27, $0x3  }
0x3c1: {  	v4 =	vshll.u32 v4, v1  }
0x3c2: {  	v4 =	vadd.s32 $0x4, v4  }
0x3c3: {  	v3 =	vmul.f32 v3, v2;
	v4 =	vbroadcast v4, $0x0;
	_ =	sdelay $0x1  }
0x3c4: {  	v2 =	vnsel vm0, $0x0, v2;
	v3 =	vmul.f32 v28, v3  }
0x3c5: {  	s28 =	sshll.u32 s21, $0x7;
	[tilespmem:s18+$0x7720] =	vst v2  }
0x3c6: {  	[tilespmem:s18+$0x7710] =	vst v3;
	s18 =	sand.u32 $0x3FFFFE00, s28  }
0x3c7: {  	s28 =	smul.u32 $0x280, s21;
	v3 =	vld [tilespmem:s18+$0x62A0]  }
0x3c8: {  	v2 =	vld.idx.msk [tilespmem:v4+s15+$0x0], $0xffff  }
0x3c9: {  	s28 =	sshra.s32 s28, $0x2  }
0x3ca: {  	v29 =	vld [tilespmem:s28+$0x30A0];
	_ =	sdelay $0x2  }
0x3cb: {  	v3 =	vmul.f32 v3, v2  }
0x3cc: {  	s21 =	smul.u32 $0x240, s21  }
0x3cd: {  	v3 =	vmul.f32 v29, v3  }
0x3ce: {  	s21 =	sshra.s32 s21, $0x2  }
0x3cf: {  	[tilespmem:s21+$0x76A0] =	vst v3  }
0x3d0: {  	v3 =	vld [tilespmem:s18+$0x62B0];
	_ =	sdelay $0x1  }
0x3d1: {  	v30 =	vld [tilespmem:s28+$0x30B0];
	_ =	sdelay $0x2  }
0x3d2: {  	v3 =	vmul.f32 v3, v2;
	_ =	sdelay $0x1  }
0x3d3: {  	v3 =	vmul.f32 v30, v3;
	_ =	sdelay $0x1  }
0x3d4: {  	[tilespmem:s21+$0x76B0] =	vst v3  }
0x3d5: {  	v3 =	vld [tilespmem:s18+$0x62C0];
	_ =	sdelay $0x1  }
0x3d6: {  	v31 =	vld [tilespmem:s28+$0x30C0];
	_ =	sdelay $0x2  }
0x3d7: {  	v3 =	vmul.f32 v3, v2;
	_ =	sdelay $0x1  }
0x3d8: {  	v3 =	vmul.f32 v31, v3;
	_ =	sdelay $0x1  }
0x3d9: {  	[tilespmem:s21+$0x76C0] =	vst v3  }
0x3da: {  	v3 =	vld [tilespmem:s18+$0x62D0];
	_ =	sdelay $0x1  }
0x3db: {  	v32 =	vld [tilespmem:s28+$0x30D0];
	_ =	sdelay $0x2  }
0x3dc: {  	v3 =	vmul.f32 v3, v2;
	_ =	sdelay $0x1  }
0x3dd: {  	v3 =	vmul.f32 v32, v3;
	_ =	sdelay $0x1  }
0x3de: {  	[tilespmem:s21+$0x76D0] =	vst v3  }
0x3df: {  	v3 =	vld [tilespmem:s18+$0x62E0];
	_ =	sdelay $0x1  }
0x3e0: {  	v33 =	vld [tilespmem:s28+$0x30E0];
	_ =	sdelay $0x2  }
0x3e1: {  	v3 =	vmul.f32 v3, v2;
	_ =	sdelay $0x1  }
0x3e2: {  	v3 =	vmul.f32 v33, v3;
	_ =	sdelay $0x1  }
0x3e3: {  	[tilespmem:s21+$0x76E0] =	vst v3  }
0x3e4: {  	v3 =	vld [tilespmem:s18+$0x62F0];
	_ =	sdelay $0x1  }
0x3e5: {  	v34 =	vld [tilespmem:s28+$0x30F0];
	_ =	sdelay $0x2  }
0x3e6: {  	v3 =	vmul.f32 v3, v2;
	_ =	sdelay $0x1  }
0x3e7: {  	v3 =	vmul.f32 v34, v3;
	_ =	sdelay $0x1  }
0x3e8: {  	[tilespmem:s21+$0x76F0] =	vst v3  }
0x3e9: {  	v3 =	vld [tilespmem:s18+$0x6300];
	_ =	sdelay $0x1  }
0x3ea: {  	v35 =	vld [tilespmem:s28+$0x3100];
	_ =	sdelay $0x2  }
0x3eb: {  	v3 =	vmul.f32 v3, v2;
	_ =	sdelay $0x1  }
0x3ec: {  	v3 =	vmul.f32 v35, v3;
	_ =	sdelay $0x1  }
0x3ed: {  	[tilespmem:s21+$0x7700] =	vst v3  }
0x3ee: {  	v3 =	vld [tilespmem:s18+$0x6310];
	s18 =	sor.u32 $0x5, s11  }
0x3ef: {  	v36 =	vmov s18  }
0x3f0: {  	v37 =	vld [tilespmem:s28+$0x3110];
	v4 =	vshrl.u32 v36, $0x3  }
0x3f1: {  	v4 =	vshll.u32 v4, v1  }
0x3f2: {  	v4 =	vadd.s32 $0x5, v4  }
0x3f3: {  	v3 =	vmul.f32 v3, v2;
	v4 =	vbroadcast v4, $0x0;
	_ =	sdelay $0x1  }
0x3f4: {  	v2 =	vnsel vm0, $0x0, v2;
	v3 =	vmul.f32 v37, v3  }
0x3f5: {  	s28 =	sshll.u32 s18, $0x7;
	[tilespmem:s21+$0x7720] =	vst v2  }
0x3f6: {  	[tilespmem:s21+$0x7710] =	vst v3;
	s21 =	sand.u32 $0x3FFFFE80, s28  }
0x3f7: {  	s28 =	smul.u32 $0x280, s18;
	v3 =	vld [tilespmem:s21+$0x62A0]  }
0x3f8: {  	v2 =	vld.idx.msk [tilespmem:v4+s15+$0x0], $0xffff  }
0x3f9: {  	s28 =	sshra.s32 s28, $0x2  }
0x3fa: {  	v38 =	vld [tilespmem:s28+$0x30A0];
	_ =	sdelay $0x2  }
0x3fb: {  	v3 =	vmul.f32 v3, v2  }
0x3fc: {  	s18 =	smul.u32 $0x240, s18  }
0x3fd: {  	v3 =	vmul.f32 v38, v3  }
0x3fe: {  	s18 =	sshra.s32 s18, $0x2  }
0x3ff: {  	[tilespmem:s18+$0x76A0] =	vst v3  }
0x400: {  	v3 =	vld [tilespmem:s21+$0x62B0];
	_ =	sdelay $0x1  }
0x401: {  	v39 =	vld [tilespmem:s28+$0x30B0];
	_ =	sdelay $0x2  }
0x402: {  	v3 =	vmul.f32 v3, v2;
	_ =	sdelay $0x1  }
0x403: {  	v3 =	vmul.f32 v39, v3;
	_ =	sdelay $0x1  }
0x404: {  	[tilespmem:s18+$0x76B0] =	vst v3  }
0x405: {  	v3 =	vld [tilespmem:s21+$0x62C0];
	_ =	sdelay $0x1  }
0x406: {  	v40 =	vld [tilespmem:s28+$0x30C0];
	_ =	sdelay $0x2  }
0x407: {  	v3 =	vmul.f32 v3, v2;
	_ =	sdelay $0x1  }
0x408: {  	v3 =	vmul.f32 v40, v3;
	_ =	sdelay $0x1  }
0x409: {  	[tilespmem:s18+$0x76C0] =	vst v3  }
0x40a: {  	v3 =	vld [tilespmem:s21+$0x62D0];
	_ =	sdelay $0x1  }
0x40b: {  	v41 =	vld [tilespmem:s28+$0x30D0];
	_ =	sdelay $0x2  }
0x40c: {  	v3 =	vmul.f32 v3, v2;
	_ =	sdelay $0x1  }
0x40d: {  	v3 =	vmul.f32 v41, v3;
	_ =	sdelay $0x1  }
0x40e: {  	[tilespmem:s18+$0x76D0] =	vst v3  }
0x40f: {  	v3 =	vld [tilespmem:s21+$0x62E0];
	_ =	sdelay $0x1  }
0x410: {  	v42 =	vld [tilespmem:s28+$0x30E0];
	_ =	sdelay $0x2  }
0x411: {  	v3 =	vmul.f32 v3, v2;
	_ =	sdelay $0x1  }
0x412: {  	v3 =	vmul.f32 v42, v3;
	_ =	sdelay $0x1  }
0x413: {  	[tilespmem:s18+$0x76E0] =	vst v3  }
0x414: {  	v3 =	vld [tilespmem:s21+$0x62F0];
	_ =	sdelay $0x1  }
0x415: {  	v43 =	vld [tilespmem:s28+$0x30F0];
	_ =	sdelay $0x2  }
0x416: {  	v3 =	vmul.f32 v3, v2;
	_ =	sdelay $0x1  }
0x417: {  	v3 =	vmul.f32 v43, v3;
	_ =	sdelay $0x1  }
0x418: {  	[tilespmem:s18+$0x76F0] =	vst v3  }
0x419: {  	v3 =	vld [tilespmem:s21+$0x6300];
	_ =	sdelay $0x1  }
0x41a: {  	v44 =	vld [tilespmem:s28+$0x3100];
	_ =	sdelay $0x2  }
0x41b: {  	v3 =	vmul.f32 v3, v2;
	_ =	sdelay $0x1  }
0x41c: {  	v3 =	vmul.f32 v44, v3;
	_ =	sdelay $0x1  }
0x41d: {  	s11 =	sor.u32 $0x6, s11;
	[tilespmem:s18+$0x7700] =	vst v3  }
0x41e: {  	v45 =	vmov s11;
	v3 =	vld [tilespmem:s21+$0x6310]  }
0x41f: {  	v4 =	vshrl.u32 v45, $0x3  }
0x420: {  	v4 =	vshll.u32 v4, v1;
	v46 =	vld [tilespmem:s28+$0x3110]  }
0x421: {  	v4 =	vadd.s32 $0x6, v4  }
0x422: {  	v4 =	vbroadcast v4, $0x0  }
0x423: {  	v3 =	vmul.f32 v3, v2;
	_ =	sdelay $0x1  }
0x424: {  	v2 =	vnsel vm0, $0x0, v2;
	v3 =	vmul.f32 v46, v3  }
0x425: {  	[tilespmem:s18+$0x7720] =	vst v2  }
0x426: {  	s21 =	sshll.u32 s11, $0x7;
	[tilespmem:s18+$0x7710] =	vst v3  }
0x427: {  	s28 =	smul.u32 $0x280, s11;
	s18 =	sand.u32 $0x3FFFFF00, s21;
	v2 =	vld.idx.msk [tilespmem:v4+s15+$0x0], $0xffff  }
0x428: {  	v3 =	vld [tilespmem:s18+$0x62A0]  }
0x429: {  	s21 =	sshra.s32 s28, $0x2  }
0x42a: {  	v47 =	vld [tilespmem:s21+$0x30A0];
	_ =	sdelay $0x2  }
0x42b: {  	v3 =	vmul.f32 v3, v2  }
0x42c: {  	s11 =	smul.u32 $0x240, s11  }
0x42d: {  	v3 =	vmul.f32 v47, v3  }
0x42e: {  	s11 =	sshra.s32 s11, $0x2  }
0x42f: {  	[tilespmem:s11+$0x76A0] =	vst v3  }
0x430: {  	v3 =	vld [tilespmem:s18+$0x62B0];
	_ =	sdelay $0x1  }
0x431: {  	v48 =	vld [tilespmem:s21+$0x30B0];
	_ =	sdelay $0x2  }
0x432: {  	v3 =	vmul.f32 v3, v2;
	_ =	sdelay $0x1  }
0x433: {  	v3 =	vmul.f32 v48, v3;
	_ =	sdelay $0x1  }
0x434: {  	[tilespmem:s11+$0x76B0] =	vst v3  }
0x435: {  	v3 =	vld [tilespmem:s18+$0x62C0];
	_ =	sdelay $0x1  }
0x436: {  	v49 =	vld [tilespmem:s21+$0x30C0];
	_ =	sdelay $0x2  }
0x437: {  	v3 =	vmul.f32 v3, v2;
	_ =	sdelay $0x1  }
0x438: {  	v3 =	vmul.f32 v49, v3;
	_ =	sdelay $0x1  }
0x439: {  	[tilespmem:s11+$0x76C0] =	vst v3  }
0x43a: {  	v3 =	vld [tilespmem:s18+$0x62D0];
	_ =	sdelay $0x1  }
0x43b: {  	v50 =	vld [tilespmem:s21+$0x30D0];
	_ =	sdelay $0x2  }
0x43c: {  	v3 =	vmul.f32 v3, v2;
	_ =	sdelay $0x1  }
0x43d: {  	v3 =	vmul.f32 v50, v3;
	_ =	sdelay $0x1  }
0x43e: {  	[tilespmem:s11+$0x76D0] =	vst v3  }
0x43f: {  	v3 =	vld [tilespmem:s18+$0x62E0];
	_ =	sdelay $0x1  }
0x440: {  	v51 =	vld [tilespmem:s21+$0x30E0];
	_ =	sdelay $0x2  }
0x441: {  	v3 =	vmul.f32 v3, v2;
	_ =	sdelay $0x1  }
0x442: {  	v3 =	vmul.f32 v51, v3;
	_ =	sdelay $0x1  }
0x443: {  	[tilespmem:s11+$0x76E0] =	vst v3  }
0x444: {  	v3 =	vld [tilespmem:s18+$0x62F0];
	_ =	sdelay $0x1  }
0x445: {  	v52 =	vld [tilespmem:s21+$0x30F0];
	_ =	sdelay $0x2  }
0x446: {  	v3 =	vmul.f32 v3, v2;
	_ =	sdelay $0x1  }
0x447: {  	v3 =	vmul.f32 v52, v3;
	_ =	sdelay $0x1  }
0x448: {  	[tilespmem:s11+$0x76F0] =	vst v3  }
0x449: {  	v3 =	vld [tilespmem:s18+$0x6300];
	_ =	sdelay $0x1  }
0x44a: {  	v53 =	vld [tilespmem:s21+$0x3100];
	_ =	sdelay $0x2  }
0x44b: {  	v3 =	vmul.f32 v3, v2;
	_ =	sdelay $0x1  }
0x44c: {  	v3 =	vmul.f32 v53, v3;
	_ =	sdelay $0x1  }
0x44d: {  	[tilespmem:s11+$0x7700] =	vst v3  }
0x44e: {  	v3 =	vld [tilespmem:s18+$0x6310];
	s18 =	sshllo.u32 s13, $0x3  }
0x44f: {  	v54 =	vmov s18  }
0x450: {  	v55 =	vld [tilespmem:s21+$0x3110];
	v4 =	vshrl.u32 v54, $0x3  }
0x451: {  	v4 =	vshll.u32 v4, v1  }
0x452: {  	v4 =	vadd.s32 $0x7, v4  }
0x453: {  	v3 =	vmul.f32 v3, v2;
	v4 =	vbroadcast v4, $0x0;
	_ =	sdelay $0x1  }
0x454: {  	v2 =	vnsel vm0, $0x0, v2;
	v3 =	vmul.f32 v55, v3  }
0x455: {  	s21 =	sshll.u32 s18, $0x7;
	[tilespmem:s11+$0x7720] =	vst v2  }
0x456: {  	[tilespmem:s11+$0x7710] =	vst v3;
	s11 =	sand.u32 $0x3FFFFF80, s21  }
0x457: {  	s28 =	smul.u32 $0x280, s18;
	v3 =	vld [tilespmem:s11+$0x62A0]  }
0x458: {  	v2 =	vld.idx.msk [tilespmem:v4+s15+$0x0], $0xffff  }
0x459: {  	s21 =	sshra.s32 s28, $0x2  }
0x45a: {  	v56 =	vld [tilespmem:s21+$0x30A0];
	_ =	sdelay $0x2  }
0x45b: {  	v3 =	vmul.f32 v3, v2  }
0x45c: {  	s18 =	smul.u32 $0x240, s18  }
0x45d: {  	v3 =	vmul.f32 v56, v3  }
0x45e: {  	s18 =	sshra.s32 s18, $0x2  }
0x45f: {  	[tilespmem:s18+$0x76A0] =	vst v3  }
0x460: {  	v3 =	vld [tilespmem:s11+$0x62B0];
	_ =	sdelay $0x1  }
0x461: {  	v57 =	vld [tilespmem:s21+$0x30B0];
	_ =	sdelay $0x2  }
0x462: {  	v3 =	vmul.f32 v3, v2;
	_ =	sdelay $0x1  }
0x463: {  	v3 =	vmul.f32 v57, v3;
	_ =	sdelay $0x1  }
0x464: {  	[tilespmem:s18+$0x76B0] =	vst v3  }
0x465: {  	v3 =	vld [tilespmem:s11+$0x62C0];
	_ =	sdelay $0x1  }
0x466: {  	v58 =	vld [tilespmem:s21+$0x30C0];
	_ =	sdelay $0x2  }
0x467: {  	v3 =	vmul.f32 v3, v2;
	_ =	sdelay $0x1  }
0x468: {  	v3 =	vmul.f32 v58, v3;
	_ =	sdelay $0x1  }
0x469: {  	[tilespmem:s18+$0x76C0] =	vst v3  }
0x46a: {  	v3 =	vld [tilespmem:s11+$0x62D0];
	_ =	sdelay $0x1  }
0x46b: {  	v59 =	vld [tilespmem:s21+$0x30D0];
	_ =	sdelay $0x2  }
0x46c: {  	v3 =	vmul.f32 v3, v2;
	_ =	sdelay $0x1  }
0x46d: {  	v3 =	vmul.f32 v59, v3;
	_ =	sdelay $0x1  }
0x46e: {  	[tilespmem:s18+$0x76D0] =	vst v3  }
0x46f: {  	v3 =	vld [tilespmem:s11+$0x62E0];
	_ =	sdelay $0x1  }
0x470: {  	v60 =	vld [tilespmem:s21+$0x30E0];
	_ =	sdelay $0x2  }
0x471: {  	v3 =	vmul.f32 v3, v2;
	_ =	sdelay $0x1  }
0x472: {  	v3 =	vmul.f32 v60, v3;
	_ =	sdelay $0x1  }
0x473: {  	[tilespmem:s18+$0x76E0] =	vst v3  }
0x474: {  	v3 =	vld [tilespmem:s11+$0x62F0];
	_ =	sdelay $0x1  }
0x475: {  	v61 =	vld [tilespmem:s21+$0x30F0];
	_ =	sdelay $0x2  }
0x476: {  	v3 =	vmul.f32 v3, v2;
	_ =	sdelay $0x1  }
0x477: {  	v3 =	vmul.f32 v61, v3;
	_ =	sdelay $0x1  }
0x478: {  	[tilespmem:s18+$0x76F0] =	vst v3  }
0x479: {  	v3 =	vld [tilespmem:s11+$0x6300];
	_ =	sdelay $0x1  }
0x47a: {  	v62 =	vld [tilespmem:s21+$0x3100];
	_ =	sdelay $0x2  }
0x47b: {  	v3 =	vmul.f32 v3, v2;
	_ =	sdelay $0x1  }
0x47c: {  	v3 =	vmul.f32 v62, v3;
	_ =	sdelay $0x1  }
0x47d: {  	[tilespmem:s18+$0x7700] =	vst v3  }
0x47e: {  	v3 =	vld [tilespmem:s11+$0x6310];
	_ =	sdelay $0x1  }
0x47f: {  	v63 =	vld [tilespmem:s21+$0x3110];
	_ =	sdelay $0x1  }
0x480: {  	p0 =	sne.s32 s13, $0x4  }
.Ltmp3:
0x481: {  	v3 =	vmul.f32 v3, v2;
	(pc) =	sbr.rel @p0 .LBB2_9-.Ltmp3, $4  }
0x482: {  	_ = 	snop  }
0x483: {  	v2 =	vnsel vm0, $0x0, v2;
	v3 =	vmul.f32 v63, v3  }
0x484: {  	[tilespmem:s18+$0x7720] =	vst v2  }
0x485: {  	s13 =	sadd.s32 $0x1, s13;
	[tilespmem:s18+$0x7710] =	vst v3  }
0x486: {  	s11 =	smin.u32 s20, $0xF6  }
0x487: {  	s11 =	sadd.s32 $0x3, s11  }
0x488: {  	s13 =	smul.u32 $0x50, s11  }
0x489: {  	[spmem:s2] =	stream.indirect.scatter.add.f32 [tilespmem:s16], [sflag:$0x3], $0x90, s31, s23, $0xb8;
	[tilespmem:$0x1ECE0] =	vst v63  }
0x48a: {  	_ =	swait.ge [sflag:s22], $0x1680;
	s13 =	sadd.s32 s10, s13  }
0x48b: {  	[sflag:s22] =	ssyncset.done $0x0;
	s13 =	sshrl.u32 s13, $0x3  }
0x48c: {  	[sflag:s22] =	ssyncadd.s32 $0xFFFFE980;
	s13 =	sadd.s32 s1, s13  }
0x48d: {  	[tilespmem:s29], [sflag:$0x3] =	stream.linear.gather [hbm4b:s13+s4], $0x50, $0x38;
	[tilespmem:$0x1ECE0] =	vst v63  }
0x48e: {  	s11 =	smul.u32 $0x28, s11;
	_ =	swait.ge [sflag:s22], $0x50  }
0x48f: {  	[sflag:s22] =	ssyncset.done $0x0  }
0x490: {  	s19 =	sadd.s32 $0x1, s19;
	s11 =	sadd.s32 s12, s11;
	[sflag:s22] =	ssyncadd.s32 $0xFFFFFFB0  }
0x491: {  	[tilespmem:s30], [sflag:$0x2] =	stream.indirect.gather [hbm4b:s6+s23], $0xA0, s29, s23, $0xb8;
	[tilespmem:$0x1ECE0] =	vst v63  }
0x492: {  	p0 =	sne.s32 s19, $0x7D;
	s28 =	sshll.u32 s11, $0x1  }
0x493: {  	[tilespmem:s0], [sflag:$0x2] =	stream.indirect.gather [hbm4b:s7+s23], $0x20, s31, s23, $0xb8;
	[tilespmem:$0x1ECE0] =	vst v63  }
.Ltmp4:
0x494: {  	s11 =	sshll.u32 s11, $0x4;
	s13 =	sand.u32 $0x1FFFF0, s28;
	(pc) =	sbr.rel @p0 .LBB2_2-.Ltmp4, $4  }
0x495: {  	s11 =	sand.u32 $0xFFFF80, s11;
	s13 =	sadd.s32 s5, s13  }
0x496: {  	[tilespmem:s3], [sflag:$0x2] =	stream.linear.gather [hbm4b:s13+s4], $0x280, $0x38;
	[tilespmem:$0x1ECE0] =	vst v63  }
0x497: {  	s11 =	sadd.s32 s8, s11  }
0x498: {  	[tilespmem:s9], [sflag:$0x2] =	stream.linear.gather [hbm4b:s11+s4], $0x1400, $0x38;
	[tilespmem:$0x1ECE0] =	vst v63  }
0x499: {  	_ =	swait.ge [sflag:s14], $0x1900  }
0x49a: {  	[sflag:s14] =	ssyncset.done $0x0  }
0x49b: {  	[sflag:s14] =	ssyncadd.s32 $0xFFFFE700  }
0x49c: {  	_ =	swait.ge [sflag:s14], $0x500  }
0x49d: {  	[sflag:s14] =	ssyncset.done $0x0  }
0x49e: {  	[sflag:s14] =	ssyncadd.s32 $0xFFFFFB00  }
0x49f: {  	_ =	swait.ge [sflag:s14], $0x280  }
0x4a0: {  	[sflag:s14] =	ssyncset.done $0x0  }
0x4a1: {  	[sflag:s14] =	ssyncadd.s32 $0xFFFFFD80  }
0x4a2: {  	_ =	swait.ge [sflag:s14], $0x1400  }
0x4a3: {  	[sflag:s14] =	ssyncset.done $0x0  }
0x4a4: {  	[sflag:s14] =	ssyncadd.s32 $0xFFFFEC00  }
0x4a5: {  	_ =	swait.ge [sflag:s17], $0x1900  }
0x4a6: {  	[sflag:s17] =	ssyncset.done $0x0  }
0x4a7: {  	[sflag:s17] =	ssyncadd.s32 $0xFFFFE700  }
0x4a8: {  	_ =	swait.ge [sflag:s17], $0x500  }
0x4a9: {  	[sflag:s17] =	ssyncset.done $0x0  }
0x4aa: {  	[sflag:s17] =	ssyncadd.s32 $0xFFFFFB00  }
0x4ab: {  	_ =	swait.ge [sflag:s17], $0x280  }
0x4ac: {  	[sflag:s17] =	ssyncset.done $0x0  }
0x4ad: {  	[sflag:s17] =	ssyncadd.s32 $0xFFFFFD80  }
0x4ae: {  	_ =	swait.ge [sflag:s17], $0x1400  }
0x4af: {  	[sflag:s17] =	ssyncset.done $0x0  }
0x4b0: {  	[sflag:s17] =	ssyncadd.s32 $0xFFFFEC00  }
0x4b1: {  	[bflag:$0x0] =	sbarrier.arrive $0xFFFF  }
0x4b2: {  	s18 =	rddreg [dreg:$0x5]  }
0x4b3: {  	s11 =	rddreg [dreg:$0xc]  }
0x4b4: {  	s13 =	rddreg [dreg:$0xe]  }
0x4b5: {  	[hbm:s11], [sflag:s18] =	dma.local [spmem:s13], $0x2BF2  }
0x4b6: {  	_ =	swait.ge [sflag:s22], $0x2BF2  }
0x4b7: {  	s19 =	rddreg [dreg:$0xf]  }
0x4b8: {  	s28 =	rddreg [dreg:$0xd];
	s19 =	sadd.s32 $0x1, s19  }
0x4b9: {  	p0 =	sne.s32 s19, s28  }
.Ltmp5:
0x4ba: {  	_ = 	snop;
	(pc) =	sbr.rel @p0 .LBB2_1-.Ltmp5, $3  }
0x4bb: {  	_ =	sdelay $0x1  }
0x4bc: {  	[sflag:s22] =	ssyncset.done $0x0  }
0x4bd: {  	[sflag:s22] =	ssyncadd.s32 $0xFFFFD40E  }
0x4be: {  	_ =	sfence.sel $0x180000  }
0x4bf: {  	[bflag:$0x0] =	sbarrier.arrive $0xFFFF  }
0x4c0: {  	_ =	strace $0x90000047  }
0x4c1: {  	s0 =	stileid.u32;
	[bflag:$0x2] =	sbarrier.arrive $0xFFFF  }
0x4c2: {  	p0 =	sne.s32 s0, $0x0;
	s0 =	rddreg [dreg:$0x3]  }
0x4c3: {  	s0 =	sadd.s32 @!p0 $0x100000, s0  }
0x4c4: {  	[sflag:s0] =	ssyncadd.tile.s32 @!p0 $0x1;
	_ =	shalt  }
.Lfunc_end2:
_tile_overlayer_lowered:
.L_overlay_start_2:
0x4c5: {  	(tag) =	ssettag $0x2  }
0x4c6: {  	s0 =	rddreg [dreg:$0x0];
	s2 =	stileid.u32  }
0x4c7: {  	s1 =	rddreg [dreg:$0x1];
	p0 =	sne.s32 s2, $0x0  }
0x4c8: {  	s3 =	rddreg [dreg:$0x2];
	[bflag:$0x3] =	sbarrier.arrive $0xFFFF;
	s2 =	simm.s32 @!p0 $0x1C03  }
0x4c9: {  	[timem:s3], [sflag:s2] =	dma.local @!p0 [hbm:s0], s1  }
0x4ca: {  	s0 =	simm.s32 @!p0 $0x3  }
0x4cb: {  	_ =	swait.ge @!p0 [sflag:s0], s1  }
0x4cc: {  	s1 =	ssub.s32 @!p0 $0x0, s1;
	[sflag:s0] =	ssyncset.done @!p0 $0x0  }
0x4cd: {  	[sflag:s0] =	ssyncadd.s32 @!p0 s1  }
0x4ce: {  	[bflag:$0x3] =	sbarrier.arrive $0xFFFF  }
0x4cf: {  	_ =	shalt  }

</sc_bundles>
